<compile_context>
chip_gen: v7x
topology: tpu7x:2x2x1
jax: 0.10.2.dev20260603
libtpu: 0.0.44.dev20260713+nightly
codegen_flags: <defaults>
</compile_context>

<pallas_src>
import functools

import jax
import jax.numpy as jnp
from jax import lax
from jax.experimental import pallas as pl
from jax.experimental.pallas import tpu as pltpu
from jax.experimental.pallas import tpu_sc as plsc

NC = 2
NS = 16
NW = NC * NS
CH = 80


def _vmesh():
    return plsc.VectorSubcoreMesh(
        core_axis_name="c", subcore_axis_name="s",
        num_cores=NC, num_subcores=NS)



def _pre_body(x_ref, ws_ref, wt_ref, xs_ref, xt_ref):
    x = x_ref[...]
    xs_ref[...] = jnp.dot(x, ws_ref[...], preferred_element_type=jnp.float32)
    xt_ref[...] = jnp.dot(x, wt_ref[...], preferred_element_type=jnp.float32)


def _tc_precompute(x, Ws, Wt, bn):
    N, D = x.shape
    H = Ws.shape[1]
    grid = (N // bn,)
    return pl.pallas_call(
        _pre_body,
        grid=grid,
        in_specs=[pl.BlockSpec((bn, D), lambda i: (i, 0)),
                  pl.BlockSpec((D, H), lambda i: (0, 0)),
                  pl.BlockSpec((D, H), lambda i: (0, 0))],
        out_specs=[pl.BlockSpec((bn, H), lambda i: (i, 0)),
                   pl.BlockSpec((bn, H), lambda i: (i, 0))],
        out_shape=[jax.ShapeDtypeStruct((N, H), jnp.float32),
                   jax.ShapeDtypeStruct((N, H), jnp.float32)],
    )(x, Ws, Wt)


def _edge_body(pre_ref, attr_ref, mask_ref, wa_ref, be1_ref,
               we2_ref, be2_ref, ef_ref):
    pre = (pre_ref[...]
           + jnp.dot(attr_ref[...], wa_ref[...],
                     preferred_element_type=jnp.float32)
           + be1_ref[...])
    h = jnp.maximum(pre, 0.0)
    ef_ref[...] = (jnp.dot(h, we2_ref[...],
                           preferred_element_type=jnp.float32)
                   + be2_ref[...]) * mask_ref[...]


def _tc_edge(pre, attr, mask, Wa, be1, We2, be2, be):
    E, H = pre.shape
    DE = attr.shape[1]
    grid = (E // be,)
    return pl.pallas_call(
        _edge_body,
        grid=grid,
        in_specs=[pl.BlockSpec((be, H), lambda i: (i, 0)),
                  pl.BlockSpec((be, DE), lambda i: (i, 0)),
                  pl.BlockSpec((be, 1), lambda i: (i, 0)),
                  pl.BlockSpec((DE, H), lambda i: (0, 0)),
                  pl.BlockSpec((1, H), lambda i: (0, 0)),
                  pl.BlockSpec((H, H), lambda i: (0, 0)),
                  pl.BlockSpec((1, H), lambda i: (0, 0))],
        out_specs=pl.BlockSpec((be, H), lambda i: (i, 0)),
        out_shape=jax.ShapeDtypeStruct((E, H), jnp.float32),
    )(pre, attr, mask, Wa, be1, We2, be2)


def _node_body(x_ref, p0_ref, p1_ref, w1x_ref, w1a_ref, bn1_ref,
               w2_ref, bn2_ref, o_ref):
    agg = p0_ref[...] + p1_ref[...]
    h = jnp.maximum(
        jnp.dot(x_ref[...], w1x_ref[...], preferred_element_type=jnp.float32)
        + jnp.dot(agg, w1a_ref[...], preferred_element_type=jnp.float32)
        + bn1_ref[...], 0.0)
    o_ref[...] = (jnp.dot(h, w2_ref[...], preferred_element_type=jnp.float32)
                  + bn2_ref[...])


def _tc_node(x, p0, p1, W1x, W1a, bn1, W2, bn2, bn):
    N, D = x.shape
    H = W1x.shape[1]
    Do = W2.shape[1]
    grid = (N // bn,)
    return pl.pallas_call(
        _node_body,
        grid=grid,
        in_specs=[pl.BlockSpec((bn, D), lambda i: (i, 0)),
                  pl.BlockSpec((bn, H), lambda i: (i, 0)),
                  pl.BlockSpec((bn, H), lambda i: (i, 0)),
                  pl.BlockSpec((D, H), lambda i: (0, 0)),
                  pl.BlockSpec((H, H), lambda i: (0, 0)),
                  pl.BlockSpec((1, H), lambda i: (0, 0)),
                  pl.BlockSpec((H, Do), lambda i: (0, 0)),
                  pl.BlockSpec((1, Do), lambda i: (0, 0))],
        out_specs=pl.BlockSpec((bn, Do), lambda i: (i, 0)),
        out_shape=jax.ShapeDtypeStruct((N, Do), jnp.float32),
    )(x, p0, p1, W1x, W1a, bn1, W2, bn2)



NBUF = 5


def _sc_gather_add(xs, xt, row, col):
    N, H = xs.shape
    E = row.shape[0]
    epw = E // NW
    nch = epw // CH
    ngrp = nch // NBUF
    ng16 = H // 16

    @functools.partial(
        pl.kernel,
        out_type=jax.ShapeDtypeStruct((E, H), jnp.float32),
        mesh=_vmesh(),
        scratch_types=(
            [pltpu.VMEM((epw,), jnp.int32)] * 2
            + [pltpu.VMEM((CH, H), jnp.float32)] * (2 * NBUF)
            + [pltpu.SemaphoreType.DMA] * (2 * NBUF)
        ),
    )
    def k(xs_hbm, xt_hbm, row_hbm, col_hbm, pre_hbm, *scr):
        idx_r, idx_c = scr[0], scr[1]
        rs = scr[2:2 + NBUF]
        rt = scr[2 + NBUF:2 + 2 * NBUF]
        sem_g = scr[2 + 2 * NBUF:2 + 3 * NBUF]
        sem_w = scr[2 + 3 * NBUF:2 + 4 * NBUF]
        wid = lax.axis_index("s") * NC + lax.axis_index("c")
        base = wid * epw
        pltpu.sync_copy(row_hbm.at[pl.ds(base, epw)], idx_r)
        pltpu.sync_copy(col_hbm.at[pl.ds(base, epw)], idx_c)

        def gstart(b, off):
            pltpu.make_async_copy(
                xs_hbm.at[idx_r.at[pl.ds(off, CH)]], rs[b], sem_g[b]).start()
            pltpu.make_async_copy(
                xt_hbm.at[idx_c.at[pl.ds(off, CH)]], rt[b], sem_g[b]).start()

        def gwait(b, off):
            pltpu.make_async_copy(
                xs_hbm.at[idx_r.at[pl.ds(off, CH)]], rs[b], sem_g[b]).wait()
            pltpu.make_async_copy(
                xt_hbm.at[idx_c.at[pl.ds(off, CH)]], rt[b], sem_g[b]).wait()

        def add_rows(b):
            def rowstep(i, carry):
                for j in range(ng16):
                    sl = pl.ds(j * 16, 16)
                    rs[b][i, sl] = rs[b][i, sl] + rt[b][i, sl]
                return carry
            lax.fori_loop(0, CH, rowstep, 0)

        def wstart(b, off):
            pltpu.make_async_copy(
                rs[b], pre_hbm.at[pl.ds(base + off, CH)], sem_w[b]).start()

        def wwait(b, off):
            pltpu.make_async_copy(
                rs[b], pre_hbm.at[pl.ds(base + off, CH)], sem_w[b]).wait()

        for b in range(NBUF):
            gstart(b, b * CH)

        def group(g, carry):
            for b in range(NBUF):
                off = (g * NBUF + b) * CH
                gwait(b, off)
                add_rows(b)
                wstart(b, off)
                wwait(b, off)
                gstart(b, off + NBUF * CH)
            return carry

        lax.fori_loop(0, ngrp - 1, group, 0)
        for b in range(NBUF):
            off = ((ngrp - 1) * NBUF + b) * CH
            gwait(b, off)
            add_rows(b)
            wstart(b, off)
            wwait(b, off)

    return k(xs, xt, row, col)


def _sc_scatter(ef, row, zrows, Np):
    E, H = ef.shape
    CHS = 40
    epw = E // NW
    nch = epw // CHS
    rpt = Np // NS
    zb = zrows.shape[0]

    ngrp = nch // NBUF

    @functools.partial(
        pl.kernel,
        out_type=jax.ShapeDtypeStruct((NC, Np, H), jnp.float32),
        mesh=_vmesh(),
        scratch_types=(
            [pltpu.VMEM_SHARED((Np, H), jnp.float32)]
            + [pltpu.VMEM((CHS, H), jnp.float32)] * NBUF
            + [pltpu.VMEM((CHS,), jnp.int32)] * NBUF
            + [pltpu.VMEM((zb, H), jnp.float32)]
            + [pltpu.SemaphoreType.DMA] * (2 * NBUF + 1)
        ),
    )
    def k(ef_hbm, row_hbm, z_hbm, out_hbm, *scr):
        acc = scr[0]
        efb = scr[1:1 + NBUF]
        idxb = scr[1 + NBUF:1 + 2 * NBUF]
        zbuf = scr[1 + 2 * NBUF]
        sem_l = scr[2 + 2 * NBUF:2 + 3 * NBUF]
        sem_a = scr[2 + 3 * NBUF:2 + 4 * NBUF]
        sem_z = scr[2 + 4 * NBUF]
        cid = lax.axis_index("c")
        sid = lax.axis_index("s")
        wid = sid * NC + cid
        base = wid * epw
        pltpu.sync_copy(z_hbm, zbuf)
        for j in range(rpt // zb):
            pltpu.make_async_copy(
                zbuf, acc.at[pl.ds(sid * rpt + j * zb, zb)], sem_z).start()
        for j in range(rpt // zb):
            pltpu.make_async_copy(
                zbuf, acc.at[pl.ds(sid * rpt + j * zb, zb)], sem_z).wait()
        plsc.subcore_barrier()

        def lstart(b, off):
            pltpu.make_async_copy(
                row_hbm.at[pl.ds(base + off, CHS)], idxb[b], sem_l[b]).start()
            pltpu.make_async_copy(
                ef_hbm.at[pl.ds(base + off, CHS)], efb[b], sem_l[b]).start()

        def lwait(b, off):
            pltpu.make_async_copy(
                row_hbm.at[pl.ds(base + off, CHS)], idxb[b], sem_l[b]).wait()
            pltpu.make_async_copy(
                ef_hbm.at[pl.ds(base + off, CHS)], efb[b], sem_l[b]).wait()

        for b in range(NBUF):
            lstart(b, b * CHS)

        def group(g, carry):
            for b in range(NBUF):
                off = (g * NBUF + b) * CHS
                lwait(b, off)
                pltpu.sync_copy(efb[b], acc.at[idxb[b]], add=True)
                lstart(b, off + NBUF * CHS)
            return carry

        lax.fori_loop(0, ngrp - 1, group, 0)
        for b in range(NBUF):
            off = ((ngrp - 1) * NBUF + b) * CHS
            lwait(b, off)
            pltpu.sync_copy(efb[b], acc.at[idxb[b]], add=True)
        plsc.subcore_barrier()

        nfl = rpt // CHS
        for j in range(nfl):
            b = j % NBUF
            r0 = sid * rpt + j * CHS
            if j >= NBUF:
                pltpu.make_async_copy(
                    efb[b], out_hbm.at[cid, pl.ds(sid * rpt + (j - NBUF) * CHS, CHS)],
                    sem_a[b]).wait()
            pltpu.sync_copy(acc.at[pl.ds(r0, CHS)], efb[b])
            pltpu.make_async_copy(
                efb[b], out_hbm.at[cid, pl.ds(r0, CHS)], sem_a[b]).start()
        for j in range(max(nfl - NBUF, 0), nfl):
            b = j % NBUF
            pltpu.make_async_copy(
                efb[b], out_hbm.at[cid, pl.ds(sid * rpt + j * CHS, CHS)],
                sem_a[b]).wait()

    return k(ef, row, zrows)



def kernel(x, edge_index, edge_mask, edge_attr,
           We1, be1, We2, be2, Wn1, bn1, Wn2, bn2):
    N, D = x.shape
    E = edge_index.shape[1]
    H = We2.shape[0]
    Do = Wn2.shape[1]
    row = edge_index[0]
    col = edge_index[1]
    Ws, Wt, Wa = We1[:D], We1[D:2 * D], We1[2 * D:]

    xs, xt = _tc_precompute(x, Ws, Wt, bn=2000)
    pre = _sc_gather_add(xs, xt, row, col)
    ef = _tc_edge(pre, edge_attr, edge_mask, Wa,
                  be1.reshape(1, H), We2, be2.reshape(1, H), be=8000)
    Np = ((N + 128 * NS - 1) // (128 * NS)) * (128 * NS)
    z = jnp.zeros((128, H), jnp.float32)
    parts = _sc_scatter(ef, row, z, Np)
    x_out = _tc_node(x, parts[0], parts[1], Wn1[:D], Wn1[D:],
                     bn1.reshape(1, H), Wn2, bn2.reshape(1, Do), bn=2000)
    x_out, *_ = lax.optimization_barrier(
        (x_out, row, col, xs, xt, pre, z, parts))
    return (x_out, ef)

# --- scband reference (transcript-rebuilt; emitter-appended) ---
"""Pipeline reference for scband-gcl-basic-9371618639983 (READ-ONLY COPY).

The authoritative reference and input builder live on the scoring server;
editing this copy changes nothing except your own understanding.
"""

import jax, jax.numpy as jnp
import numpy as np

N = 10000
E = 320000
D = 128
DE = 16
H = 128


def setup_inputs(seed: int = 0) -> dict:
    key = jax.random.key(seed)
    ks = jax.random.split(key, 16)
    x = jax.random.normal(ks[0], (N, D), dtype=jnp.float32)
    edge_index = jax.random.randint(ks[1], (2, E), 0, N, dtype=jnp.int32)
    edge_mask = jax.random.uniform(ks[2], (E, 1), dtype=jnp.float32)
    edge_attr = jax.random.normal(ks[3], (E, DE), dtype=jnp.float32)
    # edge_model MLP: Linear(2*D+DE -> H), ReLU, Linear(H -> H)
    We1 = jax.random.normal(ks[4], (2 * D + DE, H), dtype=jnp.float32) / np.sqrt(2 * D + DE)
    be1 = jnp.zeros((H,), dtype=jnp.float32)
    We2 = jax.random.normal(ks[5], (H, H), dtype=jnp.float32) / np.sqrt(H)
    be2 = jnp.zeros((H,), dtype=jnp.float32)
    # node_model MLP: Linear(D+H -> H), ReLU, Linear(H -> D)
    Wn1 = jax.random.normal(ks[6], (D + H, H), dtype=jnp.float32) / np.sqrt(D + H)
    bn1 = jnp.zeros((H,), dtype=jnp.float32)
    Wn2 = jax.random.normal(ks[7], (H, D), dtype=jnp.float32) / np.sqrt(H)
    bn2 = jnp.zeros((D,), dtype=jnp.float32)
    return {
        'x': x, 'edge_index': edge_index, 'edge_mask': edge_mask, 'edge_attr': edge_attr,
        'We1': We1, 'be1': be1, 'We2': We2, 'be2': be2,
        'Wn1': Wn1, 'bn1': bn1, 'Wn2': Wn2, 'bn2': bn2,
    }


def reference(x, edge_index, edge_mask, edge_attr, We1, be1, We2, be2, Wn1, bn1, Wn2, bn2):
    # forward of GCL_basic with standard concrete edge_model/node_model (EGNN-style GCL)
    row = edge_index[0]
    col = edge_index[1]
    # edge_model(x[row], x[col], edge_attr): MLP over concatenated features
    source = jnp.take(x, row, axis=0)
    target = jnp.take(x, col, axis=0)
    e_in = jnp.concatenate([source, target, edge_attr], axis=1)
    h = jax.nn.relu(e_in @ We1 + be1)
    edge_feat = h @ We2 + be2
    # mask edges
    edge_feat = edge_feat * edge_mask
    # node_model(x, edge_index, edge_feat): scatter-add aggregation then MLP
    agg = jax.ops.segment_sum(edge_feat, row, num_segments=x.shape[0])
    n_in = jnp.concatenate([x, agg], axis=1)
    h2 = jax.nn.relu(n_in @ Wn1 + bn1)
    x_out = h2 @ Wn2 + bn2
    return (x_out, edge_feat)

if __name__ == "__main__":
    import jax
    _d = setup_inputs()
    print(jax.jit(kernel)(*tuple(_d.values())))

</pallas_src>

<mosaic_0001>
#map = affine_map<(d0, d1) -> (0, 0)>
#map1 = affine_map<(d0, d1) -> (0)>
module attributes {stable_mosaic.version = 14 : i64} {
  func.func @k(%arg0: i32, %arg1: i32, %arg2: memref<10000x128xf32, #tpu.memory_space<hbm>>, %arg3: memref<10000x128xf32, #tpu.memory_space<hbm>>, %arg4: memref<320000xi32, #tpu.memory_space<hbm>>, %arg5: memref<320000xi32, #tpu.memory_space<hbm>>, %arg6: memref<320000x128xf32, #tpu.memory_space<hbm>>, %arg7: memref<10000xi32, #tpu.memory_space<vmem>>, %arg8: memref<10000xi32, #tpu.memory_space<vmem>>, %arg9: memref<80x128xf32, #tpu.memory_space<vmem>>, %arg10: memref<80x128xf32, #tpu.memory_space<vmem>>, %arg11: memref<80x128xf32, #tpu.memory_space<vmem>>, %arg12: memref<80x128xf32, #tpu.memory_space<vmem>>, %arg13: memref<80x128xf32, #tpu.memory_space<vmem>>, %arg14: memref<80x128xf32, #tpu.memory_space<vmem>>, %arg15: memref<80x128xf32, #tpu.memory_space<vmem>>, %arg16: memref<80x128xf32, #tpu.memory_space<vmem>>, %arg17: memref<80x128xf32, #tpu.memory_space<vmem>>, %arg18: memref<80x128xf32, #tpu.memory_space<vmem>>, %arg19: memref<!tpu.dma_semaphore, #tpu.memory_space<semaphore_mem>>, %arg20: memref<!tpu.dma_semaphore, #tpu.memory_space<semaphore_mem>>, %arg21: memref<!tpu.dma_semaphore, #tpu.memory_space<semaphore_mem>>, %arg22: memref<!tpu.dma_semaphore, #tpu.memory_space<semaphore_mem>>, %arg23: memref<!tpu.dma_semaphore, #tpu.memory_space<semaphore_mem>>, %arg24: memref<!tpu.dma_semaphore, #tpu.memory_space<semaphore_mem>>, %arg25: memref<!tpu.dma_semaphore, #tpu.memory_space<semaphore_mem>>, %arg26: memref<!tpu.dma_semaphore, #tpu.memory_space<semaphore_mem>>, %arg27: memref<!tpu.dma_semaphore, #tpu.memory_space<semaphore_mem>>, %arg28: memref<!tpu.dma_semaphore, #tpu.memory_space<semaphore_mem>>) attributes {dimension_semantics = [#tpu.dimension_semantics<core_parallel>, #tpu.dimension_semantics<subcore_parallel>], iteration_bounds = array<i64: 2, 16>, scalar_prefetch = 0 : i64, scratch_operands = 22 : i64, tpu.core_type = #tpu.core_type<sc_vector_subcore>, window_params = [{transform_indices = #map}, {transform_indices = #map}, {transform_indices = #map1}, {transform_indices = #map1}, {transform_indices = #map}]} {
    %mul3A = arith.constant 2 : i32
    %mul3A_0 = arith.muli %arg1, %mul3A : i32
    %add3A = arith.addi %mul3A_0, %arg0 : i32
    %mul3A_1 = arith.constant 10000 : i32
    %mul3A_2 = arith.muli %add3A, %mul3A_1 : i32
    "tpu.region"() ({
      %run_scoped3A = tpu.sem_alloc : memref<!tpu.dma_semaphore, #tpu.memory_space<semaphore_mem>>
      %dma_start3A_196 = tpu.memref_slice %arg4[%mul3A_2] : memref<320000xi32, #tpu.memory_space<hbm>> -> memref<10000xi32, #tpu.memory_space<hbm>>
      %dma_start3A_197 = tpu.memref_slice %arg4[%mul3A_2] : memref<320000xi32, #tpu.memory_space<hbm>> -> memref<10000xi32, #tpu.memory_space<hbm>>
      tpu.enqueue_dma source(%dma_start3A_197 : memref<10000xi32, #tpu.memory_space<hbm>>) target(%arg7 : memref<10000xi32, #tpu.memory_space<vmem>>) target_semaphore(%run_scoped3A : memref<!tpu.dma_semaphore, #tpu.memory_space<semaphore_mem>>)
      %dma_wait3A_198 = tpu.memref_slice %arg4[%mul3A_2] : memref<320000xi32, #tpu.memory_space<hbm>> -> memref<10000xi32, #tpu.memory_space<hbm>>
      %dma_wait3A_199 = tpu.memref_slice %arg4[%mul3A_2] : memref<320000xi32, #tpu.memory_space<hbm>> -> memref<10000xi32, #tpu.memory_space<hbm>>
      tpu.wait_dma2 semaphore(%run_scoped3A : memref<!tpu.dma_semaphore, #tpu.memory_space<semaphore_mem>>) src(%dma_wait3A_199 : memref<10000xi32, #tpu.memory_space<hbm>>) dst(%arg7 : memref<10000xi32, #tpu.memory_space<vmem>>)
      tpu.yield
    }) : () -> ()
    "tpu.region"() ({
      %run_scoped3A = tpu.sem_alloc : memref<!tpu.dma_semaphore, #tpu.memory_space<semaphore_mem>>
      %dma_start3A_196 = tpu.memref_slice %arg5[%mul3A_2] : memref<320000xi32, #tpu.memory_space<hbm>> -> memref<10000xi32, #tpu.memory_space<hbm>>
      %dma_start3A_197 = tpu.memref_slice %arg5[%mul3A_2] : memref<320000xi32, #tpu.memory_space<hbm>> -> memref<10000xi32, #tpu.memory_space<hbm>>
      tpu.enqueue_dma source(%dma_start3A_197 : memref<10000xi32, #tpu.memory_space<hbm>>) target(%arg8 : memref<10000xi32, #tpu.memory_space<vmem>>) target_semaphore(%run_scoped3A : memref<!tpu.dma_semaphore, #tpu.memory_space<semaphore_mem>>)
      %dma_wait3A_198 = tpu.memref_slice %arg5[%mul3A_2] : memref<320000xi32, #tpu.memory_space<hbm>> -> memref<10000xi32, #tpu.memory_space<hbm>>
      %dma_wait3A_199 = tpu.memref_slice %arg5[%mul3A_2] : memref<320000xi32, #tpu.memory_space<hbm>> -> memref<10000xi32, #tpu.memory_space<hbm>>
      tpu.wait_dma2 semaphore(%run_scoped3A : memref<!tpu.dma_semaphore, #tpu.memory_space<semaphore_mem>>) src(%dma_wait3A_199 : memref<10000xi32, #tpu.memory_space<hbm>>) dst(%arg8 : memref<10000xi32, #tpu.memory_space<vmem>>)
      tpu.yield
    }) : () -> ()
    %dma_start3A = arith.constant 0 : i32
    %dma_start3A_3 = tpu.memref_slice %arg7[%dma_start3A] : memref<10000xi32, #tpu.memory_space<vmem>> -> memref<80xi32, #tpu.memory_space<vmem>>
    %dma_start3A_4 = arith.constant 0 : i32
    %dma_start3A_5 = arith.constant 0 : i32
    %dma_start3A_6 = tpu.memref_slice %arg2[%dma_start3A_4, %dma_start3A_5] : memref<10000x128xf32, #tpu.memory_space<hbm>> -> memref<10000x128xf32, #tpu.memory_space<hbm>>
    tpu.enqueue_indirect_dma source(%dma_start3A_6 : memref<10000x128xf32, #tpu.memory_space<hbm>>) target(%arg9 : memref<80x128xf32, #tpu.memory_space<vmem>>) offsets(%dma_start3A_3 : memref<80xi32, #tpu.memory_space<vmem>>) semaphore(%arg19 : memref<!tpu.dma_semaphore, #tpu.memory_space<semaphore_mem>>)
    %dma_start3A_7 = arith.constant 0 : i32
    %dma_start3A_8 = tpu.memref_slice %arg8[%dma_start3A_7] : memref<10000xi32, #tpu.memory_space<vmem>> -> memref<80xi32, #tpu.memory_space<vmem>>
    %dma_start3A_9 = arith.constant 0 : i32
    %dma_start3A_10 = arith.constant 0 : i32
    %dma_start3A_11 = tpu.memref_slice %arg3[%dma_start3A_9, %dma_start3A_10] : memref<10000x128xf32, #tpu.memory_space<hbm>> -> memref<10000x128xf32, #tpu.memory_space<hbm>>
    tpu.enqueue_indirect_dma source(%dma_start3A_11 : memref<10000x128xf32, #tpu.memory_space<hbm>>) target(%arg14 : memref<80x128xf32, #tpu.memory_space<vmem>>) offsets(%dma_start3A_8 : memref<80xi32, #tpu.memory_space<vmem>>) semaphore(%arg19 : memref<!tpu.dma_semaphore, #tpu.memory_space<semaphore_mem>>)
    %dma_start3A_12 = arith.constant 80 : i32
    %dma_start3A_13 = tpu.memref_slice %arg7[%dma_start3A_12] : memref<10000xi32, #tpu.memory_space<vmem>> -> memref<80xi32, #tpu.memory_space<vmem>>
    %dma_start3A_14 = arith.constant 0 : i32
    %dma_start3A_15 = arith.constant 0 : i32
    %dma_start3A_16 = tpu.memref_slice %arg2[%dma_start3A_14, %dma_start3A_15] : memref<10000x128xf32, #tpu.memory_space<hbm>> -> memref<10000x128xf32, #tpu.memory_space<hbm>>
    tpu.enqueue_indirect_dma source(%dma_start3A_16 : memref<10000x128xf32, #tpu.memory_space<hbm>>) target(%arg10 : memref<80x128xf32, #tpu.memory_space<vmem>>) offsets(%dma_start3A_13 : memref<80xi32, #tpu.memory_space<vmem>>) semaphore(%arg20 : memref<!tpu.dma_semaphore, #tpu.memory_space<semaphore_mem>>)
    %dma_start3A_17 = arith.constant 80 : i32
    %dma_start3A_18 = tpu.memref_slice %arg8[%dma_start3A_17] : memref<10000xi32, #tpu.memory_space<vmem>> -> memref<80xi32, #tpu.memory_space<vmem>>
    %dma_start3A_19 = arith.constant 0 : i32
    %dma_start3A_20 = arith.constant 0 : i32
    %dma_start3A_21 = tpu.memref_slice %arg3[%dma_start3A_19, %dma_start3A_20] : memref<10000x128xf32, #tpu.memory_space<hbm>> -> memref<10000x128xf32, #tpu.memory_space<hbm>>
    tpu.enqueue_indirect_dma source(%dma_start3A_21 : memref<10000x128xf32, #tpu.memory_space<hbm>>) target(%arg15 : memref<80x128xf32, #tpu.memory_space<vmem>>) offsets(%dma_start3A_18 : memref<80xi32, #tpu.memory_space<vmem>>) semaphore(%arg20 : memref<!tpu.dma_semaphore, #tpu.memory_space<semaphore_mem>>)
    %dma_start3A_22 = arith.constant 160 : i32
    %dma_start3A_23 = tpu.memref_slice %arg7[%dma_start3A_22] : memref<10000xi32, #tpu.memory_space<vmem>> -> memref<80xi32, #tpu.memory_space<vmem>>
    %dma_start3A_24 = arith.constant 0 : i32
    %dma_start3A_25 = arith.constant 0 : i32
    %dma_start3A_26 = tpu.memref_slice %arg2[%dma_start3A_24, %dma_start3A_25] : memref<10000x128xf32, #tpu.memory_space<hbm>> -> memref<10000x128xf32, #tpu.memory_space<hbm>>
    tpu.enqueue_indirect_dma source(%dma_start3A_26 : memref<10000x128xf32, #tpu.memory_space<hbm>>) target(%arg11 : memref<80x128xf32, #tpu.memory_space<vmem>>) offsets(%dma_start3A_23 : memref<80xi32, #tpu.memory_space<vmem>>) semaphore(%arg21 : memref<!tpu.dma_semaphore, #tpu.memory_space<semaphore_mem>>)
    %dma_start3A_27 = arith.constant 160 : i32
    %dma_start3A_28 = tpu.memref_slice %arg8[%dma_start3A_27] : memref<10000xi32, #tpu.memory_space<vmem>> -> memref<80xi32, #tpu.memory_space<vmem>>
    %dma_start3A_29 = arith.constant 0 : i32
    %dma_start3A_30 = arith.constant 0 : i32
    %dma_start3A_31 = tpu.memref_slice %arg3[%dma_start3A_29, %dma_start3A_30] : memref<10000x128xf32, #tpu.memory_space<hbm>> -> memref<10000x128xf32, #tpu.memory_space<hbm>>
    tpu.enqueue_indirect_dma source(%dma_start3A_31 : memref<10000x128xf32, #tpu.memory_space<hbm>>) target(%arg16 : memref<80x128xf32, #tpu.memory_space<vmem>>) offsets(%dma_start3A_28 : memref<80xi32, #tpu.memory_space<vmem>>) semaphore(%arg21 : memref<!tpu.dma_semaphore, #tpu.memory_space<semaphore_mem>>)
    %dma_start3A_32 = arith.constant 240 : i32
    %dma_start3A_33 = tpu.memref_slice %arg7[%dma_start3A_32] : memref<10000xi32, #tpu.memory_space<vmem>> -> memref<80xi32, #tpu.memory_space<vmem>>
    %dma_start3A_34 = arith.constant 0 : i32
    %dma_start3A_35 = arith.constant 0 : i32
    %dma_start3A_36 = tpu.memref_slice %arg2[%dma_start3A_34, %dma_start3A_35] : memref<10000x128xf32, #tpu.memory_space<hbm>> -> memref<10000x128xf32, #tpu.memory_space<hbm>>
    tpu.enqueue_indirect_dma source(%dma_start3A_36 : memref<10000x128xf32, #tpu.memory_space<hbm>>) target(%arg12 : memref<80x128xf32, #tpu.memory_space<vmem>>) offsets(%dma_start3A_33 : memref<80xi32, #tpu.memory_space<vmem>>) semaphore(%arg22 : memref<!tpu.dma_semaphore, #tpu.memory_space<semaphore_mem>>)
    %dma_start3A_37 = arith.constant 240 : i32
    %dma_start3A_38 = tpu.memref_slice %arg8[%dma_start3A_37] : memref<10000xi32, #tpu.memory_space<vmem>> -> memref<80xi32, #tpu.memory_space<vmem>>
    %dma_start3A_39 = arith.constant 0 : i32
    %dma_start3A_40 = arith.constant 0 : i32
    %dma_start3A_41 = tpu.memref_slice %arg3[%dma_start3A_39, %dma_start3A_40] : memref<10000x128xf32, #tpu.memory_space<hbm>> -> memref<10000x128xf32, #tpu.memory_space<hbm>>
    tpu.enqueue_indirect_dma source(%dma_start3A_41 : memref<10000x128xf32, #tpu.memory_space<hbm>>) target(%arg17 : memref<80x128xf32, #tpu.memory_space<vmem>>) offsets(%dma_start3A_38 : memref<80xi32, #tpu.memory_space<vmem>>) semaphore(%arg22 : memref<!tpu.dma_semaphore, #tpu.memory_space<semaphore_mem>>)
    %dma_start3A_42 = arith.constant 320 : i32
    %dma_start3A_43 = tpu.memref_slice %arg7[%dma_start3A_42] : memref<10000xi32, #tpu.memory_space<vmem>> -> memref<80xi32, #tpu.memory_space<vmem>>
    %dma_start3A_44 = arith.constant 0 : i32
    %dma_start3A_45 = arith.constant 0 : i32
    %dma_start3A_46 = tpu.memref_slice %arg2[%dma_start3A_44, %dma_start3A_45] : memref<10000x128xf32, #tpu.memory_space<hbm>> -> memref<10000x128xf32, #tpu.memory_space<hbm>>
    tpu.enqueue_indirect_dma source(%dma_start3A_46 : memref<10000x128xf32, #tpu.memory_space<hbm>>) target(%arg13 : memref<80x128xf32, #tpu.memory_space<vmem>>) offsets(%dma_start3A_43 : memref<80xi32, #tpu.memory_space<vmem>>) semaphore(%arg23 : memref<!tpu.dma_semaphore, #tpu.memory_space<semaphore_mem>>)
    %dma_start3A_47 = arith.constant 320 : i32
    %dma_start3A_48 = tpu.memref_slice %arg8[%dma_start3A_47] : memref<10000xi32, #tpu.memory_space<vmem>> -> memref<80xi32, #tpu.memory_space<vmem>>
    %dma_start3A_49 = arith.constant 0 : i32
    %dma_start3A_50 = arith.constant 0 : i32
    %dma_start3A_51 = tpu.memref_slice %arg3[%dma_start3A_49, %dma_start3A_50] : memref<10000x128xf32, #tpu.memory_space<hbm>> -> memref<10000x128xf32, #tpu.memory_space<hbm>>
    tpu.enqueue_indirect_dma source(%dma_start3A_51 : memref<10000x128xf32, #tpu.memory_space<hbm>>) target(%arg18 : memref<80x128xf32, #tpu.memory_space<vmem>>) offsets(%dma_start3A_48 : memref<80xi32, #tpu.memory_space<vmem>>) semaphore(%arg23 : memref<!tpu.dma_semaphore, #tpu.memory_space<semaphore_mem>>)
    %scan3A = arith.constant 0 : i32
    %scan3A_52 = arith.constant 0 : i32
    %scan3A_53 = arith.constant 24 : i32
    %scan3A_54 = arith.addi %scan3A_52, %scan3A_53 : i32
    %scan3A_55 = arith.constant 1 : i32
    scf.for %scan3A_196 = %scan3A_52 to %scan3A_54 step %scan3A_55  : i32 {
      %mul3A_197 = arith.constant 5 : i32
      %mul3A_198 = arith.muli %scan3A_196, %mul3A_197 : i32
      %add3A_199 = arith.constant 0 : i32
      %add3A_200 = arith.addi %mul3A_198, %add3A_199 : i32
      %mul3A_201 = arith.constant 80 : i32
      %mul3A_202 = arith.muli %add3A_200, %mul3A_201 : i32
      %dma_wait3A_203 = tpu.memref_slice %arg7[%mul3A_202] : memref<10000xi32, #tpu.memory_space<vmem>> -> memref<80xi32, #tpu.memory_space<vmem>>
      %dma_wait3A_204 = arith.constant 0 : i32
      %dma_wait3A_205 = arith.constant 0 : i32
      %dma_wait3A_206 = tpu.memref_slice %arg2[%dma_wait3A_204, %dma_wait3A_205] : memref<10000x128xf32, #tpu.memory_space<hbm>> -> memref<10000x128xf32, #tpu.memory_space<hbm>>
      tpu.wait_indirect_dma semaphore(%arg19 : memref<!tpu.dma_semaphore, #tpu.memory_space<semaphore_mem>>) src(%dma_wait3A_206 : memref<10000x128xf32, #tpu.memory_space<hbm>>) dst(%arg9 : memref<80x128xf32, #tpu.memory_space<vmem>>)
      %dma_wait3A_207 = tpu.memref_slice %arg8[%mul3A_202] : memref<10000xi32, #tpu.memory_space<vmem>> -> memref<80xi32, #tpu.memory_space<vmem>>
      %dma_wait3A_208 = arith.constant 0 : i32
      %dma_wait3A_209 = arith.constant 0 : i32
      %dma_wait3A_210 = tpu.memref_slice %arg3[%dma_wait3A_208, %dma_wait3A_209] : memref<10000x128xf32, #tpu.memory_space<hbm>> -> memref<10000x128xf32, #tpu.memory_space<hbm>>
      tpu.wait_indirect_dma semaphore(%arg19 : memref<!tpu.dma_semaphore, #tpu.memory_space<semaphore_mem>>) src(%dma_wait3A_210 : memref<10000x128xf32, #tpu.memory_space<hbm>>) dst(%arg14 : memref<80x128xf32, #tpu.memory_space<vmem>>)
      %scan3A_211 = arith.constant 0 : i32
      %scan3A_212 = arith.constant 0 : i32
      %scan3A_213 = arith.constant 80 : i32
      %scan3A_214 = arith.addi %scan3A_212, %scan3A_213 : i32
      %scan3A_215 = arith.constant 1 : i32
      scf.for %scan3A_397 = %scan3A_212 to %scan3A_214 step %scan3A_215  : i32 {
        %get3A = arith.index_cast %scan3A_397 : i32 to index
        %get3A_398 = arith.constant 0 : index
        %get3A_399 = tpu.vector_load %arg9[%get3A, %get3A_398] {strides = array<i32>} : memref<80x128xf32, #tpu.memory_space<vmem>>, vector<1x16xf32>,
        %get3A_400 = vector.shape_cast %get3A_399 : vector<1x16xf32> to vector<16xf32>
        %get3A_401 = arith.index_cast %scan3A_397 : i32 to index
        %get3A_402 = arith.constant 0 : index
        %get3A_403 = tpu.vector_load %arg14[%get3A_401, %get3A_402] {strides = array<i32>} : memref<80x128xf32, #tpu.memory_space<vmem>>, vector<1x16xf32>,
        %get3A_404 = vector.shape_cast %get3A_403 : vector<1x16xf32> to vector<16xf32>
        %add3A_405 = arith.addf %get3A_400, %get3A_404 : vector<16xf32>
        %swap3A = arith.index_cast %scan3A_397 : i32 to index
        %swap3A_406 = arith.constant 0 : index
        %swap3A_407 = tpu.vector_load %arg9[%swap3A, %swap3A_406] {strides = array<i32>} : memref<80x128xf32, #tpu.memory_space<vmem>>, vector<1x16xf32>,
        %swap3A_408 = vector.shape_cast %swap3A_407 : vector<1x16xf32> to vector<16xf32>
        %swap3A_409 = vector.shape_cast %add3A_405 : vector<16xf32> to vector<1x16xf32>
        tpu.vector_store %arg9[%swap3A, %swap3A_406], %swap3A_409 {strides = array<i32>} : memref<80x128xf32, #tpu.memory_space<vmem>>, vector<1x16xf32>,
        %get3A_410 = arith.index_cast %scan3A_397 : i32 to index
        %get3A_411 = arith.constant 16 : index
        %get3A_412 = tpu.vector_load %arg9[%get3A_410, %get3A_411] {strides = array<i32>} : memref<80x128xf32, #tpu.memory_space<vmem>>, vector<1x16xf32>,
        %get3A_413 = vector.shape_cast %get3A_412 : vector<1x16xf32> to vector<16xf32>
        %get3A_414 = arith.index_cast %scan3A_397 : i32 to index
        %get3A_415 = arith.constant 16 : index
        %get3A_416 = tpu.vector_load %arg14[%get3A_414, %get3A_415] {strides = array<i32>} : memref<80x128xf32, #tpu.memory_space<vmem>>, vector<1x16xf32>,
        %get3A_417 = vector.shape_cast %get3A_416 : vector<1x16xf32> to vector<16xf32>
        %add3A_418 = arith.addf %get3A_413, %get3A_417 : vector<16xf32>
        %swap3A_419 = arith.index_cast %scan3A_397 : i32 to index
        %swap3A_420 = arith.constant 16 : index
        %swap3A_421 = tpu.vector_load %arg9[%swap3A_419, %swap3A_420] {strides = array<i32>} : memref<80x128xf32, #tpu.memory_space<vmem>>, vector<1x16xf32>,
        %swap3A_422 = vector.shape_cast %swap3A_421 : vector<1x16xf32> to vector<16xf32>
        %swap3A_423 = vector.shape_cast %add3A_418 : vector<16xf32> to vector<1x16xf32>
        tpu.vector_store %arg9[%swap3A_419, %swap3A_420], %swap3A_423 {strides = array<i32>} : memref<80x128xf32, #tpu.memory_space<vmem>>, vector<1x16xf32>,
        %get3A_424 = arith.index_cast %scan3A_397 : i32 to index
        %get3A_425 = arith.constant 32 : index
        %get3A_426 = tpu.vector_load %arg9[%get3A_424, %get3A_425] {strides = array<i32>} : memref<80x128xf32, #tpu.memory_space<vmem>>, vector<1x16xf32>,
        %get3A_427 = vector.shape_cast %get3A_426 : vector<1x16xf32> to vector<16xf32>
        %get3A_428 = arith.index_cast %scan3A_397 : i32 to index
        %get3A_429 = arith.constant 32 : index
        %get3A_430 = tpu.vector_load %arg14[%get3A_428, %get3A_429] {strides = array<i32>} : memref<80x128xf32, #tpu.memory_space<vmem>>, vector<1x16xf32>,
        %get3A_431 = vector.shape_cast %get3A_430 : vector<1x16xf32> to vector<16xf32>
        %add3A_432 = arith.addf %get3A_427, %get3A_431 : vector<16xf32>
        %swap3A_433 = arith.index_cast %scan3A_397 : i32 to index
        %swap3A_434 = arith.constant 32 : index
        %swap3A_435 = tpu.vector_load %arg9[%swap3A_433, %swap3A_434] {strides = array<i32>} : memref<80x128xf32, #tpu.memory_space<vmem>>, vector<1x16xf32>,
        %swap3A_436 = vector.shape_cast %swap3A_435 : vector<1x16xf32> to vector<16xf32>
        %swap3A_437 = vector.shape_cast %add3A_432 : vector<16xf32> to vector<1x16xf32>
        tpu.vector_store %arg9[%swap3A_433, %swap3A_434], %swap3A_437 {strides = array<i32>} : memref<80x128xf32, #tpu.memory_space<vmem>>, vector<1x16xf32>,
        %get3A_438 = arith.index_cast %scan3A_397 : i32 to index
        %get3A_439 = arith.constant 48 : index
        %get3A_440 = tpu.vector_load %arg9[%get3A_438, %get3A_439] {strides = array<i32>} : memref<80x128xf32, #tpu.memory_space<vmem>>, vector<1x16xf32>,
        %get3A_441 = vector.shape_cast %get3A_440 : vector<1x16xf32> to vector<16xf32>
        %get3A_442 = arith.index_cast %scan3A_397 : i32 to index
        %get3A_443 = arith.constant 48 : index
        %get3A_444 = tpu.vector_load %arg14[%get3A_442, %get3A_443] {strides = array<i32>} : memref<80x128xf32, #tpu.memory_space<vmem>>, vector<1x16xf32>,
        %get3A_445 = vector.shape_cast %get3A_444 : vector<1x16xf32> to vector<16xf32>
        %add3A_446 = arith.addf %get3A_441, %get3A_445 : vector<16xf32>
        %swap3A_447 = arith.index_cast %scan3A_397 : i32 to index
        %swap3A_448 = arith.constant 48 : index
        %swap3A_449 = tpu.vector_load %arg9[%swap3A_447, %swap3A_448] {strides = array<i32>} : memref<80x128xf32, #tpu.memory_space<vmem>>, vector<1x16xf32>,
        %swap3A_450 = vector.shape_cast %swap3A_449 : vector<1x16xf32> to vector<16xf32>
        %swap3A_451 = vector.shape_cast %add3A_446 : vector<16xf32> to vector<1x16xf32>
        tpu.vector_store %arg9[%swap3A_447, %swap3A_448], %swap3A_451 {strides = array<i32>} : memref<80x128xf32, #tpu.memory_space<vmem>>, vector<1x16xf32>,
        %get3A_452 = arith.index_cast %scan3A_397 : i32 to index
        %get3A_453 = arith.constant 64 : index
        %get3A_454 = tpu.vector_load %arg9[%get3A_452, %get3A_453] {strides = array<i32>} : memref<80x128xf32, #tpu.memory_space<vmem>>, vector<1x16xf32>,
        %get3A_455 = vector.shape_cast %get3A_454 : vector<1x16xf32> to vector<16xf32>
        %get3A_456 = arith.index_cast %scan3A_397 : i32 to index
        %get3A_457 = arith.constant 64 : index
        %get3A_458 = tpu.vector_load %arg14[%get3A_456, %get3A_457] {strides = array<i32>} : memref<80x128xf32, #tpu.memory_space<vmem>>, vector<1x16xf32>,
        %get3A_459 = vector.shape_cast %get3A_458 : vector<1x16xf32> to vector<16xf32>
        %add3A_460 = arith.addf %get3A_455, %get3A_459 : vector<16xf32>
        %swap3A_461 = arith.index_cast %scan3A_397 : i32 to index
        %swap3A_462 = arith.constant 64 : index
        %swap3A_463 = tpu.vector_load %arg9[%swap3A_461, %swap3A_462] {strides = array<i32>} : memref<80x128xf32, #tpu.memory_space<vmem>>, vector<1x16xf32>,
        %swap3A_464 = vector.shape_cast %swap3A_463 : vector<1x16xf32> to vector<16xf32>
        %swap3A_465 = vector.shape_cast %add3A_460 : vector<16xf32> to vector<1x16xf32>
        tpu.vector_store %arg9[%swap3A_461, %swap3A_462], %swap3A_465 {strides = array<i32>} : memref<80x128xf32, #tpu.memory_space<vmem>>, vector<1x16xf32>,
        %get3A_466 = arith.index_cast %scan3A_397 : i32 to index
        %get3A_467 = arith.constant 80 : index
        %get3A_468 = tpu.vector_load %arg9[%get3A_466, %get3A_467] {strides = array<i32>} : memref<80x128xf32, #tpu.memory_space<vmem>>, vector<1x16xf32>,
        %get3A_469 = vector.shape_cast %get3A_468 : vector<1x16xf32> to vector<16xf32>
        %get3A_470 = arith.index_cast %scan3A_397 : i32 to index
        %get3A_471 = arith.constant 80 : index
        %get3A_472 = tpu.vector_load %arg14[%get3A_470, %get3A_471] {strides = array<i32>} : memref<80x128xf32, #tpu.memory_space<vmem>>, vector<1x16xf32>,
        %get3A_473 = vector.shape_cast %get3A_472 : vector<1x16xf32> to vector<16xf32>
        %add3A_474 = arith.addf %get3A_469, %get3A_473 : vector<16xf32>
        %swap3A_475 = arith.index_cast %scan3A_397 : i32 to index
        %swap3A_476 = arith.constant 80 : index
        %swap3A_477 = tpu.vector_load %arg9[%swap3A_475, %swap3A_476] {strides = array<i32>} : memref<80x128xf32, #tpu.memory_space<vmem>>, vector<1x16xf32>,
        %swap3A_478 = vector.shape_cast %swap3A_477 : vector<1x16xf32> to vector<16xf32>
        %swap3A_479 = vector.shape_cast %add3A_474 : vector<16xf32> to vector<1x16xf32>
        tpu.vector_store %arg9[%swap3A_475, %swap3A_476], %swap3A_479 {strides = array<i32>} : memref<80x128xf32, #tpu.memory_space<vmem>>, vector<1x16xf32>,
        %get3A_480 = arith.index_cast %scan3A_397 : i32 to index
        %get3A_481 = arith.constant 96 : index
        %get3A_482 = tpu.vector_load %arg9[%get3A_480, %get3A_481] {strides = array<i32>} : memref<80x128xf32, #tpu.memory_space<vmem>>, vector<1x16xf32>,
        %get3A_483 = vector.shape_cast %get3A_482 : vector<1x16xf32> to vector<16xf32>
        %get3A_484 = arith.index_cast %scan3A_397 : i32 to index
        %get3A_485 = arith.constant 96 : index
        %get3A_486 = tpu.vector_load %arg14[%get3A_484, %get3A_485] {strides = array<i32>} : memref<80x128xf32, #tpu.memory_space<vmem>>, vector<1x16xf32>,
        %get3A_487 = vector.shape_cast %get3A_486 : vector<1x16xf32> to vector<16xf32>
        %add3A_488 = arith.addf %get3A_483, %get3A_487 : vector<16xf32>
        %swap3A_489 = arith.index_cast %scan3A_397 : i32 to index
        %swap3A_490 = arith.constant 96 : index
        %swap3A_491 = tpu.vector_load %arg9[%swap3A_489, %swap3A_490] {strides = array<i32>} : memref<80x128xf32, #tpu.memory_space<vmem>>, vector<1x16xf32>,
        %swap3A_492 = vector.shape_cast %swap3A_491 : vector<1x16xf32> to vector<16xf32>
        %swap3A_493 = vector.shape_cast %add3A_488 : vector<16xf32> to vector<1x16xf32>
        tpu.vector_store %arg9[%swap3A_489, %swap3A_490], %swap3A_493 {strides = array<i32>} : memref<80x128xf32, #tpu.memory_space<vmem>>, vector<1x16xf32>,
        %get3A_494 = arith.index_cast %scan3A_397 : i32 to index
        %get3A_495 = arith.constant 112 : index
        %get3A_496 = tpu.vector_load %arg9[%get3A_494, %get3A_495] {strides = array<i32>} : memref<80x128xf32, #tpu.memory_space<vmem>>, vector<1x16xf32>,
        %get3A_497 = vector.shape_cast %get3A_496 : vector<1x16xf32> to vector<16xf32>
        %get3A_498 = arith.index_cast %scan3A_397 : i32 to index
        %get3A_499 = arith.constant 112 : index
        %get3A_500 = tpu.vector_load %arg14[%get3A_498, %get3A_499] {strides = array<i32>} : memref<80x128xf32, #tpu.memory_space<vmem>>, vector<1x16xf32>,
        %get3A_501 = vector.shape_cast %get3A_500 : vector<1x16xf32> to vector<16xf32>
        %add3A_502 = arith.addf %get3A_497, %get3A_501 : vector<16xf32>
        %swap3A_503 = arith.index_cast %scan3A_397 : i32 to index
        %swap3A_504 = arith.constant 112 : index
        %swap3A_505 = tpu.vector_load %arg9[%swap3A_503, %swap3A_504] {strides = array<i32>} : memref<80x128xf32, #tpu.memory_space<vmem>>, vector<1x16xf32>,
        %swap3A_506 = vector.shape_cast %swap3A_505 : vector<1x16xf32> to vector<16xf32>
        %swap3A_507 = vector.shape_cast %add3A_502 : vector<16xf32> to vector<1x16xf32>
        tpu.vector_store %arg9[%swap3A_503, %swap3A_504], %swap3A_507 {strides = array<i32>} : memref<80x128xf32, #tpu.memory_space<vmem>>, vector<1x16xf32>,
      }
      %scan3A_216 = arith.constant 80 : i32
      %add3A_217 = arith.addi %mul3A_2, %mul3A_202 : i32
      %dma_start3A_218 = arith.constant 0 : i32
      %dma_start3A_219 = tpu.memref_slice %arg6[%add3A_217, %dma_start3A_218] : memref<320000x128xf32, #tpu.memory_space<hbm>> -> memref<80x128xf32, #tpu.memory_space<hbm>>
      %dma_start3A_220 = arith.constant 0 : i32
      %dma_start3A_221 = tpu.memref_slice %arg6[%add3A_217, %dma_start3A_220] : memref<320000x128xf32, #tpu.memory_space<hbm>> -> memref<80x128xf32, #tpu.memory_space<hbm>>
      tpu.enqueue_dma source(%arg9 : memref<80x128xf32, #tpu.memory_space<vmem>>) target(%dma_start3A_221 : memref<80x128xf32, #tpu.memory_space<hbm>>) target_semaphore(%arg24 : memref<!tpu.dma_semaphore, #tpu.memory_space<semaphore_mem>>)
      %add3A_222 = arith.addi %mul3A_2, %mul3A_202 : i32
      %dma_wait3A_223 = arith.constant 0 : i32
      %dma_wait3A_224 = tpu.memref_slice %arg6[%add3A_222, %dma_wait3A_223] : memref<320000x128xf32, #tpu.memory_space<hbm>> -> memref<80x128xf32, #tpu.memory_space<hbm>>
      %dma_wait3A_225 = arith.constant 0 : i32
      %dma_wait3A_226 = tpu.memref_slice %arg6[%add3A_222, %dma_wait3A_225] : memref<320000x128xf32, #tpu.memory_space<hbm>> -> memref<80x128xf32, #tpu.memory_space<hbm>>
      tpu.wait_dma2 semaphore(%arg24 : memref<!tpu.dma_semaphore, #tpu.memory_space<semaphore_mem>>) src(%arg9 : memref<80x128xf32, #tpu.memory_space<vmem>>) dst(%dma_wait3A_226 : memref<80x128xf32, #tpu.memory_space<hbm>>)
      %add3A_227 = arith.constant 400 : i32
      %add3A_228 = arith.addi %mul3A_202, %add3A_227 : i32
      %dma_start3A_229 = tpu.memref_slice %arg7[%add3A_228] : memref<10000xi32, #tpu.memory_space<vmem>> -> memref<80xi32, #tpu.memory_space<vmem>>
      %dma_start3A_230 = arith.constant 0 : i32
      %dma_start3A_231 = arith.constant 0 : i32
      %dma_start3A_232 = tpu.memref_slice %arg2[%dma_start3A_230, %dma_start3A_231] : memref<10000x128xf32, #tpu.memory_space<hbm>> -> memref<10000x128xf32, #tpu.memory_space<hbm>>
      tpu.enqueue_indirect_dma source(%dma_start3A_232 : memref<10000x128xf32, #tpu.memory_space<hbm>>) target(%arg9 : memref<80x128xf32, #tpu.memory_space<vmem>>) offsets(%dma_start3A_229 : memref<80xi32, #tpu.memory_space<vmem>>) semaphore(%arg19 : memref<!tpu.dma_semaphore, #tpu.memory_space<semaphore_mem>>)
      %dma_start3A_233 = tpu.memref_slice %arg8[%add3A_228] : memref<10000xi32, #tpu.memory_space<vmem>> -> memref<80xi32, #tpu.memory_space<vmem>>
      %dma_start3A_234 = arith.constant 0 : i32
      %dma_start3A_235 = arith.constant 0 : i32
      %dma_start3A_236 = tpu.memref_slice %arg3[%dma_start3A_234, %dma_start3A_235] : memref<10000x128xf32, #tpu.memory_space<hbm>> -> memref<10000x128xf32, #tpu.memory_space<hbm>>
      tpu.enqueue_indirect_dma source(%dma_start3A_236 : memref<10000x128xf32, #tpu.memory_space<hbm>>) target(%arg14 : memref<80x128xf32, #tpu.memory_space<vmem>>) offsets(%dma_start3A_233 : memref<80xi32, #tpu.memory_space<vmem>>) semaphore(%arg19 : memref<!tpu.dma_semaphore, #tpu.memory_space<semaphore_mem>>)
      %mul3A_237 = arith.constant 5 : i32
      %mul3A_238 = arith.muli %scan3A_196, %mul3A_237 : i32
      %add3A_239 = arith.constant 1 : i32
      %add3A_240 = arith.addi %mul3A_238, %add3A_239 : i32
      %mul3A_241 = arith.constant 80 : i32
      %mul3A_242 = arith.muli %add3A_240, %mul3A_241 : i32
      %dma_wait3A_243 = tpu.memref_slice %arg7[%mul3A_242] : memref<10000xi32, #tpu.memory_space<vmem>> -> memref<80xi32, #tpu.memory_space<vmem>>
      %dma_wait3A_244 = arith.constant 0 : i32
      %dma_wait3A_245 = arith.constant 0 : i32
      %dma_wait3A_246 = tpu.memref_slice %arg2[%dma_wait3A_244, %dma_wait3A_245] : memref<10000x128xf32, #tpu.memory_space<hbm>> -> memref<10000x128xf32, #tpu.memory_space<hbm>>
      tpu.wait_indirect_dma semaphore(%arg20 : memref<!tpu.dma_semaphore, #tpu.memory_space<semaphore_mem>>) src(%dma_wait3A_246 : memref<10000x128xf32, #tpu.memory_space<hbm>>) dst(%arg10 : memref<80x128xf32, #tpu.memory_space<vmem>>)
      %dma_wait3A_247 = tpu.memref_slice %arg8[%mul3A_242] : memref<10000xi32, #tpu.memory_space<vmem>> -> memref<80xi32, #tpu.memory_space<vmem>>
      %dma_wait3A_248 = arith.constant 0 : i32
      %dma_wait3A_249 = arith.constant 0 : i32
      %dma_wait3A_250 = tpu.memref_slice %arg3[%dma_wait3A_248, %dma_wait3A_249] : memref<10000x128xf32, #tpu.memory_space<hbm>> -> memref<10000x128xf32, #tpu.memory_space<hbm>>
      tpu.wait_indirect_dma semaphore(%arg20 : memref<!tpu.dma_semaphore, #tpu.memory_space<semaphore_mem>>) src(%dma_wait3A_250 : memref<10000x128xf32, #tpu.memory_space<hbm>>) dst(%arg15 : memref<80x128xf32, #tpu.memory_space<vmem>>)
      %scan3A_251 = arith.constant 0 : i32
      %scan3A_252 = arith.constant 0 : i32
      %scan3A_253 = arith.constant 80 : i32
      %scan3A_254 = arith.addi %scan3A_252, %scan3A_253 : i32
      %scan3A_255 = arith.constant 1 : i32
      scf.for %scan3A_397 = %scan3A_252 to %scan3A_254 step %scan3A_255  : i32 {
        %get3A = arith.index_cast %scan3A_397 : i32 to index
        %get3A_398 = arith.constant 0 : index
        %get3A_399 = tpu.vector_load %arg10[%get3A, %get3A_398] {strides = array<i32>} : memref<80x128xf32, #tpu.memory_space<vmem>>, vector<1x16xf32>,
        %get3A_400 = vector.shape_cast %get3A_399 : vector<1x16xf32> to vector<16xf32>
        %get3A_401 = arith.index_cast %scan3A_397 : i32 to index
        %get3A_402 = arith.constant 0 : index
        %get3A_403 = tpu.vector_load %arg15[%get3A_401, %get3A_402] {strides = array<i32>} : memref<80x128xf32, #tpu.memory_space<vmem>>, vector<1x16xf32>,
        %get3A_404 = vector.shape_cast %get3A_403 : vector<1x16xf32> to vector<16xf32>
        %add3A_405 = arith.addf %get3A_400, %get3A_404 : vector<16xf32>
        %swap3A = arith.index_cast %scan3A_397 : i32 to index
        %swap3A_406 = arith.constant 0 : index
        %swap3A_407 = tpu.vector_load %arg10[%swap3A, %swap3A_406] {strides = array<i32>} : memref<80x128xf32, #tpu.memory_space<vmem>>, vector<1x16xf32>,
        %swap3A_408 = vector.shape_cast %swap3A_407 : vector<1x16xf32> to vector<16xf32>
        %swap3A_409 = vector.shape_cast %add3A_405 : vector<16xf32> to vector<1x16xf32>
        tpu.vector_store %arg10[%swap3A, %swap3A_406], %swap3A_409 {strides = array<i32>} : memref<80x128xf32, #tpu.memory_space<vmem>>, vector<1x16xf32>,
        %get3A_410 = arith.index_cast %scan3A_397 : i32 to index
        %get3A_411 = arith.constant 16 : index
        %get3A_412 = tpu.vector_load %arg10[%get3A_410, %get3A_411] {strides = array<i32>} : memref<80x128xf32, #tpu.memory_space<vmem>>, vector<1x16xf32>,
        %get3A_413 = vector.shape_cast %get3A_412 : vector<1x16xf32> to vector<16xf32>
        %get3A_414 = arith.index_cast %scan3A_397 : i32 to index
        %get3A_415 = arith.constant 16 : index
        %get3A_416 = tpu.vector_load %arg15[%get3A_414, %get3A_415] {strides = array<i32>} : memref<80x128xf32, #tpu.memory_space<vmem>>, vector<1x16xf32>,
        %get3A_417 = vector.shape_cast %get3A_416 : vector<1x16xf32> to vector<16xf32>
        %add3A_418 = arith.addf %get3A_413, %get3A_417 : vector<16xf32>
        %swap3A_419 = arith.index_cast %scan3A_397 : i32 to index
        %swap3A_420 = arith.constant 16 : index
        %swap3A_421 = tpu.vector_load %arg10[%swap3A_419, %swap3A_420] {strides = array<i32>} : memref<80x128xf32, #tpu.memory_space<vmem>>, vector<1x16xf32>,
        %swap3A_422 = vector.shape_cast %swap3A_421 : vector<1x16xf32> to vector<16xf32>
        %swap3A_423 = vector.shape_cast %add3A_418 : vector<16xf32> to vector<1x16xf32>
        tpu.vector_store %arg10[%swap3A_419, %swap3A_420], %swap3A_423 {strides = array<i32>} : memref<80x128xf32, #tpu.memory_space<vmem>>, vector<1x16xf32>,
        %get3A_424 = arith.index_cast %scan3A_397 : i32 to index
        %get3A_425 = arith.constant 32 : index
        %get3A_426 = tpu.vector_load %arg10[%get3A_424, %get3A_425] {strides = array<i32>} : memref<80x128xf32, #tpu.memory_space<vmem>>, vector<1x16xf32>,
        %get3A_427 = vector.shape_cast %get3A_426 : vector<1x16xf32> to vector<16xf32>
        %get3A_428 = arith.index_cast %scan3A_397 : i32 to index
        %get3A_429 = arith.constant 32 : index
        %get3A_430 = tpu.vector_load %arg15[%get3A_428, %get3A_429] {strides = array<i32>} : memref<80x128xf32, #tpu.memory_space<vmem>>, vector<1x16xf32>,
        %get3A_431 = vector.shape_cast %get3A_430 : vector<1x16xf32> to vector<16xf32>
        %add3A_432 = arith.addf %get3A_427, %get3A_431 : vector<16xf32>
        %swap3A_433 = arith.index_cast %scan3A_397 : i32 to index
        %swap3A_434 = arith.constant 32 : index
        %swap3A_435 = tpu.vector_load %arg10[%swap3A_433, %swap3A_434] {strides = array<i32>} : memref<80x128xf32, #tpu.memory_space<vmem>>, vector<1x16xf32>,
        %swap3A_436 = vector.shape_cast %swap3A_435 : vector<1x16xf32> to vector<16xf32>
        %swap3A_437 = vector.shape_cast %add3A_432 : vector<16xf32> to vector<1x16xf32>
        tpu.vector_store %arg10[%swap3A_433, %swap3A_434], %swap3A_437 {strides = array<i32>} : memref<80x128xf32, #tpu.memory_space<vmem>>, vector<1x16xf32>,
        %get3A_438 = arith.index_cast %scan3A_397 : i32 to index
        %get3A_439 = arith.constant 48 : index
        %get3A_440 = tpu.vector_load %arg10[%get3A_438, %get3A_439] {strides = array<i32>} : memref<80x128xf32, #tpu.memory_space<vmem>>, vector<1x16xf32>,
        %get3A_441 = vector.shape_cast %get3A_440 : vector<1x16xf32> to vector<16xf32>
        %get3A_442 = arith.index_cast %scan3A_397 : i32 to index
        %get3A_443 = arith.constant 48 : index
        %get3A_444 = tpu.vector_load %arg15[%get3A_442, %get3A_443] {strides = array<i32>} : memref<80x128xf32, #tpu.memory_space<vmem>>, vector<1x16xf32>,
        %get3A_445 = vector.shape_cast %get3A_444 : vector<1x16xf32> to vector<16xf32>
        %add3A_446 = arith.addf %get3A_441, %get3A_445 : vector<16xf32>
        %swap3A_447 = arith.index_cast %scan3A_397 : i32 to index
        %swap3A_448 = arith.constant 48 : index
        %swap3A_449 = tpu.vector_load %arg10[%swap3A_447, %swap3A_448] {strides = array<i32>} : memref<80x128xf32, #tpu.memory_space<vmem>>, vector<1x16xf32>,
        %swap3A_450 = vector.shape_cast %swap3A_449 : vector<1x16xf32> to vector<16xf32>
        %swap3A_451 = vector.shape_cast %add3A_446 : vector<16xf32> to vector<1x16xf32>
        tpu.vector_store %arg10[%swap3A_447, %swap3A_448], %swap3A_451 {strides = array<i32>} : memref<80x128xf32, #tpu.memory_space<vmem>>, vector<1x16xf32>,
        %get3A_452 = arith.index_cast %scan3A_397 : i32 to index
        %get3A_453 = arith.constant 64 : index
        %get3A_454 = tpu.vector_load %arg10[%get3A_452, %get3A_453] {strides = array<i32>} : memref<80x128xf32, #tpu.memory_space<vmem>>, vector<1x16xf32>,
        %get3A_455 = vector.shape_cast %get3A_454 : vector<1x16xf32> to vector<16xf32>
        %get3A_456 = arith.index_cast %scan3A_397 : i32 to index
        %get3A_457 = arith.constant 64 : index
        %get3A_458 = tpu.vector_load %arg15[%get3A_456, %get3A_457] {strides = array<i32>} : memref<80x128xf32, #tpu.memory_space<vmem>>, vector<1x16xf32>,
        %get3A_459 = vector.shape_cast %get3A_458 : vector<1x16xf32> to vector<16xf32>
        %add3A_460 = arith.addf %get3A_455, %get3A_459 : vector<16xf32>
        %swap3A_461 = arith.index_cast %scan3A_397 : i32 to index
        %swap3A_462 = arith.constant 64 : index
        %swap3A_463 = tpu.vector_load %arg10[%swap3A_461, %swap3A_462] {strides = array<i32>} : memref<80x128xf32, #tpu.memory_space<vmem>>, vector<1x16xf32>,
        %swap3A_464 = vector.shape_cast %swap3A_463 : vector<1x16xf32> to vector<16xf32>
        %swap3A_465 = vector.shape_cast %add3A_460 : vector<16xf32> to vector<1x16xf32>
        tpu.vector_store %arg10[%swap3A_461, %swap3A_462], %swap3A_465 {strides = array<i32>} : memref<80x128xf32, #tpu.memory_space<vmem>>, vector<1x16xf32>,
        %get3A_466 = arith.index_cast %scan3A_397 : i32 to index
        %get3A_467 = arith.constant 80 : index
        %get3A_468 = tpu.vector_load %arg10[%get3A_466, %get3A_467] {strides = array<i32>} : memref<80x128xf32, #tpu.memory_space<vmem>>, vector<1x16xf32>,
        %get3A_469 = vector.shape_cast %get3A_468 : vector<1x16xf32> to vector<16xf32>
        %get3A_470 = arith.index_cast %scan3A_397 : i32 to index
        %get3A_471 = arith.constant 80 : index
        %get3A_472 = tpu.vector_load %arg15[%get3A_470, %get3A_471] {strides = array<i32>} : memref<80x128xf32, #tpu.memory_space<vmem>>, vector<1x16xf32>,
        %get3A_473 = vector.shape_cast %get3A_472 : vector<1x16xf32> to vector<16xf32>
        %add3A_474 = arith.addf %get3A_469, %get3A_473 : vector<16xf32>
        %swap3A_475 = arith.index_cast %scan3A_397 : i32 to index
        %swap3A_476 = arith.constant 80 : index
        %swap3A_477 = tpu.vector_load %arg10[%swap3A_475, %swap3A_476] {strides = array<i32>} : memref<80x128xf32, #tpu.memory_space<vmem>>, vector<1x16xf32>,
        %swap3A_478 = vector.shape_cast %swap3A_477 : vector<1x16xf32> to vector<16xf32>
        %swap3A_479 = vector.shape_cast %add3A_474 : vector<16xf32> to vector<1x16xf32>
        tpu.vector_store %arg10[%swap3A_475, %swap3A_476], %swap3A_479 {strides = array<i32>} : memref<80x128xf32, #tpu.memory_space<vmem>>, vector<1x16xf32>,
        %get3A_480 = arith.index_cast %scan3A_397 : i32 to index
        %get3A_481 = arith.constant 96 : index
        %get3A_482 = tpu.vector_load %arg10[%get3A_480, %get3A_481] {strides = array<i32>} : memref<80x128xf32, #tpu.memory_space<vmem>>, vector<1x16xf32>,
        %get3A_483 = vector.shape_cast %get3A_482 : vector<1x16xf32> to vector<16xf32>
        %get3A_484 = arith.index_cast %scan3A_397 : i32 to index
        %get3A_485 = arith.constant 96 : index
        %get3A_486 = tpu.vector_load %arg15[%get3A_484, %get3A_485] {strides = array<i32>} : memref<80x128xf32, #tpu.memory_space<vmem>>, vector<1x16xf32>,
        %get3A_487 = vector.shape_cast %get3A_486 : vector<1x16xf32> to vector<16xf32>
        %add3A_488 = arith.addf %get3A_483, %get3A_487 : vector<16xf32>
        %swap3A_489 = arith.index_cast %scan3A_397 : i32 to index
        %swap3A_490 = arith.constant 96 : index
        %swap3A_491 = tpu.vector_load %arg10[%swap3A_489, %swap3A_490] {strides = array<i32>} : memref<80x128xf32, #tpu.memory_space<vmem>>, vector<1x16xf32>,
        %swap3A_492 = vector.shape_cast %swap3A_491 : vector<1x16xf32> to vector<16xf32>
        %swap3A_493 = vector.shape_cast %add3A_488 : vector<16xf32> to vector<1x16xf32>
        tpu.vector_store %arg10[%swap3A_489, %swap3A_490], %swap3A_493 {strides = array<i32>} : memref<80x128xf32, #tpu.memory_space<vmem>>, vector<1x16xf32>,
        %get3A_494 = arith.index_cast %scan3A_397 : i32 to index
        %get3A_495 = arith.constant 112 : index
        %get3A_496 = tpu.vector_load %arg10[%get3A_494, %get3A_495] {strides = array<i32>} : memref<80x128xf32, #tpu.memory_space<vmem>>, vector<1x16xf32>,
        %get3A_497 = vector.shape_cast %get3A_496 : vector<1x16xf32> to vector<16xf32>
        %get3A_498 = arith.index_cast %scan3A_397 : i32 to index
        %get3A_499 = arith.constant 112 : index
        %get3A_500 = tpu.vector_load %arg15[%get3A_498, %get3A_499] {strides = array<i32>} : memref<80x128xf32, #tpu.memory_space<vmem>>, vector<1x16xf32>,
        %get3A_501 = vector.shape_cast %get3A_500 : vector<1x16xf32> to vector<16xf32>
        %add3A_502 = arith.addf %get3A_497, %get3A_501 : vector<16xf32>
        %swap3A_503 = arith.index_cast %scan3A_397 : i32 to index
        %swap3A_504 = arith.constant 112 : index
        %swap3A_505 = tpu.vector_load %arg10[%swap3A_503, %swap3A_504] {strides = array<i32>} : memref<80x128xf32, #tpu.memory_space<vmem>>, vector<1x16xf32>,
        %swap3A_506 = vector.shape_cast %swap3A_505 : vector<1x16xf32> to vector<16xf32>
        %swap3A_507 = vector.shape_cast %add3A_502 : vector<16xf32> to vector<1x16xf32>
        tpu.vector_store %arg10[%swap3A_503, %swap3A_504], %swap3A_507 {strides = array<i32>} : memref<80x128xf32, #tpu.memory_space<vmem>>, vector<1x16xf32>,
      }
      %scan3A_256 = arith.constant 80 : i32
      %add3A_257 = arith.addi %mul3A_2, %mul3A_242 : i32
      %dma_start3A_258 = arith.constant 0 : i32
      %dma_start3A_259 = tpu.memref_slice %arg6[%add3A_257, %dma_start3A_258] : memref<320000x128xf32, #tpu.memory_space<hbm>> -> memref<80x128xf32, #tpu.memory_space<hbm>>
      %dma_start3A_260 = arith.constant 0 : i32
      %dma_start3A_261 = tpu.memref_slice %arg6[%add3A_257, %dma_start3A_260] : memref<320000x128xf32, #tpu.memory_space<hbm>> -> memref<80x128xf32, #tpu.memory_space<hbm>>
      tpu.enqueue_dma source(%arg10 : memref<80x128xf32, #tpu.memory_space<vmem>>) target(%dma_start3A_261 : memref<80x128xf32, #tpu.memory_space<hbm>>) target_semaphore(%arg25 : memref<!tpu.dma_semaphore, #tpu.memory_space<semaphore_mem>>)
      %add3A_262 = arith.addi %mul3A_2, %mul3A_242 : i32
      %dma_wait3A_263 = arith.constant 0 : i32
      %dma_wait3A_264 = tpu.memref_slice %arg6[%add3A_262, %dma_wait3A_263] : memref<320000x128xf32, #tpu.memory_space<hbm>> -> memref<80x128xf32, #tpu.memory_space<hbm>>
      %dma_wait3A_265 = arith.constant 0 : i32
      %dma_wait3A_266 = tpu.memref_slice %arg6[%add3A_262, %dma_wait3A_265] : memref<320000x128xf32, #tpu.memory_space<hbm>> -> memref<80x128xf32, #tpu.memory_space<hbm>>
      tpu.wait_dma2 semaphore(%arg25 : memref<!tpu.dma_semaphore, #tpu.memory_space<semaphore_mem>>) src(%arg10 : memref<80x128xf32, #tpu.memory_space<vmem>>) dst(%dma_wait3A_266 : memref<80x128xf32, #tpu.memory_space<hbm>>)
      %add3A_267 = arith.constant 400 : i32
      %add3A_268 = arith.addi %mul3A_242, %add3A_267 : i32
      %dma_start3A_269 = tpu.memref_slice %arg7[%add3A_268] : memref<10000xi32, #tpu.memory_space<vmem>> -> memref<80xi32, #tpu.memory_space<vmem>>
      %dma_start3A_270 = arith.constant 0 : i32
      %dma_start3A_271 = arith.constant 0 : i32
      %dma_start3A_272 = tpu.memref_slice %arg2[%dma_start3A_270, %dma_start3A_271] : memref<10000x128xf32, #tpu.memory_space<hbm>> -> memref<10000x128xf32, #tpu.memory_space<hbm>>
      tpu.enqueue_indirect_dma source(%dma_start3A_272 : memref<10000x128xf32, #tpu.memory_space<hbm>>) target(%arg10 : memref<80x128xf32, #tpu.memory_space<vmem>>) offsets(%dma_start3A_269 : memref<80xi32, #tpu.memory_space<vmem>>) semaphore(%arg20 : memref<!tpu.dma_semaphore, #tpu.memory_space<semaphore_mem>>)
      %dma_start3A_273 = tpu.memref_slice %arg8[%add3A_268] : memref<10000xi32, #tpu.memory_space<vmem>> -> memref<80xi32, #tpu.memory_space<vmem>>
      %dma_start3A_274 = arith.constant 0 : i32
      %dma_start3A_275 = arith.constant 0 : i32
      %dma_start3A_276 = tpu.memref_slice %arg3[%dma_start3A_274, %dma_start3A_275] : memref<10000x128xf32, #tpu.memory_space<hbm>> -> memref<10000x128xf32, #tpu.memory_space<hbm>>
      tpu.enqueue_indirect_dma source(%dma_start3A_276 : memref<10000x128xf32, #tpu.memory_space<hbm>>) target(%arg15 : memref<80x128xf32, #tpu.memory_space<vmem>>) offsets(%dma_start3A_273 : memref<80xi32, #tpu.memory_space<vmem>>) semaphore(%arg20 : memref<!tpu.dma_semaphore, #tpu.memory_space<semaphore_mem>>)
      %mul3A_277 = arith.constant 5 : i32
      %mul3A_278 = arith.muli %scan3A_196, %mul3A_277 : i32
      %add3A_279 = arith.constant 2 : i32
      %add3A_280 = arith.addi %mul3A_278, %add3A_279 : i32
      %mul3A_281 = arith.constant 80 : i32
      %mul3A_282 = arith.muli %add3A_280, %mul3A_281 : i32
      %dma_wait3A_283 = tpu.memref_slice %arg7[%mul3A_282] : memref<10000xi32, #tpu.memory_space<vmem>> -> memref<80xi32, #tpu.memory_space<vmem>>
      %dma_wait3A_284 = arith.constant 0 : i32
      %dma_wait3A_285 = arith.constant 0 : i32
      %dma_wait3A_286 = tpu.memref_slice %arg2[%dma_wait3A_284, %dma_wait3A_285] : memref<10000x128xf32, #tpu.memory_space<hbm>> -> memref<10000x128xf32, #tpu.memory_space<hbm>>
      tpu.wait_indirect_dma semaphore(%arg21 : memref<!tpu.dma_semaphore, #tpu.memory_space<semaphore_mem>>) src(%dma_wait3A_286 : memref<10000x128xf32, #tpu.memory_space<hbm>>) dst(%arg11 : memref<80x128xf32, #tpu.memory_space<vmem>>)
      %dma_wait3A_287 = tpu.memref_slice %arg8[%mul3A_282] : memref<10000xi32, #tpu.memory_space<vmem>> -> memref<80xi32, #tpu.memory_space<vmem>>
      %dma_wait3A_288 = arith.constant 0 : i32
      %dma_wait3A_289 = arith.constant 0 : i32
      %dma_wait3A_290 = tpu.memref_slice %arg3[%dma_wait3A_288, %dma_wait3A_289] : memref<10000x128xf32, #tpu.memory_space<hbm>> -> memref<10000x128xf32, #tpu.memory_space<hbm>>
      tpu.wait_indirect_dma semaphore(%arg21 : memref<!tpu.dma_semaphore, #tpu.memory_space<semaphore_mem>>) src(%dma_wait3A_290 : memref<10000x128xf32, #tpu.memory_space<hbm>>) dst(%arg16 : memref<80x128xf32, #tpu.memory_space<vmem>>)
      %scan3A_291 = arith.constant 0 : i32
      %scan3A_292 = arith.constant 0 : i32
      %scan3A_293 = arith.constant 80 : i32
      %scan3A_294 = arith.addi %scan3A_292, %scan3A_293 : i32
      %scan3A_295 = arith.constant 1 : i32
      scf.for %scan3A_397 = %scan3A_292 to %scan3A_294 step %scan3A_295  : i32 {
        %get3A = arith.index_cast %scan3A_397 : i32 to index
        %get3A_398 = arith.constant 0 : index
        %get3A_399 = tpu.vector_load %arg11[%get3A, %get3A_398] {strides = array<i32>} : memref<80x128xf32, #tpu.memory_space<vmem>>, vector<1x16xf32>,
        %get3A_400 = vector.shape_cast %get3A_399 : vector<1x16xf32> to vector<16xf32>
        %get3A_401 = arith.index_cast %scan3A_397 : i32 to index
        %get3A_402 = arith.constant 0 : index
        %get3A_403 = tpu.vector_load %arg16[%get3A_401, %get3A_402] {strides = array<i32>} : memref<80x128xf32, #tpu.memory_space<vmem>>, vector<1x16xf32>,
        %get3A_404 = vector.shape_cast %get3A_403 : vector<1x16xf32> to vector<16xf32>
        %add3A_405 = arith.addf %get3A_400, %get3A_404 : vector<16xf32>
        %swap3A = arith.index_cast %scan3A_397 : i32 to index
        %swap3A_406 = arith.constant 0 : index
        %swap3A_407 = tpu.vector_load %arg11[%swap3A, %swap3A_406] {strides = array<i32>} : memref<80x128xf32, #tpu.memory_space<vmem>>, vector<1x16xf32>,
        %swap3A_408 = vector.shape_cast %swap3A_407 : vector<1x16xf32> to vector<16xf32>
        %swap3A_409 = vector.shape_cast %add3A_405 : vector<16xf32> to vector<1x16xf32>
        tpu.vector_store %arg11[%swap3A, %swap3A_406], %swap3A_409 {strides = array<i32>} : memref<80x128xf32, #tpu.memory_space<vmem>>, vector<1x16xf32>,
        %get3A_410 = arith.index_cast %scan3A_397 : i32 to index
        %get3A_411 = arith.constant 16 : index
        %get3A_412 = tpu.vector_load %arg11[%get3A_410, %get3A_411] {strides = array<i32>} : memref<80x128xf32, #tpu.memory_space<vmem>>, vector<1x16xf32>,
        %get3A_413 = vector.shape_cast %get3A_412 : vector<1x16xf32> to vector<16xf32>
        %get3A_414 = arith.index_cast %scan3A_397 : i32 to index
        %get3A_415 = arith.constant 16 : index
        %get3A_416 = tpu.vector_load %arg16[%get3A_414, %get3A_415] {strides = array<i32>} : memref<80x128xf32, #tpu.memory_space<vmem>>, vector<1x16xf32>,
        %get3A_417 = vector.shape_cast %get3A_416 : vector<1x16xf32> to vector<16xf32>
        %add3A_418 = arith.addf %get3A_413, %get3A_417 : vector<16xf32>
        %swap3A_419 = arith.index_cast %scan3A_397 : i32 to index
        %swap3A_420 = arith.constant 16 : index
        %swap3A_421 = tpu.vector_load %arg11[%swap3A_419, %swap3A_420] {strides = array<i32>} : memref<80x128xf32, #tpu.memory_space<vmem>>, vector<1x16xf32>,
        %swap3A_422 = vector.shape_cast %swap3A_421 : vector<1x16xf32> to vector<16xf32>
        %swap3A_423 = vector.shape_cast %add3A_418 : vector<16xf32> to vector<1x16xf32>
        tpu.vector_store %arg11[%swap3A_419, %swap3A_420], %swap3A_423 {strides = array<i32>} : memref<80x128xf32, #tpu.memory_space<vmem>>, vector<1x16xf32>,
        %get3A_424 = arith.index_cast %scan3A_397 : i32 to index
        %get3A_425 = arith.constant 32 : index
        %get3A_426 = tpu.vector_load %arg11[%get3A_424, %get3A_425] {strides = array<i32>} : memref<80x128xf32, #tpu.memory_space<vmem>>, vector<1x16xf32>,
        %get3A_427 = vector.shape_cast %get3A_426 : vector<1x16xf32> to vector<16xf32>
        %get3A_428 = arith.index_cast %scan3A_397 : i32 to index
        %get3A_429 = arith.constant 32 : index
        %get3A_430 = tpu.vector_load %arg16[%get3A_428, %get3A_429] {strides = array<i32>} : memref<80x128xf32, #tpu.memory_space<vmem>>, vector<1x16xf32>,
        %get3A_431 = vector.shape_cast %get3A_430 : vector<1x16xf32> to vector<16xf32>
        %add3A_432 = arith.addf %get3A_427, %get3A_431 : vector<16xf32>
        %swap3A_433 = arith.index_cast %scan3A_397 : i32 to index
        %swap3A_434 = arith.constant 32 : index
        %swap3A_435 = tpu.vector_load %arg11[%swap3A_433, %swap3A_434] {strides = array<i32>} : memref<80x128xf32, #tpu.memory_space<vmem>>, vector<1x16xf32>,
        %swap3A_436 = vector.shape_cast %swap3A_435 : vector<1x16xf32> to vector<16xf32>
        %swap3A_437 = vector.shape_cast %add3A_432 : vector<16xf32> to vector<1x16xf32>
        tpu.vector_store %arg11[%swap3A_433, %swap3A_434], %swap3A_437 {strides = array<i32>} : memref<80x128xf32, #tpu.memory_space<vmem>>, vector<1x16xf32>,
        %get3A_438 = arith.index_cast %scan3A_397 : i32 to index
        %get3A_439 = arith.constant 48 : index
        %get3A_440 = tpu.vector_load %arg11[%get3A_438, %get3A_439] {strides = array<i32>} : memref<80x128xf32, #tpu.memory_space<vmem>>, vector<1x16xf32>,
        %get3A_441 = vector.shape_cast %get3A_440 : vector<1x16xf32> to vector<16xf32>
        %get3A_442 = arith.index_cast %scan3A_397 : i32 to index
        %get3A_443 = arith.constant 48 : index
        %get3A_444 = tpu.vector_load %arg16[%get3A_442, %get3A_443] {strides = array<i32>} : memref<80x128xf32, #tpu.memory_space<vmem>>, vector<1x16xf32>,
        %get3A_445 = vector.shape_cast %get3A_444 : vector<1x16xf32> to vector<16xf32>
        %add3A_446 = arith.addf %get3A_441, %get3A_445 : vector<16xf32>
        %swap3A_447 = arith.index_cast %scan3A_397 : i32 to index
        %swap3A_448 = arith.constant 48 : index
        %swap3A_449 = tpu.vector_load %arg11[%swap3A_447, %swap3A_448] {strides = array<i32>} : memref<80x128xf32, #tpu.memory_space<vmem>>, vector<1x16xf32>,
        %swap3A_450 = vector.shape_cast %swap3A_449 : vector<1x16xf32> to vector<16xf32>
        %swap3A_451 = vector.shape_cast %add3A_446 : vector<16xf32> to vector<1x16xf32>
        tpu.vector_store %arg11[%swap3A_447, %swap3A_448], %swap3A_451 {strides = array<i32>} : memref<80x128xf32, #tpu.memory_space<vmem>>, vector<1x16xf32>,
        %get3A_452 = arith.index_cast %scan3A_397 : i32 to index
        %get3A_453 = arith.constant 64 : index
        %get3A_454 = tpu.vector_load %arg11[%get3A_452, %get3A_453] {strides = array<i32>} : memref<80x128xf32, #tpu.memory_space<vmem>>, vector<1x16xf32>,
        %get3A_455 = vector.shape_cast %get3A_454 : vector<1x16xf32> to vector<16xf32>
        %get3A_456 = arith.index_cast %scan3A_397 : i32 to index
        %get3A_457 = arith.constant 64 : index
        %get3A_458 = tpu.vector_load %arg16[%get3A_456, %get3A_457] {strides = array<i32>} : memref<80x128xf32, #tpu.memory_space<vmem>>, vector<1x16xf32>,
        %get3A_459 = vector.shape_cast %get3A_458 : vector<1x16xf32> to vector<16xf32>
        %add3A_460 = arith.addf %get3A_455, %get3A_459 : vector<16xf32>
        %swap3A_461 = arith.index_cast %scan3A_397 : i32 to index
        %swap3A_462 = arith.constant 64 : index
        %swap3A_463 = tpu.vector_load %arg11[%swap3A_461, %swap3A_462] {strides = array<i32>} : memref<80x128xf32, #tpu.memory_space<vmem>>, vector<1x16xf32>,
        %swap3A_464 = vector.shape_cast %swap3A_463 : vector<1x16xf32> to vector<16xf32>
        %swap3A_465 = vector.shape_cast %add3A_460 : vector<16xf32> to vector<1x16xf32>
        tpu.vector_store %arg11[%swap3A_461, %swap3A_462], %swap3A_465 {strides = array<i32>} : memref<80x128xf32, #tpu.memory_space<vmem>>, vector<1x16xf32>,
        %get3A_466 = arith.index_cast %scan3A_397 : i32 to index
        %get3A_467 = arith.constant 80 : index
        %get3A_468 = tpu.vector_load %arg11[%get3A_466, %get3A_467] {strides = array<i32>} : memref<80x128xf32, #tpu.memory_space<vmem>>, vector<1x16xf32>,
        %get3A_469 = vector.shape_cast %get3A_468 : vector<1x16xf32> to vector<16xf32>
        %get3A_470 = arith.index_cast %scan3A_397 : i32 to index
        %get3A_471 = arith.constant 80 : index
        %get3A_472 = tpu.vector_load %arg16[%get3A_470, %get3A_471] {strides = array<i32>} : memref<80x128xf32, #tpu.memory_space<vmem>>, vector<1x16xf32>,
        %get3A_473 = vector.shape_cast %get3A_472 : vector<1x16xf32> to vector<16xf32>
        %add3A_474 = arith.addf %get3A_469, %get3A_473 : vector<16xf32>
        %swap3A_475 = arith.index_cast %scan3A_397 : i32 to index
        %swap3A_476 = arith.constant 80 : index
        %swap3A_477 = tpu.vector_load %arg11[%swap3A_475, %swap3A_476] {strides = array<i32>} : memref<80x128xf32, #tpu.memory_space<vmem>>, vector<1x16xf32>,
        %swap3A_478 = vector.shape_cast %swap3A_477 : vector<1x16xf32> to vector<16xf32>
        %swap3A_479 = vector.shape_cast %add3A_474 : vector<16xf32> to vector<1x16xf32>
        tpu.vector_store %arg11[%swap3A_475, %swap3A_476], %swap3A_479 {strides = array<i32>} : memref<80x128xf32, #tpu.memory_space<vmem>>, vector<1x16xf32>,
        %get3A_480 = arith.index_cast %scan3A_397 : i32 to index
        %get3A_481 = arith.constant 96 : index
        %get3A_482 = tpu.vector_load %arg11[%get3A_480, %get3A_481] {strides = array<i32>} : memref<80x128xf32, #tpu.memory_space<vmem>>, vector<1x16xf32>,
        %get3A_483 = vector.shape_cast %get3A_482 : vector<1x16xf32> to vector<16xf32>
        %get3A_484 = arith.index_cast %scan3A_397 : i32 to index
        %get3A_485 = arith.constant 96 : index
        %get3A_486 = tpu.vector_load %arg16[%get3A_484, %get3A_485] {strides = array<i32>} : memref<80x128xf32, #tpu.memory_space<vmem>>, vector<1x16xf32>,
        %get3A_487 = vector.shape_cast %get3A_486 : vector<1x16xf32> to vector<16xf32>
        %add3A_488 = arith.addf %get3A_483, %get3A_487 : vector<16xf32>
        %swap3A_489 = arith.index_cast %scan3A_397 : i32 to index
        %swap3A_490 = arith.constant 96 : index
        %swap3A_491 = tpu.vector_load %arg11[%swap3A_489, %swap3A_490] {strides = array<i32>} : memref<80x128xf32, #tpu.memory_space<vmem>>, vector<1x16xf32>,
        %swap3A_492 = vector.shape_cast %swap3A_491 : vector<1x16xf32> to vector<16xf32>
        %swap3A_493 = vector.shape_cast %add3A_488 : vector<16xf32> to vector<1x16xf32>
        tpu.vector_store %arg11[%swap3A_489, %swap3A_490], %swap3A_493 {strides = array<i32>} : memref<80x128xf32, #tpu.memory_space<vmem>>, vector<1x16xf32>,
        %get3A_494 = arith.index_cast %scan3A_397 : i32 to index
        %get3A_495 = arith.constant 112 : index
        %get3A_496 = tpu.vector_load %arg11[%get3A_494, %get3A_495] {strides = array<i32>} : memref<80x128xf32, #tpu.memory_space<vmem>>, vector<1x16xf32>,
        %get3A_497 = vector.shape_cast %get3A_496 : vector<1x16xf32> to vector<16xf32>
        %get3A_498 = arith.index_cast %scan3A_397 : i32 to index
        %get3A_499 = arith.constant 112 : index
        %get3A_500 = tpu.vector_load %arg16[%get3A_498, %get3A_499] {strides = array<i32>} : memref<80x128xf32, #tpu.memory_space<vmem>>, vector<1x16xf32>,
        %get3A_501 = vector.shape_cast %get3A_500 : vector<1x16xf32> to vector<16xf32>
        %add3A_502 = arith.addf %get3A_497, %get3A_501 : vector<16xf32>
        %swap3A_503 = arith.index_cast %scan3A_397 : i32 to index
        %swap3A_504 = arith.constant 112 : index
        %swap3A_505 = tpu.vector_load %arg11[%swap3A_503, %swap3A_504] {strides = array<i32>} : memref<80x128xf32, #tpu.memory_space<vmem>>, vector<1x16xf32>,
        %swap3A_506 = vector.shape_cast %swap3A_505 : vector<1x16xf32> to vector<16xf32>
        %swap3A_507 = vector.shape_cast %add3A_502 : vector<16xf32> to vector<1x16xf32>
        tpu.vector_store %arg11[%swap3A_503, %swap3A_504], %swap3A_507 {strides = array<i32>} : memref<80x128xf32, #tpu.memory_space<vmem>>, vector<1x16xf32>,
      }
      %scan3A_296 = arith.constant 80 : i32
      %add3A_297 = arith.addi %mul3A_2, %mul3A_282 : i32
      %dma_start3A_298 = arith.constant 0 : i32
      %dma_start3A_299 = tpu.memref_slice %arg6[%add3A_297, %dma_start3A_298] : memref<320000x128xf32, #tpu.memory_space<hbm>> -> memref<80x128xf32, #tpu.memory_space<hbm>>
      %dma_start3A_300 = arith.constant 0 : i32
      %dma_start3A_301 = tpu.memref_slice %arg6[%add3A_297, %dma_start3A_300] : memref<320000x128xf32, #tpu.memory_space<hbm>> -> memref<80x128xf32, #tpu.memory_space<hbm>>
      tpu.enqueue_dma source(%arg11 : memref<80x128xf32, #tpu.memory_space<vmem>>) target(%dma_start3A_301 : memref<80x128xf32, #tpu.memory_space<hbm>>) target_semaphore(%arg26 : memref<!tpu.dma_semaphore, #tpu.memory_space<semaphore_mem>>)
      %add3A_302 = arith.addi %mul3A_2, %mul3A_282 : i32
      %dma_wait3A_303 = arith.constant 0 : i32
      %dma_wait3A_304 = tpu.memref_slice %arg6[%add3A_302, %dma_wait3A_303] : memref<320000x128xf32, #tpu.memory_space<hbm>> -> memref<80x128xf32, #tpu.memory_space<hbm>>
      %dma_wait3A_305 = arith.constant 0 : i32
      %dma_wait3A_306 = tpu.memref_slice %arg6[%add3A_302, %dma_wait3A_305] : memref<320000x128xf32, #tpu.memory_space<hbm>> -> memref<80x128xf32, #tpu.memory_space<hbm>>
      tpu.wait_dma2 semaphore(%arg26 : memref<!tpu.dma_semaphore, #tpu.memory_space<semaphore_mem>>) src(%arg11 : memref<80x128xf32, #tpu.memory_space<vmem>>) dst(%dma_wait3A_306 : memref<80x128xf32, #tpu.memory_space<hbm>>)
      %add3A_307 = arith.constant 400 : i32
      %add3A_308 = arith.addi %mul3A_282, %add3A_307 : i32
      %dma_start3A_309 = tpu.memref_slice %arg7[%add3A_308] : memref<10000xi32, #tpu.memory_space<vmem>> -> memref<80xi32, #tpu.memory_space<vmem>>
      %dma_start3A_310 = arith.constant 0 : i32
      %dma_start3A_311 = arith.constant 0 : i32
      %dma_start3A_312 = tpu.memref_slice %arg2[%dma_start3A_310, %dma_start3A_311] : memref<10000x128xf32, #tpu.memory_space<hbm>> -> memref<10000x128xf32, #tpu.memory_space<hbm>>
      tpu.enqueue_indirect_dma source(%dma_start3A_312 : memref<10000x128xf32, #tpu.memory_space<hbm>>) target(%arg11 : memref<80x128xf32, #tpu.memory_space<vmem>>) offsets(%dma_start3A_309 : memref<80xi32, #tpu.memory_space<vmem>>) semaphore(%arg21 : memref<!tpu.dma_semaphore, #tpu.memory_space<semaphore_mem>>)
      %dma_start3A_313 = tpu.memref_slice %arg8[%add3A_308] : memref<10000xi32, #tpu.memory_space<vmem>> -> memref<80xi32, #tpu.memory_space<vmem>>
      %dma_start3A_314 = arith.constant 0 : i32
      %dma_start3A_315 = arith.constant 0 : i32
      %dma_start3A_316 = tpu.memref_slice %arg3[%dma_start3A_314, %dma_start3A_315] : memref<10000x128xf32, #tpu.memory_space<hbm>> -> memref<10000x128xf32, #tpu.memory_space<hbm>>
      tpu.enqueue_indirect_dma source(%dma_start3A_316 : memref<10000x128xf32, #tpu.memory_space<hbm>>) target(%arg16 : memref<80x128xf32, #tpu.memory_space<vmem>>) offsets(%dma_start3A_313 : memref<80xi32, #tpu.memory_space<vmem>>) semaphore(%arg21 : memref<!tpu.dma_semaphore, #tpu.memory_space<semaphore_mem>>)
      %mul3A_317 = arith.constant 5 : i32
      %mul3A_318 = arith.muli %scan3A_196, %mul3A_317 : i32
      %add3A_319 = arith.constant 3 : i32
      %add3A_320 = arith.addi %mul3A_318, %add3A_319 : i32
      %mul3A_321 = arith.constant 80 : i32
      %mul3A_322 = arith.muli %add3A_320, %mul3A_321 : i32
      %dma_wait3A_323 = tpu.memref_slice %arg7[%mul3A_322] : memref<10000xi32, #tpu.memory_space<vmem>> -> memref<80xi32, #tpu.memory_space<vmem>>
      %dma_wait3A_324 = arith.constant 0 : i32
      %dma_wait3A_325 = arith.constant 0 : i32
      %dma_wait3A_326 = tpu.memref_slice %arg2[%dma_wait3A_324, %dma_wait3A_325] : memref<10000x128xf32, #tpu.memory_space<hbm>> -> memref<10000x128xf32, #tpu.memory_space<hbm>>
      tpu.wait_indirect_dma semaphore(%arg22 : memref<!tpu.dma_semaphore, #tpu.memory_space<semaphore_mem>>) src(%dma_wait3A_326 : memref<10000x128xf32, #tpu.memory_space<hbm>>) dst(%arg12 : memref<80x128xf32, #tpu.memory_space<vmem>>)
      %dma_wait3A_327 = tpu.memref_slice %arg8[%mul3A_322] : memref<10000xi32, #tpu.memory_space<vmem>> -> memref<80xi32, #tpu.memory_space<vmem>>
      %dma_wait3A_328 = arith.constant 0 : i32
      %dma_wait3A_329 = arith.constant 0 : i32
      %dma_wait3A_330 = tpu.memref_slice %arg3[%dma_wait3A_328, %dma_wait3A_329] : memref<10000x128xf32, #tpu.memory_space<hbm>> -> memref<10000x128xf32, #tpu.memory_space<hbm>>
      tpu.wait_indirect_dma semaphore(%arg22 : memref<!tpu.dma_semaphore, #tpu.memory_space<semaphore_mem>>) src(%dma_wait3A_330 : memref<10000x128xf32, #tpu.memory_space<hbm>>) dst(%arg17 : memref<80x128xf32, #tpu.memory_space<vmem>>)
      %scan3A_331 = arith.constant 0 : i32
      %scan3A_332 = arith.constant 0 : i32
      %scan3A_333 = arith.constant 80 : i32
      %scan3A_334 = arith.addi %scan3A_332, %scan3A_333 : i32
      %scan3A_335 = arith.constant 1 : i32
      scf.for %scan3A_397 = %scan3A_332 to %scan3A_334 step %scan3A_335  : i32 {
        %get3A = arith.index_cast %scan3A_397 : i32 to index
        %get3A_398 = arith.constant 0 : index
        %get3A_399 = tpu.vector_load %arg12[%get3A, %get3A_398] {strides = array<i32>} : memref<80x128xf32, #tpu.memory_space<vmem>>, vector<1x16xf32>,
        %get3A_400 = vector.shape_cast %get3A_399 : vector<1x16xf32> to vector<16xf32>
        %get3A_401 = arith.index_cast %scan3A_397 : i32 to index
        %get3A_402 = arith.constant 0 : index
        %get3A_403 = tpu.vector_load %arg17[%get3A_401, %get3A_402] {strides = array<i32>} : memref<80x128xf32, #tpu.memory_space<vmem>>, vector<1x16xf32>,
        %get3A_404 = vector.shape_cast %get3A_403 : vector<1x16xf32> to vector<16xf32>
        %add3A_405 = arith.addf %get3A_400, %get3A_404 : vector<16xf32>
        %swap3A = arith.index_cast %scan3A_397 : i32 to index
        %swap3A_406 = arith.constant 0 : index
        %swap3A_407 = tpu.vector_load %arg12[%swap3A, %swap3A_406] {strides = array<i32>} : memref<80x128xf32, #tpu.memory_space<vmem>>, vector<1x16xf32>,
        %swap3A_408 = vector.shape_cast %swap3A_407 : vector<1x16xf32> to vector<16xf32>
        %swap3A_409 = vector.shape_cast %add3A_405 : vector<16xf32> to vector<1x16xf32>
        tpu.vector_store %arg12[%swap3A, %swap3A_406], %swap3A_409 {strides = array<i32>} : memref<80x128xf32, #tpu.memory_space<vmem>>, vector<1x16xf32>,
        %get3A_410 = arith.index_cast %scan3A_397 : i32 to index
        %get3A_411 = arith.constant 16 : index
        %get3A_412 = tpu.vector_load %arg12[%get3A_410, %get3A_411] {strides = array<i32>} : memref<80x128xf32, #tpu.memory_space<vmem>>, vector<1x16xf32>,
        %get3A_413 = vector.shape_cast %get3A_412 : vector<1x16xf32> to vector<16xf32>
        %get3A_414 = arith.index_cast %scan3A_397 : i32 to index
        %get3A_415 = arith.constant 16 : index
        %get3A_416 = tpu.vector_load %arg17[%get3A_414, %get3A_415] {strides = array<i32>} : memref<80x128xf32, #tpu.memory_space<vmem>>, vector<1x16xf32>,
        %get3A_417 = vector.shape_cast %get3A_416 : vector<1x16xf32> to vector<16xf32>
        %add3A_418 = arith.addf %get3A_413, %get3A_417 : vector<16xf32>
        %swap3A_419 = arith.index_cast %scan3A_397 : i32 to index
        %swap3A_420 = arith.constant 16 : index
        %swap3A_421 = tpu.vector_load %arg12[%swap3A_419, %swap3A_420] {strides = array<i32>} : memref<80x128xf32, #tpu.memory_space<vmem>>, vector<1x16xf32>,
        %swap3A_422 = vector.shape_cast %swap3A_421 : vector<1x16xf32> to vector<16xf32>
        %swap3A_423 = vector.shape_cast %add3A_418 : vector<16xf32> to vector<1x16xf32>
        tpu.vector_store %arg12[%swap3A_419, %swap3A_420], %swap3A_423 {strides = array<i32>} : memref<80x128xf32, #tpu.memory_space<vmem>>, vector<1x16xf32>,
        %get3A_424 = arith.index_cast %scan3A_397 : i32 to index
        %get3A_425 = arith.constant 32 : index
        %get3A_426 = tpu.vector_load %arg12[%get3A_424, %get3A_425] {strides = array<i32>} : memref<80x128xf32, #tpu.memory_space<vmem>>, vector<1x16xf32>,
        %get3A_427 = vector.shape_cast %get3A_426 : vector<1x16xf32> to vector<16xf32>
        %get3A_428 = arith.index_cast %scan3A_397 : i32 to index
        %get3A_429 = arith.constant 32 : index
        %get3A_430 = tpu.vector_load %arg17[%get3A_428, %get3A_429] {strides = array<i32>} : memref<80x128xf32, #tpu.memory_space<vmem>>, vector<1x16xf32>,
        %get3A_431 = vector.shape_cast %get3A_430 : vector<1x16xf32> to vector<16xf32>
        %add3A_432 = arith.addf %get3A_427, %get3A_431 : vector<16xf32>
        %swap3A_433 = arith.index_cast %scan3A_397 : i32 to index
        %swap3A_434 = arith.constant 32 : index
        %swap3A_435 = tpu.vector_load %arg12[%swap3A_433, %swap3A_434] {strides = array<i32>} : memref<80x128xf32, #tpu.memory_space<vmem>>, vector<1x16xf32>,
        %swap3A_436 = vector.shape_cast %swap3A_435 : vector<1x16xf32> to vector<16xf32>
        %swap3A_437 = vector.shape_cast %add3A_432 : vector<16xf32> to vector<1x16xf32>
        tpu.vector_store %arg12[%swap3A_433, %swap3A_434], %swap3A_437 {strides = array<i32>} : memref<80x128xf32, #tpu.memory_space<vmem>>, vector<1x16xf32>,
        %get3A_438 = arith.index_cast %scan3A_397 : i32 to index
        %get3A_439 = arith.constant 48 : index
        %get3A_440 = tpu.vector_load %arg12[%get3A_438, %get3A_439] {strides = array<i32>} : memref<80x128xf32, #tpu.memory_space<vmem>>, vector<1x16xf32>,
        %get3A_441 = vector.shape_cast %get3A_440 : vector<1x16xf32> to vector<16xf32>
        %get3A_442 = arith.index_cast %scan3A_397 : i32 to index
        %get3A_443 = arith.constant 48 : index
        %get3A_444 = tpu.vector_load %arg17[%get3A_442, %get3A_443] {strides = array<i32>} : memref<80x128xf32, #tpu.memory_space<vmem>>, vector<1x16xf32>,
        %get3A_445 = vector.shape_cast %get3A_444 : vector<1x16xf32> to vector<16xf32>
        %add3A_446 = arith.addf %get3A_441, %get3A_445 : vector<16xf32>
        %swap3A_447 = arith.index_cast %scan3A_397 : i32 to index
        %swap3A_448 = arith.constant 48 : index
        %swap3A_449 = tpu.vector_load %arg12[%swap3A_447, %swap3A_448] {strides = array<i32>} : memref<80x128xf32, #tpu.memory_space<vmem>>, vector<1x16xf32>,
        %swap3A_450 = vector.shape_cast %swap3A_449 : vector<1x16xf32> to vector<16xf32>
        %swap3A_451 = vector.shape_cast %add3A_446 : vector<16xf32> to vector<1x16xf32>
        tpu.vector_store %arg12[%swap3A_447, %swap3A_448], %swap3A_451 {strides = array<i32>} : memref<80x128xf32, #tpu.memory_space<vmem>>, vector<1x16xf32>,
        %get3A_452 = arith.index_cast %scan3A_397 : i32 to index
        %get3A_453 = arith.constant 64 : index
        %get3A_454 = tpu.vector_load %arg12[%get3A_452, %get3A_453] {strides = array<i32>} : memref<80x128xf32, #tpu.memory_space<vmem>>, vector<1x16xf32>,
        %get3A_455 = vector.shape_cast %get3A_454 : vector<1x16xf32> to vector<16xf32>
        %get3A_456 = arith.index_cast %scan3A_397 : i32 to index
        %get3A_457 = arith.constant 64 : index
        %get3A_458 = tpu.vector_load %arg17[%get3A_456, %get3A_457] {strides = array<i32>} : memref<80x128xf32, #tpu.memory_space<vmem>>, vector<1x16xf32>,
        %get3A_459 = vector.shape_cast %get3A_458 : vector<1x16xf32> to vector<16xf32>
        %add3A_460 = arith.addf %get3A_455, %get3A_459 : vector<16xf32>
        %swap3A_461 = arith.index_cast %scan3A_397 : i32 to index
        %swap3A_462 = arith.constant 64 : index
        %swap3A_463 = tpu.vector_load %arg12[%swap3A_461, %swap3A_462] {strides = array<i32>} : memref<80x128xf32, #tpu.memory_space<vmem>>, vector<1x16xf32>,
        %swap3A_464 = vector.shape_cast %swap3A_463 : vector<1x16xf32> to vector<16xf32>
        %swap3A_465 = vector.shape_cast %add3A_460 : vector<16xf32> to vector<1x16xf32>
        tpu.vector_store %arg12[%swap3A_461, %swap3A_462], %swap3A_465 {strides = array<i32>} : memref<80x128xf32, #tpu.memory_space<vmem>>, vector<1x16xf32>,
        %get3A_466 = arith.index_cast %scan3A_397 : i32 to index
        %get3A_467 = arith.constant 80 : index
        %get3A_468 = tpu.vector_load %arg12[%get3A_466, %get3A_467] {strides = array<i32>} : memref<80x128xf32, #tpu.memory_space<vmem>>, vector<1x16xf32>,
        %get3A_469 = vector.shape_cast %get3A_468 : vector<1x16xf32> to vector<16xf32>
        %get3A_470 = arith.index_cast %scan3A_397 : i32 to index
        %get3A_471 = arith.constant 80 : index
        %get3A_472 = tpu.vector_load %arg17[%get3A_470, %get3A_471] {strides = array<i32>} : memref<80x128xf32, #tpu.memory_space<vmem>>, vector<1x16xf32>,
        %get3A_473 = vector.shape_cast %get3A_472 : vector<1x16xf32> to vector<16xf32>
        %add3A_474 = arith.addf %get3A_469, %get3A_473 : vector<16xf32>
        %swap3A_475 = arith.index_cast %scan3A_397 : i32 to index
        %swap3A_476 = arith.constant 80 : index
        %swap3A_477 = tpu.vector_load %arg12[%swap3A_475, %swap3A_476] {strides = array<i32>} : memref<80x128xf32, #tpu.memory_space<vmem>>, vector<1x16xf32>,
        %swap3A_478 = vector.shape_cast %swap3A_477 : vector<1x16xf32> to vector<16xf32>
        %swap3A_479 = vector.shape_cast %add3A_474 : vector<16xf32> to vector<1x16xf32>
        tpu.vector_store %arg12[%swap3A_475, %swap3A_476], %swap3A_479 {strides = array<i32>} : memref<80x128xf32, #tpu.memory_space<vmem>>, vector<1x16xf32>,
        %get3A_480 = arith.index_cast %scan3A_397 : i32 to index
        %get3A_481 = arith.constant 96 : index
        %get3A_482 = tpu.vector_load %arg12[%get3A_480, %get3A_481] {strides = array<i32>} : memref<80x128xf32, #tpu.memory_space<vmem>>, vector<1x16xf32>,
        %get3A_483 = vector.shape_cast %get3A_482 : vector<1x16xf32> to vector<16xf32>
        %get3A_484 = arith.index_cast %scan3A_397 : i32 to index
        %get3A_485 = arith.constant 96 : index
        %get3A_486 = tpu.vector_load %arg17[%get3A_484, %get3A_485] {strides = array<i32>} : memref<80x128xf32, #tpu.memory_space<vmem>>, vector<1x16xf32>,
        %get3A_487 = vector.shape_cast %get3A_486 : vector<1x16xf32> to vector<16xf32>
        %add3A_488 = arith.addf %get3A_483, %get3A_487 : vector<16xf32>
        %swap3A_489 = arith.index_cast %scan3A_397 : i32 to index
        %swap3A_490 = arith.constant 96 : index
        %swap3A_491 = tpu.vector_load %arg12[%swap3A_489, %swap3A_490] {strides = array<i32>} : memref<80x128xf32, #tpu.memory_space<vmem>>, vector<1x16xf32>,
        %swap3A_492 = vector.shape_cast %swap3A_491 : vector<1x16xf32> to vector<16xf32>
        %swap3A_493 = vector.shape_cast %add3A_488 : vector<16xf32> to vector<1x16xf32>
        tpu.vector_store %arg12[%swap3A_489, %swap3A_490], %swap3A_493 {strides = array<i32>} : memref<80x128xf32, #tpu.memory_space<vmem>>, vector<1x16xf32>,
        %get3A_494 = arith.index_cast %scan3A_397 : i32 to index
        %get3A_495 = arith.constant 112 : index
        %get3A_496 = tpu.vector_load %arg12[%get3A_494, %get3A_495] {strides = array<i32>} : memref<80x128xf32, #tpu.memory_space<vmem>>, vector<1x16xf32>,
        %get3A_497 = vector.shape_cast %get3A_496 : vector<1x16xf32> to vector<16xf32>
        %get3A_498 = arith.index_cast %scan3A_397 : i32 to index
        %get3A_499 = arith.constant 112 : index
        %get3A_500 = tpu.vector_load %arg17[%get3A_498, %get3A_499] {strides = array<i32>} : memref<80x128xf32, #tpu.memory_space<vmem>>, vector<1x16xf32>,
        %get3A_501 = vector.shape_cast %get3A_500 : vector<1x16xf32> to vector<16xf32>
        %add3A_502 = arith.addf %get3A_497, %get3A_501 : vector<16xf32>
        %swap3A_503 = arith.index_cast %scan3A_397 : i32 to index
        %swap3A_504 = arith.constant 112 : index
        %swap3A_505 = tpu.vector_load %arg12[%swap3A_503, %swap3A_504] {strides = array<i32>} : memref<80x128xf32, #tpu.memory_space<vmem>>, vector<1x16xf32>,
        %swap3A_506 = vector.shape_cast %swap3A_505 : vector<1x16xf32> to vector<16xf32>
        %swap3A_507 = vector.shape_cast %add3A_502 : vector<16xf32> to vector<1x16xf32>
        tpu.vector_store %arg12[%swap3A_503, %swap3A_504], %swap3A_507 {strides = array<i32>} : memref<80x128xf32, #tpu.memory_space<vmem>>, vector<1x16xf32>,
      }
      %scan3A_336 = arith.constant 80 : i32
      %add3A_337 = arith.addi %mul3A_2, %mul3A_322 : i32
      %dma_start3A_338 = arith.constant 0 : i32
      %dma_start3A_339 = tpu.memref_slice %arg6[%add3A_337, %dma_start3A_338] : memref<320000x128xf32, #tpu.memory_space<hbm>> -> memref<80x128xf32, #tpu.memory_space<hbm>>
      %dma_start3A_340 = arith.constant 0 : i32
      %dma_start3A_341 = tpu.memref_slice %arg6[%add3A_337, %dma_start3A_340] : memref<320000x128xf32, #tpu.memory_space<hbm>> -> memref<80x128xf32, #tpu.memory_space<hbm>>
      tpu.enqueue_dma source(%arg12 : memref<80x128xf32, #tpu.memory_space<vmem>>) target(%dma_start3A_341 : memref<80x128xf32, #tpu.memory_space<hbm>>) target_semaphore(%arg27 : memref<!tpu.dma_semaphore, #tpu.memory_space<semaphore_mem>>)
      %add3A_342 = arith.addi %mul3A_2, %mul3A_322 : i32
      %dma_wait3A_343 = arith.constant 0 : i32
      %dma_wait3A_344 = tpu.memref_slice %arg6[%add3A_342, %dma_wait3A_343] : memref<320000x128xf32, #tpu.memory_space<hbm>> -> memref<80x128xf32, #tpu.memory_space<hbm>>
      %dma_wait3A_345 = arith.constant 0 : i32
      %dma_wait3A_346 = tpu.memref_slice %arg6[%add3A_342, %dma_wait3A_345] : memref<320000x128xf32, #tpu.memory_space<hbm>> -> memref<80x128xf32, #tpu.memory_space<hbm>>
      tpu.wait_dma2 semaphore(%arg27 : memref<!tpu.dma_semaphore, #tpu.memory_space<semaphore_mem>>) src(%arg12 : memref<80x128xf32, #tpu.memory_space<vmem>>) dst(%dma_wait3A_346 : memref<80x128xf32, #tpu.memory_space<hbm>>)
      %add3A_347 = arith.constant 400 : i32
      %add3A_348 = arith.addi %mul3A_322, %add3A_347 : i32
      %dma_start3A_349 = tpu.memref_slice %arg7[%add3A_348] : memref<10000xi32, #tpu.memory_space<vmem>> -> memref<80xi32, #tpu.memory_space<vmem>>
      %dma_start3A_350 = arith.constant 0 : i32
      %dma_start3A_351 = arith.constant 0 : i32
      %dma_start3A_352 = tpu.memref_slice %arg2[%dma_start3A_350, %dma_start3A_351] : memref<10000x128xf32, #tpu.memory_space<hbm>> -> memref<10000x128xf32, #tpu.memory_space<hbm>>
      tpu.enqueue_indirect_dma source(%dma_start3A_352 : memref<10000x128xf32, #tpu.memory_space<hbm>>) target(%arg12 : memref<80x128xf32, #tpu.memory_space<vmem>>) offsets(%dma_start3A_349 : memref<80xi32, #tpu.memory_space<vmem>>) semaphore(%arg22 : memref<!tpu.dma_semaphore, #tpu.memory_space<semaphore_mem>>)
      %dma_start3A_353 = tpu.memref_slice %arg8[%add3A_348] : memref<10000xi32, #tpu.memory_space<vmem>> -> memref<80xi32, #tpu.memory_space<vmem>>
      %dma_start3A_354 = arith.constant 0 : i32
      %dma_start3A_355 = arith.constant 0 : i32
      %dma_start3A_356 = tpu.memref_slice %arg3[%dma_start3A_354, %dma_start3A_355] : memref<10000x128xf32, #tpu.memory_space<hbm>> -> memref<10000x128xf32, #tpu.memory_space<hbm>>
      tpu.enqueue_indirect_dma source(%dma_start3A_356 : memref<10000x128xf32, #tpu.memory_space<hbm>>) target(%arg17 : memref<80x128xf32, #tpu.memory_space<vmem>>) offsets(%dma_start3A_353 : memref<80xi32, #tpu.memory_space<vmem>>) semaphore(%arg22 : memref<!tpu.dma_semaphore, #tpu.memory_space<semaphore_mem>>)
      %mul3A_357 = arith.constant 5 : i32
      %mul3A_358 = arith.muli %scan3A_196, %mul3A_357 : i32
      %add3A_359 = arith.constant 4 : i32
      %add3A_360 = arith.addi %mul3A_358, %add3A_359 : i32
      %mul3A_361 = arith.constant 80 : i32
      %mul3A_362 = arith.muli %add3A_360, %mul3A_361 : i32
      %dma_wait3A_363 = tpu.memref_slice %arg7[%mul3A_362] : memref<10000xi32, #tpu.memory_space<vmem>> -> memref<80xi32, #tpu.memory_space<vmem>>
      %dma_wait3A_364 = arith.constant 0 : i32
      %dma_wait3A_365 = arith.constant 0 : i32
      %dma_wait3A_366 = tpu.memref_slice %arg2[%dma_wait3A_364, %dma_wait3A_365] : memref<10000x128xf32, #tpu.memory_space<hbm>> -> memref<10000x128xf32, #tpu.memory_space<hbm>>
      tpu.wait_indirect_dma semaphore(%arg23 : memref<!tpu.dma_semaphore, #tpu.memory_space<semaphore_mem>>) src(%dma_wait3A_366 : memref<10000x128xf32, #tpu.memory_space<hbm>>) dst(%arg13 : memref<80x128xf32, #tpu.memory_space<vmem>>)
      %dma_wait3A_367 = tpu.memref_slice %arg8[%mul3A_362] : memref<10000xi32, #tpu.memory_space<vmem>> -> memref<80xi32, #tpu.memory_space<vmem>>
      %dma_wait3A_368 = arith.constant 0 : i32
      %dma_wait3A_369 = arith.constant 0 : i32
      %dma_wait3A_370 = tpu.memref_slice %arg3[%dma_wait3A_368, %dma_wait3A_369] : memref<10000x128xf32, #tpu.memory_space<hbm>> -> memref<10000x128xf32, #tpu.memory_space<hbm>>
      tpu.wait_indirect_dma semaphore(%arg23 : memref<!tpu.dma_semaphore, #tpu.memory_space<semaphore_mem>>) src(%dma_wait3A_370 : memref<10000x128xf32, #tpu.memory_space<hbm>>) dst(%arg18 : memref<80x128xf32, #tpu.memory_space<vmem>>)
      %scan3A_371 = arith.constant 0 : i32
      %scan3A_372 = arith.constant 0 : i32
      %scan3A_373 = arith.constant 80 : i32
      %scan3A_374 = arith.addi %scan3A_372, %scan3A_373 : i32
      %scan3A_375 = arith.constant 1 : i32
      scf.for %scan3A_397 = %scan3A_372 to %scan3A_374 step %scan3A_375  : i32 {
        %get3A = arith.index_cast %scan3A_397 : i32 to index
        %get3A_398 = arith.constant 0 : index
        %get3A_399 = tpu.vector_load %arg13[%get3A, %get3A_398] {strides = array<i32>} : memref<80x128xf32, #tpu.memory_space<vmem>>, vector<1x16xf32>,
        %get3A_400 = vector.shape_cast %get3A_399 : vector<1x16xf32> to vector<16xf32>
        %get3A_401 = arith.index_cast %scan3A_397 : i32 to index
        %get3A_402 = arith.constant 0 : index
        %get3A_403 = tpu.vector_load %arg18[%get3A_401, %get3A_402] {strides = array<i32>} : memref<80x128xf32, #tpu.memory_space<vmem>>, vector<1x16xf32>,
        %get3A_404 = vector.shape_cast %get3A_403 : vector<1x16xf32> to vector<16xf32>
        %add3A_405 = arith.addf %get3A_400, %get3A_404 : vector<16xf32>
        %swap3A = arith.index_cast %scan3A_397 : i32 to index
        %swap3A_406 = arith.constant 0 : index
        %swap3A_407 = tpu.vector_load %arg13[%swap3A, %swap3A_406] {strides = array<i32>} : memref<80x128xf32, #tpu.memory_space<vmem>>, vector<1x16xf32>,
        %swap3A_408 = vector.shape_cast %swap3A_407 : vector<1x16xf32> to vector<16xf32>
        %swap3A_409 = vector.shape_cast %add3A_405 : vector<16xf32> to vector<1x16xf32>
        tpu.vector_store %arg13[%swap3A, %swap3A_406], %swap3A_409 {strides = array<i32>} : memref<80x128xf32, #tpu.memory_space<vmem>>, vector<1x16xf32>,
        %get3A_410 = arith.index_cast %scan3A_397 : i32 to index
        %get3A_411 = arith.constant 16 : index
        %get3A_412 = tpu.vector_load %arg13[%get3A_410, %get3A_411] {strides = array<i32>} : memref<80x128xf32, #tpu.memory_space<vmem>>, vector<1x16xf32>,
        %get3A_413 = vector.shape_cast %get3A_412 : vector<1x16xf32> to vector<16xf32>
        %get3A_414 = arith.index_cast %scan3A_397 : i32 to index
        %get3A_415 = arith.constant 16 : index
        %get3A_416 = tpu.vector_load %arg18[%get3A_414, %get3A_415] {strides = array<i32>} : memref<80x128xf32, #tpu.memory_space<vmem>>, vector<1x16xf32>,
        %get3A_417 = vector.shape_cast %get3A_416 : vector<1x16xf32> to vector<16xf32>
        %add3A_418 = arith.addf %get3A_413, %get3A_417 : vector<16xf32>
        %swap3A_419 = arith.index_cast %scan3A_397 : i32 to index
        %swap3A_420 = arith.constant 16 : index
        %swap3A_421 = tpu.vector_load %arg13[%swap3A_419, %swap3A_420] {strides = array<i32>} : memref<80x128xf32, #tpu.memory_space<vmem>>, vector<1x16xf32>,
        %swap3A_422 = vector.shape_cast %swap3A_421 : vector<1x16xf32> to vector<16xf32>
        %swap3A_423 = vector.shape_cast %add3A_418 : vector<16xf32> to vector<1x16xf32>
        tpu.vector_store %arg13[%swap3A_419, %swap3A_420], %swap3A_423 {strides = array<i32>} : memref<80x128xf32, #tpu.memory_space<vmem>>, vector<1x16xf32>,
        %get3A_424 = arith.index_cast %scan3A_397 : i32 to index
        %get3A_425 = arith.constant 32 : index
        %get3A_426 = tpu.vector_load %arg13[%get3A_424, %get3A_425] {strides = array<i32>} : memref<80x128xf32, #tpu.memory_space<vmem>>, vector<1x16xf32>,
        %get3A_427 = vector.shape_cast %get3A_426 : vector<1x16xf32> to vector<16xf32>
        %get3A_428 = arith.index_cast %scan3A_397 : i32 to index
        %get3A_429 = arith.constant 32 : index
        %get3A_430 = tpu.vector_load %arg18[%get3A_428, %get3A_429] {strides = array<i32>} : memref<80x128xf32, #tpu.memory_space<vmem>>, vector<1x16xf32>,
        %get3A_431 = vector.shape_cast %get3A_430 : vector<1x16xf32> to vector<16xf32>
        %add3A_432 = arith.addf %get3A_427, %get3A_431 : vector<16xf32>
        %swap3A_433 = arith.index_cast %scan3A_397 : i32 to index
        %swap3A_434 = arith.constant 32 : index
        %swap3A_435 = tpu.vector_load %arg13[%swap3A_433, %swap3A_434] {strides = array<i32>} : memref<80x128xf32, #tpu.memory_space<vmem>>, vector<1x16xf32>,
        %swap3A_436 = vector.shape_cast %swap3A_435 : vector<1x16xf32> to vector<16xf32>
        %swap3A_437 = vector.shape_cast %add3A_432 : vector<16xf32> to vector<1x16xf32>
        tpu.vector_store %arg13[%swap3A_433, %swap3A_434], %swap3A_437 {strides = array<i32>} : memref<80x128xf32, #tpu.memory_space<vmem>>, vector<1x16xf32>,
        %get3A_438 = arith.index_cast %scan3A_397 : i32 to index
        %get3A_439 = arith.constant 48 : index
        %get3A_440 = tpu.vector_load %arg13[%get3A_438, %get3A_439] {strides = array<i32>} : memref<80x128xf32, #tpu.memory_space<vmem>>, vector<1x16xf32>,
        %get3A_441 = vector.shape_cast %get3A_440 : vector<1x16xf32> to vector<16xf32>
        %get3A_442 = arith.index_cast %scan3A_397 : i32 to index
        %get3A_443 = arith.constant 48 : index
        %get3A_444 = tpu.vector_load %arg18[%get3A_442, %get3A_443] {strides = array<i32>} : memref<80x128xf32, #tpu.memory_space<vmem>>, vector<1x16xf32>,
        %get3A_445 = vector.shape_cast %get3A_444 : vector<1x16xf32> to vector<16xf32>
        %add3A_446 = arith.addf %get3A_441, %get3A_445 : vector<16xf32>
        %swap3A_447 = arith.index_cast %scan3A_397 : i32 to index
        %swap3A_448 = arith.constant 48 : index
        %swap3A_449 = tpu.vector_load %arg13[%swap3A_447, %swap3A_448] {strides = array<i32>} : memref<80x128xf32, #tpu.memory_space<vmem>>, vector<1x16xf32>,
        %swap3A_450 = vector.shape_cast %swap3A_449 : vector<1x16xf32> to vector<16xf32>
        %swap3A_451 = vector.shape_cast %add3A_446 : vector<16xf32> to vector<1x16xf32>
        tpu.vector_store %arg13[%swap3A_447, %swap3A_448], %swap3A_451 {strides = array<i32>} : memref<80x128xf32, #tpu.memory_space<vmem>>, vector<1x16xf32>,
        %get3A_452 = arith.index_cast %scan3A_397 : i32 to index
        %get3A_453 = arith.constant 64 : index
        %get3A_454 = tpu.vector_load %arg13[%get3A_452, %get3A_453] {strides = array<i32>} : memref<80x128xf32, #tpu.memory_space<vmem>>, vector<1x16xf32>,
        %get3A_455 = vector.shape_cast %get3A_454 : vector<1x16xf32> to vector<16xf32>
        %get3A_456 = arith.index_cast %scan3A_397 : i32 to index
        %get3A_457 = arith.constant 64 : index
        %get3A_458 = tpu.vector_load %arg18[%get3A_456, %get3A_457] {strides = array<i32>} : memref<80x128xf32, #tpu.memory_space<vmem>>, vector<1x16xf32>,
        %get3A_459 = vector.shape_cast %get3A_458 : vector<1x16xf32> to vector<16xf32>
        %add3A_460 = arith.addf %get3A_455, %get3A_459 : vector<16xf32>
        %swap3A_461 = arith.index_cast %scan3A_397 : i32 to index
        %swap3A_462 = arith.constant 64 : index
        %swap3A_463 = tpu.vector_load %arg13[%swap3A_461, %swap3A_462] {strides = array<i32>} : memref<80x128xf32, #tpu.memory_space<vmem>>, vector<1x16xf32>,
        %swap3A_464 = vector.shape_cast %swap3A_463 : vector<1x16xf32> to vector<16xf32>
        %swap3A_465 = vector.shape_cast %add3A_460 : vector<16xf32> to vector<1x16xf32>
        tpu.vector_store %arg13[%swap3A_461, %swap3A_462], %swap3A_465 {strides = array<i32>} : memref<80x128xf32, #tpu.memory_space<vmem>>, vector<1x16xf32>,
        %get3A_466 = arith.index_cast %scan3A_397 : i32 to index
        %get3A_467 = arith.constant 80 : index
        %get3A_468 = tpu.vector_load %arg13[%get3A_466, %get3A_467] {strides = array<i32>} : memref<80x128xf32, #tpu.memory_space<vmem>>, vector<1x16xf32>,
        %get3A_469 = vector.shape_cast %get3A_468 : vector<1x16xf32> to vector<16xf32>
        %get3A_470 = arith.index_cast %scan3A_397 : i32 to index
        %get3A_471 = arith.constant 80 : index
        %get3A_472 = tpu.vector_load %arg18[%get3A_470, %get3A_471] {strides = array<i32>} : memref<80x128xf32, #tpu.memory_space<vmem>>, vector<1x16xf32>,
        %get3A_473 = vector.shape_cast %get3A_472 : vector<1x16xf32> to vector<16xf32>
        %add3A_474 = arith.addf %get3A_469, %get3A_473 : vector<16xf32>
        %swap3A_475 = arith.index_cast %scan3A_397 : i32 to index
        %swap3A_476 = arith.constant 80 : index
        %swap3A_477 = tpu.vector_load %arg13[%swap3A_475, %swap3A_476] {strides = array<i32>} : memref<80x128xf32, #tpu.memory_space<vmem>>, vector<1x16xf32>,
        %swap3A_478 = vector.shape_cast %swap3A_477 : vector<1x16xf32> to vector<16xf32>
        %swap3A_479 = vector.shape_cast %add3A_474 : vector<16xf32> to vector<1x16xf32>
        tpu.vector_store %arg13[%swap3A_475, %swap3A_476], %swap3A_479 {strides = array<i32>} : memref<80x128xf32, #tpu.memory_space<vmem>>, vector<1x16xf32>,
        %get3A_480 = arith.index_cast %scan3A_397 : i32 to index
        %get3A_481 = arith.constant 96 : index
        %get3A_482 = tpu.vector_load %arg13[%get3A_480, %get3A_481] {strides = array<i32>} : memref<80x128xf32, #tpu.memory_space<vmem>>, vector<1x16xf32>,
        %get3A_483 = vector.shape_cast %get3A_482 : vector<1x16xf32> to vector<16xf32>
        %get3A_484 = arith.index_cast %scan3A_397 : i32 to index
        %get3A_485 = arith.constant 96 : index
        %get3A_486 = tpu.vector_load %arg18[%get3A_484, %get3A_485] {strides = array<i32>} : memref<80x128xf32, #tpu.memory_space<vmem>>, vector<1x16xf32>,
        %get3A_487 = vector.shape_cast %get3A_486 : vector<1x16xf32> to vector<16xf32>
        %add3A_488 = arith.addf %get3A_483, %get3A_487 : vector<16xf32>
        %swap3A_489 = arith.index_cast %scan3A_397 : i32 to index
        %swap3A_490 = arith.constant 96 : index
        %swap3A_491 = tpu.vector_load %arg13[%swap3A_489, %swap3A_490] {strides = array<i32>} : memref<80x128xf32, #tpu.memory_space<vmem>>, vector<1x16xf32>,
        %swap3A_492 = vector.shape_cast %swap3A_491 : vector<1x16xf32> to vector<16xf32>
        %swap3A_493 = vector.shape_cast %add3A_488 : vector<16xf32> to vector<1x16xf32>
        tpu.vector_store %arg13[%swap3A_489, %swap3A_490], %swap3A_493 {strides = array<i32>} : memref<80x128xf32, #tpu.memory_space<vmem>>, vector<1x16xf32>,
        %get3A_494 = arith.index_cast %scan3A_397 : i32 to index
        %get3A_495 = arith.constant 112 : index
        %get3A_496 = tpu.vector_load %arg13[%get3A_494, %get3A_495] {strides = array<i32>} : memref<80x128xf32, #tpu.memory_space<vmem>>, vector<1x16xf32>,
        %get3A_497 = vector.shape_cast %get3A_496 : vector<1x16xf32> to vector<16xf32>
        %get3A_498 = arith.index_cast %scan3A_397 : i32 to index
        %get3A_499 = arith.constant 112 : index
        %get3A_500 = tpu.vector_load %arg18[%get3A_498, %get3A_499] {strides = array<i32>} : memref<80x128xf32, #tpu.memory_space<vmem>>, vector<1x16xf32>,
        %get3A_501 = vector.shape_cast %get3A_500 : vector<1x16xf32> to vector<16xf32>
        %add3A_502 = arith.addf %get3A_497, %get3A_501 : vector<16xf32>
        %swap3A_503 = arith.index_cast %scan3A_397 : i32 to index
        %swap3A_504 = arith.constant 112 : index
        %swap3A_505 = tpu.vector_load %arg13[%swap3A_503, %swap3A_504] {strides = array<i32>} : memref<80x128xf32, #tpu.memory_space<vmem>>, vector<1x16xf32>,
        %swap3A_506 = vector.shape_cast %swap3A_505 : vector<1x16xf32> to vector<16xf32>
        %swap3A_507 = vector.shape_cast %add3A_502 : vector<16xf32> to vector<1x16xf32>
        tpu.vector_store %arg13[%swap3A_503, %swap3A_504], %swap3A_507 {strides = array<i32>} : memref<80x128xf32, #tpu.memory_space<vmem>>, vector<1x16xf32>,
      }
      %scan3A_376 = arith.constant 80 : i32
      %add3A_377 = arith.addi %mul3A_2, %mul3A_362 : i32
      %dma_start3A_378 = arith.constant 0 : i32
      %dma_start3A_379 = tpu.memref_slice %arg6[%add3A_377, %dma_start3A_378] : memref<320000x128xf32, #tpu.memory_space<hbm>> -> memref<80x128xf32, #tpu.memory_space<hbm>>
      %dma_start3A_380 = arith.constant 0 : i32
      %dma_start3A_381 = tpu.memref_slice %arg6[%add3A_377, %dma_start3A_380] : memref<320000x128xf32, #tpu.memory_space<hbm>> -> memref<80x128xf32, #tpu.memory_space<hbm>>
      tpu.enqueue_dma source(%arg13 : memref<80x128xf32, #tpu.memory_space<vmem>>) target(%dma_start3A_381 : memref<80x128xf32, #tpu.memory_space<hbm>>) target_semaphore(%arg28 : memref<!tpu.dma_semaphore, #tpu.memory_space<semaphore_mem>>)
      %add3A_382 = arith.addi %mul3A_2, %mul3A_362 : i32
      %dma_wait3A_383 = arith.constant 0 : i32
      %dma_wait3A_384 = tpu.memref_slice %arg6[%add3A_382, %dma_wait3A_383] : memref<320000x128xf32, #tpu.memory_space<hbm>> -> memref<80x128xf32, #tpu.memory_space<hbm>>
      %dma_wait3A_385 = arith.constant 0 : i32
      %dma_wait3A_386 = tpu.memref_slice %arg6[%add3A_382, %dma_wait3A_385] : memref<320000x128xf32, #tpu.memory_space<hbm>> -> memref<80x128xf32, #tpu.memory_space<hbm>>
      tpu.wait_dma2 semaphore(%arg28 : memref<!tpu.dma_semaphore, #tpu.memory_space<semaphore_mem>>) src(%arg13 : memref<80x128xf32, #tpu.memory_space<vmem>>) dst(%dma_wait3A_386 : memref<80x128xf32, #tpu.memory_space<hbm>>)
      %add3A_387 = arith.constant 400 : i32
      %add3A_388 = arith.addi %mul3A_362, %add3A_387 : i32
      %dma_start3A_389 = tpu.memref_slice %arg7[%add3A_388] : memref<10000xi32, #tpu.memory_space<vmem>> -> memref<80xi32, #tpu.memory_space<vmem>>
      %dma_start3A_390 = arith.constant 0 : i32
      %dma_start3A_391 = arith.constant 0 : i32
      %dma_start3A_392 = tpu.memref_slice %arg2[%dma_start3A_390, %dma_start3A_391] : memref<10000x128xf32, #tpu.memory_space<hbm>> -> memref<10000x128xf32, #tpu.memory_space<hbm>>
      tpu.enqueue_indirect_dma source(%dma_start3A_392 : memref<10000x128xf32, #tpu.memory_space<hbm>>) target(%arg13 : memref<80x128xf32, #tpu.memory_space<vmem>>) offsets(%dma_start3A_389 : memref<80xi32, #tpu.memory_space<vmem>>) semaphore(%arg23 : memref<!tpu.dma_semaphore, #tpu.memory_space<semaphore_mem>>)
      %dma_start3A_393 = tpu.memref_slice %arg8[%add3A_388] : memref<10000xi32, #tpu.memory_space<vmem>> -> memref<80xi32, #tpu.memory_space<vmem>>
      %dma_start3A_394 = arith.constant 0 : i32
      %dma_start3A_395 = arith.constant 0 : i32
      %dma_start3A_396 = tpu.memref_slice %arg3[%dma_start3A_394, %dma_start3A_395] : memref<10000x128xf32, #tpu.memory_space<hbm>> -> memref<10000x128xf32, #tpu.memory_space<hbm>>
      tpu.enqueue_indirect_dma source(%dma_start3A_396 : memref<10000x128xf32, #tpu.memory_space<hbm>>) target(%arg18 : memref<80x128xf32, #tpu.memory_space<vmem>>) offsets(%dma_start3A_393 : memref<80xi32, #tpu.memory_space<vmem>>) semaphore(%arg23 : memref<!tpu.dma_semaphore, #tpu.memory_space<semaphore_mem>>)
    }
    %scan3A_56 = arith.constant 24 : i32
    %dma_wait3A = arith.constant 9600 : i32
    %dma_wait3A_57 = tpu.memref_slice %arg7[%dma_wait3A] : memref<10000xi32, #tpu.memory_space<vmem>> -> memref<80xi32, #tpu.memory_space<vmem>>
    %dma_wait3A_58 = arith.constant 0 : i32
    %dma_wait3A_59 = arith.constant 0 : i32
    %dma_wait3A_60 = tpu.memref_slice %arg2[%dma_wait3A_58, %dma_wait3A_59] : memref<10000x128xf32, #tpu.memory_space<hbm>> -> memref<10000x128xf32, #tpu.memory_space<hbm>>
    tpu.wait_indirect_dma semaphore(%arg19 : memref<!tpu.dma_semaphore, #tpu.memory_space<semaphore_mem>>) src(%dma_wait3A_60 : memref<10000x128xf32, #tpu.memory_space<hbm>>) dst(%arg9 : memref<80x128xf32, #tpu.memory_space<vmem>>)
    %dma_wait3A_61 = arith.constant 9600 : i32
    %dma_wait3A_62 = tpu.memref_slice %arg8[%dma_wait3A_61] : memref<10000xi32, #tpu.memory_space<vmem>> -> memref<80xi32, #tpu.memory_space<vmem>>
    %dma_wait3A_63 = arith.constant 0 : i32
    %dma_wait3A_64 = arith.constant 0 : i32
    %dma_wait3A_65 = tpu.memref_slice %arg3[%dma_wait3A_63, %dma_wait3A_64] : memref<10000x128xf32, #tpu.memory_space<hbm>> -> memref<10000x128xf32, #tpu.memory_space<hbm>>
    tpu.wait_indirect_dma semaphore(%arg19 : memref<!tpu.dma_semaphore, #tpu.memory_space<semaphore_mem>>) src(%dma_wait3A_65 : memref<10000x128xf32, #tpu.memory_space<hbm>>) dst(%arg14 : memref<80x128xf32, #tpu.memory_space<vmem>>)
    %scan3A_66 = arith.constant 0 : i32
    %scan3A_67 = arith.constant 0 : i32
    %scan3A_68 = arith.constant 80 : i32
    %scan3A_69 = arith.addi %scan3A_67, %scan3A_68 : i32
    %scan3A_70 = arith.constant 1 : i32
    scf.for %scan3A_196 = %scan3A_67 to %scan3A_69 step %scan3A_70  : i32 {
      %get3A = arith.index_cast %scan3A_196 : i32 to index
      %get3A_197 = arith.constant 0 : index
      %get3A_198 = tpu.vector_load %arg9[%get3A, %get3A_197] {strides = array<i32>} : memref<80x128xf32, #tpu.memory_space<vmem>>, vector<1x16xf32>,
      %get3A_199 = vector.shape_cast %get3A_198 : vector<1x16xf32> to vector<16xf32>
      %get3A_200 = arith.index_cast %scan3A_196 : i32 to index
      %get3A_201 = arith.constant 0 : index
      %get3A_202 = tpu.vector_load %arg14[%get3A_200, %get3A_201] {strides = array<i32>} : memref<80x128xf32, #tpu.memory_space<vmem>>, vector<1x16xf32>,
      %get3A_203 = vector.shape_cast %get3A_202 : vector<1x16xf32> to vector<16xf32>
      %add3A_204 = arith.addf %get3A_199, %get3A_203 : vector<16xf32>
      %swap3A = arith.index_cast %scan3A_196 : i32 to index
      %swap3A_205 = arith.constant 0 : index
      %swap3A_206 = tpu.vector_load %arg9[%swap3A, %swap3A_205] {strides = array<i32>} : memref<80x128xf32, #tpu.memory_space<vmem>>, vector<1x16xf32>,
      %swap3A_207 = vector.shape_cast %swap3A_206 : vector<1x16xf32> to vector<16xf32>
      %swap3A_208 = vector.shape_cast %add3A_204 : vector<16xf32> to vector<1x16xf32>
      tpu.vector_store %arg9[%swap3A, %swap3A_205], %swap3A_208 {strides = array<i32>} : memref<80x128xf32, #tpu.memory_space<vmem>>, vector<1x16xf32>,
      %get3A_209 = arith.index_cast %scan3A_196 : i32 to index
      %get3A_210 = arith.constant 16 : index
      %get3A_211 = tpu.vector_load %arg9[%get3A_209, %get3A_210] {strides = array<i32>} : memref<80x128xf32, #tpu.memory_space<vmem>>, vector<1x16xf32>,
      %get3A_212 = vector.shape_cast %get3A_211 : vector<1x16xf32> to vector<16xf32>
      %get3A_213 = arith.index_cast %scan3A_196 : i32 to index
      %get3A_214 = arith.constant 16 : index
      %get3A_215 = tpu.vector_load %arg14[%get3A_213, %get3A_214] {strides = array<i32>} : memref<80x128xf32, #tpu.memory_space<vmem>>, vector<1x16xf32>,
      %get3A_216 = vector.shape_cast %get3A_215 : vector<1x16xf32> to vector<16xf32>
      %add3A_217 = arith.addf %get3A_212, %get3A_216 : vector<16xf32>
      %swap3A_218 = arith.index_cast %scan3A_196 : i32 to index
      %swap3A_219 = arith.constant 16 : index
      %swap3A_220 = tpu.vector_load %arg9[%swap3A_218, %swap3A_219] {strides = array<i32>} : memref<80x128xf32, #tpu.memory_space<vmem>>, vector<1x16xf32>,
      %swap3A_221 = vector.shape_cast %swap3A_220 : vector<1x16xf32> to vector<16xf32>
      %swap3A_222 = vector.shape_cast %add3A_217 : vector<16xf32> to vector<1x16xf32>
      tpu.vector_store %arg9[%swap3A_218, %swap3A_219], %swap3A_222 {strides = array<i32>} : memref<80x128xf32, #tpu.memory_space<vmem>>, vector<1x16xf32>,
      %get3A_223 = arith.index_cast %scan3A_196 : i32 to index
      %get3A_224 = arith.constant 32 : index
      %get3A_225 = tpu.vector_load %arg9[%get3A_223, %get3A_224] {strides = array<i32>} : memref<80x128xf32, #tpu.memory_space<vmem>>, vector<1x16xf32>,
      %get3A_226 = vector.shape_cast %get3A_225 : vector<1x16xf32> to vector<16xf32>
      %get3A_227 = arith.index_cast %scan3A_196 : i32 to index
      %get3A_228 = arith.constant 32 : index
      %get3A_229 = tpu.vector_load %arg14[%get3A_227, %get3A_228] {strides = array<i32>} : memref<80x128xf32, #tpu.memory_space<vmem>>, vector<1x16xf32>,
      %get3A_230 = vector.shape_cast %get3A_229 : vector<1x16xf32> to vector<16xf32>
      %add3A_231 = arith.addf %get3A_226, %get3A_230 : vector<16xf32>
      %swap3A_232 = arith.index_cast %scan3A_196 : i32 to index
      %swap3A_233 = arith.constant 32 : index
      %swap3A_234 = tpu.vector_load %arg9[%swap3A_232, %swap3A_233] {strides = array<i32>} : memref<80x128xf32, #tpu.memory_space<vmem>>, vector<1x16xf32>,
      %swap3A_235 = vector.shape_cast %swap3A_234 : vector<1x16xf32> to vector<16xf32>
      %swap3A_236 = vector.shape_cast %add3A_231 : vector<16xf32> to vector<1x16xf32>
      tpu.vector_store %arg9[%swap3A_232, %swap3A_233], %swap3A_236 {strides = array<i32>} : memref<80x128xf32, #tpu.memory_space<vmem>>, vector<1x16xf32>,
      %get3A_237 = arith.index_cast %scan3A_196 : i32 to index
      %get3A_238 = arith.constant 48 : index
      %get3A_239 = tpu.vector_load %arg9[%get3A_237, %get3A_238] {strides = array<i32>} : memref<80x128xf32, #tpu.memory_space<vmem>>, vector<1x16xf32>,
      %get3A_240 = vector.shape_cast %get3A_239 : vector<1x16xf32> to vector<16xf32>
      %get3A_241 = arith.index_cast %scan3A_196 : i32 to index
      %get3A_242 = arith.constant 48 : index
      %get3A_243 = tpu.vector_load %arg14[%get3A_241, %get3A_242] {strides = array<i32>} : memref<80x128xf32, #tpu.memory_space<vmem>>, vector<1x16xf32>,
      %get3A_244 = vector.shape_cast %get3A_243 : vector<1x16xf32> to vector<16xf32>
      %add3A_245 = arith.addf %get3A_240, %get3A_244 : vector<16xf32>
      %swap3A_246 = arith.index_cast %scan3A_196 : i32 to index
      %swap3A_247 = arith.constant 48 : index
      %swap3A_248 = tpu.vector_load %arg9[%swap3A_246, %swap3A_247] {strides = array<i32>} : memref<80x128xf32, #tpu.memory_space<vmem>>, vector<1x16xf32>,
      %swap3A_249 = vector.shape_cast %swap3A_248 : vector<1x16xf32> to vector<16xf32>
      %swap3A_250 = vector.shape_cast %add3A_245 : vector<16xf32> to vector<1x16xf32>
      tpu.vector_store %arg9[%swap3A_246, %swap3A_247], %swap3A_250 {strides = array<i32>} : memref<80x128xf32, #tpu.memory_space<vmem>>, vector<1x16xf32>,
      %get3A_251 = arith.index_cast %scan3A_196 : i32 to index
      %get3A_252 = arith.constant 64 : index
      %get3A_253 = tpu.vector_load %arg9[%get3A_251, %get3A_252] {strides = array<i32>} : memref<80x128xf32, #tpu.memory_space<vmem>>, vector<1x16xf32>,
      %get3A_254 = vector.shape_cast %get3A_253 : vector<1x16xf32> to vector<16xf32>
      %get3A_255 = arith.index_cast %scan3A_196 : i32 to index
      %get3A_256 = arith.constant 64 : index
      %get3A_257 = tpu.vector_load %arg14[%get3A_255, %get3A_256] {strides = array<i32>} : memref<80x128xf32, #tpu.memory_space<vmem>>, vector<1x16xf32>,
      %get3A_258 = vector.shape_cast %get3A_257 : vector<1x16xf32> to vector<16xf32>
      %add3A_259 = arith.addf %get3A_254, %get3A_258 : vector<16xf32>
      %swap3A_260 = arith.index_cast %scan3A_196 : i32 to index
      %swap3A_261 = arith.constant 64 : index
      %swap3A_262 = tpu.vector_load %arg9[%swap3A_260, %swap3A_261] {strides = array<i32>} : memref<80x128xf32, #tpu.memory_space<vmem>>, vector<1x16xf32>,
      %swap3A_263 = vector.shape_cast %swap3A_262 : vector<1x16xf32> to vector<16xf32>
      %swap3A_264 = vector.shape_cast %add3A_259 : vector<16xf32> to vector<1x16xf32>
      tpu.vector_store %arg9[%swap3A_260, %swap3A_261], %swap3A_264 {strides = array<i32>} : memref<80x128xf32, #tpu.memory_space<vmem>>, vector<1x16xf32>,
      %get3A_265 = arith.index_cast %scan3A_196 : i32 to index
      %get3A_266 = arith.constant 80 : index
      %get3A_267 = tpu.vector_load %arg9[%get3A_265, %get3A_266] {strides = array<i32>} : memref<80x128xf32, #tpu.memory_space<vmem>>, vector<1x16xf32>,
      %get3A_268 = vector.shape_cast %get3A_267 : vector<1x16xf32> to vector<16xf32>
      %get3A_269 = arith.index_cast %scan3A_196 : i32 to index
      %get3A_270 = arith.constant 80 : index
      %get3A_271 = tpu.vector_load %arg14[%get3A_269, %get3A_270] {strides = array<i32>} : memref<80x128xf32, #tpu.memory_space<vmem>>, vector<1x16xf32>,
      %get3A_272 = vector.shape_cast %get3A_271 : vector<1x16xf32> to vector<16xf32>
      %add3A_273 = arith.addf %get3A_268, %get3A_272 : vector<16xf32>
      %swap3A_274 = arith.index_cast %scan3A_196 : i32 to index
      %swap3A_275 = arith.constant 80 : index
      %swap3A_276 = tpu.vector_load %arg9[%swap3A_274, %swap3A_275] {strides = array<i32>} : memref<80x128xf32, #tpu.memory_space<vmem>>, vector<1x16xf32>,
      %swap3A_277 = vector.shape_cast %swap3A_276 : vector<1x16xf32> to vector<16xf32>
      %swap3A_278 = vector.shape_cast %add3A_273 : vector<16xf32> to vector<1x16xf32>
      tpu.vector_store %arg9[%swap3A_274, %swap3A_275], %swap3A_278 {strides = array<i32>} : memref<80x128xf32, #tpu.memory_space<vmem>>, vector<1x16xf32>,
      %get3A_279 = arith.index_cast %scan3A_196 : i32 to index
      %get3A_280 = arith.constant 96 : index
      %get3A_281 = tpu.vector_load %arg9[%get3A_279, %get3A_280] {strides = array<i32>} : memref<80x128xf32, #tpu.memory_space<vmem>>, vector<1x16xf32>,
      %get3A_282 = vector.shape_cast %get3A_281 : vector<1x16xf32> to vector<16xf32>
      %get3A_283 = arith.index_cast %scan3A_196 : i32 to index
      %get3A_284 = arith.constant 96 : index
      %get3A_285 = tpu.vector_load %arg14[%get3A_283, %get3A_284] {strides = array<i32>} : memref<80x128xf32, #tpu.memory_space<vmem>>, vector<1x16xf32>,
      %get3A_286 = vector.shape_cast %get3A_285 : vector<1x16xf32> to vector<16xf32>
      %add3A_287 = arith.addf %get3A_282, %get3A_286 : vector<16xf32>
      %swap3A_288 = arith.index_cast %scan3A_196 : i32 to index
      %swap3A_289 = arith.constant 96 : index
      %swap3A_290 = tpu.vector_load %arg9[%swap3A_288, %swap3A_289] {strides = array<i32>} : memref<80x128xf32, #tpu.memory_space<vmem>>, vector<1x16xf32>,
      %swap3A_291 = vector.shape_cast %swap3A_290 : vector<1x16xf32> to vector<16xf32>
      %swap3A_292 = vector.shape_cast %add3A_287 : vector<16xf32> to vector<1x16xf32>
      tpu.vector_store %arg9[%swap3A_288, %swap3A_289], %swap3A_292 {strides = array<i32>} : memref<80x128xf32, #tpu.memory_space<vmem>>, vector<1x16xf32>,
      %get3A_293 = arith.index_cast %scan3A_196 : i32 to index
      %get3A_294 = arith.constant 112 : index
      %get3A_295 = tpu.vector_load %arg9[%get3A_293, %get3A_294] {strides = array<i32>} : memref<80x128xf32, #tpu.memory_space<vmem>>, vector<1x16xf32>,
      %get3A_296 = vector.shape_cast %get3A_295 : vector<1x16xf32> to vector<16xf32>
      %get3A_297 = arith.index_cast %scan3A_196 : i32 to index
      %get3A_298 = arith.constant 112 : index
      %get3A_299 = tpu.vector_load %arg14[%get3A_297, %get3A_298] {strides = array<i32>} : memref<80x128xf32, #tpu.memory_space<vmem>>, vector<1x16xf32>,
      %get3A_300 = vector.shape_cast %get3A_299 : vector<1x16xf32> to vector<16xf32>
      %add3A_301 = arith.addf %get3A_296, %get3A_300 : vector<16xf32>
      %swap3A_302 = arith.index_cast %scan3A_196 : i32 to index
      %swap3A_303 = arith.constant 112 : index
      %swap3A_304 = tpu.vector_load %arg9[%swap3A_302, %swap3A_303] {strides = array<i32>} : memref<80x128xf32, #tpu.memory_space<vmem>>, vector<1x16xf32>,
      %swap3A_305 = vector.shape_cast %swap3A_304 : vector<1x16xf32> to vector<16xf32>
      %swap3A_306 = vector.shape_cast %add3A_301 : vector<16xf32> to vector<1x16xf32>
      tpu.vector_store %arg9[%swap3A_302, %swap3A_303], %swap3A_306 {strides = array<i32>} : memref<80x128xf32, #tpu.memory_space<vmem>>, vector<1x16xf32>,
    }
    %scan3A_71 = arith.constant 80 : i32
    %add3A_72 = arith.constant 9600 : i32
    %add3A_73 = arith.addi %mul3A_2, %add3A_72 : i32
    %dma_start3A_74 = arith.constant 0 : i32
    %dma_start3A_75 = tpu.memref_slice %arg6[%add3A_73, %dma_start3A_74] : memref<320000x128xf32, #tpu.memory_space<hbm>> -> memref<80x128xf32, #tpu.memory_space<hbm>>
    %dma_start3A_76 = arith.constant 0 : i32
    %dma_start3A_77 = tpu.memref_slice %arg6[%add3A_73, %dma_start3A_76] : memref<320000x128xf32, #tpu.memory_space<hbm>> -> memref<80x128xf32, #tpu.memory_space<hbm>>
    tpu.enqueue_dma source(%arg9 : memref<80x128xf32, #tpu.memory_space<vmem>>) target(%dma_start3A_77 : memref<80x128xf32, #tpu.memory_space<hbm>>) target_semaphore(%arg24 : memref<!tpu.dma_semaphore, #tpu.memory_space<semaphore_mem>>)
    %add3A_78 = arith.constant 9600 : i32
    %add3A_79 = arith.addi %mul3A_2, %add3A_78 : i32
    %dma_wait3A_80 = arith.constant 0 : i32
    %dma_wait3A_81 = tpu.memref_slice %arg6[%add3A_79, %dma_wait3A_80] : memref<320000x128xf32, #tpu.memory_space<hbm>> -> memref<80x128xf32, #tpu.memory_space<hbm>>
    %dma_wait3A_82 = arith.constant 0 : i32
    %dma_wait3A_83 = tpu.memref_slice %arg6[%add3A_79, %dma_wait3A_82] : memref<320000x128xf32, #tpu.memory_space<hbm>> -> memref<80x128xf32, #tpu.memory_space<hbm>>
    tpu.wait_dma2 semaphore(%arg24 : memref<!tpu.dma_semaphore, #tpu.memory_space<semaphore_mem>>) src(%arg9 : memref<80x128xf32, #tpu.memory_space<vmem>>) dst(%dma_wait3A_83 : memref<80x128xf32, #tpu.memory_space<hbm>>)
    %dma_wait3A_84 = arith.constant 9680 : i32
    %dma_wait3A_85 = tpu.memref_slice %arg7[%dma_wait3A_84] : memref<10000xi32, #tpu.memory_space<vmem>> -> memref<80xi32, #tpu.memory_space<vmem>>
    %dma_wait3A_86 = arith.constant 0 : i32
    %dma_wait3A_87 = arith.constant 0 : i32
    %dma_wait3A_88 = tpu.memref_slice %arg2[%dma_wait3A_86, %dma_wait3A_87] : memref<10000x128xf32, #tpu.memory_space<hbm>> -> memref<10000x128xf32, #tpu.memory_space<hbm>>
    tpu.wait_indirect_dma semaphore(%arg20 : memref<!tpu.dma_semaphore, #tpu.memory_space<semaphore_mem>>) src(%dma_wait3A_88 : memref<10000x128xf32, #tpu.memory_space<hbm>>) dst(%arg10 : memref<80x128xf32, #tpu.memory_space<vmem>>)
    %dma_wait3A_89 = arith.constant 9680 : i32
    %dma_wait3A_90 = tpu.memref_slice %arg8[%dma_wait3A_89] : memref<10000xi32, #tpu.memory_space<vmem>> -> memref<80xi32, #tpu.memory_space<vmem>>
    %dma_wait3A_91 = arith.constant 0 : i32
    %dma_wait3A_92 = arith.constant 0 : i32
    %dma_wait3A_93 = tpu.memref_slice %arg3[%dma_wait3A_91, %dma_wait3A_92] : memref<10000x128xf32, #tpu.memory_space<hbm>> -> memref<10000x128xf32, #tpu.memory_space<hbm>>
    tpu.wait_indirect_dma semaphore(%arg20 : memref<!tpu.dma_semaphore, #tpu.memory_space<semaphore_mem>>) src(%dma_wait3A_93 : memref<10000x128xf32, #tpu.memory_space<hbm>>) dst(%arg15 : memref<80x128xf32, #tpu.memory_space<vmem>>)
    %scan3A_94 = arith.constant 0 : i32
    %scan3A_95 = arith.constant 0 : i32
    %scan3A_96 = arith.constant 80 : i32
    %scan3A_97 = arith.addi %scan3A_95, %scan3A_96 : i32
    %scan3A_98 = arith.constant 1 : i32
    scf.for %scan3A_196 = %scan3A_95 to %scan3A_97 step %scan3A_98  : i32 {
      %get3A = arith.index_cast %scan3A_196 : i32 to index
      %get3A_197 = arith.constant 0 : index
      %get3A_198 = tpu.vector_load %arg10[%get3A, %get3A_197] {strides = array<i32>} : memref<80x128xf32, #tpu.memory_space<vmem>>, vector<1x16xf32>,
      %get3A_199 = vector.shape_cast %get3A_198 : vector<1x16xf32> to vector<16xf32>
      %get3A_200 = arith.index_cast %scan3A_196 : i32 to index
      %get3A_201 = arith.constant 0 : index
      %get3A_202 = tpu.vector_load %arg15[%get3A_200, %get3A_201] {strides = array<i32>} : memref<80x128xf32, #tpu.memory_space<vmem>>, vector<1x16xf32>,
      %get3A_203 = vector.shape_cast %get3A_202 : vector<1x16xf32> to vector<16xf32>
      %add3A_204 = arith.addf %get3A_199, %get3A_203 : vector<16xf32>
      %swap3A = arith.index_cast %scan3A_196 : i32 to index
      %swap3A_205 = arith.constant 0 : index
      %swap3A_206 = tpu.vector_load %arg10[%swap3A, %swap3A_205] {strides = array<i32>} : memref<80x128xf32, #tpu.memory_space<vmem>>, vector<1x16xf32>,
      %swap3A_207 = vector.shape_cast %swap3A_206 : vector<1x16xf32> to vector<16xf32>
      %swap3A_208 = vector.shape_cast %add3A_204 : vector<16xf32> to vector<1x16xf32>
      tpu.vector_store %arg10[%swap3A, %swap3A_205], %swap3A_208 {strides = array<i32>} : memref<80x128xf32, #tpu.memory_space<vmem>>, vector<1x16xf32>,
      %get3A_209 = arith.index_cast %scan3A_196 : i32 to index
      %get3A_210 = arith.constant 16 : index
      %get3A_211 = tpu.vector_load %arg10[%get3A_209, %get3A_210] {strides = array<i32>} : memref<80x128xf32, #tpu.memory_space<vmem>>, vector<1x16xf32>,
      %get3A_212 = vector.shape_cast %get3A_211 : vector<1x16xf32> to vector<16xf32>
      %get3A_213 = arith.index_cast %scan3A_196 : i32 to index
      %get3A_214 = arith.constant 16 : index
      %get3A_215 = tpu.vector_load %arg15[%get3A_213, %get3A_214] {strides = array<i32>} : memref<80x128xf32, #tpu.memory_space<vmem>>, vector<1x16xf32>,
      %get3A_216 = vector.shape_cast %get3A_215 : vector<1x16xf32> to vector<16xf32>
      %add3A_217 = arith.addf %get3A_212, %get3A_216 : vector<16xf32>
      %swap3A_218 = arith.index_cast %scan3A_196 : i32 to index
      %swap3A_219 = arith.constant 16 : index
      %swap3A_220 = tpu.vector_load %arg10[%swap3A_218, %swap3A_219] {strides = array<i32>} : memref<80x128xf32, #tpu.memory_space<vmem>>, vector<1x16xf32>,
      %swap3A_221 = vector.shape_cast %swap3A_220 : vector<1x16xf32> to vector<16xf32>
      %swap3A_222 = vector.shape_cast %add3A_217 : vector<16xf32> to vector<1x16xf32>
      tpu.vector_store %arg10[%swap3A_218, %swap3A_219], %swap3A_222 {strides = array<i32>} : memref<80x128xf32, #tpu.memory_space<vmem>>, vector<1x16xf32>,
      %get3A_223 = arith.index_cast %scan3A_196 : i32 to index
      %get3A_224 = arith.constant 32 : index
      %get3A_225 = tpu.vector_load %arg10[%get3A_223, %get3A_224] {strides = array<i32>} : memref<80x128xf32, #tpu.memory_space<vmem>>, vector<1x16xf32>,
      %get3A_226 = vector.shape_cast %get3A_225 : vector<1x16xf32> to vector<16xf32>
      %get3A_227 = arith.index_cast %scan3A_196 : i32 to index
      %get3A_228 = arith.constant 32 : index
      %get3A_229 = tpu.vector_load %arg15[%get3A_227, %get3A_228] {strides = array<i32>} : memref<80x128xf32, #tpu.memory_space<vmem>>, vector<1x16xf32>,
      %get3A_230 = vector.shape_cast %get3A_229 : vector<1x16xf32> to vector<16xf32>
      %add3A_231 = arith.addf %get3A_226, %get3A_230 : vector<16xf32>
      %swap3A_232 = arith.index_cast %scan3A_196 : i32 to index
      %swap3A_233 = arith.constant 32 : index
      %swap3A_234 = tpu.vector_load %arg10[%swap3A_232, %swap3A_233] {strides = array<i32>} : memref<80x128xf32, #tpu.memory_space<vmem>>, vector<1x16xf32>,
      %swap3A_235 = vector.shape_cast %swap3A_234 : vector<1x16xf32> to vector<16xf32>
      %swap3A_236 = vector.shape_cast %add3A_231 : vector<16xf32> to vector<1x16xf32>
      tpu.vector_store %arg10[%swap3A_232, %swap3A_233], %swap3A_236 {strides = array<i32>} : memref<80x128xf32, #tpu.memory_space<vmem>>, vector<1x16xf32>,
      %get3A_237 = arith.index_cast %scan3A_196 : i32 to index
      %get3A_238 = arith.constant 48 : index
      %get3A_239 = tpu.vector_load %arg10[%get3A_237, %get3A_238] {strides = array<i32>} : memref<80x128xf32, #tpu.memory_space<vmem>>, vector<1x16xf32>,
      %get3A_240 = vector.shape_cast %get3A_239 : vector<1x16xf32> to vector<16xf32>
      %get3A_241 = arith.index_cast %scan3A_196 : i32 to index
      %get3A_242 = arith.constant 48 : index
      %get3A_243 = tpu.vector_load %arg15[%get3A_241, %get3A_242] {strides = array<i32>} : memref<80x128xf32, #tpu.memory_space<vmem>>, vector<1x16xf32>,
      %get3A_244 = vector.shape_cast %get3A_243 : vector<1x16xf32> to vector<16xf32>
      %add3A_245 = arith.addf %get3A_240, %get3A_244 : vector<16xf32>
      %swap3A_246 = arith.index_cast %scan3A_196 : i32 to index
      %swap3A_247 = arith.constant 48 : index
      %swap3A_248 = tpu.vector_load %arg10[%swap3A_246, %swap3A_247] {strides = array<i32>} : memref<80x128xf32, #tpu.memory_space<vmem>>, vector<1x16xf32>,
      %swap3A_249 = vector.shape_cast %swap3A_248 : vector<1x16xf32> to vector<16xf32>
      %swap3A_250 = vector.shape_cast %add3A_245 : vector<16xf32> to vector<1x16xf32>
      tpu.vector_store %arg10[%swap3A_246, %swap3A_247], %swap3A_250 {strides = array<i32>} : memref<80x128xf32, #tpu.memory_space<vmem>>, vector<1x16xf32>,
      %get3A_251 = arith.index_cast %scan3A_196 : i32 to index
      %get3A_252 = arith.constant 64 : index
      %get3A_253 = tpu.vector_load %arg10[%get3A_251, %get3A_252] {strides = array<i32>} : memref<80x128xf32, #tpu.memory_space<vmem>>, vector<1x16xf32>,
      %get3A_254 = vector.shape_cast %get3A_253 : vector<1x16xf32> to vector<16xf32>
      %get3A_255 = arith.index_cast %scan3A_196 : i32 to index
      %get3A_256 = arith.constant 64 : index
      %get3A_257 = tpu.vector_load %arg15[%get3A_255, %get3A_256] {strides = array<i32>} : memref<80x128xf32, #tpu.memory_space<vmem>>, vector<1x16xf32>,
      %get3A_258 = vector.shape_cast %get3A_257 : vector<1x16xf32> to vector<16xf32>
      %add3A_259 = arith.addf %get3A_254, %get3A_258 : vector<16xf32>
      %swap3A_260 = arith.index_cast %scan3A_196 : i32 to index
      %swap3A_261 = arith.constant 64 : index
      %swap3A_262 = tpu.vector_load %arg10[%swap3A_260, %swap3A_261] {strides = array<i32>} : memref<80x128xf32, #tpu.memory_space<vmem>>, vector<1x16xf32>,
      %swap3A_263 = vector.shape_cast %swap3A_262 : vector<1x16xf32> to vector<16xf32>
      %swap3A_264 = vector.shape_cast %add3A_259 : vector<16xf32> to vector<1x16xf32>
      tpu.vector_store %arg10[%swap3A_260, %swap3A_261], %swap3A_264 {strides = array<i32>} : memref<80x128xf32, #tpu.memory_space<vmem>>, vector<1x16xf32>,
      %get3A_265 = arith.index_cast %scan3A_196 : i32 to index
      %get3A_266 = arith.constant 80 : index
      %get3A_267 = tpu.vector_load %arg10[%get3A_265, %get3A_266] {strides = array<i32>} : memref<80x128xf32, #tpu.memory_space<vmem>>, vector<1x16xf32>,
      %get3A_268 = vector.shape_cast %get3A_267 : vector<1x16xf32> to vector<16xf32>
      %get3A_269 = arith.index_cast %scan3A_196 : i32 to index
      %get3A_270 = arith.constant 80 : index
      %get3A_271 = tpu.vector_load %arg15[%get3A_269, %get3A_270] {strides = array<i32>} : memref<80x128xf32, #tpu.memory_space<vmem>>, vector<1x16xf32>,
      %get3A_272 = vector.shape_cast %get3A_271 : vector<1x16xf32> to vector<16xf32>
      %add3A_273 = arith.addf %get3A_268, %get3A_272 : vector<16xf32>
      %swap3A_274 = arith.index_cast %scan3A_196 : i32 to index
      %swap3A_275 = arith.constant 80 : index
      %swap3A_276 = tpu.vector_load %arg10[%swap3A_274, %swap3A_275] {strides = array<i32>} : memref<80x128xf32, #tpu.memory_space<vmem>>, vector<1x16xf32>,
      %swap3A_277 = vector.shape_cast %swap3A_276 : vector<1x16xf32> to vector<16xf32>
      %swap3A_278 = vector.shape_cast %add3A_273 : vector<16xf32> to vector<1x16xf32>
      tpu.vector_store %arg10[%swap3A_274, %swap3A_275], %swap3A_278 {strides = array<i32>} : memref<80x128xf32, #tpu.memory_space<vmem>>, vector<1x16xf32>,
      %get3A_279 = arith.index_cast %scan3A_196 : i32 to index
      %get3A_280 = arith.constant 96 : index
      %get3A_281 = tpu.vector_load %arg10[%get3A_279, %get3A_280] {strides = array<i32>} : memref<80x128xf32, #tpu.memory_space<vmem>>, vector<1x16xf32>,
      %get3A_282 = vector.shape_cast %get3A_281 : vector<1x16xf32> to vector<16xf32>
      %get3A_283 = arith.index_cast %scan3A_196 : i32 to index
      %get3A_284 = arith.constant 96 : index
      %get3A_285 = tpu.vector_load %arg15[%get3A_283, %get3A_284] {strides = array<i32>} : memref<80x128xf32, #tpu.memory_space<vmem>>, vector<1x16xf32>,
      %get3A_286 = vector.shape_cast %get3A_285 : vector<1x16xf32> to vector<16xf32>
      %add3A_287 = arith.addf %get3A_282, %get3A_286 : vector<16xf32>
      %swap3A_288 = arith.index_cast %scan3A_196 : i32 to index
      %swap3A_289 = arith.constant 96 : index
      %swap3A_290 = tpu.vector_load %arg10[%swap3A_288, %swap3A_289] {strides = array<i32>} : memref<80x128xf32, #tpu.memory_space<vmem>>, vector<1x16xf32>,
      %swap3A_291 = vector.shape_cast %swap3A_290 : vector<1x16xf32> to vector<16xf32>
      %swap3A_292 = vector.shape_cast %add3A_287 : vector<16xf32> to vector<1x16xf32>
      tpu.vector_store %arg10[%swap3A_288, %swap3A_289], %swap3A_292 {strides = array<i32>} : memref<80x128xf32, #tpu.memory_space<vmem>>, vector<1x16xf32>,
      %get3A_293 = arith.index_cast %scan3A_196 : i32 to index
      %get3A_294 = arith.constant 112 : index
      %get3A_295 = tpu.vector_load %arg10[%get3A_293, %get3A_294] {strides = array<i32>} : memref<80x128xf32, #tpu.memory_space<vmem>>, vector<1x16xf32>,
      %get3A_296 = vector.shape_cast %get3A_295 : vector<1x16xf32> to vector<16xf32>
      %get3A_297 = arith.index_cast %scan3A_196 : i32 to index
      %get3A_298 = arith.constant 112 : index
      %get3A_299 = tpu.vector_load %arg15[%get3A_297, %get3A_298] {strides = array<i32>} : memref<80x128xf32, #tpu.memory_space<vmem>>, vector<1x16xf32>,
      %get3A_300 = vector.shape_cast %get3A_299 : vector<1x16xf32> to vector<16xf32>
      %add3A_301 = arith.addf %get3A_296, %get3A_300 : vector<16xf32>
      %swap3A_302 = arith.index_cast %scan3A_196 : i32 to index
      %swap3A_303 = arith.constant 112 : index
      %swap3A_304 = tpu.vector_load %arg10[%swap3A_302, %swap3A_303] {strides = array<i32>} : memref<80x128xf32, #tpu.memory_space<vmem>>, vector<1x16xf32>,
      %swap3A_305 = vector.shape_cast %swap3A_304 : vector<1x16xf32> to vector<16xf32>
      %swap3A_306 = vector.shape_cast %add3A_301 : vector<16xf32> to vector<1x16xf32>
      tpu.vector_store %arg10[%swap3A_302, %swap3A_303], %swap3A_306 {strides = array<i32>} : memref<80x128xf32, #tpu.memory_space<vmem>>, vector<1x16xf32>,
    }
    %scan3A_99 = arith.constant 80 : i32
    %add3A_100 = arith.constant 9680 : i32
    %add3A_101 = arith.addi %mul3A_2, %add3A_100 : i32
    %dma_start3A_102 = arith.constant 0 : i32
    %dma_start3A_103 = tpu.memref_slice %arg6[%add3A_101, %dma_start3A_102] : memref<320000x128xf32, #tpu.memory_space<hbm>> -> memref<80x128xf32, #tpu.memory_space<hbm>>
    %dma_start3A_104 = arith.constant 0 : i32
    %dma_start3A_105 = tpu.memref_slice %arg6[%add3A_101, %dma_start3A_104] : memref<320000x128xf32, #tpu.memory_space<hbm>> -> memref<80x128xf32, #tpu.memory_space<hbm>>
    tpu.enqueue_dma source(%arg10 : memref<80x128xf32, #tpu.memory_space<vmem>>) target(%dma_start3A_105 : memref<80x128xf32, #tpu.memory_space<hbm>>) target_semaphore(%arg25 : memref<!tpu.dma_semaphore, #tpu.memory_space<semaphore_mem>>)
    %add3A_106 = arith.constant 9680 : i32
    %add3A_107 = arith.addi %mul3A_2, %add3A_106 : i32
    %dma_wait3A_108 = arith.constant 0 : i32
    %dma_wait3A_109 = tpu.memref_slice %arg6[%add3A_107, %dma_wait3A_108] : memref<320000x128xf32, #tpu.memory_space<hbm>> -> memref<80x128xf32, #tpu.memory_space<hbm>>
    %dma_wait3A_110 = arith.constant 0 : i32
    %dma_wait3A_111 = tpu.memref_slice %arg6[%add3A_107, %dma_wait3A_110] : memref<320000x128xf32, #tpu.memory_space<hbm>> -> memref<80x128xf32, #tpu.memory_space<hbm>>
    tpu.wait_dma2 semaphore(%arg25 : memref<!tpu.dma_semaphore, #tpu.memory_space<semaphore_mem>>) src(%arg10 : memref<80x128xf32, #tpu.memory_space<vmem>>) dst(%dma_wait3A_111 : memref<80x128xf32, #tpu.memory_space<hbm>>)
    %dma_wait3A_112 = arith.constant 9760 : i32
    %dma_wait3A_113 = tpu.memref_slice %arg7[%dma_wait3A_112] : memref<10000xi32, #tpu.memory_space<vmem>> -> memref<80xi32, #tpu.memory_space<vmem>>
    %dma_wait3A_114 = arith.constant 0 : i32
    %dma_wait3A_115 = arith.constant 0 : i32
    %dma_wait3A_116 = tpu.memref_slice %arg2[%dma_wait3A_114, %dma_wait3A_115] : memref<10000x128xf32, #tpu.memory_space<hbm>> -> memref<10000x128xf32, #tpu.memory_space<hbm>>
    tpu.wait_indirect_dma semaphore(%arg21 : memref<!tpu.dma_semaphore, #tpu.memory_space<semaphore_mem>>) src(%dma_wait3A_116 : memref<10000x128xf32, #tpu.memory_space<hbm>>) dst(%arg11 : memref<80x128xf32, #tpu.memory_space<vmem>>)
    %dma_wait3A_117 = arith.constant 9760 : i32
    %dma_wait3A_118 = tpu.memref_slice %arg8[%dma_wait3A_117] : memref<10000xi32, #tpu.memory_space<vmem>> -> memref<80xi32, #tpu.memory_space<vmem>>
    %dma_wait3A_119 = arith.constant 0 : i32
    %dma_wait3A_120 = arith.constant 0 : i32
    %dma_wait3A_121 = tpu.memref_slice %arg3[%dma_wait3A_119, %dma_wait3A_120] : memref<10000x128xf32, #tpu.memory_space<hbm>> -> memref<10000x128xf32, #tpu.memory_space<hbm>>
    tpu.wait_indirect_dma semaphore(%arg21 : memref<!tpu.dma_semaphore, #tpu.memory_space<semaphore_mem>>) src(%dma_wait3A_121 : memref<10000x128xf32, #tpu.memory_space<hbm>>) dst(%arg16 : memref<80x128xf32, #tpu.memory_space<vmem>>)
    %scan3A_122 = arith.constant 0 : i32
    %scan3A_123 = arith.constant 0 : i32
    %scan3A_124 = arith.constant 80 : i32
    %scan3A_125 = arith.addi %scan3A_123, %scan3A_124 : i32
    %scan3A_126 = arith.constant 1 : i32
    scf.for %scan3A_196 = %scan3A_123 to %scan3A_125 step %scan3A_126  : i32 {
      %get3A = arith.index_cast %scan3A_196 : i32 to index
      %get3A_197 = arith.constant 0 : index
      %get3A_198 = tpu.vector_load %arg11[%get3A, %get3A_197] {strides = array<i32>} : memref<80x128xf32, #tpu.memory_space<vmem>>, vector<1x16xf32>,
      %get3A_199 = vector.shape_cast %get3A_198 : vector<1x16xf32> to vector<16xf32>
      %get3A_200 = arith.index_cast %scan3A_196 : i32 to index
      %get3A_201 = arith.constant 0 : index
      %get3A_202 = tpu.vector_load %arg16[%get3A_200, %get3A_201] {strides = array<i32>} : memref<80x128xf32, #tpu.memory_space<vmem>>, vector<1x16xf32>,
      %get3A_203 = vector.shape_cast %get3A_202 : vector<1x16xf32> to vector<16xf32>
      %add3A_204 = arith.addf %get3A_199, %get3A_203 : vector<16xf32>
      %swap3A = arith.index_cast %scan3A_196 : i32 to index
      %swap3A_205 = arith.constant 0 : index
      %swap3A_206 = tpu.vector_load %arg11[%swap3A, %swap3A_205] {strides = array<i32>} : memref<80x128xf32, #tpu.memory_space<vmem>>, vector<1x16xf32>,
      %swap3A_207 = vector.shape_cast %swap3A_206 : vector<1x16xf32> to vector<16xf32>
      %swap3A_208 = vector.shape_cast %add3A_204 : vector<16xf32> to vector<1x16xf32>
      tpu.vector_store %arg11[%swap3A, %swap3A_205], %swap3A_208 {strides = array<i32>} : memref<80x128xf32, #tpu.memory_space<vmem>>, vector<1x16xf32>,
      %get3A_209 = arith.index_cast %scan3A_196 : i32 to index
      %get3A_210 = arith.constant 16 : index
      %get3A_211 = tpu.vector_load %arg11[%get3A_209, %get3A_210] {strides = array<i32>} : memref<80x128xf32, #tpu.memory_space<vmem>>, vector<1x16xf32>,
      %get3A_212 = vector.shape_cast %get3A_211 : vector<1x16xf32> to vector<16xf32>
      %get3A_213 = arith.index_cast %scan3A_196 : i32 to index
      %get3A_214 = arith.constant 16 : index
      %get3A_215 = tpu.vector_load %arg16[%get3A_213, %get3A_214] {strides = array<i32>} : memref<80x128xf32, #tpu.memory_space<vmem>>, vector<1x16xf32>,
      %get3A_216 = vector.shape_cast %get3A_215 : vector<1x16xf32> to vector<16xf32>
      %add3A_217 = arith.addf %get3A_212, %get3A_216 : vector<16xf32>
      %swap3A_218 = arith.index_cast %scan3A_196 : i32 to index
      %swap3A_219 = arith.constant 16 : index
      %swap3A_220 = tpu.vector_load %arg11[%swap3A_218, %swap3A_219] {strides = array<i32>} : memref<80x128xf32, #tpu.memory_space<vmem>>, vector<1x16xf32>,
      %swap3A_221 = vector.shape_cast %swap3A_220 : vector<1x16xf32> to vector<16xf32>
      %swap3A_222 = vector.shape_cast %add3A_217 : vector<16xf32> to vector<1x16xf32>
      tpu.vector_store %arg11[%swap3A_218, %swap3A_219], %swap3A_222 {strides = array<i32>} : memref<80x128xf32, #tpu.memory_space<vmem>>, vector<1x16xf32>,
      %get3A_223 = arith.index_cast %scan3A_196 : i32 to index
      %get3A_224 = arith.constant 32 : index
      %get3A_225 = tpu.vector_load %arg11[%get3A_223, %get3A_224] {strides = array<i32>} : memref<80x128xf32, #tpu.memory_space<vmem>>, vector<1x16xf32>,
      %get3A_226 = vector.shape_cast %get3A_225 : vector<1x16xf32> to vector<16xf32>
      %get3A_227 = arith.index_cast %scan3A_196 : i32 to index
      %get3A_228 = arith.constant 32 : index
      %get3A_229 = tpu.vector_load %arg16[%get3A_227, %get3A_228] {strides = array<i32>} : memref<80x128xf32, #tpu.memory_space<vmem>>, vector<1x16xf32>,
      %get3A_230 = vector.shape_cast %get3A_229 : vector<1x16xf32> to vector<16xf32>
      %add3A_231 = arith.addf %get3A_226, %get3A_230 : vector<16xf32>
      %swap3A_232 = arith.index_cast %scan3A_196 : i32 to index
      %swap3A_233 = arith.constant 32 : index
      %swap3A_234 = tpu.vector_load %arg11[%swap3A_232, %swap3A_233] {strides = array<i32>} : memref<80x128xf32, #tpu.memory_space<vmem>>, vector<1x16xf32>,
      %swap3A_235 = vector.shape_cast %swap3A_234 : vector<1x16xf32> to vector<16xf32>
      %swap3A_236 = vector.shape_cast %add3A_231 : vector<16xf32> to vector<1x16xf32>
      tpu.vector_store %arg11[%swap3A_232, %swap3A_233], %swap3A_236 {strides = array<i32>} : memref<80x128xf32, #tpu.memory_space<vmem>>, vector<1x16xf32>,
      %get3A_237 = arith.index_cast %scan3A_196 : i32 to index
      %get3A_238 = arith.constant 48 : index
      %get3A_239 = tpu.vector_load %arg11[%get3A_237, %get3A_238] {strides = array<i32>} : memref<80x128xf32, #tpu.memory_space<vmem>>, vector<1x16xf32>,
      %get3A_240 = vector.shape_cast %get3A_239 : vector<1x16xf32> to vector<16xf32>
      %get3A_241 = arith.index_cast %scan3A_196 : i32 to index
      %get3A_242 = arith.constant 48 : index
      %get3A_243 = tpu.vector_load %arg16[%get3A_241, %get3A_242] {strides = array<i32>} : memref<80x128xf32, #tpu.memory_space<vmem>>, vector<1x16xf32>,
      %get3A_244 = vector.shape_cast %get3A_243 : vector<1x16xf32> to vector<16xf32>
      %add3A_245 = arith.addf %get3A_240, %get3A_244 : vector<16xf32>
      %swap3A_246 = arith.index_cast %scan3A_196 : i32 to index
      %swap3A_247 = arith.constant 48 : index
      %swap3A_248 = tpu.vector_load %arg11[%swap3A_246, %swap3A_247] {strides = array<i32>} : memref<80x128xf32, #tpu.memory_space<vmem>>, vector<1x16xf32>,
      %swap3A_249 = vector.shape_cast %swap3A_248 : vector<1x16xf32> to vector<16xf32>
      %swap3A_250 = vector.shape_cast %add3A_245 : vector<16xf32> to vector<1x16xf32>
      tpu.vector_store %arg11[%swap3A_246, %swap3A_247], %swap3A_250 {strides = array<i32>} : memref<80x128xf32, #tpu.memory_space<vmem>>, vector<1x16xf32>,
      %get3A_251 = arith.index_cast %scan3A_196 : i32 to index
      %get3A_252 = arith.constant 64 : index
      %get3A_253 = tpu.vector_load %arg11[%get3A_251, %get3A_252] {strides = array<i32>} : memref<80x128xf32, #tpu.memory_space<vmem>>, vector<1x16xf32>,
      %get3A_254 = vector.shape_cast %get3A_253 : vector<1x16xf32> to vector<16xf32>
      %get3A_255 = arith.index_cast %scan3A_196 : i32 to index
      %get3A_256 = arith.constant 64 : index
      %get3A_257 = tpu.vector_load %arg16[%get3A_255, %get3A_256] {strides = array<i32>} : memref<80x128xf32, #tpu.memory_space<vmem>>, vector<1x16xf32>,
      %get3A_258 = vector.shape_cast %get3A_257 : vector<1x16xf32> to vector<16xf32>
      %add3A_259 = arith.addf %get3A_254, %get3A_258 : vector<16xf32>
      %swap3A_260 = arith.index_cast %scan3A_196 : i32 to index
      %swap3A_261 = arith.constant 64 : index
      %swap3A_262 = tpu.vector_load %arg11[%swap3A_260, %swap3A_261] {strides = array<i32>} : memref<80x128xf32, #tpu.memory_space<vmem>>, vector<1x16xf32>,
      %swap3A_263 = vector.shape_cast %swap3A_262 : vector<1x16xf32> to vector<16xf32>
      %swap3A_264 = vector.shape_cast %add3A_259 : vector<16xf32> to vector<1x16xf32>
      tpu.vector_store %arg11[%swap3A_260, %swap3A_261], %swap3A_264 {strides = array<i32>} : memref<80x128xf32, #tpu.memory_space<vmem>>, vector<1x16xf32>,
      %get3A_265 = arith.index_cast %scan3A_196 : i32 to index
      %get3A_266 = arith.constant 80 : index
      %get3A_267 = tpu.vector_load %arg11[%get3A_265, %get3A_266] {strides = array<i32>} : memref<80x128xf32, #tpu.memory_space<vmem>>, vector<1x16xf32>,
      %get3A_268 = vector.shape_cast %get3A_267 : vector<1x16xf32> to vector<16xf32>
      %get3A_269 = arith.index_cast %scan3A_196 : i32 to index
      %get3A_270 = arith.constant 80 : index
      %get3A_271 = tpu.vector_load %arg16[%get3A_269, %get3A_270] {strides = array<i32>} : memref<80x128xf32, #tpu.memory_space<vmem>>, vector<1x16xf32>,
      %get3A_272 = vector.shape_cast %get3A_271 : vector<1x16xf32> to vector<16xf32>
      %add3A_273 = arith.addf %get3A_268, %get3A_272 : vector<16xf32>
      %swap3A_274 = arith.index_cast %scan3A_196 : i32 to index
      %swap3A_275 = arith.constant 80 : index
      %swap3A_276 = tpu.vector_load %arg11[%swap3A_274, %swap3A_275] {strides = array<i32>} : memref<80x128xf32, #tpu.memory_space<vmem>>, vector<1x16xf32>,
      %swap3A_277 = vector.shape_cast %swap3A_276 : vector<1x16xf32> to vector<16xf32>
      %swap3A_278 = vector.shape_cast %add3A_273 : vector<16xf32> to vector<1x16xf32>
      tpu.vector_store %arg11[%swap3A_274, %swap3A_275], %swap3A_278 {strides = array<i32>} : memref<80x128xf32, #tpu.memory_space<vmem>>, vector<1x16xf32>,
      %get3A_279 = arith.index_cast %scan3A_196 : i32 to index
      %get3A_280 = arith.constant 96 : index
      %get3A_281 = tpu.vector_load %arg11[%get3A_279, %get3A_280] {strides = array<i32>} : memref<80x128xf32, #tpu.memory_space<vmem>>, vector<1x16xf32>,
      %get3A_282 = vector.shape_cast %get3A_281 : vector<1x16xf32> to vector<16xf32>
      %get3A_283 = arith.index_cast %scan3A_196 : i32 to index
      %get3A_284 = arith.constant 96 : index
      %get3A_285 = tpu.vector_load %arg16[%get3A_283, %get3A_284] {strides = array<i32>} : memref<80x128xf32, #tpu.memory_space<vmem>>, vector<1x16xf32>,
      %get3A_286 = vector.shape_cast %get3A_285 : vector<1x16xf32> to vector<16xf32>
      %add3A_287 = arith.addf %get3A_282, %get3A_286 : vector<16xf32>
      %swap3A_288 = arith.index_cast %scan3A_196 : i32 to index
      %swap3A_289 = arith.constant 96 : index
      %swap3A_290 = tpu.vector_load %arg11[%swap3A_288, %swap3A_289] {strides = array<i32>} : memref<80x128xf32, #tpu.memory_space<vmem>>, vector<1x16xf32>,
      %swap3A_291 = vector.shape_cast %swap3A_290 : vector<1x16xf32> to vector<16xf32>
      %swap3A_292 = vector.shape_cast %add3A_287 : vector<16xf32> to vector<1x16xf32>
      tpu.vector_store %arg11[%swap3A_288, %swap3A_289], %swap3A_292 {strides = array<i32>} : memref<80x128xf32, #tpu.memory_space<vmem>>, vector<1x16xf32>,
      %get3A_293 = arith.index_cast %scan3A_196 : i32 to index
      %get3A_294 = arith.constant 112 : index
      %get3A_295 = tpu.vector_load %arg11[%get3A_293, %get3A_294] {strides = array<i32>} : memref<80x128xf32, #tpu.memory_space<vmem>>, vector<1x16xf32>,
      %get3A_296 = vector.shape_cast %get3A_295 : vector<1x16xf32> to vector<16xf32>
      %get3A_297 = arith.index_cast %scan3A_196 : i32 to index
      %get3A_298 = arith.constant 112 : index
      %get3A_299 = tpu.vector_load %arg16[%get3A_297, %get3A_298] {strides = array<i32>} : memref<80x128xf32, #tpu.memory_space<vmem>>, vector<1x16xf32>,
      %get3A_300 = vector.shape_cast %get3A_299 : vector<1x16xf32> to vector<16xf32>
      %add3A_301 = arith.addf %get3A_296, %get3A_300 : vector<16xf32>
      %swap3A_302 = arith.index_cast %scan3A_196 : i32 to index
      %swap3A_303 = arith.constant 112 : index
      %swap3A_304 = tpu.vector_load %arg11[%swap3A_302, %swap3A_303] {strides = array<i32>} : memref<80x128xf32, #tpu.memory_space<vmem>>, vector<1x16xf32>,
      %swap3A_305 = vector.shape_cast %swap3A_304 : vector<1x16xf32> to vector<16xf32>
      %swap3A_306 = vector.shape_cast %add3A_301 : vector<16xf32> to vector<1x16xf32>
      tpu.vector_store %arg11[%swap3A_302, %swap3A_303], %swap3A_306 {strides = array<i32>} : memref<80x128xf32, #tpu.memory_space<vmem>>, vector<1x16xf32>,
    }
    %scan3A_127 = arith.constant 80 : i32
    %add3A_128 = arith.constant 9760 : i32
    %add3A_129 = arith.addi %mul3A_2, %add3A_128 : i32
    %dma_start3A_130 = arith.constant 0 : i32
    %dma_start3A_131 = tpu.memref_slice %arg6[%add3A_129, %dma_start3A_130] : memref<320000x128xf32, #tpu.memory_space<hbm>> -> memref<80x128xf32, #tpu.memory_space<hbm>>
    %dma_start3A_132 = arith.constant 0 : i32
    %dma_start3A_133 = tpu.memref_slice %arg6[%add3A_129, %dma_start3A_132] : memref<320000x128xf32, #tpu.memory_space<hbm>> -> memref<80x128xf32, #tpu.memory_space<hbm>>
    tpu.enqueue_dma source(%arg11 : memref<80x128xf32, #tpu.memory_space<vmem>>) target(%dma_start3A_133 : memref<80x128xf32, #tpu.memory_space<hbm>>) target_semaphore(%arg26 : memref<!tpu.dma_semaphore, #tpu.memory_space<semaphore_mem>>)
    %add3A_134 = arith.constant 9760 : i32
    %add3A_135 = arith.addi %mul3A_2, %add3A_134 : i32
    %dma_wait3A_136 = arith.constant 0 : i32
    %dma_wait3A_137 = tpu.memref_slice %arg6[%add3A_135, %dma_wait3A_136] : memref<320000x128xf32, #tpu.memory_space<hbm>> -> memref<80x128xf32, #tpu.memory_space<hbm>>
    %dma_wait3A_138 = arith.constant 0 : i32
    %dma_wait3A_139 = tpu.memref_slice %arg6[%add3A_135, %dma_wait3A_138] : memref<320000x128xf32, #tpu.memory_space<hbm>> -> memref<80x128xf32, #tpu.memory_space<hbm>>
    tpu.wait_dma2 semaphore(%arg26 : memref<!tpu.dma_semaphore, #tpu.memory_space<semaphore_mem>>) src(%arg11 : memref<80x128xf32, #tpu.memory_space<vmem>>) dst(%dma_wait3A_139 : memref<80x128xf32, #tpu.memory_space<hbm>>)
    %dma_wait3A_140 = arith.constant 9840 : i32
    %dma_wait3A_141 = tpu.memref_slice %arg7[%dma_wait3A_140] : memref<10000xi32, #tpu.memory_space<vmem>> -> memref<80xi32, #tpu.memory_space<vmem>>
    %dma_wait3A_142 = arith.constant 0 : i32
    %dma_wait3A_143 = arith.constant 0 : i32
    %dma_wait3A_144 = tpu.memref_slice %arg2[%dma_wait3A_142, %dma_wait3A_143] : memref<10000x128xf32, #tpu.memory_space<hbm>> -> memref<10000x128xf32, #tpu.memory_space<hbm>>
    tpu.wait_indirect_dma semaphore(%arg22 : memref<!tpu.dma_semaphore, #tpu.memory_space<semaphore_mem>>) src(%dma_wait3A_144 : memref<10000x128xf32, #tpu.memory_space<hbm>>) dst(%arg12 : memref<80x128xf32, #tpu.memory_space<vmem>>)
    %dma_wait3A_145 = arith.constant 9840 : i32
    %dma_wait3A_146 = tpu.memref_slice %arg8[%dma_wait3A_145] : memref<10000xi32, #tpu.memory_space<vmem>> -> memref<80xi32, #tpu.memory_space<vmem>>
    %dma_wait3A_147 = arith.constant 0 : i32
    %dma_wait3A_148 = arith.constant 0 : i32
    %dma_wait3A_149 = tpu.memref_slice %arg3[%dma_wait3A_147, %dma_wait3A_148] : memref<10000x128xf32, #tpu.memory_space<hbm>> -> memref<10000x128xf32, #tpu.memory_space<hbm>>
    tpu.wait_indirect_dma semaphore(%arg22 : memref<!tpu.dma_semaphore, #tpu.memory_space<semaphore_mem>>) src(%dma_wait3A_149 : memref<10000x128xf32, #tpu.memory_space<hbm>>) dst(%arg17 : memref<80x128xf32, #tpu.memory_space<vmem>>)
    %scan3A_150 = arith.constant 0 : i32
    %scan3A_151 = arith.constant 0 : i32
    %scan3A_152 = arith.constant 80 : i32
    %scan3A_153 = arith.addi %scan3A_151, %scan3A_152 : i32
    %scan3A_154 = arith.constant 1 : i32
    scf.for %scan3A_196 = %scan3A_151 to %scan3A_153 step %scan3A_154  : i32 {
      %get3A = arith.index_cast %scan3A_196 : i32 to index
      %get3A_197 = arith.constant 0 : index
      %get3A_198 = tpu.vector_load %arg12[%get3A, %get3A_197] {strides = array<i32>} : memref<80x128xf32, #tpu.memory_space<vmem>>, vector<1x16xf32>,
      %get3A_199 = vector.shape_cast %get3A_198 : vector<1x16xf32> to vector<16xf32>
      %get3A_200 = arith.index_cast %scan3A_196 : i32 to index
      %get3A_201 = arith.constant 0 : index
      %get3A_202 = tpu.vector_load %arg17[%get3A_200, %get3A_201] {strides = array<i32>} : memref<80x128xf32, #tpu.memory_space<vmem>>, vector<1x16xf32>,
      %get3A_203 = vector.shape_cast %get3A_202 : vector<1x16xf32> to vector<16xf32>
      %add3A_204 = arith.addf %get3A_199, %get3A_203 : vector<16xf32>
      %swap3A = arith.index_cast %scan3A_196 : i32 to index
      %swap3A_205 = arith.constant 0 : index
      %swap3A_206 = tpu.vector_load %arg12[%swap3A, %swap3A_205] {strides = array<i32>} : memref<80x128xf32, #tpu.memory_space<vmem>>, vector<1x16xf32>,
      %swap3A_207 = vector.shape_cast %swap3A_206 : vector<1x16xf32> to vector<16xf32>
      %swap3A_208 = vector.shape_cast %add3A_204 : vector<16xf32> to vector<1x16xf32>
      tpu.vector_store %arg12[%swap3A, %swap3A_205], %swap3A_208 {strides = array<i32>} : memref<80x128xf32, #tpu.memory_space<vmem>>, vector<1x16xf32>,
      %get3A_209 = arith.index_cast %scan3A_196 : i32 to index
      %get3A_210 = arith.constant 16 : index
      %get3A_211 = tpu.vector_load %arg12[%get3A_209, %get3A_210] {strides = array<i32>} : memref<80x128xf32, #tpu.memory_space<vmem>>, vector<1x16xf32>,
      %get3A_212 = vector.shape_cast %get3A_211 : vector<1x16xf32> to vector<16xf32>
      %get3A_213 = arith.index_cast %scan3A_196 : i32 to index
      %get3A_214 = arith.constant 16 : index
      %get3A_215 = tpu.vector_load %arg17[%get3A_213, %get3A_214] {strides = array<i32>} : memref<80x128xf32, #tpu.memory_space<vmem>>, vector<1x16xf32>,
      %get3A_216 = vector.shape_cast %get3A_215 : vector<1x16xf32> to vector<16xf32>
      %add3A_217 = arith.addf %get3A_212, %get3A_216 : vector<16xf32>
      %swap3A_218 = arith.index_cast %scan3A_196 : i32 to index
      %swap3A_219 = arith.constant 16 : index
      %swap3A_220 = tpu.vector_load %arg12[%swap3A_218, %swap3A_219] {strides = array<i32>} : memref<80x128xf32, #tpu.memory_space<vmem>>, vector<1x16xf32>,
      %swap3A_221 = vector.shape_cast %swap3A_220 : vector<1x16xf32> to vector<16xf32>
      %swap3A_222 = vector.shape_cast %add3A_217 : vector<16xf32> to vector<1x16xf32>
      tpu.vector_store %arg12[%swap3A_218, %swap3A_219], %swap3A_222 {strides = array<i32>} : memref<80x128xf32, #tpu.memory_space<vmem>>, vector<1x16xf32>,
      %get3A_223 = arith.index_cast %scan3A_196 : i32 to index
      %get3A_224 = arith.constant 32 : index
      %get3A_225 = tpu.vector_load %arg12[%get3A_223, %get3A_224] {strides = array<i32>} : memref<80x128xf32, #tpu.memory_space<vmem>>, vector<1x16xf32>,
      %get3A_226 = vector.shape_cast %get3A_225 : vector<1x16xf32> to vector<16xf32>
      %get3A_227 = arith.index_cast %scan3A_196 : i32 to index
      %get3A_228 = arith.constant 32 : index
      %get3A_229 = tpu.vector_load %arg17[%get3A_227, %get3A_228] {strides = array<i32>} : memref<80x128xf32, #tpu.memory_space<vmem>>, vector<1x16xf32>,
      %get3A_230 = vector.shape_cast %get3A_229 : vector<1x16xf32> to vector<16xf32>
      %add3A_231 = arith.addf %get3A_226, %get3A_230 : vector<16xf32>
      %swap3A_232 = arith.index_cast %scan3A_196 : i32 to index
      %swap3A_233 = arith.constant 32 : index
      %swap3A_234 = tpu.vector_load %arg12[%swap3A_232, %swap3A_233] {strides = array<i32>} : memref<80x128xf32, #tpu.memory_space<vmem>>, vector<1x16xf32>,
      %swap3A_235 = vector.shape_cast %swap3A_234 : vector<1x16xf32> to vector<16xf32>
      %swap3A_236 = vector.shape_cast %add3A_231 : vector<16xf32> to vector<1x16xf32>
      tpu.vector_store %arg12[%swap3A_232, %swap3A_233], %swap3A_236 {strides = array<i32>} : memref<80x128xf32, #tpu.memory_space<vmem>>, vector<1x16xf32>,
      %get3A_237 = arith.index_cast %scan3A_196 : i32 to index
      %get3A_238 = arith.constant 48 : index
      %get3A_239 = tpu.vector_load %arg12[%get3A_237, %get3A_238] {strides = array<i32>} : memref<80x128xf32, #tpu.memory_space<vmem>>, vector<1x16xf32>,
      %get3A_240 = vector.shape_cast %get3A_239 : vector<1x16xf32> to vector<16xf32>
      %get3A_241 = arith.index_cast %scan3A_196 : i32 to index
      %get3A_242 = arith.constant 48 : index
      %get3A_243 = tpu.vector_load %arg17[%get3A_241, %get3A_242] {strides = array<i32>} : memref<80x128xf32, #tpu.memory_space<vmem>>, vector<1x16xf32>,
      %get3A_244 = vector.shape_cast %get3A_243 : vector<1x16xf32> to vector<16xf32>
      %add3A_245 = arith.addf %get3A_240, %get3A_244 : vector<16xf32>
      %swap3A_246 = arith.index_cast %scan3A_196 : i32 to index
      %swap3A_247 = arith.constant 48 : index
      %swap3A_248 = tpu.vector_load %arg12[%swap3A_246, %swap3A_247] {strides = array<i32>} : memref<80x128xf32, #tpu.memory_space<vmem>>, vector<1x16xf32>,
      %swap3A_249 = vector.shape_cast %swap3A_248 : vector<1x16xf32> to vector<16xf32>
      %swap3A_250 = vector.shape_cast %add3A_245 : vector<16xf32> to vector<1x16xf32>
      tpu.vector_store %arg12[%swap3A_246, %swap3A_247], %swap3A_250 {strides = array<i32>} : memref<80x128xf32, #tpu.memory_space<vmem>>, vector<1x16xf32>,
      %get3A_251 = arith.index_cast %scan3A_196 : i32 to index
      %get3A_252 = arith.constant 64 : index
      %get3A_253 = tpu.vector_load %arg12[%get3A_251, %get3A_252] {strides = array<i32>} : memref<80x128xf32, #tpu.memory_space<vmem>>, vector<1x16xf32>,
      %get3A_254 = vector.shape_cast %get3A_253 : vector<1x16xf32> to vector<16xf32>
      %get3A_255 = arith.index_cast %scan3A_196 : i32 to index
      %get3A_256 = arith.constant 64 : index
      %get3A_257 = tpu.vector_load %arg17[%get3A_255, %get3A_256] {strides = array<i32>} : memref<80x128xf32, #tpu.memory_space<vmem>>, vector<1x16xf32>,
      %get3A_258 = vector.shape_cast %get3A_257 : vector<1x16xf32> to vector<16xf32>
      %add3A_259 = arith.addf %get3A_254, %get3A_258 : vector<16xf32>
      %swap3A_260 = arith.index_cast %scan3A_196 : i32 to index
      %swap3A_261 = arith.constant 64 : index
      %swap3A_262 = tpu.vector_load %arg12[%swap3A_260, %swap3A_261] {strides = array<i32>} : memref<80x128xf32, #tpu.memory_space<vmem>>, vector<1x16xf32>,
      %swap3A_263 = vector.shape_cast %swap3A_262 : vector<1x16xf32> to vector<16xf32>
      %swap3A_264 = vector.shape_cast %add3A_259 : vector<16xf32> to vector<1x16xf32>
      tpu.vector_store %arg12[%swap3A_260, %swap3A_261], %swap3A_264 {strides = array<i32>} : memref<80x128xf32, #tpu.memory_space<vmem>>, vector<1x16xf32>,
      %get3A_265 = arith.index_cast %scan3A_196 : i32 to index
      %get3A_266 = arith.constant 80 : index
      %get3A_267 = tpu.vector_load %arg12[%get3A_265, %get3A_266] {strides = array<i32>} : memref<80x128xf32, #tpu.memory_space<vmem>>, vector<1x16xf32>,
      %get3A_268 = vector.shape_cast %get3A_267 : vector<1x16xf32> to vector<16xf32>
      %get3A_269 = arith.index_cast %scan3A_196 : i32 to index
      %get3A_270 = arith.constant 80 : index
      %get3A_271 = tpu.vector_load %arg17[%get3A_269, %get3A_270] {strides = array<i32>} : memref<80x128xf32, #tpu.memory_space<vmem>>, vector<1x16xf32>,
      %get3A_272 = vector.shape_cast %get3A_271 : vector<1x16xf32> to vector<16xf32>
      %add3A_273 = arith.addf %get3A_268, %get3A_272 : vector<16xf32>
      %swap3A_274 = arith.index_cast %scan3A_196 : i32 to index
      %swap3A_275 = arith.constant 80 : index
      %swap3A_276 = tpu.vector_load %arg12[%swap3A_274, %swap3A_275] {strides = array<i32>} : memref<80x128xf32, #tpu.memory_space<vmem>>, vector<1x16xf32>,
      %swap3A_277 = vector.shape_cast %swap3A_276 : vector<1x16xf32> to vector<16xf32>
      %swap3A_278 = vector.shape_cast %add3A_273 : vector<16xf32> to vector<1x16xf32>
      tpu.vector_store %arg12[%swap3A_274, %swap3A_275], %swap3A_278 {strides = array<i32>} : memref<80x128xf32, #tpu.memory_space<vmem>>, vector<1x16xf32>,
      %get3A_279 = arith.index_cast %scan3A_196 : i32 to index
      %get3A_280 = arith.constant 96 : index
      %get3A_281 = tpu.vector_load %arg12[%get3A_279, %get3A_280] {strides = array<i32>} : memref<80x128xf32, #tpu.memory_space<vmem>>, vector<1x16xf32>,
      %get3A_282 = vector.shape_cast %get3A_281 : vector<1x16xf32> to vector<16xf32>
      %get3A_283 = arith.index_cast %scan3A_196 : i32 to index
      %get3A_284 = arith.constant 96 : index
      %get3A_285 = tpu.vector_load %arg17[%get3A_283, %get3A_284] {strides = array<i32>} : memref<80x128xf32, #tpu.memory_space<vmem>>, vector<1x16xf32>,
      %get3A_286 = vector.shape_cast %get3A_285 : vector<1x16xf32> to vector<16xf32>
      %add3A_287 = arith.addf %get3A_282, %get3A_286 : vector<16xf32>
      %swap3A_288 = arith.index_cast %scan3A_196 : i32 to index
      %swap3A_289 = arith.constant 96 : index
      %swap3A_290 = tpu.vector_load %arg12[%swap3A_288, %swap3A_289] {strides = array<i32>} : memref<80x128xf32, #tpu.memory_space<vmem>>, vector<1x16xf32>,
      %swap3A_291 = vector.shape_cast %swap3A_290 : vector<1x16xf32> to vector<16xf32>
      %swap3A_292 = vector.shape_cast %add3A_287 : vector<16xf32> to vector<1x16xf32>
      tpu.vector_store %arg12[%swap3A_288, %swap3A_289], %swap3A_292 {strides = array<i32>} : memref<80x128xf32, #tpu.memory_space<vmem>>, vector<1x16xf32>,
      %get3A_293 = arith.index_cast %scan3A_196 : i32 to index
      %get3A_294 = arith.constant 112 : index
      %get3A_295 = tpu.vector_load %arg12[%get3A_293, %get3A_294] {strides = array<i32>} : memref<80x128xf32, #tpu.memory_space<vmem>>, vector<1x16xf32>,
      %get3A_296 = vector.shape_cast %get3A_295 : vector<1x16xf32> to vector<16xf32>
      %get3A_297 = arith.index_cast %scan3A_196 : i32 to index
      %get3A_298 = arith.constant 112 : index
      %get3A_299 = tpu.vector_load %arg17[%get3A_297, %get3A_298] {strides = array<i32>} : memref<80x128xf32, #tpu.memory_space<vmem>>, vector<1x16xf32>,
      %get3A_300 = vector.shape_cast %get3A_299 : vector<1x16xf32> to vector<16xf32>
      %add3A_301 = arith.addf %get3A_296, %get3A_300 : vector<16xf32>
      %swap3A_302 = arith.index_cast %scan3A_196 : i32 to index
      %swap3A_303 = arith.constant 112 : index
      %swap3A_304 = tpu.vector_load %arg12[%swap3A_302, %swap3A_303] {strides = array<i32>} : memref<80x128xf32, #tpu.memory_space<vmem>>, vector<1x16xf32>,
      %swap3A_305 = vector.shape_cast %swap3A_304 : vector<1x16xf32> to vector<16xf32>
      %swap3A_306 = vector.shape_cast %add3A_301 : vector<16xf32> to vector<1x16xf32>
      tpu.vector_store %arg12[%swap3A_302, %swap3A_303], %swap3A_306 {strides = array<i32>} : memref<80x128xf32, #tpu.memory_space<vmem>>, vector<1x16xf32>,
    }
    %scan3A_155 = arith.constant 80 : i32
    %add3A_156 = arith.constant 9840 : i32
    %add3A_157 = arith.addi %mul3A_2, %add3A_156 : i32
    %dma_start3A_158 = arith.constant 0 : i32
    %dma_start3A_159 = tpu.memref_slice %arg6[%add3A_157, %dma_start3A_158] : memref<320000x128xf32, #tpu.memory_space<hbm>> -> memref<80x128xf32, #tpu.memory_space<hbm>>
    %dma_start3A_160 = arith.constant 0 : i32
    %dma_start3A_161 = tpu.memref_slice %arg6[%add3A_157, %dma_start3A_160] : memref<320000x128xf32, #tpu.memory_space<hbm>> -> memref<80x128xf32, #tpu.memory_space<hbm>>
    tpu.enqueue_dma source(%arg12 : memref<80x128xf32, #tpu.memory_space<vmem>>) target(%dma_start3A_161 : memref<80x128xf32, #tpu.memory_space<hbm>>) target_semaphore(%arg27 : memref<!tpu.dma_semaphore, #tpu.memory_space<semaphore_mem>>)
    %add3A_162 = arith.constant 9840 : i32
    %add3A_163 = arith.addi %mul3A_2, %add3A_162 : i32
    %dma_wait3A_164 = arith.constant 0 : i32
    %dma_wait3A_165 = tpu.memref_slice %arg6[%add3A_163, %dma_wait3A_164] : memref<320000x128xf32, #tpu.memory_space<hbm>> -> memref<80x128xf32, #tpu.memory_space<hbm>>
    %dma_wait3A_166 = arith.constant 0 : i32
    %dma_wait3A_167 = tpu.memref_slice %arg6[%add3A_163, %dma_wait3A_166] : memref<320000x128xf32, #tpu.memory_space<hbm>> -> memref<80x128xf32, #tpu.memory_space<hbm>>
    tpu.wait_dma2 semaphore(%arg27 : memref<!tpu.dma_semaphore, #tpu.memory_space<semaphore_mem>>) src(%arg12 : memref<80x128xf32, #tpu.memory_space<vmem>>) dst(%dma_wait3A_167 : memref<80x128xf32, #tpu.memory_space<hbm>>)
    %dma_wait3A_168 = arith.constant 9920 : i32
    %dma_wait3A_169 = tpu.memref_slice %arg7[%dma_wait3A_168] : memref<10000xi32, #tpu.memory_space<vmem>> -> memref<80xi32, #tpu.memory_space<vmem>>
    %dma_wait3A_170 = arith.constant 0 : i32
    %dma_wait3A_171 = arith.constant 0 : i32
    %dma_wait3A_172 = tpu.memref_slice %arg2[%dma_wait3A_170, %dma_wait3A_171] : memref<10000x128xf32, #tpu.memory_space<hbm>> -> memref<10000x128xf32, #tpu.memory_space<hbm>>
    tpu.wait_indirect_dma semaphore(%arg23 : memref<!tpu.dma_semaphore, #tpu.memory_space<semaphore_mem>>) src(%dma_wait3A_172 : memref<10000x128xf32, #tpu.memory_space<hbm>>) dst(%arg13 : memref<80x128xf32, #tpu.memory_space<vmem>>)
    %dma_wait3A_173 = arith.constant 9920 : i32
    %dma_wait3A_174 = tpu.memref_slice %arg8[%dma_wait3A_173] : memref<10000xi32, #tpu.memory_space<vmem>> -> memref<80xi32, #tpu.memory_space<vmem>>
    %dma_wait3A_175 = arith.constant 0 : i32
    %dma_wait3A_176 = arith.constant 0 : i32
    %dma_wait3A_177 = tpu.memref_slice %arg3[%dma_wait3A_175, %dma_wait3A_176] : memref<10000x128xf32, #tpu.memory_space<hbm>> -> memref<10000x128xf32, #tpu.memory_space<hbm>>
    tpu.wait_indirect_dma semaphore(%arg23 : memref<!tpu.dma_semaphore, #tpu.memory_space<semaphore_mem>>) src(%dma_wait3A_177 : memref<10000x128xf32, #tpu.memory_space<hbm>>) dst(%arg18 : memref<80x128xf32, #tpu.memory_space<vmem>>)
    %scan3A_178 = arith.constant 0 : i32
    %scan3A_179 = arith.constant 0 : i32
    %scan3A_180 = arith.constant 80 : i32
    %scan3A_181 = arith.addi %scan3A_179, %scan3A_180 : i32
    %scan3A_182 = arith.constant 1 : i32
    scf.for %scan3A_196 = %scan3A_179 to %scan3A_181 step %scan3A_182  : i32 {
      %get3A = arith.index_cast %scan3A_196 : i32 to index
      %get3A_197 = arith.constant 0 : index
      %get3A_198 = tpu.vector_load %arg13[%get3A, %get3A_197] {strides = array<i32>} : memref<80x128xf32, #tpu.memory_space<vmem>>, vector<1x16xf32>,
      %get3A_199 = vector.shape_cast %get3A_198 : vector<1x16xf32> to vector<16xf32>
      %get3A_200 = arith.index_cast %scan3A_196 : i32 to index
      %get3A_201 = arith.constant 0 : index
      %get3A_202 = tpu.vector_load %arg18[%get3A_200, %get3A_201] {strides = array<i32>} : memref<80x128xf32, #tpu.memory_space<vmem>>, vector<1x16xf32>,
      %get3A_203 = vector.shape_cast %get3A_202 : vector<1x16xf32> to vector<16xf32>
      %add3A_204 = arith.addf %get3A_199, %get3A_203 : vector<16xf32>
      %swap3A = arith.index_cast %scan3A_196 : i32 to index
      %swap3A_205 = arith.constant 0 : index
      %swap3A_206 = tpu.vector_load %arg13[%swap3A, %swap3A_205] {strides = array<i32>} : memref<80x128xf32, #tpu.memory_space<vmem>>, vector<1x16xf32>,
      %swap3A_207 = vector.shape_cast %swap3A_206 : vector<1x16xf32> to vector<16xf32>
      %swap3A_208 = vector.shape_cast %add3A_204 : vector<16xf32> to vector<1x16xf32>
      tpu.vector_store %arg13[%swap3A, %swap3A_205], %swap3A_208 {strides = array<i32>} : memref<80x128xf32, #tpu.memory_space<vmem>>, vector<1x16xf32>,
      %get3A_209 = arith.index_cast %scan3A_196 : i32 to index
      %get3A_210 = arith.constant 16 : index
      %get3A_211 = tpu.vector_load %arg13[%get3A_209, %get3A_210] {strides = array<i32>} : memref<80x128xf32, #tpu.memory_space<vmem>>, vector<1x16xf32>,
      %get3A_212 = vector.shape_cast %get3A_211 : vector<1x16xf32> to vector<16xf32>
      %get3A_213 = arith.index_cast %scan3A_196 : i32 to index
      %get3A_214 = arith.constant 16 : index
      %get3A_215 = tpu.vector_load %arg18[%get3A_213, %get3A_214] {strides = array<i32>} : memref<80x128xf32, #tpu.memory_space<vmem>>, vector<1x16xf32>,
      %get3A_216 = vector.shape_cast %get3A_215 : vector<1x16xf32> to vector<16xf32>
      %add3A_217 = arith.addf %get3A_212, %get3A_216 : vector<16xf32>
      %swap3A_218 = arith.index_cast %scan3A_196 : i32 to index
      %swap3A_219 = arith.constant 16 : index
      %swap3A_220 = tpu.vector_load %arg13[%swap3A_218, %swap3A_219] {strides = array<i32>} : memref<80x128xf32, #tpu.memory_space<vmem>>, vector<1x16xf32>,
      %swap3A_221 = vector.shape_cast %swap3A_220 : vector<1x16xf32> to vector<16xf32>
      %swap3A_222 = vector.shape_cast %add3A_217 : vector<16xf32> to vector<1x16xf32>
      tpu.vector_store %arg13[%swap3A_218, %swap3A_219], %swap3A_222 {strides = array<i32>} : memref<80x128xf32, #tpu.memory_space<vmem>>, vector<1x16xf32>,
      %get3A_223 = arith.index_cast %scan3A_196 : i32 to index
      %get3A_224 = arith.constant 32 : index
      %get3A_225 = tpu.vector_load %arg13[%get3A_223, %get3A_224] {strides = array<i32>} : memref<80x128xf32, #tpu.memory_space<vmem>>, vector<1x16xf32>,
      %get3A_226 = vector.shape_cast %get3A_225 : vector<1x16xf32> to vector<16xf32>
      %get3A_227 = arith.index_cast %scan3A_196 : i32 to index
      %get3A_228 = arith.constant 32 : index
      %get3A_229 = tpu.vector_load %arg18[%get3A_227, %get3A_228] {strides = array<i32>} : memref<80x128xf32, #tpu.memory_space<vmem>>, vector<1x16xf32>,
      %get3A_230 = vector.shape_cast %get3A_229 : vector<1x16xf32> to vector<16xf32>
      %add3A_231 = arith.addf %get3A_226, %get3A_230 : vector<16xf32>
      %swap3A_232 = arith.index_cast %scan3A_196 : i32 to index
      %swap3A_233 = arith.constant 32 : index
      %swap3A_234 = tpu.vector_load %arg13[%swap3A_232, %swap3A_233] {strides = array<i32>} : memref<80x128xf32, #tpu.memory_space<vmem>>, vector<1x16xf32>,
      %swap3A_235 = vector.shape_cast %swap3A_234 : vector<1x16xf32> to vector<16xf32>
      %swap3A_236 = vector.shape_cast %add3A_231 : vector<16xf32> to vector<1x16xf32>
      tpu.vector_store %arg13[%swap3A_232, %swap3A_233], %swap3A_236 {strides = array<i32>} : memref<80x128xf32, #tpu.memory_space<vmem>>, vector<1x16xf32>,
      %get3A_237 = arith.index_cast %scan3A_196 : i32 to index
      %get3A_238 = arith.constant 48 : index
      %get3A_239 = tpu.vector_load %arg13[%get3A_237, %get3A_238] {strides = array<i32>} : memref<80x128xf32, #tpu.memory_space<vmem>>, vector<1x16xf32>,
      %get3A_240 = vector.shape_cast %get3A_239 : vector<1x16xf32> to vector<16xf32>
      %get3A_241 = arith.index_cast %scan3A_196 : i32 to index
      %get3A_242 = arith.constant 48 : index
      %get3A_243 = tpu.vector_load %arg18[%get3A_241, %get3A_242] {strides = array<i32>} : memref<80x128xf32, #tpu.memory_space<vmem>>, vector<1x16xf32>,
      %get3A_244 = vector.shape_cast %get3A_243 : vector<1x16xf32> to vector<16xf32>
      %add3A_245 = arith.addf %get3A_240, %get3A_244 : vector<16xf32>
      %swap3A_246 = arith.index_cast %scan3A_196 : i32 to index
      %swap3A_247 = arith.constant 48 : index
      %swap3A_248 = tpu.vector_load %arg13[%swap3A_246, %swap3A_247] {strides = array<i32>} : memref<80x128xf32, #tpu.memory_space<vmem>>, vector<1x16xf32>,
      %swap3A_249 = vector.shape_cast %swap3A_248 : vector<1x16xf32> to vector<16xf32>
      %swap3A_250 = vector.shape_cast %add3A_245 : vector<16xf32> to vector<1x16xf32>
      tpu.vector_store %arg13[%swap3A_246, %swap3A_247], %swap3A_250 {strides = array<i32>} : memref<80x128xf32, #tpu.memory_space<vmem>>, vector<1x16xf32>,
      %get3A_251 = arith.index_cast %scan3A_196 : i32 to index
      %get3A_252 = arith.constant 64 : index
      %get3A_253 = tpu.vector_load %arg13[%get3A_251, %get3A_252] {strides = array<i32>} : memref<80x128xf32, #tpu.memory_space<vmem>>, vector<1x16xf32>,
      %get3A_254 = vector.shape_cast %get3A_253 : vector<1x16xf32> to vector<16xf32>
      %get3A_255 = arith.index_cast %scan3A_196 : i32 to index
      %get3A_256 = arith.constant 64 : index
      %get3A_257 = tpu.vector_load %arg18[%get3A_255, %get3A_256] {strides = array<i32>} : memref<80x128xf32, #tpu.memory_space<vmem>>, vector<1x16xf32>,
      %get3A_258 = vector.shape_cast %get3A_257 : vector<1x16xf32> to vector<16xf32>
      %add3A_259 = arith.addf %get3A_254, %get3A_258 : vector<16xf32>
      %swap3A_260 = arith.index_cast %scan3A_196 : i32 to index
      %swap3A_261 = arith.constant 64 : index
      %swap3A_262 = tpu.vector_load %arg13[%swap3A_260, %swap3A_261] {strides = array<i32>} : memref<80x128xf32, #tpu.memory_space<vmem>>, vector<1x16xf32>,
      %swap3A_263 = vector.shape_cast %swap3A_262 : vector<1x16xf32> to vector<16xf32>
      %swap3A_264 = vector.shape_cast %add3A_259 : vector<16xf32> to vector<1x16xf32>
      tpu.vector_store %arg13[%swap3A_260, %swap3A_261], %swap3A_264 {strides = array<i32>} : memref<80x128xf32, #tpu.memory_space<vmem>>, vector<1x16xf32>,
      %get3A_265 = arith.index_cast %scan3A_196 : i32 to index
      %get3A_266 = arith.constant 80 : index
      %get3A_267 = tpu.vector_load %arg13[%get3A_265, %get3A_266] {strides = array<i32>} : memref<80x128xf32, #tpu.memory_space<vmem>>, vector<1x16xf32>,
      %get3A_268 = vector.shape_cast %get3A_267 : vector<1x16xf32> to vector<16xf32>
      %get3A_269 = arith.index_cast %scan3A_196 : i32 to index
      %get3A_270 = arith.constant 80 : index
      %get3A_271 = tpu.vector_load %arg18[%get3A_269, %get3A_270] {strides = array<i32>} : memref<80x128xf32, #tpu.memory_space<vmem>>, vector<1x16xf32>,
      %get3A_272 = vector.shape_cast %get3A_271 : vector<1x16xf32> to vector<16xf32>
      %add3A_273 = arith.addf %get3A_268, %get3A_272 : vector<16xf32>
      %swap3A_274 = arith.index_cast %scan3A_196 : i32 to index
      %swap3A_275 = arith.constant 80 : index
      %swap3A_276 = tpu.vector_load %arg13[%swap3A_274, %swap3A_275] {strides = array<i32>} : memref<80x128xf32, #tpu.memory_space<vmem>>, vector<1x16xf32>,
      %swap3A_277 = vector.shape_cast %swap3A_276 : vector<1x16xf32> to vector<16xf32>
      %swap3A_278 = vector.shape_cast %add3A_273 : vector<16xf32> to vector<1x16xf32>
      tpu.vector_store %arg13[%swap3A_274, %swap3A_275], %swap3A_278 {strides = array<i32>} : memref<80x128xf32, #tpu.memory_space<vmem>>, vector<1x16xf32>,
      %get3A_279 = arith.index_cast %scan3A_196 : i32 to index
      %get3A_280 = arith.constant 96 : index
      %get3A_281 = tpu.vector_load %arg13[%get3A_279, %get3A_280] {strides = array<i32>} : memref<80x128xf32, #tpu.memory_space<vmem>>, vector<1x16xf32>,
      %get3A_282 = vector.shape_cast %get3A_281 : vector<1x16xf32> to vector<16xf32>
      %get3A_283 = arith.index_cast %scan3A_196 : i32 to index
      %get3A_284 = arith.constant 96 : index
      %get3A_285 = tpu.vector_load %arg18[%get3A_283, %get3A_284] {strides = array<i32>} : memref<80x128xf32, #tpu.memory_space<vmem>>, vector<1x16xf32>,
      %get3A_286 = vector.shape_cast %get3A_285 : vector<1x16xf32> to vector<16xf32>
      %add3A_287 = arith.addf %get3A_282, %get3A_286 : vector<16xf32>
      %swap3A_288 = arith.index_cast %scan3A_196 : i32 to index
      %swap3A_289 = arith.constant 96 : index
      %swap3A_290 = tpu.vector_load %arg13[%swap3A_288, %swap3A_289] {strides = array<i32>} : memref<80x128xf32, #tpu.memory_space<vmem>>, vector<1x16xf32>,
      %swap3A_291 = vector.shape_cast %swap3A_290 : vector<1x16xf32> to vector<16xf32>
      %swap3A_292 = vector.shape_cast %add3A_287 : vector<16xf32> to vector<1x16xf32>
      tpu.vector_store %arg13[%swap3A_288, %swap3A_289], %swap3A_292 {strides = array<i32>} : memref<80x128xf32, #tpu.memory_space<vmem>>, vector<1x16xf32>,
      %get3A_293 = arith.index_cast %scan3A_196 : i32 to index
      %get3A_294 = arith.constant 112 : index
      %get3A_295 = tpu.vector_load %arg13[%get3A_293, %get3A_294] {strides = array<i32>} : memref<80x128xf32, #tpu.memory_space<vmem>>, vector<1x16xf32>,
      %get3A_296 = vector.shape_cast %get3A_295 : vector<1x16xf32> to vector<16xf32>
      %get3A_297 = arith.index_cast %scan3A_196 : i32 to index
      %get3A_298 = arith.constant 112 : index
      %get3A_299 = tpu.vector_load %arg18[%get3A_297, %get3A_298] {strides = array<i32>} : memref<80x128xf32, #tpu.memory_space<vmem>>, vector<1x16xf32>,
      %get3A_300 = vector.shape_cast %get3A_299 : vector<1x16xf32> to vector<16xf32>
      %add3A_301 = arith.addf %get3A_296, %get3A_300 : vector<16xf32>
      %swap3A_302 = arith.index_cast %scan3A_196 : i32 to index
      %swap3A_303 = arith.constant 112 : index
      %swap3A_304 = tpu.vector_load %arg13[%swap3A_302, %swap3A_303] {strides = array<i32>} : memref<80x128xf32, #tpu.memory_space<vmem>>, vector<1x16xf32>,
      %swap3A_305 = vector.shape_cast %swap3A_304 : vector<1x16xf32> to vector<16xf32>
      %swap3A_306 = vector.shape_cast %add3A_301 : vector<16xf32> to vector<1x16xf32>
      tpu.vector_store %arg13[%swap3A_302, %swap3A_303], %swap3A_306 {strides = array<i32>} : memref<80x128xf32, #tpu.memory_space<vmem>>, vector<1x16xf32>,
    }
    %scan3A_183 = arith.constant 80 : i32
    %add3A_184 = arith.constant 9920 : i32
    %add3A_185 = arith.addi %mul3A_2, %add3A_184 : i32
    %dma_start3A_186 = arith.constant 0 : i32
    %dma_start3A_187 = tpu.memref_slice %arg6[%add3A_185, %dma_start3A_186] : memref<320000x128xf32, #tpu.memory_space<hbm>> -> memref<80x128xf32, #tpu.memory_space<hbm>>
    %dma_start3A_188 = arith.constant 0 : i32
    %dma_start3A_189 = tpu.memref_slice %arg6[%add3A_185, %dma_start3A_188] : memref<320000x128xf32, #tpu.memory_space<hbm>> -> memref<80x128xf32, #tpu.memory_space<hbm>>
    tpu.enqueue_dma source(%arg13 : memref<80x128xf32, #tpu.memory_space<vmem>>) target(%dma_start3A_189 : memref<80x128xf32, #tpu.memory_space<hbm>>) target_semaphore(%arg28 : memref<!tpu.dma_semaphore, #tpu.memory_space<semaphore_mem>>)
    %add3A_190 = arith.constant 9920 : i32
    %add3A_191 = arith.addi %mul3A_2, %add3A_190 : i32
    %dma_wait3A_192 = arith.constant 0 : i32
    %dma_wait3A_193 = tpu.memref_slice %arg6[%add3A_191, %dma_wait3A_192] : memref<320000x128xf32, #tpu.memory_space<hbm>> -> memref<80x128xf32, #tpu.memory_space<hbm>>
    %dma_wait3A_194 = arith.constant 0 : i32
    %dma_wait3A_195 = tpu.memref_slice %arg6[%add3A_191, %dma_wait3A_194] : memref<320000x128xf32, #tpu.memory_space<hbm>> -> memref<80x128xf32, #tpu.memory_space<hbm>>
    tpu.wait_dma2 semaphore(%arg28 : memref<!tpu.dma_semaphore, #tpu.memory_space<semaphore_mem>>) src(%arg13 : memref<80x128xf32, #tpu.memory_space<vmem>>) dst(%dma_wait3A_195 : memref<80x128xf32, #tpu.memory_space<hbm>>)
    return
  }
}

#map = affine_map<(d0, d1) -> (0, 0)>
#map1 = affine_map<(d0, d1) -> (0)>
#map2 = affine_map<(d0, d1) -> (0, 0, 0)>
module attributes {stable_mosaic.version = 14 : i64} {
  func.func @k(%arg0: i32, %arg1: i32, %arg2: memref<320000x128xf32, #tpu.memory_space<hbm>>, %arg3: memref<320000xi32, #tpu.memory_space<hbm>>, %arg4: memref<128x128xf32, #tpu.memory_space<hbm>>, %arg5: memref<2x10240x128xf32, #tpu.memory_space<hbm>>, %arg6: memref<10240x128xf32, #tpu.memory_space<vmem_shared>>, %arg7: memref<40x128xf32, #tpu.memory_space<vmem>>, %arg8: memref<40x128xf32, #tpu.memory_space<vmem>>, %arg9: memref<40x128xf32, #tpu.memory_space<vmem>>, %arg10: memref<40x128xf32, #tpu.memory_space<vmem>>, %arg11: memref<40x128xf32, #tpu.memory_space<vmem>>, %arg12: memref<40xi32, #tpu.memory_space<vmem>>, %arg13: memref<40xi32, #tpu.memory_space<vmem>>, %arg14: memref<40xi32, #tpu.memory_space<vmem>>, %arg15: memref<40xi32, #tpu.memory_space<vmem>>, %arg16: memref<40xi32, #tpu.memory_space<vmem>>, %arg17: memref<128x128xf32, #tpu.memory_space<vmem>>, %arg18: memref<!tpu.dma_semaphore, #tpu.memory_space<semaphore_mem>>, %arg19: memref<!tpu.dma_semaphore, #tpu.memory_space<semaphore_mem>>, %arg20: memref<!tpu.dma_semaphore, #tpu.memory_space<semaphore_mem>>, %arg21: memref<!tpu.dma_semaphore, #tpu.memory_space<semaphore_mem>>, %arg22: memref<!tpu.dma_semaphore, #tpu.memory_space<semaphore_mem>>, %arg23: memref<!tpu.dma_semaphore, #tpu.memory_space<semaphore_mem>>, %arg24: memref<!tpu.dma_semaphore, #tpu.memory_space<semaphore_mem>>, %arg25: memref<!tpu.dma_semaphore, #tpu.memory_space<semaphore_mem>>, %arg26: memref<!tpu.dma_semaphore, #tpu.memory_space<semaphore_mem>>, %arg27: memref<!tpu.dma_semaphore, #tpu.memory_space<semaphore_mem>>, %arg28: memref<!tpu.dma_semaphore, #tpu.memory_space<semaphore_mem>>) attributes {dimension_semantics = [#tpu.dimension_semantics<core_parallel>, #tpu.dimension_semantics<subcore_parallel>], iteration_bounds = array<i64: 2, 16>, scalar_prefetch = 0 : i64, scratch_operands = 23 : i64, tpu.core_type = #tpu.core_type<sc_vector_subcore>, window_params = [{transform_indices = #map}, {transform_indices = #map1}, {transform_indices = #map}, {transform_indices = #map2}]} {
    %mul3A = arith.constant 2 : i32
    %mul3A_0 = arith.muli %arg1, %mul3A : i32
    %add3A = arith.addi %mul3A_0, %arg0 : i32
    %mul3A_1 = arith.constant 10000 : i32
    %mul3A_2 = arith.muli %add3A, %mul3A_1 : i32
    "tpu.region"() ({
      %run_scoped3A = tpu.sem_alloc : memref<!tpu.dma_semaphore, #tpu.memory_space<semaphore_mem>>
      tpu.enqueue_dma source(%arg4 : memref<128x128xf32, #tpu.memory_space<hbm>>) target(%arg17 : memref<128x128xf32, #tpu.memory_space<vmem>>) target_semaphore(%run_scoped3A : memref<!tpu.dma_semaphore, #tpu.memory_space<semaphore_mem>>)
      tpu.wait_dma2 semaphore(%run_scoped3A : memref<!tpu.dma_semaphore, #tpu.memory_space<semaphore_mem>>) src(%arg4 : memref<128x128xf32, #tpu.memory_space<hbm>>) dst(%arg17 : memref<128x128xf32, #tpu.memory_space<vmem>>)
      tpu.yield
    }) : () -> ()
    %mul3A_3 = arith.constant 640 : i32
    %mul3A_4 = arith.muli %arg1, %mul3A_3 : i32
    %add3A_5 = arith.constant 0 : i32
    %add3A_6 = arith.addi %mul3A_4, %add3A_5 : i32
    %dma_start3A = arith.constant 0 : i32
    %dma_start3A_7 = tpu.memref_slice %arg6[%add3A_6, %dma_start3A] : memref<10240x128xf32, #tpu.memory_space<vmem_shared>> -> memref<128x128xf32, #tpu.memory_space<vmem_shared>>
    %dma_start3A_8 = arith.constant 0 : i32
    %dma_start3A_9 = tpu.memref_slice %arg6[%add3A_6, %dma_start3A_8] : memref<10240x128xf32, #tpu.memory_space<vmem_shared>> -> memref<128x128xf32, #tpu.memory_space<vmem_shared>>
    tpu.enqueue_dma source(%arg17 : memref<128x128xf32, #tpu.memory_space<vmem>>) target(%dma_start3A_9 : memref<128x128xf32, #tpu.memory_space<vmem_shared>>) target_semaphore(%arg28 : memref<!tpu.dma_semaphore, #tpu.memory_space<semaphore_mem>>)
    %mul3A_10 = arith.constant 640 : i32
    %mul3A_11 = arith.muli %arg1, %mul3A_10 : i32
    %add3A_12 = arith.constant 128 : i32
    %add3A_13 = arith.addi %mul3A_11, %add3A_12 : i32
    %dma_start3A_14 = arith.constant 0 : i32
    %dma_start3A_15 = tpu.memref_slice %arg6[%add3A_13, %dma_start3A_14] : memref<10240x128xf32, #tpu.memory_space<vmem_shared>> -> memref<128x128xf32, #tpu.memory_space<vmem_shared>>
    %dma_start3A_16 = arith.constant 0 : i32
    %dma_start3A_17 = tpu.memref_slice %arg6[%add3A_13, %dma_start3A_16] : memref<10240x128xf32, #tpu.memory_space<vmem_shared>> -> memref<128x128xf32, #tpu.memory_space<vmem_shared>>
    tpu.enqueue_dma source(%arg17 : memref<128x128xf32, #tpu.memory_space<vmem>>) target(%dma_start3A_17 : memref<128x128xf32, #tpu.memory_space<vmem_shared>>) target_semaphore(%arg28 : memref<!tpu.dma_semaphore, #tpu.memory_space<semaphore_mem>>)
    %mul3A_18 = arith.constant 640 : i32
    %mul3A_19 = arith.muli %arg1, %mul3A_18 : i32
    %add3A_20 = arith.constant 256 : i32
    %add3A_21 = arith.addi %mul3A_19, %add3A_20 : i32
    %dma_start3A_22 = arith.constant 0 : i32
    %dma_start3A_23 = tpu.memref_slice %arg6[%add3A_21, %dma_start3A_22] : memref<10240x128xf32, #tpu.memory_space<vmem_shared>> -> memref<128x128xf32, #tpu.memory_space<vmem_shared>>
    %dma_start3A_24 = arith.constant 0 : i32
    %dma_start3A_25 = tpu.memref_slice %arg6[%add3A_21, %dma_start3A_24] : memref<10240x128xf32, #tpu.memory_space<vmem_shared>> -> memref<128x128xf32, #tpu.memory_space<vmem_shared>>
    tpu.enqueue_dma source(%arg17 : memref<128x128xf32, #tpu.memory_space<vmem>>) target(%dma_start3A_25 : memref<128x128xf32, #tpu.memory_space<vmem_shared>>) target_semaphore(%arg28 : memref<!tpu.dma_semaphore, #tpu.memory_space<semaphore_mem>>)
    %mul3A_26 = arith.constant 640 : i32
    %mul3A_27 = arith.muli %arg1, %mul3A_26 : i32
    %add3A_28 = arith.constant 384 : i32
    %add3A_29 = arith.addi %mul3A_27, %add3A_28 : i32
    %dma_start3A_30 = arith.constant 0 : i32
    %dma_start3A_31 = tpu.memref_slice %arg6[%add3A_29, %dma_start3A_30] : memref<10240x128xf32, #tpu.memory_space<vmem_shared>> -> memref<128x128xf32, #tpu.memory_space<vmem_shared>>
    %dma_start3A_32 = arith.constant 0 : i32
    %dma_start3A_33 = tpu.memref_slice %arg6[%add3A_29, %dma_start3A_32] : memref<10240x128xf32, #tpu.memory_space<vmem_shared>> -> memref<128x128xf32, #tpu.memory_space<vmem_shared>>
    tpu.enqueue_dma source(%arg17 : memref<128x128xf32, #tpu.memory_space<vmem>>) target(%dma_start3A_33 : memref<128x128xf32, #tpu.memory_space<vmem_shared>>) target_semaphore(%arg28 : memref<!tpu.dma_semaphore, #tpu.memory_space<semaphore_mem>>)
    %mul3A_34 = arith.constant 640 : i32
    %mul3A_35 = arith.muli %arg1, %mul3A_34 : i32
    %add3A_36 = arith.constant 512 : i32
    %add3A_37 = arith.addi %mul3A_35, %add3A_36 : i32
    %dma_start3A_38 = arith.constant 0 : i32
    %dma_start3A_39 = tpu.memref_slice %arg6[%add3A_37, %dma_start3A_38] : memref<10240x128xf32, #tpu.memory_space<vmem_shared>> -> memref<128x128xf32, #tpu.memory_space<vmem_shared>>
    %dma_start3A_40 = arith.constant 0 : i32
    %dma_start3A_41 = tpu.memref_slice %arg6[%add3A_37, %dma_start3A_40] : memref<10240x128xf32, #tpu.memory_space<vmem_shared>> -> memref<128x128xf32, #tpu.memory_space<vmem_shared>>
    tpu.enqueue_dma source(%arg17 : memref<128x128xf32, #tpu.memory_space<vmem>>) target(%dma_start3A_41 : memref<128x128xf32, #tpu.memory_space<vmem_shared>>) target_semaphore(%arg28 : memref<!tpu.dma_semaphore, #tpu.memory_space<semaphore_mem>>)
    %mul3A_42 = arith.constant 640 : i32
    %mul3A_43 = arith.muli %arg1, %mul3A_42 : i32
    %add3A_44 = arith.constant 0 : i32
    %add3A_45 = arith.addi %mul3A_43, %add3A_44 : i32
    %dma_wait3A = arith.constant 0 : i32
    %dma_wait3A_46 = tpu.memref_slice %arg6[%add3A_45, %dma_wait3A] : memref<10240x128xf32, #tpu.memory_space<vmem_shared>> -> memref<128x128xf32, #tpu.memory_space<vmem_shared>>
    %dma_wait3A_47 = arith.constant 0 : i32
    %dma_wait3A_48 = tpu.memref_slice %arg6[%add3A_45, %dma_wait3A_47] : memref<10240x128xf32, #tpu.memory_space<vmem_shared>> -> memref<128x128xf32, #tpu.memory_space<vmem_shared>>
    tpu.wait_dma2 semaphore(%arg28 : memref<!tpu.dma_semaphore, #tpu.memory_space<semaphore_mem>>) src(%arg17 : memref<128x128xf32, #tpu.memory_space<vmem>>) dst(%dma_wait3A_48 : memref<128x128xf32, #tpu.memory_space<vmem_shared>>)
    %mul3A_49 = arith.constant 640 : i32
    %mul3A_50 = arith.muli %arg1, %mul3A_49 : i32
    %add3A_51 = arith.constant 128 : i32
    %add3A_52 = arith.addi %mul3A_50, %add3A_51 : i32
    %dma_wait3A_53 = arith.constant 0 : i32
    %dma_wait3A_54 = tpu.memref_slice %arg6[%add3A_52, %dma_wait3A_53] : memref<10240x128xf32, #tpu.memory_space<vmem_shared>> -> memref<128x128xf32, #tpu.memory_space<vmem_shared>>
    %dma_wait3A_55 = arith.constant 0 : i32
    %dma_wait3A_56 = tpu.memref_slice %arg6[%add3A_52, %dma_wait3A_55] : memref<10240x128xf32, #tpu.memory_space<vmem_shared>> -> memref<128x128xf32, #tpu.memory_space<vmem_shared>>
    tpu.wait_dma2 semaphore(%arg28 : memref<!tpu.dma_semaphore, #tpu.memory_space<semaphore_mem>>) src(%arg17 : memref<128x128xf32, #tpu.memory_space<vmem>>) dst(%dma_wait3A_56 : memref<128x128xf32, #tpu.memory_space<vmem_shared>>)
    %mul3A_57 = arith.constant 640 : i32
    %mul3A_58 = arith.muli %arg1, %mul3A_57 : i32
    %add3A_59 = arith.constant 256 : i32
    %add3A_60 = arith.addi %mul3A_58, %add3A_59 : i32
    %dma_wait3A_61 = arith.constant 0 : i32
    %dma_wait3A_62 = tpu.memref_slice %arg6[%add3A_60, %dma_wait3A_61] : memref<10240x128xf32, #tpu.memory_space<vmem_shared>> -> memref<128x128xf32, #tpu.memory_space<vmem_shared>>
    %dma_wait3A_63 = arith.constant 0 : i32
    %dma_wait3A_64 = tpu.memref_slice %arg6[%add3A_60, %dma_wait3A_63] : memref<10240x128xf32, #tpu.memory_space<vmem_shared>> -> memref<128x128xf32, #tpu.memory_space<vmem_shared>>
    tpu.wait_dma2 semaphore(%arg28 : memref<!tpu.dma_semaphore, #tpu.memory_space<semaphore_mem>>) src(%arg17 : memref<128x128xf32, #tpu.memory_space<vmem>>) dst(%dma_wait3A_64 : memref<128x128xf32, #tpu.memory_space<vmem_shared>>)
    %mul3A_65 = arith.constant 640 : i32
    %mul3A_66 = arith.muli %arg1, %mul3A_65 : i32
    %add3A_67 = arith.constant 384 : i32
    %add3A_68 = arith.addi %mul3A_66, %add3A_67 : i32
    %dma_wait3A_69 = arith.constant 0 : i32
    %dma_wait3A_70 = tpu.memref_slice %arg6[%add3A_68, %dma_wait3A_69] : memref<10240x128xf32, #tpu.memory_space<vmem_shared>> -> memref<128x128xf32, #tpu.memory_space<vmem_shared>>
    %dma_wait3A_71 = arith.constant 0 : i32
    %dma_wait3A_72 = tpu.memref_slice %arg6[%add3A_68, %dma_wait3A_71] : memref<10240x128xf32, #tpu.memory_space<vmem_shared>> -> memref<128x128xf32, #tpu.memory_space<vmem_shared>>
    tpu.wait_dma2 semaphore(%arg28 : memref<!tpu.dma_semaphore, #tpu.memory_space<semaphore_mem>>) src(%arg17 : memref<128x128xf32, #tpu.memory_space<vmem>>) dst(%dma_wait3A_72 : memref<128x128xf32, #tpu.memory_space<vmem_shared>>)
    %mul3A_73 = arith.constant 640 : i32
    %mul3A_74 = arith.muli %arg1, %mul3A_73 : i32
    %add3A_75 = arith.constant 512 : i32
    %add3A_76 = arith.addi %mul3A_74, %add3A_75 : i32
    %dma_wait3A_77 = arith.constant 0 : i32
    %dma_wait3A_78 = tpu.memref_slice %arg6[%add3A_76, %dma_wait3A_77] : memref<10240x128xf32, #tpu.memory_space<vmem_shared>> -> memref<128x128xf32, #tpu.memory_space<vmem_shared>>
    %dma_wait3A_79 = arith.constant 0 : i32
    %dma_wait3A_80 = tpu.memref_slice %arg6[%add3A_76, %dma_wait3A_79] : memref<10240x128xf32, #tpu.memory_space<vmem_shared>> -> memref<128x128xf32, #tpu.memory_space<vmem_shared>>
    tpu.wait_dma2 semaphore(%arg28 : memref<!tpu.dma_semaphore, #tpu.memory_space<semaphore_mem>>) src(%arg17 : memref<128x128xf32, #tpu.memory_space<vmem>>) dst(%dma_wait3A_80 : memref<128x128xf32, #tpu.memory_space<vmem_shared>>)
    %barrier3A = arith.constant 0 : index
    tpu.barrier barrier_id(%barrier3A)
    %add3A_81 = arith.constant 0 : i32
    %add3A_82 = arith.addi %mul3A_2, %add3A_81 : i32
    %dma_start3A_83 = tpu.memref_slice %arg3[%add3A_82] : memref<320000xi32, #tpu.memory_space<hbm>> -> memref<40xi32, #tpu.memory_space<hbm>>
    %dma_start3A_84 = tpu.memref_slice %arg3[%add3A_82] : memref<320000xi32, #tpu.memory_space<hbm>> -> memref<40xi32, #tpu.memory_space<hbm>>
    tpu.enqueue_dma source(%dma_start3A_84 : memref<40xi32, #tpu.memory_space<hbm>>) target(%arg12 : memref<40xi32, #tpu.memory_space<vmem>>) target_semaphore(%arg18 : memref<!tpu.dma_semaphore, #tpu.memory_space<semaphore_mem>>)
    %add3A_85 = arith.constant 0 : i32
    %add3A_86 = arith.addi %mul3A_2, %add3A_85 : i32
    %dma_start3A_87 = arith.constant 0 : i32
    %dma_start3A_88 = tpu.memref_slice %arg2[%add3A_86, %dma_start3A_87] : memref<320000x128xf32, #tpu.memory_space<hbm>> -> memref<40x128xf32, #tpu.memory_space<hbm>>
    %dma_start3A_89 = arith.constant 0 : i32
    %dma_start3A_90 = tpu.memref_slice %arg2[%add3A_86, %dma_start3A_89] : memref<320000x128xf32, #tpu.memory_space<hbm>> -> memref<40x128xf32, #tpu.memory_space<hbm>>
    tpu.enqueue_dma source(%dma_start3A_90 : memref<40x128xf32, #tpu.memory_space<hbm>>) target(%arg7 : memref<40x128xf32, #tpu.memory_space<vmem>>) target_semaphore(%arg18 : memref<!tpu.dma_semaphore, #tpu.memory_space<semaphore_mem>>)
    %add3A_91 = arith.constant 40 : i32
    %add3A_92 = arith.addi %mul3A_2, %add3A_91 : i32
    %dma_start3A_93 = tpu.memref_slice %arg3[%add3A_92] : memref<320000xi32, #tpu.memory_space<hbm>> -> memref<40xi32, #tpu.memory_space<hbm>>
    %dma_start3A_94 = tpu.memref_slice %arg3[%add3A_92] : memref<320000xi32, #tpu.memory_space<hbm>> -> memref<40xi32, #tpu.memory_space<hbm>>
    tpu.enqueue_dma source(%dma_start3A_94 : memref<40xi32, #tpu.memory_space<hbm>>) target(%arg13 : memref<40xi32, #tpu.memory_space<vmem>>) target_semaphore(%arg19 : memref<!tpu.dma_semaphore, #tpu.memory_space<semaphore_mem>>)
    %add3A_95 = arith.constant 40 : i32
    %add3A_96 = arith.addi %mul3A_2, %add3A_95 : i32
    %dma_start3A_97 = arith.constant 0 : i32
    %dma_start3A_98 = tpu.memref_slice %arg2[%add3A_96, %dma_start3A_97] : memref<320000x128xf32, #tpu.memory_space<hbm>> -> memref<40x128xf32, #tpu.memory_space<hbm>>
    %dma_start3A_99 = arith.constant 0 : i32
    %dma_start3A_100 = tpu.memref_slice %arg2[%add3A_96, %dma_start3A_99] : memref<320000x128xf32, #tpu.memory_space<hbm>> -> memref<40x128xf32, #tpu.memory_space<hbm>>
    tpu.enqueue_dma source(%dma_start3A_100 : memref<40x128xf32, #tpu.memory_space<hbm>>) target(%arg8 : memref<40x128xf32, #tpu.memory_space<vmem>>) target_semaphore(%arg19 : memref<!tpu.dma_semaphore, #tpu.memory_space<semaphore_mem>>)
    %add3A_101 = arith.constant 80 : i32
    %add3A_102 = arith.addi %mul3A_2, %add3A_101 : i32
    %dma_start3A_103 = tpu.memref_slice %arg3[%add3A_102] : memref<320000xi32, #tpu.memory_space<hbm>> -> memref<40xi32, #tpu.memory_space<hbm>>
    %dma_start3A_104 = tpu.memref_slice %arg3[%add3A_102] : memref<320000xi32, #tpu.memory_space<hbm>> -> memref<40xi32, #tpu.memory_space<hbm>>
    tpu.enqueue_dma source(%dma_start3A_104 : memref<40xi32, #tpu.memory_space<hbm>>) target(%arg14 : memref<40xi32, #tpu.memory_space<vmem>>) target_semaphore(%arg20 : memref<!tpu.dma_semaphore, #tpu.memory_space<semaphore_mem>>)
    %add3A_105 = arith.constant 80 : i32
    %add3A_106 = arith.addi %mul3A_2, %add3A_105 : i32
    %dma_start3A_107 = arith.constant 0 : i32
    %dma_start3A_108 = tpu.memref_slice %arg2[%add3A_106, %dma_start3A_107] : memref<320000x128xf32, #tpu.memory_space<hbm>> -> memref<40x128xf32, #tpu.memory_space<hbm>>
    %dma_start3A_109 = arith.constant 0 : i32
    %dma_start3A_110 = tpu.memref_slice %arg2[%add3A_106, %dma_start3A_109] : memref<320000x128xf32, #tpu.memory_space<hbm>> -> memref<40x128xf32, #tpu.memory_space<hbm>>
    tpu.enqueue_dma source(%dma_start3A_110 : memref<40x128xf32, #tpu.memory_space<hbm>>) target(%arg9 : memref<40x128xf32, #tpu.memory_space<vmem>>) target_semaphore(%arg20 : memref<!tpu.dma_semaphore, #tpu.memory_space<semaphore_mem>>)
    %add3A_111 = arith.constant 120 : i32
    %add3A_112 = arith.addi %mul3A_2, %add3A_111 : i32
    %dma_start3A_113 = tpu.memref_slice %arg3[%add3A_112] : memref<320000xi32, #tpu.memory_space<hbm>> -> memref<40xi32, #tpu.memory_space<hbm>>
    %dma_start3A_114 = tpu.memref_slice %arg3[%add3A_112] : memref<320000xi32, #tpu.memory_space<hbm>> -> memref<40xi32, #tpu.memory_space<hbm>>
    tpu.enqueue_dma source(%dma_start3A_114 : memref<40xi32, #tpu.memory_space<hbm>>) target(%arg15 : memref<40xi32, #tpu.memory_space<vmem>>) target_semaphore(%arg21 : memref<!tpu.dma_semaphore, #tpu.memory_space<semaphore_mem>>)
    %add3A_115 = arith.constant 120 : i32
    %add3A_116 = arith.addi %mul3A_2, %add3A_115 : i32
    %dma_start3A_117 = arith.constant 0 : i32
    %dma_start3A_118 = tpu.memref_slice %arg2[%add3A_116, %dma_start3A_117] : memref<320000x128xf32, #tpu.memory_space<hbm>> -> memref<40x128xf32, #tpu.memory_space<hbm>>
    %dma_start3A_119 = arith.constant 0 : i32
    %dma_start3A_120 = tpu.memref_slice %arg2[%add3A_116, %dma_start3A_119] : memref<320000x128xf32, #tpu.memory_space<hbm>> -> memref<40x128xf32, #tpu.memory_space<hbm>>
    tpu.enqueue_dma source(%dma_start3A_120 : memref<40x128xf32, #tpu.memory_space<hbm>>) target(%arg10 : memref<40x128xf32, #tpu.memory_space<vmem>>) target_semaphore(%arg21 : memref<!tpu.dma_semaphore, #tpu.memory_space<semaphore_mem>>)
    %add3A_121 = arith.constant 160 : i32
    %add3A_122 = arith.addi %mul3A_2, %add3A_121 : i32
    %dma_start3A_123 = tpu.memref_slice %arg3[%add3A_122] : memref<320000xi32, #tpu.memory_space<hbm>> -> memref<40xi32, #tpu.memory_space<hbm>>
    %dma_start3A_124 = tpu.memref_slice %arg3[%add3A_122] : memref<320000xi32, #tpu.memory_space<hbm>> -> memref<40xi32, #tpu.memory_space<hbm>>
    tpu.enqueue_dma source(%dma_start3A_124 : memref<40xi32, #tpu.memory_space<hbm>>) target(%arg16 : memref<40xi32, #tpu.memory_space<vmem>>) target_semaphore(%arg22 : memref<!tpu.dma_semaphore, #tpu.memory_space<semaphore_mem>>)
    %add3A_125 = arith.constant 160 : i32
    %add3A_126 = arith.addi %mul3A_2, %add3A_125 : i32
    %dma_start3A_127 = arith.constant 0 : i32
    %dma_start3A_128 = tpu.memref_slice %arg2[%add3A_126, %dma_start3A_127] : memref<320000x128xf32, #tpu.memory_space<hbm>> -> memref<40x128xf32, #tpu.memory_space<hbm>>
    %dma_start3A_129 = arith.constant 0 : i32
    %dma_start3A_130 = tpu.memref_slice %arg2[%add3A_126, %dma_start3A_129] : memref<320000x128xf32, #tpu.memory_space<hbm>> -> memref<40x128xf32, #tpu.memory_space<hbm>>
    tpu.enqueue_dma source(%dma_start3A_130 : memref<40x128xf32, #tpu.memory_space<hbm>>) target(%arg11 : memref<40x128xf32, #tpu.memory_space<vmem>>) target_semaphore(%arg22 : memref<!tpu.dma_semaphore, #tpu.memory_space<semaphore_mem>>)
    %scan3A = arith.constant 0 : i32
    %scan3A_131 = arith.constant 0 : i32
    %scan3A_132 = arith.constant 49 : i32
    %scan3A_133 = arith.addi %scan3A_131, %scan3A_132 : i32
    %scan3A_134 = arith.constant 1 : i32
    scf.for %scan3A_507 = %scan3A_131 to %scan3A_133 step %scan3A_134  : i32 {
      %mul3A_508 = arith.constant 5 : i32
      %mul3A_509 = arith.muli %scan3A_507, %mul3A_508 : i32
      %add3A_510 = arith.constant 0 : i32
      %add3A_511 = arith.addi %mul3A_509, %add3A_510 : i32
      %mul3A_512 = arith.constant 40 : i32
      %mul3A_513 = arith.muli %add3A_511, %mul3A_512 : i32
      %add3A_514 = arith.addi %mul3A_2, %mul3A_513 : i32
      %dma_wait3A_515 = tpu.memref_slice %arg3[%add3A_514] : memref<320000xi32, #tpu.memory_space<hbm>> -> memref<40xi32, #tpu.memory_space<hbm>>
      %dma_wait3A_516 = tpu.memref_slice %arg3[%add3A_514] : memref<320000xi32, #tpu.memory_space<hbm>> -> memref<40xi32, #tpu.memory_space<hbm>>
      tpu.wait_dma2 semaphore(%arg18 : memref<!tpu.dma_semaphore, #tpu.memory_space<semaphore_mem>>) src(%dma_wait3A_516 : memref<40xi32, #tpu.memory_space<hbm>>) dst(%arg12 : memref<40xi32, #tpu.memory_space<vmem>>)
      %add3A_517 = arith.addi %mul3A_2, %mul3A_513 : i32
      %dma_wait3A_518 = arith.constant 0 : i32
      %dma_wait3A_519 = tpu.memref_slice %arg2[%add3A_517, %dma_wait3A_518] : memref<320000x128xf32, #tpu.memory_space<hbm>> -> memref<40x128xf32, #tpu.memory_space<hbm>>
      %dma_wait3A_520 = arith.constant 0 : i32
      %dma_wait3A_521 = tpu.memref_slice %arg2[%add3A_517, %dma_wait3A_520] : memref<320000x128xf32, #tpu.memory_space<hbm>> -> memref<40x128xf32, #tpu.memory_space<hbm>>
      tpu.wait_dma2 semaphore(%arg18 : memref<!tpu.dma_semaphore, #tpu.memory_space<semaphore_mem>>) src(%dma_wait3A_521 : memref<40x128xf32, #tpu.memory_space<hbm>>) dst(%arg7 : memref<40x128xf32, #tpu.memory_space<vmem>>)
      "tpu.region"() ({
        %run_scoped3A = tpu.sem_alloc : memref<!tpu.dma_semaphore, #tpu.memory_space<semaphore_mem>>
        %dma_start3A_628 = arith.constant 0 : i32
        %dma_start3A_629 = arith.constant 0 : i32
        %dma_start3A_630 = tpu.memref_slice %arg6[%dma_start3A_628, %dma_start3A_629] : memref<10240x128xf32, #tpu.memory_space<vmem_shared>> -> memref<10240x128xf32, #tpu.memory_space<vmem_shared>>
        tpu.enqueue_indirect_dma source(%arg7 : memref<40x128xf32, #tpu.memory_space<vmem>>) target(%dma_start3A_630 : memref<10240x128xf32, #tpu.memory_space<vmem_shared>>) offsets(%arg12 : memref<40xi32, #tpu.memory_space<vmem>>) semaphore(%run_scoped3A : memref<!tpu.dma_semaphore, #tpu.memory_space<semaphore_mem>>) {add = true}
        %dma_wait3A_631 = arith.constant 0 : i32
        %dma_wait3A_632 = arith.constant 0 : i32
        %dma_wait3A_633 = tpu.memref_slice %arg6[%dma_wait3A_631, %dma_wait3A_632] : memref<10240x128xf32, #tpu.memory_space<vmem_shared>> -> memref<10240x128xf32, #tpu.memory_space<vmem_shared>>
        tpu.wait_indirect_dma semaphore(%run_scoped3A : memref<!tpu.dma_semaphore, #tpu.memory_space<semaphore_mem>>) src(%arg7 : memref<40x128xf32, #tpu.memory_space<vmem>>) dst(%dma_wait3A_633 : memref<10240x128xf32, #tpu.memory_space<vmem_shared>>)
        tpu.yield
      }) : () -> ()
      %add3A_522 = arith.constant 200 : i32
      %add3A_523 = arith.addi %mul3A_513, %add3A_522 : i32
      %add3A_524 = arith.addi %mul3A_2, %add3A_523 : i32
      %dma_start3A_525 = tpu.memref_slice %arg3[%add3A_524] : memref<320000xi32, #tpu.memory_space<hbm>> -> memref<40xi32, #tpu.memory_space<hbm>>
      %dma_start3A_526 = tpu.memref_slice %arg3[%add3A_524] : memref<320000xi32, #tpu.memory_space<hbm>> -> memref<40xi32, #tpu.memory_space<hbm>>
      tpu.enqueue_dma source(%dma_start3A_526 : memref<40xi32, #tpu.memory_space<hbm>>) target(%arg12 : memref<40xi32, #tpu.memory_space<vmem>>) target_semaphore(%arg18 : memref<!tpu.dma_semaphore, #tpu.memory_space<semaphore_mem>>)
      %add3A_527 = arith.addi %mul3A_2, %add3A_523 : i32
      %dma_start3A_528 = arith.constant 0 : i32
      %dma_start3A_529 = tpu.memref_slice %arg2[%add3A_527, %dma_start3A_528] : memref<320000x128xf32, #tpu.memory_space<hbm>> -> memref<40x128xf32, #tpu.memory_space<hbm>>
      %dma_start3A_530 = arith.constant 0 : i32
      %dma_start3A_531 = tpu.memref_slice %arg2[%add3A_527, %dma_start3A_530] : memref<320000x128xf32, #tpu.memory_space<hbm>> -> memref<40x128xf32, #tpu.memory_space<hbm>>
      tpu.enqueue_dma source(%dma_start3A_531 : memref<40x128xf32, #tpu.memory_space<hbm>>) target(%arg7 : memref<40x128xf32, #tpu.memory_space<vmem>>) target_semaphore(%arg18 : memref<!tpu.dma_semaphore, #tpu.memory_space<semaphore_mem>>)
      %mul3A_532 = arith.constant 5 : i32
      %mul3A_533 = arith.muli %scan3A_507, %mul3A_532 : i32
      %add3A_534 = arith.constant 1 : i32
      %add3A_535 = arith.addi %mul3A_533, %add3A_534 : i32
      %mul3A_536 = arith.constant 40 : i32
      %mul3A_537 = arith.muli %add3A_535, %mul3A_536 : i32
      %add3A_538 = arith.addi %mul3A_2, %mul3A_537 : i32
      %dma_wait3A_539 = tpu.memref_slice %arg3[%add3A_538] : memref<320000xi32, #tpu.memory_space<hbm>> -> memref<40xi32, #tpu.memory_space<hbm>>
      %dma_wait3A_540 = tpu.memref_slice %arg3[%add3A_538] : memref<320000xi32, #tpu.memory_space<hbm>> -> memref<40xi32, #tpu.memory_space<hbm>>
      tpu.wait_dma2 semaphore(%arg19 : memref<!tpu.dma_semaphore, #tpu.memory_space<semaphore_mem>>) src(%dma_wait3A_540 : memref<40xi32, #tpu.memory_space<hbm>>) dst(%arg13 : memref<40xi32, #tpu.memory_space<vmem>>)
      %add3A_541 = arith.addi %mul3A_2, %mul3A_537 : i32
      %dma_wait3A_542 = arith.constant 0 : i32
      %dma_wait3A_543 = tpu.memref_slice %arg2[%add3A_541, %dma_wait3A_542] : memref<320000x128xf32, #tpu.memory_space<hbm>> -> memref<40x128xf32, #tpu.memory_space<hbm>>
      %dma_wait3A_544 = arith.constant 0 : i32
      %dma_wait3A_545 = tpu.memref_slice %arg2[%add3A_541, %dma_wait3A_544] : memref<320000x128xf32, #tpu.memory_space<hbm>> -> memref<40x128xf32, #tpu.memory_space<hbm>>
      tpu.wait_dma2 semaphore(%arg19 : memref<!tpu.dma_semaphore, #tpu.memory_space<semaphore_mem>>) src(%dma_wait3A_545 : memref<40x128xf32, #tpu.memory_space<hbm>>) dst(%arg8 : memref<40x128xf32, #tpu.memory_space<vmem>>)
      "tpu.region"() ({
        %run_scoped3A = tpu.sem_alloc : memref<!tpu.dma_semaphore, #tpu.memory_space<semaphore_mem>>
        %dma_start3A_628 = arith.constant 0 : i32
        %dma_start3A_629 = arith.constant 0 : i32
        %dma_start3A_630 = tpu.memref_slice %arg6[%dma_start3A_628, %dma_start3A_629] : memref<10240x128xf32, #tpu.memory_space<vmem_shared>> -> memref<10240x128xf32, #tpu.memory_space<vmem_shared>>
        tpu.enqueue_indirect_dma source(%arg8 : memref<40x128xf32, #tpu.memory_space<vmem>>) target(%dma_start3A_630 : memref<10240x128xf32, #tpu.memory_space<vmem_shared>>) offsets(%arg13 : memref<40xi32, #tpu.memory_space<vmem>>) semaphore(%run_scoped3A : memref<!tpu.dma_semaphore, #tpu.memory_space<semaphore_mem>>) {add = true}
        %dma_wait3A_631 = arith.constant 0 : i32
        %dma_wait3A_632 = arith.constant 0 : i32
        %dma_wait3A_633 = tpu.memref_slice %arg6[%dma_wait3A_631, %dma_wait3A_632] : memref<10240x128xf32, #tpu.memory_space<vmem_shared>> -> memref<10240x128xf32, #tpu.memory_space<vmem_shared>>
        tpu.wait_indirect_dma semaphore(%run_scoped3A : memref<!tpu.dma_semaphore, #tpu.memory_space<semaphore_mem>>) src(%arg8 : memref<40x128xf32, #tpu.memory_space<vmem>>) dst(%dma_wait3A_633 : memref<10240x128xf32, #tpu.memory_space<vmem_shared>>)
        tpu.yield
      }) : () -> ()
      %add3A_546 = arith.constant 200 : i32
      %add3A_547 = arith.addi %mul3A_537, %add3A_546 : i32
      %add3A_548 = arith.addi %mul3A_2, %add3A_547 : i32
      %dma_start3A_549 = tpu.memref_slice %arg3[%add3A_548] : memref<320000xi32, #tpu.memory_space<hbm>> -> memref<40xi32, #tpu.memory_space<hbm>>
      %dma_start3A_550 = tpu.memref_slice %arg3[%add3A_548] : memref<320000xi32, #tpu.memory_space<hbm>> -> memref<40xi32, #tpu.memory_space<hbm>>
      tpu.enqueue_dma source(%dma_start3A_550 : memref<40xi32, #tpu.memory_space<hbm>>) target(%arg13 : memref<40xi32, #tpu.memory_space<vmem>>) target_semaphore(%arg19 : memref<!tpu.dma_semaphore, #tpu.memory_space<semaphore_mem>>)
      %add3A_551 = arith.addi %mul3A_2, %add3A_547 : i32
      %dma_start3A_552 = arith.constant 0 : i32
      %dma_start3A_553 = tpu.memref_slice %arg2[%add3A_551, %dma_start3A_552] : memref<320000x128xf32, #tpu.memory_space<hbm>> -> memref<40x128xf32, #tpu.memory_space<hbm>>
      %dma_start3A_554 = arith.constant 0 : i32
      %dma_start3A_555 = tpu.memref_slice %arg2[%add3A_551, %dma_start3A_554] : memref<320000x128xf32, #tpu.memory_space<hbm>> -> memref<40x128xf32, #tpu.memory_space<hbm>>
      tpu.enqueue_dma source(%dma_start3A_555 : memref<40x128xf32, #tpu.memory_space<hbm>>) target(%arg8 : memref<40x128xf32, #tpu.memory_space<vmem>>) target_semaphore(%arg19 : memref<!tpu.dma_semaphore, #tpu.memory_space<semaphore_mem>>)
      %mul3A_556 = arith.constant 5 : i32
      %mul3A_557 = arith.muli %scan3A_507, %mul3A_556 : i32
      %add3A_558 = arith.constant 2 : i32
      %add3A_559 = arith.addi %mul3A_557, %add3A_558 : i32
      %mul3A_560 = arith.constant 40 : i32
      %mul3A_561 = arith.muli %add3A_559, %mul3A_560 : i32
      %add3A_562 = arith.addi %mul3A_2, %mul3A_561 : i32
      %dma_wait3A_563 = tpu.memref_slice %arg3[%add3A_562] : memref<320000xi32, #tpu.memory_space<hbm>> -> memref<40xi32, #tpu.memory_space<hbm>>
      %dma_wait3A_564 = tpu.memref_slice %arg3[%add3A_562] : memref<320000xi32, #tpu.memory_space<hbm>> -> memref<40xi32, #tpu.memory_space<hbm>>
      tpu.wait_dma2 semaphore(%arg20 : memref<!tpu.dma_semaphore, #tpu.memory_space<semaphore_mem>>) src(%dma_wait3A_564 : memref<40xi32, #tpu.memory_space<hbm>>) dst(%arg14 : memref<40xi32, #tpu.memory_space<vmem>>)
      %add3A_565 = arith.addi %mul3A_2, %mul3A_561 : i32
      %dma_wait3A_566 = arith.constant 0 : i32
      %dma_wait3A_567 = tpu.memref_slice %arg2[%add3A_565, %dma_wait3A_566] : memref<320000x128xf32, #tpu.memory_space<hbm>> -> memref<40x128xf32, #tpu.memory_space<hbm>>
      %dma_wait3A_568 = arith.constant 0 : i32
      %dma_wait3A_569 = tpu.memref_slice %arg2[%add3A_565, %dma_wait3A_568] : memref<320000x128xf32, #tpu.memory_space<hbm>> -> memref<40x128xf32, #tpu.memory_space<hbm>>
      tpu.wait_dma2 semaphore(%arg20 : memref<!tpu.dma_semaphore, #tpu.memory_space<semaphore_mem>>) src(%dma_wait3A_569 : memref<40x128xf32, #tpu.memory_space<hbm>>) dst(%arg9 : memref<40x128xf32, #tpu.memory_space<vmem>>)
      "tpu.region"() ({
        %run_scoped3A = tpu.sem_alloc : memref<!tpu.dma_semaphore, #tpu.memory_space<semaphore_mem>>
        %dma_start3A_628 = arith.constant 0 : i32
        %dma_start3A_629 = arith.constant 0 : i32
        %dma_start3A_630 = tpu.memref_slice %arg6[%dma_start3A_628, %dma_start3A_629] : memref<10240x128xf32, #tpu.memory_space<vmem_shared>> -> memref<10240x128xf32, #tpu.memory_space<vmem_shared>>
        tpu.enqueue_indirect_dma source(%arg9 : memref<40x128xf32, #tpu.memory_space<vmem>>) target(%dma_start3A_630 : memref<10240x128xf32, #tpu.memory_space<vmem_shared>>) offsets(%arg14 : memref<40xi32, #tpu.memory_space<vmem>>) semaphore(%run_scoped3A : memref<!tpu.dma_semaphore, #tpu.memory_space<semaphore_mem>>) {add = true}
        %dma_wait3A_631 = arith.constant 0 : i32
        %dma_wait3A_632 = arith.constant 0 : i32
        %dma_wait3A_633 = tpu.memref_slice %arg6[%dma_wait3A_631, %dma_wait3A_632] : memref<10240x128xf32, #tpu.memory_space<vmem_shared>> -> memref<10240x128xf32, #tpu.memory_space<vmem_shared>>
        tpu.wait_indirect_dma semaphore(%run_scoped3A : memref<!tpu.dma_semaphore, #tpu.memory_space<semaphore_mem>>) src(%arg9 : memref<40x128xf32, #tpu.memory_space<vmem>>) dst(%dma_wait3A_633 : memref<10240x128xf32, #tpu.memory_space<vmem_shared>>)
        tpu.yield
      }) : () -> ()
      %add3A_570 = arith.constant 200 : i32
      %add3A_571 = arith.addi %mul3A_561, %add3A_570 : i32
      %add3A_572 = arith.addi %mul3A_2, %add3A_571 : i32
      %dma_start3A_573 = tpu.memref_slice %arg3[%add3A_572] : memref<320000xi32, #tpu.memory_space<hbm>> -> memref<40xi32, #tpu.memory_space<hbm>>
      %dma_start3A_574 = tpu.memref_slice %arg3[%add3A_572] : memref<320000xi32, #tpu.memory_space<hbm>> -> memref<40xi32, #tpu.memory_space<hbm>>
      tpu.enqueue_dma source(%dma_start3A_574 : memref<40xi32, #tpu.memory_space<hbm>>) target(%arg14 : memref<40xi32, #tpu.memory_space<vmem>>) target_semaphore(%arg20 : memref<!tpu.dma_semaphore, #tpu.memory_space<semaphore_mem>>)
      %add3A_575 = arith.addi %mul3A_2, %add3A_571 : i32
      %dma_start3A_576 = arith.constant 0 : i32
      %dma_start3A_577 = tpu.memref_slice %arg2[%add3A_575, %dma_start3A_576] : memref<320000x128xf32, #tpu.memory_space<hbm>> -> memref<40x128xf32, #tpu.memory_space<hbm>>
      %dma_start3A_578 = arith.constant 0 : i32
      %dma_start3A_579 = tpu.memref_slice %arg2[%add3A_575, %dma_start3A_578] : memref<320000x128xf32, #tpu.memory_space<hbm>> -> memref<40x128xf32, #tpu.memory_space<hbm>>
      tpu.enqueue_dma source(%dma_start3A_579 : memref<40x128xf32, #tpu.memory_space<hbm>>) target(%arg9 : memref<40x128xf32, #tpu.memory_space<vmem>>) target_semaphore(%arg20 : memref<!tpu.dma_semaphore, #tpu.memory_space<semaphore_mem>>)
      %mul3A_580 = arith.constant 5 : i32
      %mul3A_581 = arith.muli %scan3A_507, %mul3A_580 : i32
      %add3A_582 = arith.constant 3 : i32
      %add3A_583 = arith.addi %mul3A_581, %add3A_582 : i32
      %mul3A_584 = arith.constant 40 : i32
      %mul3A_585 = arith.muli %add3A_583, %mul3A_584 : i32
      %add3A_586 = arith.addi %mul3A_2, %mul3A_585 : i32
      %dma_wait3A_587 = tpu.memref_slice %arg3[%add3A_586] : memref<320000xi32, #tpu.memory_space<hbm>> -> memref<40xi32, #tpu.memory_space<hbm>>
      %dma_wait3A_588 = tpu.memref_slice %arg3[%add3A_586] : memref<320000xi32, #tpu.memory_space<hbm>> -> memref<40xi32, #tpu.memory_space<hbm>>
      tpu.wait_dma2 semaphore(%arg21 : memref<!tpu.dma_semaphore, #tpu.memory_space<semaphore_mem>>) src(%dma_wait3A_588 : memref<40xi32, #tpu.memory_space<hbm>>) dst(%arg15 : memref<40xi32, #tpu.memory_space<vmem>>)
      %add3A_589 = arith.addi %mul3A_2, %mul3A_585 : i32
      %dma_wait3A_590 = arith.constant 0 : i32
      %dma_wait3A_591 = tpu.memref_slice %arg2[%add3A_589, %dma_wait3A_590] : memref<320000x128xf32, #tpu.memory_space<hbm>> -> memref<40x128xf32, #tpu.memory_space<hbm>>
      %dma_wait3A_592 = arith.constant 0 : i32
      %dma_wait3A_593 = tpu.memref_slice %arg2[%add3A_589, %dma_wait3A_592] : memref<320000x128xf32, #tpu.memory_space<hbm>> -> memref<40x128xf32, #tpu.memory_space<hbm>>
      tpu.wait_dma2 semaphore(%arg21 : memref<!tpu.dma_semaphore, #tpu.memory_space<semaphore_mem>>) src(%dma_wait3A_593 : memref<40x128xf32, #tpu.memory_space<hbm>>) dst(%arg10 : memref<40x128xf32, #tpu.memory_space<vmem>>)
      "tpu.region"() ({
        %run_scoped3A = tpu.sem_alloc : memref<!tpu.dma_semaphore, #tpu.memory_space<semaphore_mem>>
        %dma_start3A_628 = arith.constant 0 : i32
        %dma_start3A_629 = arith.constant 0 : i32
        %dma_start3A_630 = tpu.memref_slice %arg6[%dma_start3A_628, %dma_start3A_629] : memref<10240x128xf32, #tpu.memory_space<vmem_shared>> -> memref<10240x128xf32, #tpu.memory_space<vmem_shared>>
        tpu.enqueue_indirect_dma source(%arg10 : memref<40x128xf32, #tpu.memory_space<vmem>>) target(%dma_start3A_630 : memref<10240x128xf32, #tpu.memory_space<vmem_shared>>) offsets(%arg15 : memref<40xi32, #tpu.memory_space<vmem>>) semaphore(%run_scoped3A : memref<!tpu.dma_semaphore, #tpu.memory_space<semaphore_mem>>) {add = true}
        %dma_wait3A_631 = arith.constant 0 : i32
        %dma_wait3A_632 = arith.constant 0 : i32
        %dma_wait3A_633 = tpu.memref_slice %arg6[%dma_wait3A_631, %dma_wait3A_632] : memref<10240x128xf32, #tpu.memory_space<vmem_shared>> -> memref<10240x128xf32, #tpu.memory_space<vmem_shared>>
        tpu.wait_indirect_dma semaphore(%run_scoped3A : memref<!tpu.dma_semaphore, #tpu.memory_space<semaphore_mem>>) src(%arg10 : memref<40x128xf32, #tpu.memory_space<vmem>>) dst(%dma_wait3A_633 : memref<10240x128xf32, #tpu.memory_space<vmem_shared>>)
        tpu.yield
      }) : () -> ()
      %add3A_594 = arith.constant 200 : i32
      %add3A_595 = arith.addi %mul3A_585, %add3A_594 : i32
      %add3A_596 = arith.addi %mul3A_2, %add3A_595 : i32
      %dma_start3A_597 = tpu.memref_slice %arg3[%add3A_596] : memref<320000xi32, #tpu.memory_space<hbm>> -> memref<40xi32, #tpu.memory_space<hbm>>
      %dma_start3A_598 = tpu.memref_slice %arg3[%add3A_596] : memref<320000xi32, #tpu.memory_space<hbm>> -> memref<40xi32, #tpu.memory_space<hbm>>
      tpu.enqueue_dma source(%dma_start3A_598 : memref<40xi32, #tpu.memory_space<hbm>>) target(%arg15 : memref<40xi32, #tpu.memory_space<vmem>>) target_semaphore(%arg21 : memref<!tpu.dma_semaphore, #tpu.memory_space<semaphore_mem>>)
      %add3A_599 = arith.addi %mul3A_2, %add3A_595 : i32
      %dma_start3A_600 = arith.constant 0 : i32
      %dma_start3A_601 = tpu.memref_slice %arg2[%add3A_599, %dma_start3A_600] : memref<320000x128xf32, #tpu.memory_space<hbm>> -> memref<40x128xf32, #tpu.memory_space<hbm>>
      %dma_start3A_602 = arith.constant 0 : i32
      %dma_start3A_603 = tpu.memref_slice %arg2[%add3A_599, %dma_start3A_602] : memref<320000x128xf32, #tpu.memory_space<hbm>> -> memref<40x128xf32, #tpu.memory_space<hbm>>
      tpu.enqueue_dma source(%dma_start3A_603 : memref<40x128xf32, #tpu.memory_space<hbm>>) target(%arg10 : memref<40x128xf32, #tpu.memory_space<vmem>>) target_semaphore(%arg21 : memref<!tpu.dma_semaphore, #tpu.memory_space<semaphore_mem>>)
      %mul3A_604 = arith.constant 5 : i32
      %mul3A_605 = arith.muli %scan3A_507, %mul3A_604 : i32
      %add3A_606 = arith.constant 4 : i32
      %add3A_607 = arith.addi %mul3A_605, %add3A_606 : i32
      %mul3A_608 = arith.constant 40 : i32
      %mul3A_609 = arith.muli %add3A_607, %mul3A_608 : i32
      %add3A_610 = arith.addi %mul3A_2, %mul3A_609 : i32
      %dma_wait3A_611 = tpu.memref_slice %arg3[%add3A_610] : memref<320000xi32, #tpu.memory_space<hbm>> -> memref<40xi32, #tpu.memory_space<hbm>>
      %dma_wait3A_612 = tpu.memref_slice %arg3[%add3A_610] : memref<320000xi32, #tpu.memory_space<hbm>> -> memref<40xi32, #tpu.memory_space<hbm>>
      tpu.wait_dma2 semaphore(%arg22 : memref<!tpu.dma_semaphore, #tpu.memory_space<semaphore_mem>>) src(%dma_wait3A_612 : memref<40xi32, #tpu.memory_space<hbm>>) dst(%arg16 : memref<40xi32, #tpu.memory_space<vmem>>)
      %add3A_613 = arith.addi %mul3A_2, %mul3A_609 : i32
      %dma_wait3A_614 = arith.constant 0 : i32
      %dma_wait3A_615 = tpu.memref_slice %arg2[%add3A_613, %dma_wait3A_614] : memref<320000x128xf32, #tpu.memory_space<hbm>> -> memref<40x128xf32, #tpu.memory_space<hbm>>
      %dma_wait3A_616 = arith.constant 0 : i32
      %dma_wait3A_617 = tpu.memref_slice %arg2[%add3A_613, %dma_wait3A_616] : memref<320000x128xf32, #tpu.memory_space<hbm>> -> memref<40x128xf32, #tpu.memory_space<hbm>>
      tpu.wait_dma2 semaphore(%arg22 : memref<!tpu.dma_semaphore, #tpu.memory_space<semaphore_mem>>) src(%dma_wait3A_617 : memref<40x128xf32, #tpu.memory_space<hbm>>) dst(%arg11 : memref<40x128xf32, #tpu.memory_space<vmem>>)
      "tpu.region"() ({
        %run_scoped3A = tpu.sem_alloc : memref<!tpu.dma_semaphore, #tpu.memory_space<semaphore_mem>>
        %dma_start3A_628 = arith.constant 0 : i32
        %dma_start3A_629 = arith.constant 0 : i32
        %dma_start3A_630 = tpu.memref_slice %arg6[%dma_start3A_628, %dma_start3A_629] : memref<10240x128xf32, #tpu.memory_space<vmem_shared>> -> memref<10240x128xf32, #tpu.memory_space<vmem_shared>>
        tpu.enqueue_indirect_dma source(%arg11 : memref<40x128xf32, #tpu.memory_space<vmem>>) target(%dma_start3A_630 : memref<10240x128xf32, #tpu.memory_space<vmem_shared>>) offsets(%arg16 : memref<40xi32, #tpu.memory_space<vmem>>) semaphore(%run_scoped3A : memref<!tpu.dma_semaphore, #tpu.memory_space<semaphore_mem>>) {add = true}
        %dma_wait3A_631 = arith.constant 0 : i32
        %dma_wait3A_632 = arith.constant 0 : i32
        %dma_wait3A_633 = tpu.memref_slice %arg6[%dma_wait3A_631, %dma_wait3A_632] : memref<10240x128xf32, #tpu.memory_space<vmem_shared>> -> memref<10240x128xf32, #tpu.memory_space<vmem_shared>>
        tpu.wait_indirect_dma semaphore(%run_scoped3A : memref<!tpu.dma_semaphore, #tpu.memory_space<semaphore_mem>>) src(%arg11 : memref<40x128xf32, #tpu.memory_space<vmem>>) dst(%dma_wait3A_633 : memref<10240x128xf32, #tpu.memory_space<vmem_shared>>)
        tpu.yield
      }) : () -> ()
      %add3A_618 = arith.constant 200 : i32
      %add3A_619 = arith.addi %mul3A_609, %add3A_618 : i32
      %add3A_620 = arith.addi %mul3A_2, %add3A_619 : i32
      %dma_start3A_621 = tpu.memref_slice %arg3[%add3A_620] : memref<320000xi32, #tpu.memory_space<hbm>> -> memref<40xi32, #tpu.memory_space<hbm>>
      %dma_start3A_622 = tpu.memref_slice %arg3[%add3A_620] : memref<320000xi32, #tpu.memory_space<hbm>> -> memref<40xi32, #tpu.memory_space<hbm>>
      tpu.enqueue_dma source(%dma_start3A_622 : memref<40xi32, #tpu.memory_space<hbm>>) target(%arg16 : memref<40xi32, #tpu.memory_space<vmem>>) target_semaphore(%arg22 : memref<!tpu.dma_semaphore, #tpu.memory_space<semaphore_mem>>)
      %add3A_623 = arith.addi %mul3A_2, %add3A_619 : i32
      %dma_start3A_624 = arith.constant 0 : i32
      %dma_start3A_625 = tpu.memref_slice %arg2[%add3A_623, %dma_start3A_624] : memref<320000x128xf32, #tpu.memory_space<hbm>> -> memref<40x128xf32, #tpu.memory_space<hbm>>
      %dma_start3A_626 = arith.constant 0 : i32
      %dma_start3A_627 = tpu.memref_slice %arg2[%add3A_623, %dma_start3A_626] : memref<320000x128xf32, #tpu.memory_space<hbm>> -> memref<40x128xf32, #tpu.memory_space<hbm>>
      tpu.enqueue_dma source(%dma_start3A_627 : memref<40x128xf32, #tpu.memory_space<hbm>>) target(%arg11 : memref<40x128xf32, #tpu.memory_space<vmem>>) target_semaphore(%arg22 : memref<!tpu.dma_semaphore, #tpu.memory_space<semaphore_mem>>)
    }
    %scan3A_135 = arith.constant 49 : i32
    %add3A_136 = arith.constant 9800 : i32
    %add3A_137 = arith.addi %mul3A_2, %add3A_136 : i32
    %dma_wait3A_138 = tpu.memref_slice %arg3[%add3A_137] : memref<320000xi32, #tpu.memory_space<hbm>> -> memref<40xi32, #tpu.memory_space<hbm>>
    %dma_wait3A_139 = tpu.memref_slice %arg3[%add3A_137] : memref<320000xi32, #tpu.memory_space<hbm>> -> memref<40xi32, #tpu.memory_space<hbm>>
    tpu.wait_dma2 semaphore(%arg18 : memref<!tpu.dma_semaphore, #tpu.memory_space<semaphore_mem>>) src(%dma_wait3A_139 : memref<40xi32, #tpu.memory_space<hbm>>) dst(%arg12 : memref<40xi32, #tpu.memory_space<vmem>>)
    %add3A_140 = arith.constant 9800 : i32
    %add3A_141 = arith.addi %mul3A_2, %add3A_140 : i32
    %dma_wait3A_142 = arith.constant 0 : i32
    %dma_wait3A_143 = tpu.memref_slice %arg2[%add3A_141, %dma_wait3A_142] : memref<320000x128xf32, #tpu.memory_space<hbm>> -> memref<40x128xf32, #tpu.memory_space<hbm>>
    %dma_wait3A_144 = arith.constant 0 : i32
    %dma_wait3A_145 = tpu.memref_slice %arg2[%add3A_141, %dma_wait3A_144] : memref<320000x128xf32, #tpu.memory_space<hbm>> -> memref<40x128xf32, #tpu.memory_space<hbm>>
    tpu.wait_dma2 semaphore(%arg18 : memref<!tpu.dma_semaphore, #tpu.memory_space<semaphore_mem>>) src(%dma_wait3A_145 : memref<40x128xf32, #tpu.memory_space<hbm>>) dst(%arg7 : memref<40x128xf32, #tpu.memory_space<vmem>>)
    "tpu.region"() ({
      %run_scoped3A = tpu.sem_alloc : memref<!tpu.dma_semaphore, #tpu.memory_space<semaphore_mem>>
      %dma_start3A_507 = arith.constant 0 : i32
      %dma_start3A_508 = arith.constant 0 : i32
      %dma_start3A_509 = tpu.memref_slice %arg6[%dma_start3A_507, %dma_start3A_508] : memref<10240x128xf32, #tpu.memory_space<vmem_shared>> -> memref<10240x128xf32, #tpu.memory_space<vmem_shared>>
      tpu.enqueue_indirect_dma source(%arg7 : memref<40x128xf32, #tpu.memory_space<vmem>>) target(%dma_start3A_509 : memref<10240x128xf32, #tpu.memory_space<vmem_shared>>) offsets(%arg12 : memref<40xi32, #tpu.memory_space<vmem>>) semaphore(%run_scoped3A : memref<!tpu.dma_semaphore, #tpu.memory_space<semaphore_mem>>) {add = true}
      %dma_wait3A_510 = arith.constant 0 : i32
      %dma_wait3A_511 = arith.constant 0 : i32
      %dma_wait3A_512 = tpu.memref_slice %arg6[%dma_wait3A_510, %dma_wait3A_511] : memref<10240x128xf32, #tpu.memory_space<vmem_shared>> -> memref<10240x128xf32, #tpu.memory_space<vmem_shared>>
      tpu.wait_indirect_dma semaphore(%run_scoped3A : memref<!tpu.dma_semaphore, #tpu.memory_space<semaphore_mem>>) src(%arg7 : memref<40x128xf32, #tpu.memory_space<vmem>>) dst(%dma_wait3A_512 : memref<10240x128xf32, #tpu.memory_space<vmem_shared>>)
      tpu.yield
    }) : () -> ()
    %add3A_146 = arith.constant 9840 : i32
    %add3A_147 = arith.addi %mul3A_2, %add3A_146 : i32
    %dma_wait3A_148 = tpu.memref_slice %arg3[%add3A_147] : memref<320000xi32, #tpu.memory_space<hbm>> -> memref<40xi32, #tpu.memory_space<hbm>>
    %dma_wait3A_149 = tpu.memref_slice %arg3[%add3A_147] : memref<320000xi32, #tpu.memory_space<hbm>> -> memref<40xi32, #tpu.memory_space<hbm>>
    tpu.wait_dma2 semaphore(%arg19 : memref<!tpu.dma_semaphore, #tpu.memory_space<semaphore_mem>>) src(%dma_wait3A_149 : memref<40xi32, #tpu.memory_space<hbm>>) dst(%arg13 : memref<40xi32, #tpu.memory_space<vmem>>)
    %add3A_150 = arith.constant 9840 : i32
    %add3A_151 = arith.addi %mul3A_2, %add3A_150 : i32
    %dma_wait3A_152 = arith.constant 0 : i32
    %dma_wait3A_153 = tpu.memref_slice %arg2[%add3A_151, %dma_wait3A_152] : memref<320000x128xf32, #tpu.memory_space<hbm>> -> memref<40x128xf32, #tpu.memory_space<hbm>>
    %dma_wait3A_154 = arith.constant 0 : i32
    %dma_wait3A_155 = tpu.memref_slice %arg2[%add3A_151, %dma_wait3A_154] : memref<320000x128xf32, #tpu.memory_space<hbm>> -> memref<40x128xf32, #tpu.memory_space<hbm>>
    tpu.wait_dma2 semaphore(%arg19 : memref<!tpu.dma_semaphore, #tpu.memory_space<semaphore_mem>>) src(%dma_wait3A_155 : memref<40x128xf32, #tpu.memory_space<hbm>>) dst(%arg8 : memref<40x128xf32, #tpu.memory_space<vmem>>)
    "tpu.region"() ({
      %run_scoped3A = tpu.sem_alloc : memref<!tpu.dma_semaphore, #tpu.memory_space<semaphore_mem>>
      %dma_start3A_507 = arith.constant 0 : i32
      %dma_start3A_508 = arith.constant 0 : i32
      %dma_start3A_509 = tpu.memref_slice %arg6[%dma_start3A_507, %dma_start3A_508] : memref<10240x128xf32, #tpu.memory_space<vmem_shared>> -> memref<10240x128xf32, #tpu.memory_space<vmem_shared>>
      tpu.enqueue_indirect_dma source(%arg8 : memref<40x128xf32, #tpu.memory_space<vmem>>) target(%dma_start3A_509 : memref<10240x128xf32, #tpu.memory_space<vmem_shared>>) offsets(%arg13 : memref<40xi32, #tpu.memory_space<vmem>>) semaphore(%run_scoped3A : memref<!tpu.dma_semaphore, #tpu.memory_space<semaphore_mem>>) {add = true}
      %dma_wait3A_510 = arith.constant 0 : i32
      %dma_wait3A_511 = arith.constant 0 : i32
      %dma_wait3A_512 = tpu.memref_slice %arg6[%dma_wait3A_510, %dma_wait3A_511] : memref<10240x128xf32, #tpu.memory_space<vmem_shared>> -> memref<10240x128xf32, #tpu.memory_space<vmem_shared>>
      tpu.wait_indirect_dma semaphore(%run_scoped3A : memref<!tpu.dma_semaphore, #tpu.memory_space<semaphore_mem>>) src(%arg8 : memref<40x128xf32, #tpu.memory_space<vmem>>) dst(%dma_wait3A_512 : memref<10240x128xf32, #tpu.memory_space<vmem_shared>>)
      tpu.yield
    }) : () -> ()
    %add3A_156 = arith.constant 9880 : i32
    %add3A_157 = arith.addi %mul3A_2, %add3A_156 : i32
    %dma_wait3A_158 = tpu.memref_slice %arg3[%add3A_157] : memref<320000xi32, #tpu.memory_space<hbm>> -> memref<40xi32, #tpu.memory_space<hbm>>
    %dma_wait3A_159 = tpu.memref_slice %arg3[%add3A_157] : memref<320000xi32, #tpu.memory_space<hbm>> -> memref<40xi32, #tpu.memory_space<hbm>>
    tpu.wait_dma2 semaphore(%arg20 : memref<!tpu.dma_semaphore, #tpu.memory_space<semaphore_mem>>) src(%dma_wait3A_159 : memref<40xi32, #tpu.memory_space<hbm>>) dst(%arg14 : memref<40xi32, #tpu.memory_space<vmem>>)
    %add3A_160 = arith.constant 9880 : i32
    %add3A_161 = arith.addi %mul3A_2, %add3A_160 : i32
    %dma_wait3A_162 = arith.constant 0 : i32
    %dma_wait3A_163 = tpu.memref_slice %arg2[%add3A_161, %dma_wait3A_162] : memref<320000x128xf32, #tpu.memory_space<hbm>> -> memref<40x128xf32, #tpu.memory_space<hbm>>
    %dma_wait3A_164 = arith.constant 0 : i32
    %dma_wait3A_165 = tpu.memref_slice %arg2[%add3A_161, %dma_wait3A_164] : memref<320000x128xf32, #tpu.memory_space<hbm>> -> memref<40x128xf32, #tpu.memory_space<hbm>>
    tpu.wait_dma2 semaphore(%arg20 : memref<!tpu.dma_semaphore, #tpu.memory_space<semaphore_mem>>) src(%dma_wait3A_165 : memref<40x128xf32, #tpu.memory_space<hbm>>) dst(%arg9 : memref<40x128xf32, #tpu.memory_space<vmem>>)
    "tpu.region"() ({
      %run_scoped3A = tpu.sem_alloc : memref<!tpu.dma_semaphore, #tpu.memory_space<semaphore_mem>>
      %dma_start3A_507 = arith.constant 0 : i32
      %dma_start3A_508 = arith.constant 0 : i32
      %dma_start3A_509 = tpu.memref_slice %arg6[%dma_start3A_507, %dma_start3A_508] : memref<10240x128xf32, #tpu.memory_space<vmem_shared>> -> memref<10240x128xf32, #tpu.memory_space<vmem_shared>>
      tpu.enqueue_indirect_dma source(%arg9 : memref<40x128xf32, #tpu.memory_space<vmem>>) target(%dma_start3A_509 : memref<10240x128xf32, #tpu.memory_space<vmem_shared>>) offsets(%arg14 : memref<40xi32, #tpu.memory_space<vmem>>) semaphore(%run_scoped3A : memref<!tpu.dma_semaphore, #tpu.memory_space<semaphore_mem>>) {add = true}
      %dma_wait3A_510 = arith.constant 0 : i32
      %dma_wait3A_511 = arith.constant 0 : i32
      %dma_wait3A_512 = tpu.memref_slice %arg6[%dma_wait3A_510, %dma_wait3A_511] : memref<10240x128xf32, #tpu.memory_space<vmem_shared>> -> memref<10240x128xf32, #tpu.memory_space<vmem_shared>>
      tpu.wait_indirect_dma semaphore(%run_scoped3A : memref<!tpu.dma_semaphore, #tpu.memory_space<semaphore_mem>>) src(%arg9 : memref<40x128xf32, #tpu.memory_space<vmem>>) dst(%dma_wait3A_512 : memref<10240x128xf32, #tpu.memory_space<vmem_shared>>)
      tpu.yield
    }) : () -> ()
    %add3A_166 = arith.constant 9920 : i32
    %add3A_167 = arith.addi %mul3A_2, %add3A_166 : i32
    %dma_wait3A_168 = tpu.memref_slice %arg3[%add3A_167] : memref<320000xi32, #tpu.memory_space<hbm>> -> memref<40xi32, #tpu.memory_space<hbm>>
    %dma_wait3A_169 = tpu.memref_slice %arg3[%add3A_167] : memref<320000xi32, #tpu.memory_space<hbm>> -> memref<40xi32, #tpu.memory_space<hbm>>
    tpu.wait_dma2 semaphore(%arg21 : memref<!tpu.dma_semaphore, #tpu.memory_space<semaphore_mem>>) src(%dma_wait3A_169 : memref<40xi32, #tpu.memory_space<hbm>>) dst(%arg15 : memref<40xi32, #tpu.memory_space<vmem>>)
    %add3A_170 = arith.constant 9920 : i32
    %add3A_171 = arith.addi %mul3A_2, %add3A_170 : i32
    %dma_wait3A_172 = arith.constant 0 : i32
    %dma_wait3A_173 = tpu.memref_slice %arg2[%add3A_171, %dma_wait3A_172] : memref<320000x128xf32, #tpu.memory_space<hbm>> -> memref<40x128xf32, #tpu.memory_space<hbm>>
    %dma_wait3A_174 = arith.constant 0 : i32
    %dma_wait3A_175 = tpu.memref_slice %arg2[%add3A_171, %dma_wait3A_174] : memref<320000x128xf32, #tpu.memory_space<hbm>> -> memref<40x128xf32, #tpu.memory_space<hbm>>
    tpu.wait_dma2 semaphore(%arg21 : memref<!tpu.dma_semaphore, #tpu.memory_space<semaphore_mem>>) src(%dma_wait3A_175 : memref<40x128xf32, #tpu.memory_space<hbm>>) dst(%arg10 : memref<40x128xf32, #tpu.memory_space<vmem>>)
    "tpu.region"() ({
      %run_scoped3A = tpu.sem_alloc : memref<!tpu.dma_semaphore, #tpu.memory_space<semaphore_mem>>
      %dma_start3A_507 = arith.constant 0 : i32
      %dma_start3A_508 = arith.constant 0 : i32
      %dma_start3A_509 = tpu.memref_slice %arg6[%dma_start3A_507, %dma_start3A_508] : memref<10240x128xf32, #tpu.memory_space<vmem_shared>> -> memref<10240x128xf32, #tpu.memory_space<vmem_shared>>
      tpu.enqueue_indirect_dma source(%arg10 : memref<40x128xf32, #tpu.memory_space<vmem>>) target(%dma_start3A_509 : memref<10240x128xf32, #tpu.memory_space<vmem_shared>>) offsets(%arg15 : memref<40xi32, #tpu.memory_space<vmem>>) semaphore(%run_scoped3A : memref<!tpu.dma_semaphore, #tpu.memory_space<semaphore_mem>>) {add = true}
      %dma_wait3A_510 = arith.constant 0 : i32
      %dma_wait3A_511 = arith.constant 0 : i32
      %dma_wait3A_512 = tpu.memref_slice %arg6[%dma_wait3A_510, %dma_wait3A_511] : memref<10240x128xf32, #tpu.memory_space<vmem_shared>> -> memref<10240x128xf32, #tpu.memory_space<vmem_shared>>
      tpu.wait_indirect_dma semaphore(%run_scoped3A : memref<!tpu.dma_semaphore, #tpu.memory_space<semaphore_mem>>) src(%arg10 : memref<40x128xf32, #tpu.memory_space<vmem>>) dst(%dma_wait3A_512 : memref<10240x128xf32, #tpu.memory_space<vmem_shared>>)
      tpu.yield
    }) : () -> ()
    %add3A_176 = arith.constant 9960 : i32
    %add3A_177 = arith.addi %mul3A_2, %add3A_176 : i32
    %dma_wait3A_178 = tpu.memref_slice %arg3[%add3A_177] : memref<320000xi32, #tpu.memory_space<hbm>> -> memref<40xi32, #tpu.memory_space<hbm>>
    %dma_wait3A_179 = tpu.memref_slice %arg3[%add3A_177] : memref<320000xi32, #tpu.memory_space<hbm>> -> memref<40xi32, #tpu.memory_space<hbm>>
    tpu.wait_dma2 semaphore(%arg22 : memref<!tpu.dma_semaphore, #tpu.memory_space<semaphore_mem>>) src(%dma_wait3A_179 : memref<40xi32, #tpu.memory_space<hbm>>) dst(%arg16 : memref<40xi32, #tpu.memory_space<vmem>>)
    %add3A_180 = arith.constant 9960 : i32
    %add3A_181 = arith.addi %mul3A_2, %add3A_180 : i32
    %dma_wait3A_182 = arith.constant 0 : i32
    %dma_wait3A_183 = tpu.memref_slice %arg2[%add3A_181, %dma_wait3A_182] : memref<320000x128xf32, #tpu.memory_space<hbm>> -> memref<40x128xf32, #tpu.memory_space<hbm>>
    %dma_wait3A_184 = arith.constant 0 : i32
    %dma_wait3A_185 = tpu.memref_slice %arg2[%add3A_181, %dma_wait3A_184] : memref<320000x128xf32, #tpu.memory_space<hbm>> -> memref<40x128xf32, #tpu.memory_space<hbm>>
    tpu.wait_dma2 semaphore(%arg22 : memref<!tpu.dma_semaphore, #tpu.memory_space<semaphore_mem>>) src(%dma_wait3A_185 : memref<40x128xf32, #tpu.memory_space<hbm>>) dst(%arg11 : memref<40x128xf32, #tpu.memory_space<vmem>>)
    "tpu.region"() ({
      %run_scoped3A = tpu.sem_alloc : memref<!tpu.dma_semaphore, #tpu.memory_space<semaphore_mem>>
      %dma_start3A_507 = arith.constant 0 : i32
      %dma_start3A_508 = arith.constant 0 : i32
      %dma_start3A_509 = tpu.memref_slice %arg6[%dma_start3A_507, %dma_start3A_508] : memref<10240x128xf32, #tpu.memory_space<vmem_shared>> -> memref<10240x128xf32, #tpu.memory_space<vmem_shared>>
      tpu.enqueue_indirect_dma source(%arg11 : memref<40x128xf32, #tpu.memory_space<vmem>>) target(%dma_start3A_509 : memref<10240x128xf32, #tpu.memory_space<vmem_shared>>) offsets(%arg16 : memref<40xi32, #tpu.memory_space<vmem>>) semaphore(%run_scoped3A : memref<!tpu.dma_semaphore, #tpu.memory_space<semaphore_mem>>) {add = true}
      %dma_wait3A_510 = arith.constant 0 : i32
      %dma_wait3A_511 = arith.constant 0 : i32
      %dma_wait3A_512 = tpu.memref_slice %arg6[%dma_wait3A_510, %dma_wait3A_511] : memref<10240x128xf32, #tpu.memory_space<vmem_shared>> -> memref<10240x128xf32, #tpu.memory_space<vmem_shared>>
      tpu.wait_indirect_dma semaphore(%run_scoped3A : memref<!tpu.dma_semaphore, #tpu.memory_space<semaphore_mem>>) src(%arg11 : memref<40x128xf32, #tpu.memory_space<vmem>>) dst(%dma_wait3A_512 : memref<10240x128xf32, #tpu.memory_space<vmem_shared>>)
      tpu.yield
    }) : () -> ()
    %barrier3A_186 = arith.constant 0 : index
    tpu.barrier barrier_id(%barrier3A_186)
    %mul3A_187 = arith.constant 640 : i32
    %mul3A_188 = arith.muli %arg1, %mul3A_187 : i32
    %add3A_189 = arith.constant 0 : i32
    %add3A_190 = arith.addi %mul3A_188, %add3A_189 : i32
    "tpu.region"() ({
      %run_scoped3A = tpu.sem_alloc : memref<!tpu.dma_semaphore, #tpu.memory_space<semaphore_mem>>
      %dma_start3A_507 = arith.constant 0 : i32
      %dma_start3A_508 = tpu.memref_slice %arg6[%add3A_190, %dma_start3A_507] : memref<10240x128xf32, #tpu.memory_space<vmem_shared>> -> memref<40x128xf32, #tpu.memory_space<vmem_shared>>
      %dma_start3A_509 = arith.constant 0 : i32
      %dma_start3A_510 = tpu.memref_slice %arg6[%add3A_190, %dma_start3A_509] : memref<10240x128xf32, #tpu.memory_space<vmem_shared>> -> memref<40x128xf32, #tpu.memory_space<vmem_shared>>
      tpu.enqueue_dma source(%dma_start3A_510 : memref<40x128xf32, #tpu.memory_space<vmem_shared>>) target(%arg7 : memref<40x128xf32, #tpu.memory_space<vmem>>) target_semaphore(%run_scoped3A : memref<!tpu.dma_semaphore, #tpu.memory_space<semaphore_mem>>)
      %dma_wait3A_511 = arith.constant 0 : i32
      %dma_wait3A_512 = tpu.memref_slice %arg6[%add3A_190, %dma_wait3A_511] : memref<10240x128xf32, #tpu.memory_space<vmem_shared>> -> memref<40x128xf32, #tpu.memory_space<vmem_shared>>
      %dma_wait3A_513 = arith.constant 0 : i32
      %dma_wait3A_514 = tpu.memref_slice %arg6[%add3A_190, %dma_wait3A_513] : memref<10240x128xf32, #tpu.memory_space<vmem_shared>> -> memref<40x128xf32, #tpu.memory_space<vmem_shared>>
      tpu.wait_dma2 semaphore(%run_scoped3A : memref<!tpu.dma_semaphore, #tpu.memory_space<semaphore_mem>>) src(%dma_wait3A_514 : memref<40x128xf32, #tpu.memory_space<vmem_shared>>) dst(%arg7 : memref<40x128xf32, #tpu.memory_space<vmem>>)
      tpu.yield
    }) : () -> ()
    %dma_start3A_191 = arith.constant 0 : i32
    %dma_start3A_192 = tpu.memref_slice %arg5[%arg0, %add3A_190, %dma_start3A_191] : memref<2x10240x128xf32, #tpu.memory_space<hbm>> -> memref<1x40x128xf32, #tpu.memory_space<hbm>>
    %dma_start3A_193 = tpu.memref_squeeze %dma_start3A_192 : memref<1x40x128xf32, #tpu.memory_space<hbm>> -> memref<40x128xf32, #tpu.memory_space<hbm>>
    %dma_start3A_194 = arith.constant 0 : i32
    %dma_start3A_195 = tpu.memref_slice %arg5[%arg0, %add3A_190, %dma_start3A_194] : memref<2x10240x128xf32, #tpu.memory_space<hbm>> -> memref<1x40x128xf32, #tpu.memory_space<hbm>>
    %dma_start3A_196 = tpu.memref_squeeze %dma_start3A_195 : memref<1x40x128xf32, #tpu.memory_space<hbm>> -> memref<40x128xf32, #tpu.memory_space<hbm>>
    tpu.enqueue_dma source(%arg7 : memref<40x128xf32, #tpu.memory_space<vmem>>) target(%dma_start3A_196 : memref<40x128xf32, #tpu.memory_space<hbm>>) target_semaphore(%arg23 : memref<!tpu.dma_semaphore, #tpu.memory_space<semaphore_mem>>)
    %mul3A_197 = arith.constant 640 : i32
    %mul3A_198 = arith.muli %arg1, %mul3A_197 : i32
    %add3A_199 = arith.constant 40 : i32
    %add3A_200 = arith.addi %mul3A_198, %add3A_199 : i32
    "tpu.region"() ({
      %run_scoped3A = tpu.sem_alloc : memref<!tpu.dma_semaphore, #tpu.memory_space<semaphore_mem>>
      %dma_start3A_507 = arith.constant 0 : i32
      %dma_start3A_508 = tpu.memref_slice %arg6[%add3A_200, %dma_start3A_507] : memref<10240x128xf32, #tpu.memory_space<vmem_shared>> -> memref<40x128xf32, #tpu.memory_space<vmem_shared>>
      %dma_start3A_509 = arith.constant 0 : i32
      %dma_start3A_510 = tpu.memref_slice %arg6[%add3A_200, %dma_start3A_509] : memref<10240x128xf32, #tpu.memory_space<vmem_shared>> -> memref<40x128xf32, #tpu.memory_space<vmem_shared>>
      tpu.enqueue_dma source(%dma_start3A_510 : memref<40x128xf32, #tpu.memory_space<vmem_shared>>) target(%arg8 : memref<40x128xf32, #tpu.memory_space<vmem>>) target_semaphore(%run_scoped3A : memref<!tpu.dma_semaphore, #tpu.memory_space<semaphore_mem>>)
      %dma_wait3A_511 = arith.constant 0 : i32
      %dma_wait3A_512 = tpu.memref_slice %arg6[%add3A_200, %dma_wait3A_511] : memref<10240x128xf32, #tpu.memory_space<vmem_shared>> -> memref<40x128xf32, #tpu.memory_space<vmem_shared>>
      %dma_wait3A_513 = arith.constant 0 : i32
      %dma_wait3A_514 = tpu.memref_slice %arg6[%add3A_200, %dma_wait3A_513] : memref<10240x128xf32, #tpu.memory_space<vmem_shared>> -> memref<40x128xf32, #tpu.memory_space<vmem_shared>>
      tpu.wait_dma2 semaphore(%run_scoped3A : memref<!tpu.dma_semaphore, #tpu.memory_space<semaphore_mem>>) src(%dma_wait3A_514 : memref<40x128xf32, #tpu.memory_space<vmem_shared>>) dst(%arg8 : memref<40x128xf32, #tpu.memory_space<vmem>>)
      tpu.yield
    }) : () -> ()
    %dma_start3A_201 = arith.constant 0 : i32
    %dma_start3A_202 = tpu.memref_slice %arg5[%arg0, %add3A_200, %dma_start3A_201] : memref<2x10240x128xf32, #tpu.memory_space<hbm>> -> memref<1x40x128xf32, #tpu.memory_space<hbm>>
    %dma_start3A_203 = tpu.memref_squeeze %dma_start3A_202 : memref<1x40x128xf32, #tpu.memory_space<hbm>> -> memref<40x128xf32, #tpu.memory_space<hbm>>
    %dma_start3A_204 = arith.constant 0 : i32
    %dma_start3A_205 = tpu.memref_slice %arg5[%arg0, %add3A_200, %dma_start3A_204] : memref<2x10240x128xf32, #tpu.memory_space<hbm>> -> memref<1x40x128xf32, #tpu.memory_space<hbm>>
    %dma_start3A_206 = tpu.memref_squeeze %dma_start3A_205 : memref<1x40x128xf32, #tpu.memory_space<hbm>> -> memref<40x128xf32, #tpu.memory_space<hbm>>
    tpu.enqueue_dma source(%arg8 : memref<40x128xf32, #tpu.memory_space<vmem>>) target(%dma_start3A_206 : memref<40x128xf32, #tpu.memory_space<hbm>>) target_semaphore(%arg24 : memref<!tpu.dma_semaphore, #tpu.memory_space<semaphore_mem>>)
    %mul3A_207 = arith.constant 640 : i32
    %mul3A_208 = arith.muli %arg1, %mul3A_207 : i32
    %add3A_209 = arith.constant 80 : i32
    %add3A_210 = arith.addi %mul3A_208, %add3A_209 : i32
    "tpu.region"() ({
      %run_scoped3A = tpu.sem_alloc : memref<!tpu.dma_semaphore, #tpu.memory_space<semaphore_mem>>
      %dma_start3A_507 = arith.constant 0 : i32
      %dma_start3A_508 = tpu.memref_slice %arg6[%add3A_210, %dma_start3A_507] : memref<10240x128xf32, #tpu.memory_space<vmem_shared>> -> memref<40x128xf32, #tpu.memory_space<vmem_shared>>
      %dma_start3A_509 = arith.constant 0 : i32
      %dma_start3A_510 = tpu.memref_slice %arg6[%add3A_210, %dma_start3A_509] : memref<10240x128xf32, #tpu.memory_space<vmem_shared>> -> memref<40x128xf32, #tpu.memory_space<vmem_shared>>
      tpu.enqueue_dma source(%dma_start3A_510 : memref<40x128xf32, #tpu.memory_space<vmem_shared>>) target(%arg9 : memref<40x128xf32, #tpu.memory_space<vmem>>) target_semaphore(%run_scoped3A : memref<!tpu.dma_semaphore, #tpu.memory_space<semaphore_mem>>)
      %dma_wait3A_511 = arith.constant 0 : i32
      %dma_wait3A_512 = tpu.memref_slice %arg6[%add3A_210, %dma_wait3A_511] : memref<10240x128xf32, #tpu.memory_space<vmem_shared>> -> memref<40x128xf32, #tpu.memory_space<vmem_shared>>
      %dma_wait3A_513 = arith.constant 0 : i32
      %dma_wait3A_514 = tpu.memref_slice %arg6[%add3A_210, %dma_wait3A_513] : memref<10240x128xf32, #tpu.memory_space<vmem_shared>> -> memref<40x128xf32, #tpu.memory_space<vmem_shared>>
      tpu.wait_dma2 semaphore(%run_scoped3A : memref<!tpu.dma_semaphore, #tpu.memory_space<semaphore_mem>>) src(%dma_wait3A_514 : memref<40x128xf32, #tpu.memory_space<vmem_shared>>) dst(%arg9 : memref<40x128xf32, #tpu.memory_space<vmem>>)
      tpu.yield
    }) : () -> ()
    %dma_start3A_211 = arith.constant 0 : i32
    %dma_start3A_212 = tpu.memref_slice %arg5[%arg0, %add3A_210, %dma_start3A_211] : memref<2x10240x128xf32, #tpu.memory_space<hbm>> -> memref<1x40x128xf32, #tpu.memory_space<hbm>>
    %dma_start3A_213 = tpu.memref_squeeze %dma_start3A_212 : memref<1x40x128xf32, #tpu.memory_space<hbm>> -> memref<40x128xf32, #tpu.memory_space<hbm>>
    %dma_start3A_214 = arith.constant 0 : i32
    %dma_start3A_215 = tpu.memref_slice %arg5[%arg0, %add3A_210, %dma_start3A_214] : memref<2x10240x128xf32, #tpu.memory_space<hbm>> -> memref<1x40x128xf32, #tpu.memory_space<hbm>>
    %dma_start3A_216 = tpu.memref_squeeze %dma_start3A_215 : memref<1x40x128xf32, #tpu.memory_space<hbm>> -> memref<40x128xf32, #tpu.memory_space<hbm>>
    tpu.enqueue_dma source(%arg9 : memref<40x128xf32, #tpu.memory_space<vmem>>) target(%dma_start3A_216 : memref<40x128xf32, #tpu.memory_space<hbm>>) target_semaphore(%arg25 : memref<!tpu.dma_semaphore, #tpu.memory_space<semaphore_mem>>)
    %mul3A_217 = arith.constant 640 : i32
    %mul3A_218 = arith.muli %arg1, %mul3A_217 : i32
    %add3A_219 = arith.constant 120 : i32
    %add3A_220 = arith.addi %mul3A_218, %add3A_219 : i32
    "tpu.region"() ({
      %run_scoped3A = tpu.sem_alloc : memref<!tpu.dma_semaphore, #tpu.memory_space<semaphore_mem>>
      %dma_start3A_507 = arith.constant 0 : i32
      %dma_start3A_508 = tpu.memref_slice %arg6[%add3A_220, %dma_start3A_507] : memref<10240x128xf32, #tpu.memory_space<vmem_shared>> -> memref<40x128xf32, #tpu.memory_space<vmem_shared>>
      %dma_start3A_509 = arith.constant 0 : i32
      %dma_start3A_510 = tpu.memref_slice %arg6[%add3A_220, %dma_start3A_509] : memref<10240x128xf32, #tpu.memory_space<vmem_shared>> -> memref<40x128xf32, #tpu.memory_space<vmem_shared>>
      tpu.enqueue_dma source(%dma_start3A_510 : memref<40x128xf32, #tpu.memory_space<vmem_shared>>) target(%arg10 : memref<40x128xf32, #tpu.memory_space<vmem>>) target_semaphore(%run_scoped3A : memref<!tpu.dma_semaphore, #tpu.memory_space<semaphore_mem>>)
      %dma_wait3A_511 = arith.constant 0 : i32
      %dma_wait3A_512 = tpu.memref_slice %arg6[%add3A_220, %dma_wait3A_511] : memref<10240x128xf32, #tpu.memory_space<vmem_shared>> -> memref<40x128xf32, #tpu.memory_space<vmem_shared>>
      %dma_wait3A_513 = arith.constant 0 : i32
      %dma_wait3A_514 = tpu.memref_slice %arg6[%add3A_220, %dma_wait3A_513] : memref<10240x128xf32, #tpu.memory_space<vmem_shared>> -> memref<40x128xf32, #tpu.memory_space<vmem_shared>>
      tpu.wait_dma2 semaphore(%run_scoped3A : memref<!tpu.dma_semaphore, #tpu.memory_space<semaphore_mem>>) src(%dma_wait3A_514 : memref<40x128xf32, #tpu.memory_space<vmem_shared>>) dst(%arg10 : memref<40x128xf32, #tpu.memory_space<vmem>>)
      tpu.yield
    }) : () -> ()
    %dma_start3A_221 = arith.constant 0 : i32
    %dma_start3A_222 = tpu.memref_slice %arg5[%arg0, %add3A_220, %dma_start3A_221] : memref<2x10240x128xf32, #tpu.memory_space<hbm>> -> memref<1x40x128xf32, #tpu.memory_space<hbm>>
    %dma_start3A_223 = tpu.memref_squeeze %dma_start3A_222 : memref<1x40x128xf32, #tpu.memory_space<hbm>> -> memref<40x128xf32, #tpu.memory_space<hbm>>
    %dma_start3A_224 = arith.constant 0 : i32
    %dma_start3A_225 = tpu.memref_slice %arg5[%arg0, %add3A_220, %dma_start3A_224] : memref<2x10240x128xf32, #tpu.memory_space<hbm>> -> memref<1x40x128xf32, #tpu.memory_space<hbm>>
    %dma_start3A_226 = tpu.memref_squeeze %dma_start3A_225 : memref<1x40x128xf32, #tpu.memory_space<hbm>> -> memref<40x128xf32, #tpu.memory_space<hbm>>
    tpu.enqueue_dma source(%arg10 : memref<40x128xf32, #tpu.memory_space<vmem>>) target(%dma_start3A_226 : memref<40x128xf32, #tpu.memory_space<hbm>>) target_semaphore(%arg26 : memref<!tpu.dma_semaphore, #tpu.memory_space<semaphore_mem>>)
    %mul3A_227 = arith.constant 640 : i32
    %mul3A_228 = arith.muli %arg1, %mul3A_227 : i32
    %add3A_229 = arith.constant 160 : i32
    %add3A_230 = arith.addi %mul3A_228, %add3A_229 : i32
    "tpu.region"() ({
      %run_scoped3A = tpu.sem_alloc : memref<!tpu.dma_semaphore, #tpu.memory_space<semaphore_mem>>
      %dma_start3A_507 = arith.constant 0 : i32
      %dma_start3A_508 = tpu.memref_slice %arg6[%add3A_230, %dma_start3A_507] : memref<10240x128xf32, #tpu.memory_space<vmem_shared>> -> memref<40x128xf32, #tpu.memory_space<vmem_shared>>
      %dma_start3A_509 = arith.constant 0 : i32
      %dma_start3A_510 = tpu.memref_slice %arg6[%add3A_230, %dma_start3A_509] : memref<10240x128xf32, #tpu.memory_space<vmem_shared>> -> memref<40x128xf32, #tpu.memory_space<vmem_shared>>
      tpu.enqueue_dma source(%dma_start3A_510 : memref<40x128xf32, #tpu.memory_space<vmem_shared>>) target(%arg11 : memref<40x128xf32, #tpu.memory_space<vmem>>) target_semaphore(%run_scoped3A : memref<!tpu.dma_semaphore, #tpu.memory_space<semaphore_mem>>)
      %dma_wait3A_511 = arith.constant 0 : i32
      %dma_wait3A_512 = tpu.memref_slice %arg6[%add3A_230, %dma_wait3A_511] : memref<10240x128xf32, #tpu.memory_space<vmem_shared>> -> memref<40x128xf32, #tpu.memory_space<vmem_shared>>
      %dma_wait3A_513 = arith.constant 0 : i32
      %dma_wait3A_514 = tpu.memref_slice %arg6[%add3A_230, %dma_wait3A_513] : memref<10240x128xf32, #tpu.memory_space<vmem_shared>> -> memref<40x128xf32, #tpu.memory_space<vmem_shared>>
      tpu.wait_dma2 semaphore(%run_scoped3A : memref<!tpu.dma_semaphore, #tpu.memory_space<semaphore_mem>>) src(%dma_wait3A_514 : memref<40x128xf32, #tpu.memory_space<vmem_shared>>) dst(%arg11 : memref<40x128xf32, #tpu.memory_space<vmem>>)
      tpu.yield
    }) : () -> ()
    %dma_start3A_231 = arith.constant 0 : i32
    %dma_start3A_232 = tpu.memref_slice %arg5[%arg0, %add3A_230, %dma_start3A_231] : memref<2x10240x128xf32, #tpu.memory_space<hbm>> -> memref<1x40x128xf32, #tpu.memory_space<hbm>>
    %dma_start3A_233 = tpu.memref_squeeze %dma_start3A_232 : memref<1x40x128xf32, #tpu.memory_space<hbm>> -> memref<40x128xf32, #tpu.memory_space<hbm>>
    %dma_start3A_234 = arith.constant 0 : i32
    %dma_start3A_235 = tpu.memref_slice %arg5[%arg0, %add3A_230, %dma_start3A_234] : memref<2x10240x128xf32, #tpu.memory_space<hbm>> -> memref<1x40x128xf32, #tpu.memory_space<hbm>>
    %dma_start3A_236 = tpu.memref_squeeze %dma_start3A_235 : memref<1x40x128xf32, #tpu.memory_space<hbm>> -> memref<40x128xf32, #tpu.memory_space<hbm>>
    tpu.enqueue_dma source(%arg11 : memref<40x128xf32, #tpu.memory_space<vmem>>) target(%dma_start3A_236 : memref<40x128xf32, #tpu.memory_space<hbm>>) target_semaphore(%arg27 : memref<!tpu.dma_semaphore, #tpu.memory_space<semaphore_mem>>)
    %mul3A_237 = arith.constant 640 : i32
    %mul3A_238 = arith.muli %arg1, %mul3A_237 : i32
    %add3A_239 = arith.constant 200 : i32
    %add3A_240 = arith.addi %mul3A_238, %add3A_239 : i32
    %mul3A_241 = arith.constant 640 : i32
    %mul3A_242 = arith.muli %arg1, %mul3A_241 : i32
    %add3A_243 = arith.constant 0 : i32
    %add3A_244 = arith.addi %mul3A_242, %add3A_243 : i32
    %dma_wait3A_245 = arith.constant 0 : i32
    %dma_wait3A_246 = tpu.memref_slice %arg5[%arg0, %add3A_244, %dma_wait3A_245] : memref<2x10240x128xf32, #tpu.memory_space<hbm>> -> memref<1x40x128xf32, #tpu.memory_space<hbm>>
    %dma_wait3A_247 = tpu.memref_squeeze %dma_wait3A_246 : memref<1x40x128xf32, #tpu.memory_space<hbm>> -> memref<40x128xf32, #tpu.memory_space<hbm>>
    %dma_wait3A_248 = arith.constant 0 : i32
    %dma_wait3A_249 = tpu.memref_slice %arg5[%arg0, %add3A_244, %dma_wait3A_248] : memref<2x10240x128xf32, #tpu.memory_space<hbm>> -> memref<1x40x128xf32, #tpu.memory_space<hbm>>
    %dma_wait3A_250 = tpu.memref_squeeze %dma_wait3A_249 : memref<1x40x128xf32, #tpu.memory_space<hbm>> -> memref<40x128xf32, #tpu.memory_space<hbm>>
    tpu.wait_dma2 semaphore(%arg23 : memref<!tpu.dma_semaphore, #tpu.memory_space<semaphore_mem>>) src(%arg7 : memref<40x128xf32, #tpu.memory_space<vmem>>) dst(%dma_wait3A_250 : memref<40x128xf32, #tpu.memory_space<hbm>>)
    "tpu.region"() ({
      %run_scoped3A = tpu.sem_alloc : memref<!tpu.dma_semaphore, #tpu.memory_space<semaphore_mem>>
      %dma_start3A_507 = arith.constant 0 : i32
      %dma_start3A_508 = tpu.memref_slice %arg6[%add3A_240, %dma_start3A_507] : memref<10240x128xf32, #tpu.memory_space<vmem_shared>> -> memref<40x128xf32, #tpu.memory_space<vmem_shared>>
      %dma_start3A_509 = arith.constant 0 : i32
      %dma_start3A_510 = tpu.memref_slice %arg6[%add3A_240, %dma_start3A_509] : memref<10240x128xf32, #tpu.memory_space<vmem_shared>> -> memref<40x128xf32, #tpu.memory_space<vmem_shared>>
      tpu.enqueue_dma source(%dma_start3A_510 : memref<40x128xf32, #tpu.memory_space<vmem_shared>>) target(%arg7 : memref<40x128xf32, #tpu.memory_space<vmem>>) target_semaphore(%run_scoped3A : memref<!tpu.dma_semaphore, #tpu.memory_space<semaphore_mem>>)
      %dma_wait3A_511 = arith.constant 0 : i32
      %dma_wait3A_512 = tpu.memref_slice %arg6[%add3A_240, %dma_wait3A_511] : memref<10240x128xf32, #tpu.memory_space<vmem_shared>> -> memref<40x128xf32, #tpu.memory_space<vmem_shared>>
      %dma_wait3A_513 = arith.constant 0 : i32
      %dma_wait3A_514 = tpu.memref_slice %arg6[%add3A_240, %dma_wait3A_513] : memref<10240x128xf32, #tpu.memory_space<vmem_shared>> -> memref<40x128xf32, #tpu.memory_space<vmem_shared>>
      tpu.wait_dma2 semaphore(%run_scoped3A : memref<!tpu.dma_semaphore, #tpu.memory_space<semaphore_mem>>) src(%dma_wait3A_514 : memref<40x128xf32, #tpu.memory_space<vmem_shared>>) dst(%arg7 : memref<40x128xf32, #tpu.memory_space<vmem>>)
      tpu.yield
    }) : () -> ()
    %dma_start3A_251 = arith.constant 0 : i32
    %dma_start3A_252 = tpu.memref_slice %arg5[%arg0, %add3A_240, %dma_start3A_251] : memref<2x10240x128xf32, #tpu.memory_space<hbm>> -> memref<1x40x128xf32, #tpu.memory_space<hbm>>
    %dma_start3A_253 = tpu.memref_squeeze %dma_start3A_252 : memref<1x40x128xf32, #tpu.memory_space<hbm>> -> memref<40x128xf32, #tpu.memory_space<hbm>>
    %dma_start3A_254 = arith.constant 0 : i32
    %dma_start3A_255 = tpu.memref_slice %arg5[%arg0, %add3A_240, %dma_start3A_254] : memref<2x10240x128xf32, #tpu.memory_space<hbm>> -> memref<1x40x128xf32, #tpu.memory_space<hbm>>
    %dma_start3A_256 = tpu.memref_squeeze %dma_start3A_255 : memref<1x40x128xf32, #tpu.memory_space<hbm>> -> memref<40x128xf32, #tpu.memory_space<hbm>>
    tpu.enqueue_dma source(%arg7 : memref<40x128xf32, #tpu.memory_space<vmem>>) target(%dma_start3A_256 : memref<40x128xf32, #tpu.memory_space<hbm>>) target_semaphore(%arg23 : memref<!tpu.dma_semaphore, #tpu.memory_space<semaphore_mem>>)
    %mul3A_257 = arith.constant 640 : i32
    %mul3A_258 = arith.muli %arg1, %mul3A_257 : i32
    %add3A_259 = arith.constant 240 : i32
    %add3A_260 = arith.addi %mul3A_258, %add3A_259 : i32
    %mul3A_261 = arith.constant 640 : i32
    %mul3A_262 = arith.muli %arg1, %mul3A_261 : i32
    %add3A_263 = arith.constant 40 : i32
    %add3A_264 = arith.addi %mul3A_262, %add3A_263 : i32
    %dma_wait3A_265 = arith.constant 0 : i32
    %dma_wait3A_266 = tpu.memref_slice %arg5[%arg0, %add3A_264, %dma_wait3A_265] : memref<2x10240x128xf32, #tpu.memory_space<hbm>> -> memref<1x40x128xf32, #tpu.memory_space<hbm>>
    %dma_wait3A_267 = tpu.memref_squeeze %dma_wait3A_266 : memref<1x40x128xf32, #tpu.memory_space<hbm>> -> memref<40x128xf32, #tpu.memory_space<hbm>>
    %dma_wait3A_268 = arith.constant 0 : i32
    %dma_wait3A_269 = tpu.memref_slice %arg5[%arg0, %add3A_264, %dma_wait3A_268] : memref<2x10240x128xf32, #tpu.memory_space<hbm>> -> memref<1x40x128xf32, #tpu.memory_space<hbm>>
    %dma_wait3A_270 = tpu.memref_squeeze %dma_wait3A_269 : memref<1x40x128xf32, #tpu.memory_space<hbm>> -> memref<40x128xf32, #tpu.memory_space<hbm>>
    tpu.wait_dma2 semaphore(%arg24 : memref<!tpu.dma_semaphore, #tpu.memory_space<semaphore_mem>>) src(%arg8 : memref<40x128xf32, #tpu.memory_space<vmem>>) dst(%dma_wait3A_270 : memref<40x128xf32, #tpu.memory_space<hbm>>)
    "tpu.region"() ({
      %run_scoped3A = tpu.sem_alloc : memref<!tpu.dma_semaphore, #tpu.memory_space<semaphore_mem>>
      %dma_start3A_507 = arith.constant 0 : i32
      %dma_start3A_508 = tpu.memref_slice %arg6[%add3A_260, %dma_start3A_507] : memref<10240x128xf32, #tpu.memory_space<vmem_shared>> -> memref<40x128xf32, #tpu.memory_space<vmem_shared>>
      %dma_start3A_509 = arith.constant 0 : i32
      %dma_start3A_510 = tpu.memref_slice %arg6[%add3A_260, %dma_start3A_509] : memref<10240x128xf32, #tpu.memory_space<vmem_shared>> -> memref<40x128xf32, #tpu.memory_space<vmem_shared>>
      tpu.enqueue_dma source(%dma_start3A_510 : memref<40x128xf32, #tpu.memory_space<vmem_shared>>) target(%arg8 : memref<40x128xf32, #tpu.memory_space<vmem>>) target_semaphore(%run_scoped3A : memref<!tpu.dma_semaphore, #tpu.memory_space<semaphore_mem>>)
      %dma_wait3A_511 = arith.constant 0 : i32
      %dma_wait3A_512 = tpu.memref_slice %arg6[%add3A_260, %dma_wait3A_511] : memref<10240x128xf32, #tpu.memory_space<vmem_shared>> -> memref<40x128xf32, #tpu.memory_space<vmem_shared>>
      %dma_wait3A_513 = arith.constant 0 : i32
      %dma_wait3A_514 = tpu.memref_slice %arg6[%add3A_260, %dma_wait3A_513] : memref<10240x128xf32, #tpu.memory_space<vmem_shared>> -> memref<40x128xf32, #tpu.memory_space<vmem_shared>>
      tpu.wait_dma2 semaphore(%run_scoped3A : memref<!tpu.dma_semaphore, #tpu.memory_space<semaphore_mem>>) src(%dma_wait3A_514 : memref<40x128xf32, #tpu.memory_space<vmem_shared>>) dst(%arg8 : memref<40x128xf32, #tpu.memory_space<vmem>>)
      tpu.yield
    }) : () -> ()
    %dma_start3A_271 = arith.constant 0 : i32
    %dma_start3A_272 = tpu.memref_slice %arg5[%arg0, %add3A_260, %dma_start3A_271] : memref<2x10240x128xf32, #tpu.memory_space<hbm>> -> memref<1x40x128xf32, #tpu.memory_space<hbm>>
    %dma_start3A_273 = tpu.memref_squeeze %dma_start3A_272 : memref<1x40x128xf32, #tpu.memory_space<hbm>> -> memref<40x128xf32, #tpu.memory_space<hbm>>
    %dma_start3A_274 = arith.constant 0 : i32
    %dma_start3A_275 = tpu.memref_slice %arg5[%arg0, %add3A_260, %dma_start3A_274] : memref<2x10240x128xf32, #tpu.memory_space<hbm>> -> memref<1x40x128xf32, #tpu.memory_space<hbm>>
    %dma_start3A_276 = tpu.memref_squeeze %dma_start3A_275 : memref<1x40x128xf32, #tpu.memory_space<hbm>> -> memref<40x128xf32, #tpu.memory_space<hbm>>
    tpu.enqueue_dma source(%arg8 : memref<40x128xf32, #tpu.memory_space<vmem>>) target(%dma_start3A_276 : memref<40x128xf32, #tpu.memory_space<hbm>>) target_semaphore(%arg24 : memref<!tpu.dma_semaphore, #tpu.memory_space<semaphore_mem>>)
    %mul3A_277 = arith.constant 640 : i32
    %mul3A_278 = arith.muli %arg1, %mul3A_277 : i32
    %add3A_279 = arith.constant 280 : i32
    %add3A_280 = arith.addi %mul3A_278, %add3A_279 : i32
    %mul3A_281 = arith.constant 640 : i32
    %mul3A_282 = arith.muli %arg1, %mul3A_281 : i32
    %add3A_283 = arith.constant 80 : i32
    %add3A_284 = arith.addi %mul3A_282, %add3A_283 : i32
    %dma_wait3A_285 = arith.constant 0 : i32
    %dma_wait3A_286 = tpu.memref_slice %arg5[%arg0, %add3A_284, %dma_wait3A_285] : memref<2x10240x128xf32, #tpu.memory_space<hbm>> -> memref<1x40x128xf32, #tpu.memory_space<hbm>>
    %dma_wait3A_287 = tpu.memref_squeeze %dma_wait3A_286 : memref<1x40x128xf32, #tpu.memory_space<hbm>> -> memref<40x128xf32, #tpu.memory_space<hbm>>
    %dma_wait3A_288 = arith.constant 0 : i32
    %dma_wait3A_289 = tpu.memref_slice %arg5[%arg0, %add3A_284, %dma_wait3A_288] : memref<2x10240x128xf32, #tpu.memory_space<hbm>> -> memref<1x40x128xf32, #tpu.memory_space<hbm>>
    %dma_wait3A_290 = tpu.memref_squeeze %dma_wait3A_289 : memref<1x40x128xf32, #tpu.memory_space<hbm>> -> memref<40x128xf32, #tpu.memory_space<hbm>>
    tpu.wait_dma2 semaphore(%arg25 : memref<!tpu.dma_semaphore, #tpu.memory_space<semaphore_mem>>) src(%arg9 : memref<40x128xf32, #tpu.memory_space<vmem>>) dst(%dma_wait3A_290 : memref<40x128xf32, #tpu.memory_space<hbm>>)
    "tpu.region"() ({
      %run_scoped3A = tpu.sem_alloc : memref<!tpu.dma_semaphore, #tpu.memory_space<semaphore_mem>>
      %dma_start3A_507 = arith.constant 0 : i32
      %dma_start3A_508 = tpu.memref_slice %arg6[%add3A_280, %dma_start3A_507] : memref<10240x128xf32, #tpu.memory_space<vmem_shared>> -> memref<40x128xf32, #tpu.memory_space<vmem_shared>>
      %dma_start3A_509 = arith.constant 0 : i32
      %dma_start3A_510 = tpu.memref_slice %arg6[%add3A_280, %dma_start3A_509] : memref<10240x128xf32, #tpu.memory_space<vmem_shared>> -> memref<40x128xf32, #tpu.memory_space<vmem_shared>>
      tpu.enqueue_dma source(%dma_start3A_510 : memref<40x128xf32, #tpu.memory_space<vmem_shared>>) target(%arg9 : memref<40x128xf32, #tpu.memory_space<vmem>>) target_semaphore(%run_scoped3A : memref<!tpu.dma_semaphore, #tpu.memory_space<semaphore_mem>>)
      %dma_wait3A_511 = arith.constant 0 : i32
      %dma_wait3A_512 = tpu.memref_slice %arg6[%add3A_280, %dma_wait3A_511] : memref<10240x128xf32, #tpu.memory_space<vmem_shared>> -> memref<40x128xf32, #tpu.memory_space<vmem_shared>>
      %dma_wait3A_513 = arith.constant 0 : i32
      %dma_wait3A_514 = tpu.memref_slice %arg6[%add3A_280, %dma_wait3A_513] : memref<10240x128xf32, #tpu.memory_space<vmem_shared>> -> memref<40x128xf32, #tpu.memory_space<vmem_shared>>
      tpu.wait_dma2 semaphore(%run_scoped3A : memref<!tpu.dma_semaphore, #tpu.memory_space<semaphore_mem>>) src(%dma_wait3A_514 : memref<40x128xf32, #tpu.memory_space<vmem_shared>>) dst(%arg9 : memref<40x128xf32, #tpu.memory_space<vmem>>)
      tpu.yield
    }) : () -> ()
    %dma_start3A_291 = arith.constant 0 : i32
    %dma_start3A_292 = tpu.memref_slice %arg5[%arg0, %add3A_280, %dma_start3A_291] : memref<2x10240x128xf32, #tpu.memory_space<hbm>> -> memref<1x40x128xf32, #tpu.memory_space<hbm>>
    %dma_start3A_293 = tpu.memref_squeeze %dma_start3A_292 : memref<1x40x128xf32, #tpu.memory_space<hbm>> -> memref<40x128xf32, #tpu.memory_space<hbm>>
    %dma_start3A_294 = arith.constant 0 : i32
    %dma_start3A_295 = tpu.memref_slice %arg5[%arg0, %add3A_280, %dma_start3A_294] : memref<2x10240x128xf32, #tpu.memory_space<hbm>> -> memref<1x40x128xf32, #tpu.memory_space<hbm>>
    %dma_start3A_296 = tpu.memref_squeeze %dma_start3A_295 : memref<1x40x128xf32, #tpu.memory_space<hbm>> -> memref<40x128xf32, #tpu.memory_space<hbm>>
    tpu.enqueue_dma source(%arg9 : memref<40x128xf32, #tpu.memory_space<vmem>>) target(%dma_start3A_296 : memref<40x128xf32, #tpu.memory_space<hbm>>) target_semaphore(%arg25 : memref<!tpu.dma_semaphore, #tpu.memory_space<semaphore_mem>>)
    %mul3A_297 = arith.constant 640 : i32
    %mul3A_298 = arith.muli %arg1, %mul3A_297 : i32
    %add3A_299 = arith.constant 320 : i32
    %add3A_300 = arith.addi %mul3A_298, %add3A_299 : i32
    %mul3A_301 = arith.constant 640 : i32
    %mul3A_302 = arith.muli %arg1, %mul3A_301 : i32
    %add3A_303 = arith.constant 120 : i32
    %add3A_304 = arith.addi %mul3A_302, %add3A_303 : i32
    %dma_wait3A_305 = arith.constant 0 : i32
    %dma_wait3A_306 = tpu.memref_slice %arg5[%arg0, %add3A_304, %dma_wait3A_305] : memref<2x10240x128xf32, #tpu.memory_space<hbm>> -> memref<1x40x128xf32, #tpu.memory_space<hbm>>
    %dma_wait3A_307 = tpu.memref_squeeze %dma_wait3A_306 : memref<1x40x128xf32, #tpu.memory_space<hbm>> -> memref<40x128xf32, #tpu.memory_space<hbm>>
    %dma_wait3A_308 = arith.constant 0 : i32
    %dma_wait3A_309 = tpu.memref_slice %arg5[%arg0, %add3A_304, %dma_wait3A_308] : memref<2x10240x128xf32, #tpu.memory_space<hbm>> -> memref<1x40x128xf32, #tpu.memory_space<hbm>>
    %dma_wait3A_310 = tpu.memref_squeeze %dma_wait3A_309 : memref<1x40x128xf32, #tpu.memory_space<hbm>> -> memref<40x128xf32, #tpu.memory_space<hbm>>
    tpu.wait_dma2 semaphore(%arg26 : memref<!tpu.dma_semaphore, #tpu.memory_space<semaphore_mem>>) src(%arg10 : memref<40x128xf32, #tpu.memory_space<vmem>>) dst(%dma_wait3A_310 : memref<40x128xf32, #tpu.memory_space<hbm>>)
    "tpu.region"() ({
      %run_scoped3A = tpu.sem_alloc : memref<!tpu.dma_semaphore, #tpu.memory_space<semaphore_mem>>
      %dma_start3A_507 = arith.constant 0 : i32
      %dma_start3A_508 = tpu.memref_slice %arg6[%add3A_300, %dma_start3A_507] : memref<10240x128xf32, #tpu.memory_space<vmem_shared>> -> memref<40x128xf32, #tpu.memory_space<vmem_shared>>
      %dma_start3A_509 = arith.constant 0 : i32
      %dma_start3A_510 = tpu.memref_slice %arg6[%add3A_300, %dma_start3A_509] : memref<10240x128xf32, #tpu.memory_space<vmem_shared>> -> memref<40x128xf32, #tpu.memory_space<vmem_shared>>
      tpu.enqueue_dma source(%dma_start3A_510 : memref<40x128xf32, #tpu.memory_space<vmem_shared>>) target(%arg10 : memref<40x128xf32, #tpu.memory_space<vmem>>) target_semaphore(%run_scoped3A : memref<!tpu.dma_semaphore, #tpu.memory_space<semaphore_mem>>)
      %dma_wait3A_511 = arith.constant 0 : i32
      %dma_wait3A_512 = tpu.memref_slice %arg6[%add3A_300, %dma_wait3A_511] : memref<10240x128xf32, #tpu.memory_space<vmem_shared>> -> memref<40x128xf32, #tpu.memory_space<vmem_shared>>
      %dma_wait3A_513 = arith.constant 0 : i32
      %dma_wait3A_514 = tpu.memref_slice %arg6[%add3A_300, %dma_wait3A_513] : memref<10240x128xf32, #tpu.memory_space<vmem_shared>> -> memref<40x128xf32, #tpu.memory_space<vmem_shared>>
      tpu.wait_dma2 semaphore(%run_scoped3A : memref<!tpu.dma_semaphore, #tpu.memory_space<semaphore_mem>>) src(%dma_wait3A_514 : memref<40x128xf32, #tpu.memory_space<vmem_shared>>) dst(%arg10 : memref<40x128xf32, #tpu.memory_space<vmem>>)
      tpu.yield
    }) : () -> ()
    %dma_start3A_311 = arith.constant 0 : i32
    %dma_start3A_312 = tpu.memref_slice %arg5[%arg0, %add3A_300, %dma_start3A_311] : memref<2x10240x128xf32, #tpu.memory_space<hbm>> -> memref<1x40x128xf32, #tpu.memory_space<hbm>>
    %dma_start3A_313 = tpu.memref_squeeze %dma_start3A_312 : memref<1x40x128xf32, #tpu.memory_space<hbm>> -> memref<40x128xf32, #tpu.memory_space<hbm>>
    %dma_start3A_314 = arith.constant 0 : i32
    %dma_start3A_315 = tpu.memref_slice %arg5[%arg0, %add3A_300, %dma_start3A_314] : memref<2x10240x128xf32, #tpu.memory_space<hbm>> -> memref<1x40x128xf32, #tpu.memory_space<hbm>>
    %dma_start3A_316 = tpu.memref_squeeze %dma_start3A_315 : memref<1x40x128xf32, #tpu.memory_space<hbm>> -> memref<40x128xf32, #tpu.memory_space<hbm>>
    tpu.enqueue_dma source(%arg10 : memref<40x128xf32, #tpu.memory_space<vmem>>) target(%dma_start3A_316 : memref<40x128xf32, #tpu.memory_space<hbm>>) target_semaphore(%arg26 : memref<!tpu.dma_semaphore, #tpu.memory_space<semaphore_mem>>)
    %mul3A_317 = arith.constant 640 : i32
    %mul3A_318 = arith.muli %arg1, %mul3A_317 : i32
    %add3A_319 = arith.constant 360 : i32
    %add3A_320 = arith.addi %mul3A_318, %add3A_319 : i32
    %mul3A_321 = arith.constant 640 : i32
    %mul3A_322 = arith.muli %arg1, %mul3A_321 : i32
    %add3A_323 = arith.constant 160 : i32
    %add3A_324 = arith.addi %mul3A_322, %add3A_323 : i32
    %dma_wait3A_325 = arith.constant 0 : i32
    %dma_wait3A_326 = tpu.memref_slice %arg5[%arg0, %add3A_324, %dma_wait3A_325] : memref<2x10240x128xf32, #tpu.memory_space<hbm>> -> memref<1x40x128xf32, #tpu.memory_space<hbm>>
    %dma_wait3A_327 = tpu.memref_squeeze %dma_wait3A_326 : memref<1x40x128xf32, #tpu.memory_space<hbm>> -> memref<40x128xf32, #tpu.memory_space<hbm>>
    %dma_wait3A_328 = arith.constant 0 : i32
    %dma_wait3A_329 = tpu.memref_slice %arg5[%arg0, %add3A_324, %dma_wait3A_328] : memref<2x10240x128xf32, #tpu.memory_space<hbm>> -> memref<1x40x128xf32, #tpu.memory_space<hbm>>
    %dma_wait3A_330 = tpu.memref_squeeze %dma_wait3A_329 : memref<1x40x128xf32, #tpu.memory_space<hbm>> -> memref<40x128xf32, #tpu.memory_space<hbm>>
    tpu.wait_dma2 semaphore(%arg27 : memref<!tpu.dma_semaphore, #tpu.memory_space<semaphore_mem>>) src(%arg11 : memref<40x128xf32, #tpu.memory_space<vmem>>) dst(%dma_wait3A_330 : memref<40x128xf32, #tpu.memory_space<hbm>>)
    "tpu.region"() ({
      %run_scoped3A = tpu.sem_alloc : memref<!tpu.dma_semaphore, #tpu.memory_space<semaphore_mem>>
      %dma_start3A_507 = arith.constant 0 : i32
      %dma_start3A_508 = tpu.memref_slice %arg6[%add3A_320, %dma_start3A_507] : memref<10240x128xf32, #tpu.memory_space<vmem_shared>> -> memref<40x128xf32, #tpu.memory_space<vmem_shared>>
      %dma_start3A_509 = arith.constant 0 : i32
      %dma_start3A_510 = tpu.memref_slice %arg6[%add3A_320, %dma_start3A_509] : memref<10240x128xf32, #tpu.memory_space<vmem_shared>> -> memref<40x128xf32, #tpu.memory_space<vmem_shared>>
      tpu.enqueue_dma source(%dma_start3A_510 : memref<40x128xf32, #tpu.memory_space<vmem_shared>>) target(%arg11 : memref<40x128xf32, #tpu.memory_space<vmem>>) target_semaphore(%run_scoped3A : memref<!tpu.dma_semaphore, #tpu.memory_space<semaphore_mem>>)
      %dma_wait3A_511 = arith.constant 0 : i32
      %dma_wait3A_512 = tpu.memref_slice %arg6[%add3A_320, %dma_wait3A_511] : memref<10240x128xf32, #tpu.memory_space<vmem_shared>> -> memref<40x128xf32, #tpu.memory_space<vmem_shared>>
      %dma_wait3A_513 = arith.constant 0 : i32
      %dma_wait3A_514 = tpu.memref_slice %arg6[%add3A_320, %dma_wait3A_513] : memref<10240x128xf32, #tpu.memory_space<vmem_shared>> -> memref<40x128xf32, #tpu.memory_space<vmem_shared>>
      tpu.wait_dma2 semaphore(%run_scoped3A : memref<!tpu.dma_semaphore, #tpu.memory_space<semaphore_mem>>) src(%dma_wait3A_514 : memref<40x128xf32, #tpu.memory_space<vmem_shared>>) dst(%arg11 : memref<40x128xf32, #tpu.memory_space<vmem>>)
      tpu.yield
    }) : () -> ()
    %dma_start3A_331 = arith.constant 0 : i32
    %dma_start3A_332 = tpu.memref_slice %arg5[%arg0, %add3A_320, %dma_start3A_331] : memref<2x10240x128xf32, #tpu.memory_space<hbm>> -> memref<1x40x128xf32, #tpu.memory_space<hbm>>
    %dma_start3A_333 = tpu.memref_squeeze %dma_start3A_332 : memref<1x40x128xf32, #tpu.memory_space<hbm>> -> memref<40x128xf32, #tpu.memory_space<hbm>>
    %dma_start3A_334 = arith.constant 0 : i32
    %dma_start3A_335 = tpu.memref_slice %arg5[%arg0, %add3A_320, %dma_start3A_334] : memref<2x10240x128xf32, #tpu.memory_space<hbm>> -> memref<1x40x128xf32, #tpu.memory_space<hbm>>
    %dma_start3A_336 = tpu.memref_squeeze %dma_start3A_335 : memref<1x40x128xf32, #tpu.memory_space<hbm>> -> memref<40x128xf32, #tpu.memory_space<hbm>>
    tpu.enqueue_dma source(%arg11 : memref<40x128xf32, #tpu.memory_space<vmem>>) target(%dma_start3A_336 : memref<40x128xf32, #tpu.memory_space<hbm>>) target_semaphore(%arg27 : memref<!tpu.dma_semaphore, #tpu.memory_space<semaphore_mem>>)
    %mul3A_337 = arith.constant 640 : i32
    %mul3A_338 = arith.muli %arg1, %mul3A_337 : i32
    %add3A_339 = arith.constant 400 : i32
    %add3A_340 = arith.addi %mul3A_338, %add3A_339 : i32
    %mul3A_341 = arith.constant 640 : i32
    %mul3A_342 = arith.muli %arg1, %mul3A_341 : i32
    %add3A_343 = arith.constant 200 : i32
    %add3A_344 = arith.addi %mul3A_342, %add3A_343 : i32
    %dma_wait3A_345 = arith.constant 0 : i32
    %dma_wait3A_346 = tpu.memref_slice %arg5[%arg0, %add3A_344, %dma_wait3A_345] : memref<2x10240x128xf32, #tpu.memory_space<hbm>> -> memref<1x40x128xf32, #tpu.memory_space<hbm>>
    %dma_wait3A_347 = tpu.memref_squeeze %dma_wait3A_346 : memref<1x40x128xf32, #tpu.memory_space<hbm>> -> memref<40x128xf32, #tpu.memory_space<hbm>>
    %dma_wait3A_348 = arith.constant 0 : i32
    %dma_wait3A_349 = tpu.memref_slice %arg5[%arg0, %add3A_344, %dma_wait3A_348] : memref<2x10240x128xf32, #tpu.memory_space<hbm>> -> memref<1x40x128xf32, #tpu.memory_space<hbm>>
    %dma_wait3A_350 = tpu.memref_squeeze %dma_wait3A_349 : memref<1x40x128xf32, #tpu.memory_space<hbm>> -> memref<40x128xf32, #tpu.memory_space<hbm>>
    tpu.wait_dma2 semaphore(%arg23 : memref<!tpu.dma_semaphore, #tpu.memory_space<semaphore_mem>>) src(%arg7 : memref<40x128xf32, #tpu.memory_space<vmem>>) dst(%dma_wait3A_350 : memref<40x128xf32, #tpu.memory_space<hbm>>)
    "tpu.region"() ({
      %run_scoped3A = tpu.sem_alloc : memref<!tpu.dma_semaphore, #tpu.memory_space<semaphore_mem>>
      %dma_start3A_507 = arith.constant 0 : i32
      %dma_start3A_508 = tpu.memref_slice %arg6[%add3A_340, %dma_start3A_507] : memref<10240x128xf32, #tpu.memory_space<vmem_shared>> -> memref<40x128xf32, #tpu.memory_space<vmem_shared>>
      %dma_start3A_509 = arith.constant 0 : i32
      %dma_start3A_510 = tpu.memref_slice %arg6[%add3A_340, %dma_start3A_509] : memref<10240x128xf32, #tpu.memory_space<vmem_shared>> -> memref<40x128xf32, #tpu.memory_space<vmem_shared>>
      tpu.enqueue_dma source(%dma_start3A_510 : memref<40x128xf32, #tpu.memory_space<vmem_shared>>) target(%arg7 : memref<40x128xf32, #tpu.memory_space<vmem>>) target_semaphore(%run_scoped3A : memref<!tpu.dma_semaphore, #tpu.memory_space<semaphore_mem>>)
      %dma_wait3A_511 = arith.constant 0 : i32
      %dma_wait3A_512 = tpu.memref_slice %arg6[%add3A_340, %dma_wait3A_511] : memref<10240x128xf32, #tpu.memory_space<vmem_shared>> -> memref<40x128xf32, #tpu.memory_space<vmem_shared>>
      %dma_wait3A_513 = arith.constant 0 : i32
      %dma_wait3A_514 = tpu.memref_slice %arg6[%add3A_340, %dma_wait3A_513] : memref<10240x128xf32, #tpu.memory_space<vmem_shared>> -> memref<40x128xf32, #tpu.memory_space<vmem_shared>>
      tpu.wait_dma2 semaphore(%run_scoped3A : memref<!tpu.dma_semaphore, #tpu.memory_space<semaphore_mem>>) src(%dma_wait3A_514 : memref<40x128xf32, #tpu.memory_space<vmem_shared>>) dst(%arg7 : memref<40x128xf32, #tpu.memory_space<vmem>>)
      tpu.yield
    }) : () -> ()
    %dma_start3A_351 = arith.constant 0 : i32
    %dma_start3A_352 = tpu.memref_slice %arg5[%arg0, %add3A_340, %dma_start3A_351] : memref<2x10240x128xf32, #tpu.memory_space<hbm>> -> memref<1x40x128xf32, #tpu.memory_space<hbm>>
    %dma_start3A_353 = tpu.memref_squeeze %dma_start3A_352 : memref<1x40x128xf32, #tpu.memory_space<hbm>> -> memref<40x128xf32, #tpu.memory_space<hbm>>
    %dma_start3A_354 = arith.constant 0 : i32
    %dma_start3A_355 = tpu.memref_slice %arg5[%arg0, %add3A_340, %dma_start3A_354] : memref<2x10240x128xf32, #tpu.memory_space<hbm>> -> memref<1x40x128xf32, #tpu.memory_space<hbm>>
    %dma_start3A_356 = tpu.memref_squeeze %dma_start3A_355 : memref<1x40x128xf32, #tpu.memory_space<hbm>> -> memref<40x128xf32, #tpu.memory_space<hbm>>
    tpu.enqueue_dma source(%arg7 : memref<40x128xf32, #tpu.memory_space<vmem>>) target(%dma_start3A_356 : memref<40x128xf32, #tpu.memory_space<hbm>>) target_semaphore(%arg23 : memref<!tpu.dma_semaphore, #tpu.memory_space<semaphore_mem>>)
    %mul3A_357 = arith.constant 640 : i32
    %mul3A_358 = arith.muli %arg1, %mul3A_357 : i32
    %add3A_359 = arith.constant 440 : i32
    %add3A_360 = arith.addi %mul3A_358, %add3A_359 : i32
    %mul3A_361 = arith.constant 640 : i32
    %mul3A_362 = arith.muli %arg1, %mul3A_361 : i32
    %add3A_363 = arith.constant 240 : i32
    %add3A_364 = arith.addi %mul3A_362, %add3A_363 : i32
    %dma_wait3A_365 = arith.constant 0 : i32
    %dma_wait3A_366 = tpu.memref_slice %arg5[%arg0, %add3A_364, %dma_wait3A_365] : memref<2x10240x128xf32, #tpu.memory_space<hbm>> -> memref<1x40x128xf32, #tpu.memory_space<hbm>>
    %dma_wait3A_367 = tpu.memref_squeeze %dma_wait3A_366 : memref<1x40x128xf32, #tpu.memory_space<hbm>> -> memref<40x128xf32, #tpu.memory_space<hbm>>
    %dma_wait3A_368 = arith.constant 0 : i32
    %dma_wait3A_369 = tpu.memref_slice %arg5[%arg0, %add3A_364, %dma_wait3A_368] : memref<2x10240x128xf32, #tpu.memory_space<hbm>> -> memref<1x40x128xf32, #tpu.memory_space<hbm>>
    %dma_wait3A_370 = tpu.memref_squeeze %dma_wait3A_369 : memref<1x40x128xf32, #tpu.memory_space<hbm>> -> memref<40x128xf32, #tpu.memory_space<hbm>>
    tpu.wait_dma2 semaphore(%arg24 : memref<!tpu.dma_semaphore, #tpu.memory_space<semaphore_mem>>) src(%arg8 : memref<40x128xf32, #tpu.memory_space<vmem>>) dst(%dma_wait3A_370 : memref<40x128xf32, #tpu.memory_space<hbm>>)
    "tpu.region"() ({
      %run_scoped3A = tpu.sem_alloc : memref<!tpu.dma_semaphore, #tpu.memory_space<semaphore_mem>>
      %dma_start3A_507 = arith.constant 0 : i32
      %dma_start3A_508 = tpu.memref_slice %arg6[%add3A_360, %dma_start3A_507] : memref<10240x128xf32, #tpu.memory_space<vmem_shared>> -> memref<40x128xf32, #tpu.memory_space<vmem_shared>>
      %dma_start3A_509 = arith.constant 0 : i32
      %dma_start3A_510 = tpu.memref_slice %arg6[%add3A_360, %dma_start3A_509] : memref<10240x128xf32, #tpu.memory_space<vmem_shared>> -> memref<40x128xf32, #tpu.memory_space<vmem_shared>>
      tpu.enqueue_dma source(%dma_start3A_510 : memref<40x128xf32, #tpu.memory_space<vmem_shared>>) target(%arg8 : memref<40x128xf32, #tpu.memory_space<vmem>>) target_semaphore(%run_scoped3A : memref<!tpu.dma_semaphore, #tpu.memory_space<semaphore_mem>>)
      %dma_wait3A_511 = arith.constant 0 : i32
      %dma_wait3A_512 = tpu.memref_slice %arg6[%add3A_360, %dma_wait3A_511] : memref<10240x128xf32, #tpu.memory_space<vmem_shared>> -> memref<40x128xf32, #tpu.memory_space<vmem_shared>>
      %dma_wait3A_513 = arith.constant 0 : i32
      %dma_wait3A_514 = tpu.memref_slice %arg6[%add3A_360, %dma_wait3A_513] : memref<10240x128xf32, #tpu.memory_space<vmem_shared>> -> memref<40x128xf32, #tpu.memory_space<vmem_shared>>
      tpu.wait_dma2 semaphore(%run_scoped3A : memref<!tpu.dma_semaphore, #tpu.memory_space<semaphore_mem>>) src(%dma_wait3A_514 : memref<40x128xf32, #tpu.memory_space<vmem_shared>>) dst(%arg8 : memref<40x128xf32, #tpu.memory_space<vmem>>)
      tpu.yield
    }) : () -> ()
    %dma_start3A_371 = arith.constant 0 : i32
    %dma_start3A_372 = tpu.memref_slice %arg5[%arg0, %add3A_360, %dma_start3A_371] : memref<2x10240x128xf32, #tpu.memory_space<hbm>> -> memref<1x40x128xf32, #tpu.memory_space<hbm>>
    %dma_start3A_373 = tpu.memref_squeeze %dma_start3A_372 : memref<1x40x128xf32, #tpu.memory_space<hbm>> -> memref<40x128xf32, #tpu.memory_space<hbm>>
    %dma_start3A_374 = arith.constant 0 : i32
    %dma_start3A_375 = tpu.memref_slice %arg5[%arg0, %add3A_360, %dma_start3A_374] : memref<2x10240x128xf32, #tpu.memory_space<hbm>> -> memref<1x40x128xf32, #tpu.memory_space<hbm>>
    %dma_start3A_376 = tpu.memref_squeeze %dma_start3A_375 : memref<1x40x128xf32, #tpu.memory_space<hbm>> -> memref<40x128xf32, #tpu.memory_space<hbm>>
    tpu.enqueue_dma source(%arg8 : memref<40x128xf32, #tpu.memory_space<vmem>>) target(%dma_start3A_376 : memref<40x128xf32, #tpu.memory_space<hbm>>) target_semaphore(%arg24 : memref<!tpu.dma_semaphore, #tpu.memory_space<semaphore_mem>>)
    %mul3A_377 = arith.constant 640 : i32
    %mul3A_378 = arith.muli %arg1, %mul3A_377 : i32
    %add3A_379 = arith.constant 480 : i32
    %add3A_380 = arith.addi %mul3A_378, %add3A_379 : i32
    %mul3A_381 = arith.constant 640 : i32
    %mul3A_382 = arith.muli %arg1, %mul3A_381 : i32
    %add3A_383 = arith.constant 280 : i32
    %add3A_384 = arith.addi %mul3A_382, %add3A_383 : i32
    %dma_wait3A_385 = arith.constant 0 : i32
    %dma_wait3A_386 = tpu.memref_slice %arg5[%arg0, %add3A_384, %dma_wait3A_385] : memref<2x10240x128xf32, #tpu.memory_space<hbm>> -> memref<1x40x128xf32, #tpu.memory_space<hbm>>
    %dma_wait3A_387 = tpu.memref_squeeze %dma_wait3A_386 : memref<1x40x128xf32, #tpu.memory_space<hbm>> -> memref<40x128xf32, #tpu.memory_space<hbm>>
    %dma_wait3A_388 = arith.constant 0 : i32
    %dma_wait3A_389 = tpu.memref_slice %arg5[%arg0, %add3A_384, %dma_wait3A_388] : memref<2x10240x128xf32, #tpu.memory_space<hbm>> -> memref<1x40x128xf32, #tpu.memory_space<hbm>>
    %dma_wait3A_390 = tpu.memref_squeeze %dma_wait3A_389 : memref<1x40x128xf32, #tpu.memory_space<hbm>> -> memref<40x128xf32, #tpu.memory_space<hbm>>
    tpu.wait_dma2 semaphore(%arg25 : memref<!tpu.dma_semaphore, #tpu.memory_space<semaphore_mem>>) src(%arg9 : memref<40x128xf32, #tpu.memory_space<vmem>>) dst(%dma_wait3A_390 : memref<40x128xf32, #tpu.memory_space<hbm>>)
    "tpu.region"() ({
      %run_scoped3A = tpu.sem_alloc : memref<!tpu.dma_semaphore, #tpu.memory_space<semaphore_mem>>
      %dma_start3A_507 = arith.constant 0 : i32
      %dma_start3A_508 = tpu.memref_slice %arg6[%add3A_380, %dma_start3A_507] : memref<10240x128xf32, #tpu.memory_space<vmem_shared>> -> memref<40x128xf32, #tpu.memory_space<vmem_shared>>
      %dma_start3A_509 = arith.constant 0 : i32
      %dma_start3A_510 = tpu.memref_slice %arg6[%add3A_380, %dma_start3A_509] : memref<10240x128xf32, #tpu.memory_space<vmem_shared>> -> memref<40x128xf32, #tpu.memory_space<vmem_shared>>
      tpu.enqueue_dma source(%dma_start3A_510 : memref<40x128xf32, #tpu.memory_space<vmem_shared>>) target(%arg9 : memref<40x128xf32, #tpu.memory_space<vmem>>) target_semaphore(%run_scoped3A : memref<!tpu.dma_semaphore, #tpu.memory_space<semaphore_mem>>)
      %dma_wait3A_511 = arith.constant 0 : i32
      %dma_wait3A_512 = tpu.memref_slice %arg6[%add3A_380, %dma_wait3A_511] : memref<10240x128xf32, #tpu.memory_space<vmem_shared>> -> memref<40x128xf32, #tpu.memory_space<vmem_shared>>
      %dma_wait3A_513 = arith.constant 0 : i32
      %dma_wait3A_514 = tpu.memref_slice %arg6[%add3A_380, %dma_wait3A_513] : memref<10240x128xf32, #tpu.memory_space<vmem_shared>> -> memref<40x128xf32, #tpu.memory_space<vmem_shared>>
      tpu.wait_dma2 semaphore(%run_scoped3A : memref<!tpu.dma_semaphore, #tpu.memory_space<semaphore_mem>>) src(%dma_wait3A_514 : memref<40x128xf32, #tpu.memory_space<vmem_shared>>) dst(%arg9 : memref<40x128xf32, #tpu.memory_space<vmem>>)
      tpu.yield
    }) : () -> ()
    %dma_start3A_391 = arith.constant 0 : i32
    %dma_start3A_392 = tpu.memref_slice %arg5[%arg0, %add3A_380, %dma_start3A_391] : memref<2x10240x128xf32, #tpu.memory_space<hbm>> -> memref<1x40x128xf32, #tpu.memory_space<hbm>>
    %dma_start3A_393 = tpu.memref_squeeze %dma_start3A_392 : memref<1x40x128xf32, #tpu.memory_space<hbm>> -> memref<40x128xf32, #tpu.memory_space<hbm>>
    %dma_start3A_394 = arith.constant 0 : i32
    %dma_start3A_395 = tpu.memref_slice %arg5[%arg0, %add3A_380, %dma_start3A_394] : memref<2x10240x128xf32, #tpu.memory_space<hbm>> -> memref<1x40x128xf32, #tpu.memory_space<hbm>>
    %dma_start3A_396 = tpu.memref_squeeze %dma_start3A_395 : memref<1x40x128xf32, #tpu.memory_space<hbm>> -> memref<40x128xf32, #tpu.memory_space<hbm>>
    tpu.enqueue_dma source(%arg9 : memref<40x128xf32, #tpu.memory_space<vmem>>) target(%dma_start3A_396 : memref<40x128xf32, #tpu.memory_space<hbm>>) target_semaphore(%arg25 : memref<!tpu.dma_semaphore, #tpu.memory_space<semaphore_mem>>)
    %mul3A_397 = arith.constant 640 : i32
    %mul3A_398 = arith.muli %arg1, %mul3A_397 : i32
    %add3A_399 = arith.constant 520 : i32
    %add3A_400 = arith.addi %mul3A_398, %add3A_399 : i32
    %mul3A_401 = arith.constant 640 : i32
    %mul3A_402 = arith.muli %arg1, %mul3A_401 : i32
    %add3A_403 = arith.constant 320 : i32
    %add3A_404 = arith.addi %mul3A_402, %add3A_403 : i32
    %dma_wait3A_405 = arith.constant 0 : i32
    %dma_wait3A_406 = tpu.memref_slice %arg5[%arg0, %add3A_404, %dma_wait3A_405] : memref<2x10240x128xf32, #tpu.memory_space<hbm>> -> memref<1x40x128xf32, #tpu.memory_space<hbm>>
    %dma_wait3A_407 = tpu.memref_squeeze %dma_wait3A_406 : memref<1x40x128xf32, #tpu.memory_space<hbm>> -> memref<40x128xf32, #tpu.memory_space<hbm>>
    %dma_wait3A_408 = arith.constant 0 : i32
    %dma_wait3A_409 = tpu.memref_slice %arg5[%arg0, %add3A_404, %dma_wait3A_408] : memref<2x10240x128xf32, #tpu.memory_space<hbm>> -> memref<1x40x128xf32, #tpu.memory_space<hbm>>
    %dma_wait3A_410 = tpu.memref_squeeze %dma_wait3A_409 : memref<1x40x128xf32, #tpu.memory_space<hbm>> -> memref<40x128xf32, #tpu.memory_space<hbm>>
    tpu.wait_dma2 semaphore(%arg26 : memref<!tpu.dma_semaphore, #tpu.memory_space<semaphore_mem>>) src(%arg10 : memref<40x128xf32, #tpu.memory_space<vmem>>) dst(%dma_wait3A_410 : memref<40x128xf32, #tpu.memory_space<hbm>>)
    "tpu.region"() ({
      %run_scoped3A = tpu.sem_alloc : memref<!tpu.dma_semaphore, #tpu.memory_space<semaphore_mem>>
      %dma_start3A_507 = arith.constant 0 : i32
      %dma_start3A_508 = tpu.memref_slice %arg6[%add3A_400, %dma_start3A_507] : memref<10240x128xf32, #tpu.memory_space<vmem_shared>> -> memref<40x128xf32, #tpu.memory_space<vmem_shared>>
      %dma_start3A_509 = arith.constant 0 : i32
      %dma_start3A_510 = tpu.memref_slice %arg6[%add3A_400, %dma_start3A_509] : memref<10240x128xf32, #tpu.memory_space<vmem_shared>> -> memref<40x128xf32, #tpu.memory_space<vmem_shared>>
      tpu.enqueue_dma source(%dma_start3A_510 : memref<40x128xf32, #tpu.memory_space<vmem_shared>>) target(%arg10 : memref<40x128xf32, #tpu.memory_space<vmem>>) target_semaphore(%run_scoped3A : memref<!tpu.dma_semaphore, #tpu.memory_space<semaphore_mem>>)
      %dma_wait3A_511 = arith.constant 0 : i32
      %dma_wait3A_512 = tpu.memref_slice %arg6[%add3A_400, %dma_wait3A_511] : memref<10240x128xf32, #tpu.memory_space<vmem_shared>> -> memref<40x128xf32, #tpu.memory_space<vmem_shared>>
      %dma_wait3A_513 = arith.constant 0 : i32
      %dma_wait3A_514 = tpu.memref_slice %arg6[%add3A_400, %dma_wait3A_513] : memref<10240x128xf32, #tpu.memory_space<vmem_shared>> -> memref<40x128xf32, #tpu.memory_space<vmem_shared>>
      tpu.wait_dma2 semaphore(%run_scoped3A : memref<!tpu.dma_semaphore, #tpu.memory_space<semaphore_mem>>) src(%dma_wait3A_514 : memref<40x128xf32, #tpu.memory_space<vmem_shared>>) dst(%arg10 : memref<40x128xf32, #tpu.memory_space<vmem>>)
      tpu.yield
    }) : () -> ()
    %dma_start3A_411 = arith.constant 0 : i32
    %dma_start3A_412 = tpu.memref_slice %arg5[%arg0, %add3A_400, %dma_start3A_411] : memref<2x10240x128xf32, #tpu.memory_space<hbm>> -> memref<1x40x128xf32, #tpu.memory_space<hbm>>
    %dma_start3A_413 = tpu.memref_squeeze %dma_start3A_412 : memref<1x40x128xf32, #tpu.memory_space<hbm>> -> memref<40x128xf32, #tpu.memory_space<hbm>>
    %dma_start3A_414 = arith.constant 0 : i32
    %dma_start3A_415 = tpu.memref_slice %arg5[%arg0, %add3A_400, %dma_start3A_414] : memref<2x10240x128xf32, #tpu.memory_space<hbm>> -> memref<1x40x128xf32, #tpu.memory_space<hbm>>
    %dma_start3A_416 = tpu.memref_squeeze %dma_start3A_415 : memref<1x40x128xf32, #tpu.memory_space<hbm>> -> memref<40x128xf32, #tpu.memory_space<hbm>>
    tpu.enqueue_dma source(%arg10 : memref<40x128xf32, #tpu.memory_space<vmem>>) target(%dma_start3A_416 : memref<40x128xf32, #tpu.memory_space<hbm>>) target_semaphore(%arg26 : memref<!tpu.dma_semaphore, #tpu.memory_space<semaphore_mem>>)
    %mul3A_417 = arith.constant 640 : i32
    %mul3A_418 = arith.muli %arg1, %mul3A_417 : i32
    %add3A_419 = arith.constant 560 : i32
    %add3A_420 = arith.addi %mul3A_418, %add3A_419 : i32
    %mul3A_421 = arith.constant 640 : i32
    %mul3A_422 = arith.muli %arg1, %mul3A_421 : i32
    %add3A_423 = arith.constant 360 : i32
    %add3A_424 = arith.addi %mul3A_422, %add3A_423 : i32
    %dma_wait3A_425 = arith.constant 0 : i32
    %dma_wait3A_426 = tpu.memref_slice %arg5[%arg0, %add3A_424, %dma_wait3A_425] : memref<2x10240x128xf32, #tpu.memory_space<hbm>> -> memref<1x40x128xf32, #tpu.memory_space<hbm>>
    %dma_wait3A_427 = tpu.memref_squeeze %dma_wait3A_426 : memref<1x40x128xf32, #tpu.memory_space<hbm>> -> memref<40x128xf32, #tpu.memory_space<hbm>>
    %dma_wait3A_428 = arith.constant 0 : i32
    %dma_wait3A_429 = tpu.memref_slice %arg5[%arg0, %add3A_424, %dma_wait3A_428] : memref<2x10240x128xf32, #tpu.memory_space<hbm>> -> memref<1x40x128xf32, #tpu.memory_space<hbm>>
    %dma_wait3A_430 = tpu.memref_squeeze %dma_wait3A_429 : memref<1x40x128xf32, #tpu.memory_space<hbm>> -> memref<40x128xf32, #tpu.memory_space<hbm>>
    tpu.wait_dma2 semaphore(%arg27 : memref<!tpu.dma_semaphore, #tpu.memory_space<semaphore_mem>>) src(%arg11 : memref<40x128xf32, #tpu.memory_space<vmem>>) dst(%dma_wait3A_430 : memref<40x128xf32, #tpu.memory_space<hbm>>)
    "tpu.region"() ({
      %run_scoped3A = tpu.sem_alloc : memref<!tpu.dma_semaphore, #tpu.memory_space<semaphore_mem>>
      %dma_start3A_507 = arith.constant 0 : i32
      %dma_start3A_508 = tpu.memref_slice %arg6[%add3A_420, %dma_start3A_507] : memref<10240x128xf32, #tpu.memory_space<vmem_shared>> -> memref<40x128xf32, #tpu.memory_space<vmem_shared>>
      %dma_start3A_509 = arith.constant 0 : i32
      %dma_start3A_510 = tpu.memref_slice %arg6[%add3A_420, %dma_start3A_509] : memref<10240x128xf32, #tpu.memory_space<vmem_shared>> -> memref<40x128xf32, #tpu.memory_space<vmem_shared>>
      tpu.enqueue_dma source(%dma_start3A_510 : memref<40x128xf32, #tpu.memory_space<vmem_shared>>) target(%arg11 : memref<40x128xf32, #tpu.memory_space<vmem>>) target_semaphore(%run_scoped3A : memref<!tpu.dma_semaphore, #tpu.memory_space<semaphore_mem>>)
      %dma_wait3A_511 = arith.constant 0 : i32
      %dma_wait3A_512 = tpu.memref_slice %arg6[%add3A_420, %dma_wait3A_511] : memref<10240x128xf32, #tpu.memory_space<vmem_shared>> -> memref<40x128xf32, #tpu.memory_space<vmem_shared>>
      %dma_wait3A_513 = arith.constant 0 : i32
      %dma_wait3A_514 = tpu.memref_slice %arg6[%add3A_420, %dma_wait3A_513] : memref<10240x128xf32, #tpu.memory_space<vmem_shared>> -> memref<40x128xf32, #tpu.memory_space<vmem_shared>>
      tpu.wait_dma2 semaphore(%run_scoped3A : memref<!tpu.dma_semaphore, #tpu.memory_space<semaphore_mem>>) src(%dma_wait3A_514 : memref<40x128xf32, #tpu.memory_space<vmem_shared>>) dst(%arg11 : memref<40x128xf32, #tpu.memory_space<vmem>>)
      tpu.yield
    }) : () -> ()
    %dma_start3A_431 = arith.constant 0 : i32
    %dma_start3A_432 = tpu.memref_slice %arg5[%arg0, %add3A_420, %dma_start3A_431] : memref<2x10240x128xf32, #tpu.memory_space<hbm>> -> memref<1x40x128xf32, #tpu.memory_space<hbm>>
    %dma_start3A_433 = tpu.memref_squeeze %dma_start3A_432 : memref<1x40x128xf32, #tpu.memory_space<hbm>> -> memref<40x128xf32, #tpu.memory_space<hbm>>
    %dma_start3A_434 = arith.constant 0 : i32
    %dma_start3A_435 = tpu.memref_slice %arg5[%arg0, %add3A_420, %dma_start3A_434] : memref<2x10240x128xf32, #tpu.memory_space<hbm>> -> memref<1x40x128xf32, #tpu.memory_space<hbm>>
    %dma_start3A_436 = tpu.memref_squeeze %dma_start3A_435 : memref<1x40x128xf32, #tpu.memory_space<hbm>> -> memref<40x128xf32, #tpu.memory_space<hbm>>
    tpu.enqueue_dma source(%arg11 : memref<40x128xf32, #tpu.memory_space<vmem>>) target(%dma_start3A_436 : memref<40x128xf32, #tpu.memory_space<hbm>>) target_semaphore(%arg27 : memref<!tpu.dma_semaphore, #tpu.memory_space<semaphore_mem>>)
    %mul3A_437 = arith.constant 640 : i32
    %mul3A_438 = arith.muli %arg1, %mul3A_437 : i32
    %add3A_439 = arith.constant 600 : i32
    %add3A_440 = arith.addi %mul3A_438, %add3A_439 : i32
    %mul3A_441 = arith.constant 640 : i32
    %mul3A_442 = arith.muli %arg1, %mul3A_441 : i32
    %add3A_443 = arith.constant 400 : i32
    %add3A_444 = arith.addi %mul3A_442, %add3A_443 : i32
    %dma_wait3A_445 = arith.constant 0 : i32
    %dma_wait3A_446 = tpu.memref_slice %arg5[%arg0, %add3A_444, %dma_wait3A_445] : memref<2x10240x128xf32, #tpu.memory_space<hbm>> -> memref<1x40x128xf32, #tpu.memory_space<hbm>>
    %dma_wait3A_447 = tpu.memref_squeeze %dma_wait3A_446 : memref<1x40x128xf32, #tpu.memory_space<hbm>> -> memref<40x128xf32, #tpu.memory_space<hbm>>
    %dma_wait3A_448 = arith.constant 0 : i32
    %dma_wait3A_449 = tpu.memref_slice %arg5[%arg0, %add3A_444, %dma_wait3A_448] : memref<2x10240x128xf32, #tpu.memory_space<hbm>> -> memref<1x40x128xf32, #tpu.memory_space<hbm>>
    %dma_wait3A_450 = tpu.memref_squeeze %dma_wait3A_449 : memref<1x40x128xf32, #tpu.memory_space<hbm>> -> memref<40x128xf32, #tpu.memory_space<hbm>>
    tpu.wait_dma2 semaphore(%arg23 : memref<!tpu.dma_semaphore, #tpu.memory_space<semaphore_mem>>) src(%arg7 : memref<40x128xf32, #tpu.memory_space<vmem>>) dst(%dma_wait3A_450 : memref<40x128xf32, #tpu.memory_space<hbm>>)
    "tpu.region"() ({
      %run_scoped3A = tpu.sem_alloc : memref<!tpu.dma_semaphore, #tpu.memory_space<semaphore_mem>>
      %dma_start3A_507 = arith.constant 0 : i32
      %dma_start3A_508 = tpu.memref_slice %arg6[%add3A_440, %dma_start3A_507] : memref<10240x128xf32, #tpu.memory_space<vmem_shared>> -> memref<40x128xf32, #tpu.memory_space<vmem_shared>>
      %dma_start3A_509 = arith.constant 0 : i32
      %dma_start3A_510 = tpu.memref_slice %arg6[%add3A_440, %dma_start3A_509] : memref<10240x128xf32, #tpu.memory_space<vmem_shared>> -> memref<40x128xf32, #tpu.memory_space<vmem_shared>>
      tpu.enqueue_dma source(%dma_start3A_510 : memref<40x128xf32, #tpu.memory_space<vmem_shared>>) target(%arg7 : memref<40x128xf32, #tpu.memory_space<vmem>>) target_semaphore(%run_scoped3A : memref<!tpu.dma_semaphore, #tpu.memory_space<semaphore_mem>>)
      %dma_wait3A_511 = arith.constant 0 : i32
      %dma_wait3A_512 = tpu.memref_slice %arg6[%add3A_440, %dma_wait3A_511] : memref<10240x128xf32, #tpu.memory_space<vmem_shared>> -> memref<40x128xf32, #tpu.memory_space<vmem_shared>>
      %dma_wait3A_513 = arith.constant 0 : i32
      %dma_wait3A_514 = tpu.memref_slice %arg6[%add3A_440, %dma_wait3A_513] : memref<10240x128xf32, #tpu.memory_space<vmem_shared>> -> memref<40x128xf32, #tpu.memory_space<vmem_shared>>
      tpu.wait_dma2 semaphore(%run_scoped3A : memref<!tpu.dma_semaphore, #tpu.memory_space<semaphore_mem>>) src(%dma_wait3A_514 : memref<40x128xf32, #tpu.memory_space<vmem_shared>>) dst(%arg7 : memref<40x128xf32, #tpu.memory_space<vmem>>)
      tpu.yield
    }) : () -> ()
    %dma_start3A_451 = arith.constant 0 : i32
    %dma_start3A_452 = tpu.memref_slice %arg5[%arg0, %add3A_440, %dma_start3A_451] : memref<2x10240x128xf32, #tpu.memory_space<hbm>> -> memref<1x40x128xf32, #tpu.memory_space<hbm>>
    %dma_start3A_453 = tpu.memref_squeeze %dma_start3A_452 : memref<1x40x128xf32, #tpu.memory_space<hbm>> -> memref<40x128xf32, #tpu.memory_space<hbm>>
    %dma_start3A_454 = arith.constant 0 : i32
    %dma_start3A_455 = tpu.memref_slice %arg5[%arg0, %add3A_440, %dma_start3A_454] : memref<2x10240x128xf32, #tpu.memory_space<hbm>> -> memref<1x40x128xf32, #tpu.memory_space<hbm>>
    %dma_start3A_456 = tpu.memref_squeeze %dma_start3A_455 : memref<1x40x128xf32, #tpu.memory_space<hbm>> -> memref<40x128xf32, #tpu.memory_space<hbm>>
    tpu.enqueue_dma source(%arg7 : memref<40x128xf32, #tpu.memory_space<vmem>>) target(%dma_start3A_456 : memref<40x128xf32, #tpu.memory_space<hbm>>) target_semaphore(%arg23 : memref<!tpu.dma_semaphore, #tpu.memory_space<semaphore_mem>>)
    %mul3A_457 = arith.constant 640 : i32
    %mul3A_458 = arith.muli %arg1, %mul3A_457 : i32
    %add3A_459 = arith.constant 440 : i32
    %add3A_460 = arith.addi %mul3A_458, %add3A_459 : i32
    %dma_wait3A_461 = arith.constant 0 : i32
    %dma_wait3A_462 = tpu.memref_slice %arg5[%arg0, %add3A_460, %dma_wait3A_461] : memref<2x10240x128xf32, #tpu.memory_space<hbm>> -> memref<1x40x128xf32, #tpu.memory_space<hbm>>
    %dma_wait3A_463 = tpu.memref_squeeze %dma_wait3A_462 : memref<1x40x128xf32, #tpu.memory_space<hbm>> -> memref<40x128xf32, #tpu.memory_space<hbm>>
    %dma_wait3A_464 = arith.constant 0 : i32
    %dma_wait3A_465 = tpu.memref_slice %arg5[%arg0, %add3A_460, %dma_wait3A_464] : memref<2x10240x128xf32, #tpu.memory_space<hbm>> -> memref<1x40x128xf32, #tpu.memory_space<hbm>>
    %dma_wait3A_466 = tpu.memref_squeeze %dma_wait3A_465 : memref<1x40x128xf32, #tpu.memory_space<hbm>> -> memref<40x128xf32, #tpu.memory_space<hbm>>
    tpu.wait_dma2 semaphore(%arg24 : memref<!tpu.dma_semaphore, #tpu.memory_space<semaphore_mem>>) src(%arg8 : memref<40x128xf32, #tpu.memory_space<vmem>>) dst(%dma_wait3A_466 : memref<40x128xf32, #tpu.memory_space<hbm>>)
    %mul3A_467 = arith.constant 640 : i32
    %mul3A_468 = arith.muli %arg1, %mul3A_467 : i32
    %add3A_469 = arith.constant 480 : i32
    %add3A_470 = arith.addi %mul3A_468, %add3A_469 : i32
    %dma_wait3A_471 = arith.constant 0 : i32
    %dma_wait3A_472 = tpu.memref_slice %arg5[%arg0, %add3A_470, %dma_wait3A_471] : memref<2x10240x128xf32, #tpu.memory_space<hbm>> -> memref<1x40x128xf32, #tpu.memory_space<hbm>>
    %dma_wait3A_473 = tpu.memref_squeeze %dma_wait3A_472 : memref<1x40x128xf32, #tpu.memory_space<hbm>> -> memref<40x128xf32, #tpu.memory_space<hbm>>
    %dma_wait3A_474 = arith.constant 0 : i32
    %dma_wait3A_475 = tpu.memref_slice %arg5[%arg0, %add3A_470, %dma_wait3A_474] : memref<2x10240x128xf32, #tpu.memory_space<hbm>> -> memref<1x40x128xf32, #tpu.memory_space<hbm>>
    %dma_wait3A_476 = tpu.memref_squeeze %dma_wait3A_475 : memref<1x40x128xf32, #tpu.memory_space<hbm>> -> memref<40x128xf32, #tpu.memory_space<hbm>>
    tpu.wait_dma2 semaphore(%arg25 : memref<!tpu.dma_semaphore, #tpu.memory_space<semaphore_mem>>) src(%arg9 : memref<40x128xf32, #tpu.memory_space<vmem>>) dst(%dma_wait3A_476 : memref<40x128xf32, #tpu.memory_space<hbm>>)
    %mul3A_477 = arith.constant 640 : i32
    %mul3A_478 = arith.muli %arg1, %mul3A_477 : i32
    %add3A_479 = arith.constant 520 : i32
    %add3A_480 = arith.addi %mul3A_478, %add3A_479 : i32
    %dma_wait3A_481 = arith.constant 0 : i32
    %dma_wait3A_482 = tpu.memref_slice %arg5[%arg0, %add3A_480, %dma_wait3A_481] : memref<2x10240x128xf32, #tpu.memory_space<hbm>> -> memref<1x40x128xf32, #tpu.memory_space<hbm>>
    %dma_wait3A_483 = tpu.memref_squeeze %dma_wait3A_482 : memref<1x40x128xf32, #tpu.memory_space<hbm>> -> memref<40x128xf32, #tpu.memory_space<hbm>>
    %dma_wait3A_484 = arith.constant 0 : i32
    %dma_wait3A_485 = tpu.memref_slice %arg5[%arg0, %add3A_480, %dma_wait3A_484] : memref<2x10240x128xf32, #tpu.memory_space<hbm>> -> memref<1x40x128xf32, #tpu.memory_space<hbm>>
    %dma_wait3A_486 = tpu.memref_squeeze %dma_wait3A_485 : memref<1x40x128xf32, #tpu.memory_space<hbm>> -> memref<40x128xf32, #tpu.memory_space<hbm>>
    tpu.wait_dma2 semaphore(%arg26 : memref<!tpu.dma_semaphore, #tpu.memory_space<semaphore_mem>>) src(%arg10 : memref<40x128xf32, #tpu.memory_space<vmem>>) dst(%dma_wait3A_486 : memref<40x128xf32, #tpu.memory_space<hbm>>)
    %mul3A_487 = arith.constant 640 : i32
    %mul3A_488 = arith.muli %arg1, %mul3A_487 : i32
    %add3A_489 = arith.constant 560 : i32
    %add3A_490 = arith.addi %mul3A_488, %add3A_489 : i32
    %dma_wait3A_491 = arith.constant 0 : i32
    %dma_wait3A_492 = tpu.memref_slice %arg5[%arg0, %add3A_490, %dma_wait3A_491] : memref<2x10240x128xf32, #tpu.memory_space<hbm>> -> memref<1x40x128xf32, #tpu.memory_space<hbm>>
    %dma_wait3A_493 = tpu.memref_squeeze %dma_wait3A_492 : memref<1x40x128xf32, #tpu.memory_space<hbm>> -> memref<40x128xf32, #tpu.memory_space<hbm>>
    %dma_wait3A_494 = arith.constant 0 : i32
    %dma_wait3A_495 = tpu.memref_slice %arg5[%arg0, %add3A_490, %dma_wait3A_494] : memref<2x10240x128xf32, #tpu.memory_space<hbm>> -> memref<1x40x128xf32, #tpu.memory_space<hbm>>
    %dma_wait3A_496 = tpu.memref_squeeze %dma_wait3A_495 : memref<1x40x128xf32, #tpu.memory_space<hbm>> -> memref<40x128xf32, #tpu.memory_space<hbm>>
    tpu.wait_dma2 semaphore(%arg27 : memref<!tpu.dma_semaphore, #tpu.memory_space<semaphore_mem>>) src(%arg11 : memref<40x128xf32, #tpu.memory_space<vmem>>) dst(%dma_wait3A_496 : memref<40x128xf32, #tpu.memory_space<hbm>>)
    %mul3A_497 = arith.constant 640 : i32
    %mul3A_498 = arith.muli %arg1, %mul3A_497 : i32
    %add3A_499 = arith.constant 600 : i32
    %add3A_500 = arith.addi %mul3A_498, %add3A_499 : i32
    %dma_wait3A_501 = arith.constant 0 : i32
    %dma_wait3A_502 = tpu.memref_slice %arg5[%arg0, %add3A_500, %dma_wait3A_501] : memref<2x10240x128xf32, #tpu.memory_space<hbm>> -> memref<1x40x128xf32, #tpu.memory_space<hbm>>
    %dma_wait3A_503 = tpu.memref_squeeze %dma_wait3A_502 : memref<1x40x128xf32, #tpu.memory_space<hbm>> -> memref<40x128xf32, #tpu.memory_space<hbm>>
    %dma_wait3A_504 = arith.constant 0 : i32
    %dma_wait3A_505 = tpu.memref_slice %arg5[%arg0, %add3A_500, %dma_wait3A_504] : memref<2x10240x128xf32, #tpu.memory_space<hbm>> -> memref<1x40x128xf32, #tpu.memory_space<hbm>>
    %dma_wait3A_506 = tpu.memref_squeeze %dma_wait3A_505 : memref<1x40x128xf32, #tpu.memory_space<hbm>> -> memref<40x128xf32, #tpu.memory_space<hbm>>
    tpu.wait_dma2 semaphore(%arg23 : memref<!tpu.dma_semaphore, #tpu.memory_space<semaphore_mem>>) src(%arg7 : memref<40x128xf32, #tpu.memory_space<vmem>>) dst(%dma_wait3A_506 : memref<40x128xf32, #tpu.memory_space<hbm>>)
    return
  }
}

module attributes {stable_mosaic.version = 14 : i64} {
  func.func @_pre_body(%arg0: i32, %arg1: memref<2000x128xf32, #tpu.memory_space<vmem>>, %arg2: memref<128x128xf32, #tpu.memory_space<vmem>>, %arg3: memref<128x128xf32, #tpu.memory_space<vmem>>, %arg4: memref<2000x128xf32, #tpu.memory_space<vmem>>, %arg5: memref<2000x128xf32, #tpu.memory_space<vmem>>) attributes {dimension_semantics = [#tpu.dimension_semantics<arbitrary>], iteration_bounds = array<i64: 5>, scalar_prefetch = 0 : i64, scratch_operands = 0 : i64, tpu.core_type = #tpu.core_type<tc>, window_params = [{transform_indices = @transform_0, window_bounds = array<i64: 2000, 128>}, {pipeline_mode = #tpu.pipeline_mode<synchronous>, transform_indices = @transform_1, window_bounds = array<i64: 128, 128>}, {pipeline_mode = #tpu.pipeline_mode<synchronous>, transform_indices = @transform_2, window_bounds = array<i64: 128, 128>}, {transform_indices = @transform_3, window_bounds = array<i64: 2000, 128>}, {transform_indices = @transform_4, window_bounds = array<i64: 2000, 128>}]} {
    %get3A = arith.constant 0 : index
    %get3A_0 = arith.constant 0 : index
    %get3A_1 = vector.load %arg1[%get3A, %get3A_0] : memref<2000x128xf32, #tpu.memory_space<vmem>>, vector<2000x128xf32>
    %get3A_2 = arith.constant 0 : index
    %get3A_3 = arith.constant 0 : index
    %get3A_4 = vector.load %arg2[%get3A_2, %get3A_3] : memref<128x128xf32, #tpu.memory_space<vmem>>, vector<128x128xf32>
    %dot_general3A = arith.constant dense<0.000000e+00> : vector<2000x128xf32>
    %dot_general3A_5 = tpu.matmul %get3A_1, %get3A_4, %dot_general3A {dimension_numbers = #tpu.dot_dimension_numbers<[1], [0], [0], [1], [0, 0, 1, 1], [], []>, transpose_lhs_hint = false} : vector<2000x128xf32>, vector<128x128xf32>, vector<2000x128xf32> -> vector<2000x128xf32>
    %swap3A = arith.constant 0 : index
    %swap3A_6 = arith.constant 0 : index
    %swap3A_7 = vector.load %arg4[%swap3A, %swap3A_6] : memref<2000x128xf32, #tpu.memory_space<vmem>>, vector<2000x128xf32>
    tpu.vector_store %arg4[%swap3A, %swap3A_6], %dot_general3A_5 {strides = array<i32>} : memref<2000x128xf32, #tpu.memory_space<vmem>>, vector<2000x128xf32>,
    %get3A_8 = arith.constant 0 : index
    %get3A_9 = arith.constant 0 : index
    %get3A_10 = vector.load %arg3[%get3A_8, %get3A_9] : memref<128x128xf32, #tpu.memory_space<vmem>>, vector<128x128xf32>
    %dot_general3A_11 = arith.constant dense<0.000000e+00> : vector<2000x128xf32>
    %dot_general3A_12 = tpu.matmul %get3A_1, %get3A_10, %dot_general3A_11 {dimension_numbers = #tpu.dot_dimension_numbers<[1], [0], [0], [1], [0, 0, 1, 1], [], []>, transpose_lhs_hint = false} : vector<2000x128xf32>, vector<128x128xf32>, vector<2000x128xf32> -> vector<2000x128xf32>
    %swap3A_13 = arith.constant 0 : index
    %swap3A_14 = arith.constant 0 : index
    %swap3A_15 = vector.load %arg5[%swap3A_13, %swap3A_14] : memref<2000x128xf32, #tpu.memory_space<vmem>>, vector<2000x128xf32>
    tpu.vector_store %arg5[%swap3A_13, %swap3A_14], %dot_general3A_12 {strides = array<i32>} : memref<2000x128xf32, #tpu.memory_space<vmem>>, vector<2000x128xf32>,
    return
  }
  func.func @transform_0(%arg0: i32) -> (i32, i32) {
    %c0_i32 = arith.constant 0 : i32
    %c0_i32_0 = arith.constant 0 : i32
    return %arg0, %c0_i32 : i32, i32
  }
  func.func @transform_1(%arg0: i32) -> (i32, i32) {
    %c0_i32 = arith.constant 0 : i32
    %c0_i32_0 = arith.constant 0 : i32
    %c0_i32_1 = arith.constant 0 : i32
    return %c0_i32, %c0_i32_0 : i32, i32
  }
  func.func @transform_2(%arg0: i32) -> (i32, i32) {
    %c0_i32 = arith.constant 0 : i32
    %c0_i32_0 = arith.constant 0 : i32
    %c0_i32_1 = arith.constant 0 : i32
    return %c0_i32, %c0_i32_0 : i32, i32
  }
  func.func @transform_3(%arg0: i32) -> (i32, i32) {
    %c0_i32 = arith.constant 0 : i32
    %c0_i32_0 = arith.constant 0 : i32
    return %arg0, %c0_i32 : i32, i32
  }
  func.func @transform_4(%arg0: i32) -> (i32, i32) {
    %c0_i32 = arith.constant 0 : i32
    %c0_i32_0 = arith.constant 0 : i32
    return %arg0, %c0_i32 : i32, i32
  }
}

module attributes {stable_mosaic.version = 14 : i64} {
  func.func @_edge_body(%arg0: i32, %arg1: memref<8000x128xf32, #tpu.memory_space<vmem>>, %arg2: memref<8000x16xf32, #tpu.memory_space<vmem>>, %arg3: memref<8000x1xf32, #tpu.memory_space<vmem>>, %arg4: memref<16x128xf32, #tpu.memory_space<vmem>>, %arg5: memref<1x128xf32, #tpu.memory_space<vmem>>, %arg6: memref<128x128xf32, #tpu.memory_space<vmem>>, %arg7: memref<1x128xf32, #tpu.memory_space<vmem>>, %arg8: memref<8000x128xf32, #tpu.memory_space<vmem>>) attributes {dimension_semantics = [#tpu.dimension_semantics<arbitrary>], iteration_bounds = array<i64: 40>, scalar_prefetch = 0 : i64, scratch_operands = 0 : i64, tpu.core_type = #tpu.core_type<tc>, window_params = [{transform_indices = @transform_0, window_bounds = array<i64: 8000, 128>}, {transform_indices = @transform_1, window_bounds = array<i64: 8000, 16>}, {transform_indices = @transform_2, window_bounds = array<i64: 8000, 1>}, {pipeline_mode = #tpu.pipeline_mode<synchronous>, transform_indices = @transform_3, window_bounds = array<i64: 16, 128>}, {pipeline_mode = #tpu.pipeline_mode<synchronous>, transform_indices = @transform_4, window_bounds = array<i64: 1, 128>}, {pipeline_mode = #tpu.pipeline_mode<synchronous>, transform_indices = @transform_5, window_bounds = array<i64: 128, 128>}, {pipeline_mode = #tpu.pipeline_mode<synchronous>, transform_indices = @transform_6, window_bounds = array<i64: 1, 128>}, {transform_indices = @transform_7, window_bounds = array<i64: 8000, 128>}]} {
    %get3A = arith.constant 0 : index
    %get3A_0 = arith.constant 0 : index
    %get3A_1 = vector.load %arg1[%get3A, %get3A_0] : memref<8000x128xf32, #tpu.memory_space<vmem>>, vector<8000x128xf32>
    %get3A_2 = arith.constant 0 : index
    %get3A_3 = arith.constant 0 : index
    %get3A_4 = vector.load %arg2[%get3A_2, %get3A_3] : memref<8000x16xf32, #tpu.memory_space<vmem>>, vector<8000x16xf32>
    %get3A_5 = arith.constant 0 : index
    %get3A_6 = arith.constant 0 : index
    %get3A_7 = vector.load %arg4[%get3A_5, %get3A_6] : memref<16x128xf32, #tpu.memory_space<vmem>>, vector<16x128xf32>
    %dot_general3A = arith.constant dense<0.000000e+00> : vector<8000x128xf32>
    %dot_general3A_8 = tpu.matmul %get3A_4, %get3A_7, %dot_general3A {dimension_numbers = #tpu.dot_dimension_numbers<[1], [0], [0], [1], [0, 0, 1, 1], [], []>, transpose_lhs_hint = false} : vector<8000x16xf32>, vector<16x128xf32>, vector<8000x128xf32> -> vector<8000x128xf32>
    %add3A = arith.addf %get3A_1, %dot_general3A_8 : vector<8000x128xf32>
    %get3A_9 = arith.constant 0 : index
    %get3A_10 = arith.constant 0 : index
    %get3A_11 = vector.load %arg5[%get3A_9, %get3A_10] : memref<1x128xf32, #tpu.memory_space<vmem>>, vector<1x128xf32>
    %add3A_12 = vector.broadcast %get3A_11 : vector<1x128xf32> to vector<8000x128xf32>
    %add3A_13 = arith.addf %add3A, %add3A_12 : vector<8000x128xf32>
    %max3A = arith.constant 0.000000e+00 : f32
    %max3A_14 = vector.broadcast %max3A : f32 to vector<8000x128xf32>
    %max3A_15 = arith.maximumf %add3A_13, %max3A_14 : vector<8000x128xf32>
    %get3A_16 = arith.constant 0 : index
    %get3A_17 = arith.constant 0 : index
    %get3A_18 = vector.load %arg6[%get3A_16, %get3A_17] : memref<128x128xf32, #tpu.memory_space<vmem>>, vector<128x128xf32>
    %dot_general3A_19 = arith.constant dense<0.000000e+00> : vector<8000x128xf32>
    %dot_general3A_20 = tpu.matmul %max3A_15, %get3A_18, %dot_general3A_19 {dimension_numbers = #tpu.dot_dimension_numbers<[1], [0], [0], [1], [0, 0, 1, 1], [], []>, transpose_lhs_hint = false} : vector<8000x128xf32>, vector<128x128xf32>, vector<8000x128xf32> -> vector<8000x128xf32>
    %get3A_21 = arith.constant 0 : index
    %get3A_22 = arith.constant 0 : index
    %get3A_23 = vector.load %arg7[%get3A_21, %get3A_22] : memref<1x128xf32, #tpu.memory_space<vmem>>, vector<1x128xf32>
    %add3A_24 = vector.broadcast %get3A_23 : vector<1x128xf32> to vector<8000x128xf32>
    %add3A_25 = arith.addf %dot_general3A_20, %add3A_24 : vector<8000x128xf32>
    %get3A_26 = arith.constant 0 : index
    %get3A_27 = arith.constant 0 : index
    %get3A_28 = vector.load %arg3[%get3A_26, %get3A_27] : memref<8000x1xf32, #tpu.memory_space<vmem>>, vector<8000x1xf32>
    %mul3A = vector.broadcast %get3A_28 : vector<8000x1xf32> to vector<8000x128xf32>
    %mul3A_29 = arith.mulf %add3A_25, %mul3A : vector<8000x128xf32>
    %swap3A = arith.constant 0 : index
    %swap3A_30 = arith.constant 0 : index
    %swap3A_31 = vector.load %arg8[%swap3A, %swap3A_30] : memref<8000x128xf32, #tpu.memory_space<vmem>>, vector<8000x128xf32>
    tpu.vector_store %arg8[%swap3A, %swap3A_30], %mul3A_29 {strides = array<i32>} : memref<8000x128xf32, #tpu.memory_space<vmem>>, vector<8000x128xf32>,
    return
  }
  func.func @transform_0(%arg0: i32) -> (i32, i32) {
    %c0_i32 = arith.constant 0 : i32
    %c0_i32_0 = arith.constant 0 : i32
    return %arg0, %c0_i32 : i32, i32
  }
  func.func @transform_1(%arg0: i32) -> (i32, i32) {
    %c0_i32 = arith.constant 0 : i32
    %c0_i32_0 = arith.constant 0 : i32
    return %arg0, %c0_i32 : i32, i32
  }
  func.func @transform_2(%arg0: i32) -> (i32, i32) {
    %c0_i32 = arith.constant 0 : i32
    %c0_i32_0 = arith.constant 0 : i32
    return %arg0, %c0_i32 : i32, i32
  }
  func.func @transform_3(%arg0: i32) -> (i32, i32) {
    %c0_i32 = arith.constant 0 : i32
    %c0_i32_0 = arith.constant 0 : i32
    %c0_i32_1 = arith.constant 0 : i32
    return %c0_i32, %c0_i32_0 : i32, i32
  }
  func.func @transform_4(%arg0: i32) -> (i32, i32) {
    %c0_i32 = arith.constant 0 : i32
    %c0_i32_0 = arith.constant 0 : i32
    %c0_i32_1 = arith.constant 0 : i32
    return %c0_i32, %c0_i32_0 : i32, i32
  }
  func.func @transform_5(%arg0: i32) -> (i32, i32) {
    %c0_i32 = arith.constant 0 : i32
    %c0_i32_0 = arith.constant 0 : i32
    %c0_i32_1 = arith.constant 0 : i32
    return %c0_i32, %c0_i32_0 : i32, i32
  }
  func.func @transform_6(%arg0: i32) -> (i32, i32) {
    %c0_i32 = arith.constant 0 : i32
    %c0_i32_0 = arith.constant 0 : i32
    %c0_i32_1 = arith.constant 0 : i32
    return %c0_i32, %c0_i32_0 : i32, i32
  }
  func.func @transform_7(%arg0: i32) -> (i32, i32) {
    %c0_i32 = arith.constant 0 : i32
    %c0_i32_0 = arith.constant 0 : i32
    return %arg0, %c0_i32 : i32, i32
  }
}

module attributes {stable_mosaic.version = 14 : i64} {
  func.func @_node_body(%arg0: i32, %arg1: memref<2000x128xf32, #tpu.memory_space<vmem>>, %arg2: memref<2000x128xf32, #tpu.memory_space<vmem>>, %arg3: memref<2000x128xf32, #tpu.memory_space<vmem>>, %arg4: memref<128x128xf32, #tpu.memory_space<vmem>>, %arg5: memref<128x128xf32, #tpu.memory_space<vmem>>, %arg6: memref<1x128xf32, #tpu.memory_space<vmem>>, %arg7: memref<128x128xf32, #tpu.memory_space<vmem>>, %arg8: memref<1x128xf32, #tpu.memory_space<vmem>>, %arg9: memref<2000x128xf32, #tpu.memory_space<vmem>>) attributes {dimension_semantics = [#tpu.dimension_semantics<arbitrary>], iteration_bounds = array<i64: 5>, scalar_prefetch = 0 : i64, scratch_operands = 0 : i64, tpu.core_type = #tpu.core_type<tc>, window_params = [{transform_indices = @transform_0, window_bounds = array<i64: 2000, 128>}, {transform_indices = @transform_1, window_bounds = array<i64: 2000, 128>}, {transform_indices = @transform_2, window_bounds = array<i64: 2000, 128>}, {pipeline_mode = #tpu.pipeline_mode<synchronous>, transform_indices = @transform_3, window_bounds = array<i64: 128, 128>}, {pipeline_mode = #tpu.pipeline_mode<synchronous>, transform_indices = @transform_4, window_bounds = array<i64: 128, 128>}, {pipeline_mode = #tpu.pipeline_mode<synchronous>, transform_indices = @transform_5, window_bounds = array<i64: 1, 128>}, {pipeline_mode = #tpu.pipeline_mode<synchronous>, transform_indices = @transform_6, window_bounds = array<i64: 128, 128>}, {pipeline_mode = #tpu.pipeline_mode<synchronous>, transform_indices = @transform_7, window_bounds = array<i64: 1, 128>}, {transform_indices = @transform_8, window_bounds = array<i64: 2000, 128>}]} {
    %get3A = arith.constant 0 : index
    %get3A_0 = arith.constant 0 : index
    %get3A_1 = vector.load %arg2[%get3A, %get3A_0] : memref<2000x128xf32, #tpu.memory_space<vmem>>, vector<2000x128xf32>
    %get3A_2 = arith.constant 0 : index
    %get3A_3 = arith.constant 0 : index
    %get3A_4 = vector.load %arg3[%get3A_2, %get3A_3] : memref<2000x128xf32, #tpu.memory_space<vmem>>, vector<2000x128xf32>
    %add3A = arith.addf %get3A_1, %get3A_4 : vector<2000x128xf32>
    %get3A_5 = arith.constant 0 : index
    %get3A_6 = arith.constant 0 : index
    %get3A_7 = vector.load %arg1[%get3A_5, %get3A_6] : memref<2000x128xf32, #tpu.memory_space<vmem>>, vector<2000x128xf32>
    %get3A_8 = arith.constant 0 : index
    %get3A_9 = arith.constant 0 : index
    %get3A_10 = vector.load %arg4[%get3A_8, %get3A_9] : memref<128x128xf32, #tpu.memory_space<vmem>>, vector<128x128xf32>
    %dot_general3A = arith.constant dense<0.000000e+00> : vector<2000x128xf32>
    %dot_general3A_11 = tpu.matmul %get3A_7, %get3A_10, %dot_general3A {dimension_numbers = #tpu.dot_dimension_numbers<[1], [0], [0], [1], [0, 0, 1, 1], [], []>, transpose_lhs_hint = false} : vector<2000x128xf32>, vector<128x128xf32>, vector<2000x128xf32> -> vector<2000x128xf32>
    %get3A_12 = arith.constant 0 : index
    %get3A_13 = arith.constant 0 : index
    %get3A_14 = vector.load %arg5[%get3A_12, %get3A_13] : memref<128x128xf32, #tpu.memory_space<vmem>>, vector<128x128xf32>
    %dot_general3A_15 = arith.constant dense<0.000000e+00> : vector<2000x128xf32>
    %dot_general3A_16 = tpu.matmul %add3A, %get3A_14, %dot_general3A_15 {dimension_numbers = #tpu.dot_dimension_numbers<[1], [0], [0], [1], [0, 0, 1, 1], [], []>, transpose_lhs_hint = false} : vector<2000x128xf32>, vector<128x128xf32>, vector<2000x128xf32> -> vector<2000x128xf32>
    %add3A_17 = arith.addf %dot_general3A_11, %dot_general3A_16 : vector<2000x128xf32>
    %get3A_18 = arith.constant 0 : index
    %get3A_19 = arith.constant 0 : index
    %get3A_20 = vector.load %arg6[%get3A_18, %get3A_19] : memref<1x128xf32, #tpu.memory_space<vmem>>, vector<1x128xf32>
    %add3A_21 = vector.broadcast %get3A_20 : vector<1x128xf32> to vector<2000x128xf32>
    %add3A_22 = arith.addf %add3A_17, %add3A_21 : vector<2000x128xf32>
    %max3A = arith.constant 0.000000e+00 : f32
    %max3A_23 = vector.broadcast %max3A : f32 to vector<2000x128xf32>
    %max3A_24 = arith.maximumf %add3A_22, %max3A_23 : vector<2000x128xf32>
    %get3A_25 = arith.constant 0 : index
    %get3A_26 = arith.constant 0 : index
    %get3A_27 = vector.load %arg7[%get3A_25, %get3A_26] : memref<128x128xf32, #tpu.memory_space<vmem>>, vector<128x128xf32>
    %dot_general3A_28 = arith.constant dense<0.000000e+00> : vector<2000x128xf32>
    %dot_general3A_29 = tpu.matmul %max3A_24, %get3A_27, %dot_general3A_28 {dimension_numbers = #tpu.dot_dimension_numbers<[1], [0], [0], [1], [0, 0, 1, 1], [], []>, transpose_lhs_hint = false} : vector<2000x128xf32>, vector<128x128xf32>, vector<2000x128xf32> -> vector<2000x128xf32>
    %get3A_30 = arith.constant 0 : index
    %get3A_31 = arith.constant 0 : index
    %get3A_32 = vector.load %arg8[%get3A_30, %get3A_31] : memref<1x128xf32, #tpu.memory_space<vmem>>, vector<1x128xf32>
    %add3A_33 = vector.broadcast %get3A_32 : vector<1x128xf32> to vector<2000x128xf32>
    %add3A_34 = arith.addf %dot_general3A_29, %add3A_33 : vector<2000x128xf32>
    %swap3A = arith.constant 0 : index
    %swap3A_35 = arith.constant 0 : index
    %swap3A_36 = vector.load %arg9[%swap3A, %swap3A_35] : memref<2000x128xf32, #tpu.memory_space<vmem>>, vector<2000x128xf32>
    tpu.vector_store %arg9[%swap3A, %swap3A_35], %add3A_34 {strides = array<i32>} : memref<2000x128xf32, #tpu.memory_space<vmem>>, vector<2000x128xf32>,
    return
  }
  func.func @transform_0(%arg0: i32) -> (i32, i32) {
    %c0_i32 = arith.constant 0 : i32
    %c0_i32_0 = arith.constant 0 : i32
    return %arg0, %c0_i32 : i32, i32
  }
  func.func @transform_1(%arg0: i32) -> (i32, i32) {
    %c0_i32 = arith.constant 0 : i32
    %c0_i32_0 = arith.constant 0 : i32
    return %arg0, %c0_i32 : i32, i32
  }
  func.func @transform_2(%arg0: i32) -> (i32, i32) {
    %c0_i32 = arith.constant 0 : i32
    %c0_i32_0 = arith.constant 0 : i32
    return %arg0, %c0_i32 : i32, i32
  }
  func.func @transform_3(%arg0: i32) -> (i32, i32) {
    %c0_i32 = arith.constant 0 : i32
    %c0_i32_0 = arith.constant 0 : i32
    %c0_i32_1 = arith.constant 0 : i32
    return %c0_i32, %c0_i32_0 : i32, i32
  }
  func.func @transform_4(%arg0: i32) -> (i32, i32) {
    %c0_i32 = arith.constant 0 : i32
    %c0_i32_0 = arith.constant 0 : i32
    %c0_i32_1 = arith.constant 0 : i32
    return %c0_i32, %c0_i32_0 : i32, i32
  }
  func.func @transform_5(%arg0: i32) -> (i32, i32) {
    %c0_i32 = arith.constant 0 : i32
    %c0_i32_0 = arith.constant 0 : i32
    %c0_i32_1 = arith.constant 0 : i32
    return %c0_i32, %c0_i32_0 : i32, i32
  }
  func.func @transform_6(%arg0: i32) -> (i32, i32) {
    %c0_i32 = arith.constant 0 : i32
    %c0_i32_0 = arith.constant 0 : i32
    %c0_i32_1 = arith.constant 0 : i32
    return %c0_i32, %c0_i32_0 : i32, i32
  }
  func.func @transform_7(%arg0: i32) -> (i32, i32) {
    %c0_i32 = arith.constant 0 : i32
    %c0_i32_0 = arith.constant 0 : i32
    %c0_i32_1 = arith.constant 0 : i32
    return %c0_i32, %c0_i32_0 : i32, i32
  }
  func.func @transform_8(%arg0: i32) -> (i32, i32) {
    %c0_i32 = arith.constant 0 : i32
    %c0_i32_0 = arith.constant 0 : i32
    return %arg0, %c0_i32 : i32, i32
  }
}

</mosaic_0001>

<sc_bundles>
// kernel: kernel.10.cloned.1.call-start
scs
__scs_entry_jumppad:
0x0: {  	(pc) =	sbr.rel $0x88, $3  }
0x1: {  	(tag) =	ssettag $0x0;
	lr =	simm.s32 $0x1  }
0x2: {  	[smem:$0x3F95] =	sst lr;
	_ =	strace $0xD0000000  }
0x3: {  	_ = 	snop  }
0x4: {  	_ = 	snop  }
0x5: {  	_ = 	snop  }
0x6: {  	_ = 	snop  }
0x7: {  	_ = 	snop  }
__scs_overlays_trampoline_lowered:
0x8: {  	[smem:$0x3FA4] =	sst s0  }
0x9: {  	[smem:$0x3FA5] =	sst s1  }
0xa: {  	[smem:$0x3FA6] =	sst s2  }
0xb: {  	[smem:$0x3FA7] =	sst s3  }
0xc: {  	[smem:$0x3FA8] =	sst s4  }
0xd: {  	[smem:$0x3FA9] =	sst s5  }
0xe: {  	[smem:$0x3FAA] =	sst s6  }
0xf: {  	[smem:$0x3FAB] =	sst s7  }
0x10: {  	[smem:$0x3FAC] =	sst s8  }
0x11: {  	[smem:$0x3FAD] =	sst s9;
	s0 =	simm.s32 @!p0 $0x0  }
0x12: {  	s1 =	sld [smem:$0x3F93];
	s0 =	simm.s32 @p0 $0x1  }
0x13: {  	[smem:$0x3FAE] =	sst s0;
	s0 =	simm.s32 @!p1 $0x0  }
0x14: {  	s2 =	sld [smem:$0x3F92];
	s0 =	simm.s32 @p1 $0x1  }
0x15: {  	[smem:$0x3FAF] =	sst s0;
	s0 =	simm.s32 @!p2 $0x0  }
0x16: {  	s3 =	sld [smem:$0x3FDB];
	s0 =	simm.s32 @p2 $0x1  }
0x17: {  	s4 =	simm.s32 $0x1BF5;
	[smem:$0x3FB1] =	sst s0  }
0x18: {  	s0 =	sld [smem:$0x3F94];
	_ =	swait.ge [sflag:s4], $0x0  }
0x19: {  	s7 =	sld [smem:$0x3F95]  }
0x1a: {  	s8 =	sadd.s32 $0xFFFFE003, lr  }
0x1b: {  	s9 =	sadd.s32 $0xFFFFFEF7, lr;
	s5 =	simm.s32 $0xFFFFFFFF;
	p2 =	slt.u32 s8, $0xFFFFF086  }
0x1c: {  	p1 =	slt.u32 s9, $0xF7A;
	s5 =	simm.s32 @!p2 $0x0  }
0x1d: {  	s5 =	simm.s32 @p1 $0x1;
	p0 =	seq.s32 s7, s2  }
0x1e: {  	s7 =	smul.u32 @!p0 $0xF7A, s2;
	p2 =	seq.s32 @!p0 s5, $0x0  }
0x1f: {  	s9 =	smul.u32 $0xF7A, s1;
	s8 =	simm.s32 @!p0 $0x1BF5;
	p2 =	por !p2, p0  }
0x20: {  	[sflag:s8] =	ssyncset.s32 @!p0 $0xFFFFF086;
	s6 =	sadd.s32 @!p0 s3, s7;
	s7 =	simm.s32 @!p0 $0x108  }
0x21: {  	s3 =	sadd.s32 s3, s9;
	s6 =	sadd.s32 @!p0 $0x88, s6;
	s7 =	simm.s32 @p2 $0x1082  }
0x22: {  	[simem:s7], [sflag:s8] =	dma.local @!p0 [hbm:s6], $0xF7A  }
0x23: {  	s9 =	sor.u32 $0xD0000000, s2;
	s6 =	simm.s32 $0x108;
	_ =	swait.ge @!p0 [sflag:s8], $0x0  }
0x24: {  	s3 =	sadd.s32 $0x88, s3;
	s6 =	simm.s32 @!p1 $0x1082;
	[sflag:s4] =	ssyncset.s32 $0xFFFFF086  }
0x25: {  	[simem:s6], [sflag:s4] =	dma.local [hbm:s3], $0xF7A  }
0x26: {  	[smem:$0x3F95] =	sst s1;
	(tag) =	ssettag s2;
	_ =	strace s9  }
0x27: {  	s1 =	sld [smem:$0x3FA5]  }
0x28: {  	s2 =	sld [smem:$0x3FA6]  }
0x29: {  	s4 =	sld [smem:$0x3FA8]  }
0x2a: {  	p0 =	seq.s32 s5, $0x0;
	s5 =	sld [smem:$0x3FA9]  }
0x2b: {  	s6 =	sld [smem:$0x3FAA]  }
0x2c: {  	s7 =	sld [smem:$0x3FAB]  }
0x2d: {  	s3 =	simm.s32 $0x108;
	s8 =	sld [smem:$0x3FAC]  }
0x2e: {  	s3 =	simm.s32 @!p0 $0x1082;
	s9 =	sld [smem:$0x3FAD]  }
0x2f: {  	lr =	sadd.s32 s0, s3;
	s0 =	sld [smem:$0x3FA4]  }
0x30: {  	s3 =	sld [smem:$0x3FA7]  }
0x31: {  	[smem:$0x3FB0] =	sst s10  }
0x32: {  	s10 =	sld [smem:$0x3FAE];
	_ =	sdelay $0x3  }
0x33: {  	p0 =	seq.s32 s10, $0x1;
	s10 =	sld [smem:$0x3FB0];
	_ =	sdelay $0x3  }
0x34: {  	[smem:$0x3FB0] =	sst s10  }
0x35: {  	s10 =	sld [smem:$0x3FAF];
	_ =	sdelay $0x3  }
0x36: {  	p1 =	seq.s32 s10, $0x1;
	s10 =	sld [smem:$0x3FB0];
	_ =	sdelay $0x3  }
0x37: {  	[smem:$0x3FB0] =	sst s10  }
0x38: {  	s10 =	sld [smem:$0x3FB1]  }
0x39: {  	_ = 	snop;
	(pc) =	sbr.ind lr, $3  }
0x3a: {  	_ = 	snop  }
0x3b: {  	_ = 	snop  }
0x3c: {  	p2 =	seq.s32 s10, $0x1;
	s10 =	sld [smem:$0x3FB0]  }
0x3d: {  	_ =	shalt  }
0x3e: {  	_ =	shalt  }
0x3f: {  	_ =	shalt  }
0x40: {  	_ =	shalt  }
0x41: {  	_ =	shalt  }
0x42: {  	_ =	shalt  }
0x43: {  	_ =	shalt  }
0x44: {  	_ =	shalt  }
0x45: {  	_ =	shalt  }
0x46: {  	_ =	shalt  }
0x47: {  	_ =	shalt  }
0x48: {  	_ =	shalt  }
0x49: {  	_ =	shalt  }
0x4a: {  	_ =	shalt  }
0x4b: {  	_ =	shalt  }
0x4c: {  	_ =	shalt  }
0x4d: {  	_ =	shalt  }
0x4e: {  	_ =	shalt  }
0x4f: {  	_ =	shalt  }
0x50: {  	_ =	shalt  }
0x51: {  	_ =	shalt  }
0x52: {  	_ =	shalt  }
0x53: {  	_ =	shalt  }
0x54: {  	_ =	shalt  }
0x55: {  	_ =	shalt  }
0x56: {  	_ =	shalt  }
0x57: {  	_ =	shalt  }
0x58: {  	_ =	shalt  }
0x59: {  	_ =	shalt  }
0x5a: {  	_ =	shalt  }
0x5b: {  	_ =	shalt  }
0x5c: {  	_ =	shalt  }
0x5d: {  	_ =	shalt  }
0x5e: {  	_ =	shalt  }
0x5f: {  	_ =	shalt  }
0x60: {  	_ =	shalt  }
0x61: {  	_ =	shalt  }
0x62: {  	_ =	shalt  }
0x63: {  	_ =	shalt  }
0x64: {  	_ =	shalt  }
0x65: {  	_ =	shalt  }
0x66: {  	_ =	shalt  }
0x67: {  	_ =	shalt  }
0x68: {  	_ =	shalt  }
0x69: {  	_ =	shalt  }
0x6a: {  	_ =	shalt  }
0x6b: {  	_ =	shalt  }
0x6c: {  	_ =	shalt  }
0x6d: {  	_ =	shalt  }
0x6e: {  	_ =	shalt  }
0x6f: {  	_ =	shalt  }
0x70: {  	_ =	shalt  }
0x71: {  	_ =	shalt  }
0x72: {  	_ =	shalt  }
0x73: {  	_ =	shalt  }
0x74: {  	_ =	shalt  }
0x75: {  	_ =	shalt  }
0x76: {  	_ =	shalt  }
0x77: {  	_ =	shalt  }
0x78: {  	_ =	shalt  }
0x79: {  	_ =	shalt  }
0x7a: {  	_ =	shalt  }
0x7b: {  	_ =	shalt  }
0x7c: {  	_ =	shalt  }
0x7d: {  	_ =	shalt  }
0x7e: {  	_ =	shalt  }
0x7f: {  	_ =	shalt  }
0x80: {  	_ =	shalt  }
0x81: {  	_ =	shalt  }
0x82: {  	_ =	shalt  }
0x83: {  	_ =	shalt  }
0x84: {  	_ =	shalt  }
0x85: {  	_ =	shalt  }
0x86: {  	_ =	shalt  }
0x87: {  	_ =	shalt  }
.Lfunc_end0:
.L_simem_size_0:
called_computation.1_lowered:
.L_overlay_start_0:
0x88: {  	s2 =	sld [smem:$0x3FD9]  }
0x89: {  	s3 =	sld [smem:$0x3FFE];
	_ =	sdelay $0x1  }
0x8a: {  	s1 =	srdreg.scid  }
0x8b: {  	s0 =	sand.u32 $0x1, s1  }
0x8c: {  	s14 =	sshll.u32 s0, $0xA;
	s2 =	sadd.s32 s3, s2  }
0x8d: {  	s2 =	sadd.s32 s2, s14  }
0x8e: {  	[smem:$0x3FBC] =	sst s2  }
0x8f: {  	_ = 	snop  }
0x90: {  	s2 =	sld [smem:$0x3FD0];
	_ =	sdelay $0x2  }
0x91: {  	s15 =	simm.s32 $0xA;
	s4 =	simm.s32 $0x10  }
0x92: {  	[smem:s4], [sflag:s15] =	dma.local [hbm:s2], $0x1  }
0x93: {  	_ =	swait.eq [sflag:s15], $0x1  }
0x94: {  	[sflag:s15] =	ssyncset.done $0x0  }
0x95: {  	s16 =	sld [smem:$0x10];
	[sflag:s15] =	ssyncadd.s32 $0xFFFFFFFF  }
0x96: {  	s17 =	sld [smem:$0x11];
	(tm) =	ssettm $0x1  }
0x97: {  	s18 =	sld [smem:$0x3FFB];
	_ =	sdelay $0x3  }
0x98: {  	_ =	strace s18  }
0x99: {  	s4 =	sld [smem:$0x3FFC];
	_ =	sdelay $0x3  }
0x9a: {  	_ =	strace s4  }
0x9b: {  	s4 =	sld [smem:$0x3FFD];
	_ =	sdelay $0x3  }
0x9c: {  	_ =	strace s4  }
0x9d: {  	_ =	strace $0x8FFFFFFF  }
0x9e: {  	s19 =	sld [smem:$0x3FDB];
	_ =	sdelay $0x1  }
0x9f: {  	s5 =	simm.s32 $_scs_section_size  }
0xa0: {  	s6 =	simm.s32 $_size__tile_overlayer_lowered;
	s7 =	simm.s32 $_tile_overlayer_lowered  }
0xa1: {  	s22 =	simm.s32 $0x1BFF;
	s21 =	sshll.u32 s7, $0x1;
	s4 =	sadd.s32 s5, s19  }
0xa2: {  	s8 =	simm.s32 $0x0;
	s20 =	sshll.u32 s6, $0x1;
	s6 =	sadd.s32 s21, s4  }
0xa3: {  	[timem:s8], [sflag:s22] =	dma.local [hbm:s6], s20  }
0xa4: {  	_ =	swait.ge [sflag:s22], s20  }
0xa5: {  	s5 =	ssub.s32 $0x0, s20;
	[sflag:s22] =	ssyncset.done $0x0  }
0xa6: {  	[sflag:s22] =	ssyncadd.s32 s5;
	_ =	sdelay $0x1  }
0xa7: {  	s23 =	simm.s32 $0x1B8B  }
0xa8: {  	_ =	swait.ge [sflag:s23], $0x1  }
0xa9: {  	[sflag:s23] =	ssyncset.done $0x0  }
0xaa: {  	s25 =	simm.s32 $0x1B8E;
	s24 =	sld [smem:$0x3FFE];
	[sflag:s23] =	ssyncadd.s32 $0xFFFFFFFF  }
0xab: {  	s26 =	simm.s32 $execute0_lowered;
	[smem:$0x3FD2] =	sst s25  }
0xac: {  	s6 =	sshll.u32 s26, $0x1;
	_ =	strace $0x80000049;
	[dreg:$0x1] =	wrdreg $0xFFFFFFFF  }
0xad: {  	s28 =	simm.s32 $_size_execute0_lowered;
	s4 =	sadd.s32 s4, s6;
	[dreg:$0x0] =	wrdreg $0x0  }
0xae: {  	s6 =	sshll.u32 s28, $0x1;
	[dreg:$0x2] =	wrdreg s4  }
0xaf: {  	[dreg:$0x3] =	wrdreg s6  }
0xb0: {  	[dreg:$0x4] =	wrdreg $0xC0  }
0xb1: {  	_ =	task [dreg:s8], $0x5FFFF  }
0xb2: {  	[dreg:$0x1] =	wrdreg $0xFFFFFFFF  }
0xb3: {  	[dreg:$0x0] =	wrdreg $0x60  }
0xb4: {  	[dreg:$0x2] =	wrdreg s17  }
0xb5: {  	[dreg:$0x3] =	wrdreg s24  }
0xb6: {  	[dreg:$0x4] =	wrdreg s16  }
0xb7: {  	[dreg:$0x5] =	wrdreg $0x0  }
0xb8: {  	[dreg:$0x6] =	wrdreg $0x9  }
0xb9: {  	_ =	task.clear_ibuf [dreg:s8], $0x7FFFF;
	_ =	strace $0x90000049  }
0xba: {  	s29 =	simm.s32 $0x9;
	_ =	strace $0x8000004B  }
0xbb: {  	_ =	swait.ge [sflag:s29], $0x1  }
0xbc: {  	[sflag:s29] =	ssyncadd.s32 $0xFFFFFFFF  }
0xbd: {  	_ =	strace $0x9000004B  }
0xbe: {  	_ =	sfence  }
0xbf: {  	s30 =	sld [smem:$0x0];
	_ =	sdelay $0x2  }
0xc0: {  	s31 =	sshll.u32 s1, $0xD;
	s1 =	sshrl.u32 s1, $0x2  }
0xc1: {  	s3 =	sand.u32 $0x4000, s31;
	s1 =	sadd.s32 s1, s30  }
0xc2: {  	s0 =	sor.u32 s3, s0;
	s1 =	sshll.u32 s1, $0x11  }
0xc3: {  	s0 =	sor.u32 s1, s0  }
0xc4: {  	s0 =	sadd.s32 $0x8F2B, s0  }
0xc5: {  	[sflag:s0] =	ssyncadd.remote.s32 $0x1  }
0xc6: {  	_ =	sfence.sel $0xFFFF  }
0xc7: {  	[dreg:$0x0] =	wrdreg $0xFFFFFFFF;
	(pc) =	sbr.abs _section_cstart, $3  }
0xc8: {  	[dreg:$0x1] =	wrdreg $0xFFFFFFFF  }
0xc9: {  	_ =	task.clear_ibuf [dreg:s8], $0x2FFFF;
	_ =	strace $0x9FFFFFFF  }
0xca: {  	(tm) =	ssettm $0x7FFFFFFF  }
0xcb: {  	_ =	shalt  }
tec
execute0_lowered:
.L_overlay_start_1:
0x0: {  	(tag) =	ssettag $0x1  }
0x1: {  	s11 =	rddreg [dreg:$0x0]  }
0x2: {  	s1 =	rddreg [dreg:$0x1];
	s31 =	stileid.u32  }
0x3: {  	s0 =	srdreg.scid;
	s18 =	smul.u32 $0x14000, s31  }
0x4: {  	s3 =	rddreg [dreg:$0x3];
	s8 =	sand.u32 $0x1, s0;
	s12 =	smul.u32 $0x4E200, s31  }
0x5: {  	s4 =	simm.s32 $0x0;
	s23 =	sshll.u32 s31, $0x1;
	s14 =	smul.u32 $0x140000, s8  }
0x6: {  	[smem:$0x7FF] =	sst s4;
	s0 =	sor.u32 s8, s23;
	s28 =	smul.u32 $0x27100, s8  }
0x7: {  	s19 =	sadd.s32 $0x16200, s1;
	s6 =	ssub.s32 $0x2, s8;
	s2 =	smul.u32 $0x2710, s0  }
0x8: {  	_ =	strace $0x8000004A;
	s7 =	sshrl.u32 s6, $0x1;
	s9 =	smul.u32 $0x27100, s0  }
0x9: {  	s8 =	smul.u32 $0x2710, s8;
	s0 =	ssub.s32 s6, s7;
	s13 =	sadd.s32 s18, s14  }
0xa: {  	s5 =	sadd.s32 $0x28, s2;
	s6 =	sadd.s32 $0x50, s2;
	s9 =	sadd.s32 s11, s9  }
0xb: {  	s13 =	sshrl.u32 s13, $0x3;
	s0 =	smax.u32 s0, $0x1;
	s24 =	sshll.u32 s5, $0x4  }
0xc: {  	[dreg:$0x6] =	wrdreg s9;
	s25 =	sshll.u32 s6, $0x4;
	s9 =	sadd.s32 $0xA0, s2  }
0xd: {  	s13 =	sadd.s32 s19, s13;
	[smem:$0x7F4] =	sst s0;
	s7 =	sadd.s32 s11, s24  }
0xe: {  	s26 =	sshll.u32 s9, $0x4;
	[dreg:$0xb] =	wrdreg s13;
	s13 =	sadd.s32 $0x5000, s18  }
0xf: {  	[dreg:$0x7] =	wrdreg s7;
	s7 =	sadd.s32 s11, s25;
	s17 =	sadd.s32 s14, s13  }
0x10: {  	[dreg:$0x8] =	wrdreg s7;
	s7 =	sadd.s32 $0x78, s2;
	s17 =	sshrl.u32 s17, $0x3  }
0x11: {  	s10 =	sshll.u32 s7, $0x4;
	s21 =	sadd.s32 s19, s17;
	s17 =	sadd.s32 $0x8C00, s18  }
0x12: {  	s10 =	sadd.s32 s11, s10;
	[dreg:$0xf] =	wrdreg s21;
	s23 =	sadd.s32 s14, s17  }
0x13: {  	[dreg:$0x9] =	wrdreg s10;
	s10 =	sadd.s32 s11, s26;
	s11 =	sadd.s32 s12, s11  }
0x14: {  	s12 =	sor.u32 $0x3C00, s18;
	s23 =	sshrl.u32 s23, $0x3;
	[dreg:$0xa] =	wrdreg s10  }
0x15: {  	s10 =	sor.u32 $0x1400, s18;
	s20 =	sadd.s32 s28, s11;
	s11 =	sor.u32 $0x2800, s18  }
0x16: {  	s16 =	sadd.s32 s14, s12;
	s24 =	sadd.s32 s19, s23;
	s23 =	sadd.s32 $0xC800, s18  }
0x17: {  	s15 =	sadd.s32 s14, s10;
	s30 =	sadd.s32 s14, s11;
	[dreg:$0x12] =	wrdreg s24  }
0x18: {  	s16 =	sshrl.u32 s16, $0x3;
	s26 =	sadd.s32 s14, s23;
	[dreg:$0x5] =	wrdreg s20  }
0x19: {  	s15 =	sshrl.u32 s15, $0x3;
	s16 =	sadd.s32 s19, s16;
	s26 =	sshrl.u32 s26, $0x3  }
0x1a: {  	s29 =	sadd.s32 s19, s15;
	s15 =	sshrl.u32 s30, $0x3;
	[dreg:$0xe] =	wrdreg s16  }
0x1b: {  	s16 =	sadd.s32 $0x7800, s18;
	s28 =	sadd.s32 s19, s26;
	s15 =	sadd.s32 s19, s15  }
0x1c: {  	s22 =	sadd.s32 s14, s16;
	[dreg:$0x15] =	wrdreg s28;
	s28 =	sadd.s32 $0x10400, s18  }
0x1d: {  	[dreg:$0xd] =	wrdreg s15;
	s15 =	sadd.s32 $0x6400, s18;
	s22 =	sshrl.u32 s22, $0x3  }
0x1e: {  	s30 =	sadd.s32 s14, s28;
	s21 =	sadd.s32 s14, s15;
	s22 =	sadd.s32 s19, s22  }
0x1f: {  	s30 =	sshrl.u32 s30, $0x3;
	s21 =	sshrl.u32 s21, $0x3;
	[dreg:$0x11] =	wrdreg s22  }
0x20: {  	s22 =	sadd.s32 $0xB400, s18;
	s30 =	sadd.s32 s19, s30;
	s21 =	sadd.s32 s19, s21  }
0x21: {  	s25 =	sadd.s32 s14, s22;
	[dreg:$0x18] =	wrdreg s30;
	s30 =	smul.u32 $0x50000, s31  }
0x22: {  	s31 =	smul.u32 $0x4E20, s31;
	[dreg:$0x10] =	wrdreg s21;
	s21 =	sadd.s32 $0xA000, s18  }
0x23: {  	[dreg:$0xc] =	wrdreg s29;
	s25 =	sshrl.u32 s25, $0x3;
	s24 =	sadd.s32 s14, s21  }
0x24: {  	s25 =	sadd.s32 s19, s25;
	s8 =	sadd.s32 s8, s31;
	s20 =	sshrl.u32 s30, $0x2  }
0x25: {  	s30 =	sshrl.u32 s2, $0x3;
	s2 =	sadd.s32 s13, s3;
	s24 =	sshrl.u32 s24, $0x3  }
0x26: {  	[dreg:$0x14] =	wrdreg s25;
	s25 =	sadd.s32 $0xF000, s18;
	s20 =	sadd.s32 s20, s3  }
0x27: {  	[smem:$0x7E8] =	sst s2;
	s24 =	sadd.s32 s19, s24;
	s29 =	sadd.s32 s14, s25  }
0x28: {  	s13 =	sadd.s32 s25, s3;
	[dreg:$0x13] =	wrdreg s24;
	s24 =	sadd.s32 $0xDC00, s18  }
0x29: {  	s25 =	sadd.s32 $0xC8, s8;
	s29 =	sshrl.u32 s29, $0x3;
	s26 =	sadd.s32 s14, s24  }
0x2a: {  	[dreg:$0x1b] =	wrdreg s20;
	s29 =	sadd.s32 s19, s29;
	s26 =	sshrl.u32 s26, $0x3  }
0x2b: {  	[dreg:$0x17] =	wrdreg s29;
	s29 =	sadd.s32 $0x11800, s18;
	s26 =	sadd.s32 s19, s26  }
0x2c: {  	s18 =	sadd.s32 $0x12C00, s18;
	[dreg:$0x16] =	wrdreg s26;
	s26 =	sadd.s32 s14, s29  }
0x2d: {  	[smem:$0x7F0] =	sst s13;
	s14 =	sadd.s32 s14, s18;
	s26 =	sshrl.u32 s26, $0x3  }
0x2e: {  	[smem:$0x7F9] =	sst s25;
	s14 =	sshrl.u32 s14, $0x3;
	s26 =	sadd.s32 s19, s26  }
0x2f: {  	s6 =	sshrl.u32 s6, $0x3;
	s14 =	sadd.s32 s19, s14;
	[dreg:$0x19] =	wrdreg s26  }
0x30: {  	s9 =	sshrl.u32 s9, $0x3;
	s19 =	sadd.s32 s10, s3;
	[dreg:$0x1a] =	wrdreg s14  }
0x31: {  	s10 =	sadd.s32 s22, s3;
	s26 =	sadd.s32 $0xC400, s1;
	[smem:$0x7E5] =	sst s19  }
0x32: {  	s31 =	sshrl.u32 s5, $0x3;
	[smem:$0x7ED] =	sst s10;
	s1 =	sadd.s32 s26, s30  }
0x33: {  	s7 =	sshrl.u32 s7, $0x3;
	s5 =	sadd.s32 s26, s31;
	[dreg:$0x1c] =	wrdreg s1  }
0x34: {  	s13 =	simm.s32 $0x1A600;
	s14 =	sadd.s32 s26, s9;
	[dreg:$0x1d] =	wrdreg s5  }
0x35: {  	s25 =	simm.s32 $0x5;
	s30 =	sadd.s32 s11, s3;
	[smem:$0x7E4] =	sst s14  }
0x36: {  	s22 =	sadd.s32 $0xF0, s8;
	s31 =	sadd.s32 s12, s3;
	[smem:$0x7E6] =	sst s30  }
0x37: {  	s19 =	sadd.s32 $0x140, s8;
	s9 =	sadd.s32 s21, s3;
	[smem:$0x7E7] =	sst s31  }
0x38: {  	s2 =	sshrl.u32 s22, $0x3;
	s11 =	sadd.s32 s23, s3;
	[smem:$0x7EC] =	sst s9  }
0x39: {  	s10 =	simm.s32 $0x16800;
	s12 =	sadd.s32 s24, s3;
	[smem:$0x7EE] =	sst s11  }
0x3a: {  	s21 =	sadd.s32 $0x118, s8;
	s24 =	sadd.s32 s2, s26;
	[smem:$0x7EF] =	sst s12  }
0x3b: {  	s0 =	sshrl.u32 s19, $0x3;
	s1 =	sadd.s32 s26, s6;
	[smem:$0x7F8] =	sst s24  }
0x3c: {  	s2 =	simm.s32 $0xB;
	s5 =	sadd.s32 s15, s3;
	[dreg:$0x1e] =	wrdreg s1  }
0x3d: {  	s19 =	simm.s32 $0x4;
	s6 =	sadd.s32 s16, s3;
	[smem:$0x7E9] =	sst s5  }
0x3e: {  	s14 =	sadd.s32 $0x168, s8;
	s15 =	sadd.s32 s28, s3;
	[smem:$0x7EA] =	sst s6  }
0x3f: {  	s16 =	sadd.s32 s29, s3;
	s0 =	sadd.s32 s0, s26;
	[smem:$0x7F1] =	sst s15  }
0x40: {  	s28 =	sadd.s32 $0x4000, s20;
	s29 =	sadd.s32 $0x8000, s20;
	[smem:$0x7F2] =	sst s16  }
0x41: {  	s30 =	sadd.s32 $0xC000, s20;
	s31 =	sadd.s32 $0x10000, s20;
	[smem:$0x7F6] =	sst s0  }
0x42: {  	s8 =	simm.s32 $0x15400;
	s9 =	simm.s32 $0x1A500;
	[smem:$0x7FA] =	sst s28  }
0x43: {  	s11 =	simm.s32 $0x1A580;
	s12 =	simm.s32 $0x17C00;
	[smem:$0x7FB] =	sst s29  }
0x44: {  	s1 =	sadd.s32 s26, s7;
	s7 =	sadd.s32 s17, s3;
	[smem:$0x7FC] =	sst s30  }
0x45: {  	s17 =	sadd.s32 s18, s3;
	[smem:$0x7FD] =	sst s31;
	s0 =	simm.s32 $0xC  }
0x46: {  	s5 =	simm.s32 $0x1A400;
	s6 =	simm.s32 $0x14000;
	[dreg:$0x1f] =	wrdreg s1  }
0x47: {  	s15 =	simm.s32 $0x1;
	s16 =	simm.s32 $0x28;
	[smem:$0x7EB] =	sst s7  }
0x48: {  	s1 =	sshrl.u32 s14, $0x3;
	[smem:$0x7F3] =	sst s17;
	s7 =	simm.s32 $0x1A480  }
0x49: {  	s14 =	simm.s32 $0x19000;
	s18 =	sadd.s32 s1, s26;
	s1 =	sshrl.u32 s21, $0x3  }
0x4a: {  	s17 =	simm.s32 $0x2;
	[smem:$0x7F5] =	sst s18;
	s23 =	sadd.s32 s1, s26  }
0x4b: {  	s18 =	simm.s32 $0x3;
	[smem:$0x7F7] =	sst s23;
	s23 =	simm.s32 $0x0  }
.LBB2_1:
0x4c: {  	s1 =	rddreg [dreg:$0x2];
	s21 =	simm.s32 $0x1A680  }
0x4d: {  	[tilespmem:s21], [sflag:$0xC] =	stream.linear.gather [hbm4b:s1+s4], $0x4000, $0x38;
	[tilespmem:$0x1E680] =	vst v63  }
0x4e: {  	_ =	swait.ge [sflag:s0], $0x4000  }
0x4f: {  	[sflag:s0] =	ssyncset.done $0x0  }
0x50: {  	s22 =	sld [smem:$0x7FA];
	[sflag:s0] =	ssyncadd.s32 $0xFFFFC000  }
0x51: {  	[spmem:s20] =	stream.linear.scatter [tilespmem:s21], [sflag:$0xB], $0x4000, $0x38;
	[tilespmem:$0x1E680] =	vst v63  }
0x52: {  	s24 =	sld [smem:$0x7FB]  }
0x53: {  	[spmem:s22] =	stream.linear.scatter [tilespmem:s21], [sflag:$0xB], $0x4000, $0x38;
	[tilespmem:$0x1E680] =	vst v63  }
0x54: {  	s29 =	sld [smem:$0x7FC]  }
0x55: {  	[spmem:s24] =	stream.linear.scatter [tilespmem:s21], [sflag:$0xB], $0x4000, $0x38;
	[tilespmem:$0x1E680] =	vst v63  }
0x56: {  	s20 =	sld [smem:$0x7FD]  }
0x57: {  	[spmem:s29] =	stream.linear.scatter [tilespmem:s21], [sflag:$0xB], $0x4000, $0x38;
	[tilespmem:$0x1E680] =	vst v63  }
0x58: {  	_ = 	snop  }
0x59: {  	[spmem:s20] =	stream.linear.scatter [tilespmem:s21], [sflag:$0xB], $0x4000, $0x38;
	[tilespmem:$0x1E680] =	vst v63  }
0x5a: {  	_ =	swait.ge [sflag:s2], $0x4000  }
0x5b: {  	[sflag:s2] =	ssyncset.done $0x0  }
0x5c: {  	[sflag:s2] =	ssyncadd.s32 $0xFFFFC000  }
0x5d: {  	_ =	swait.ge [sflag:s2], $0x4000  }
0x5e: {  	[sflag:s2] =	ssyncset.done $0x0  }
0x5f: {  	[sflag:s2] =	ssyncadd.s32 $0xFFFFC000  }
0x60: {  	_ =	swait.ge [sflag:s2], $0x4000  }
0x61: {  	[sflag:s2] =	ssyncset.done $0x0  }
0x62: {  	[sflag:s2] =	ssyncadd.s32 $0xFFFFC000  }
0x63: {  	_ =	swait.ge [sflag:s2], $0x4000  }
0x64: {  	[sflag:s2] =	ssyncset.done $0x0  }
0x65: {  	[sflag:s2] =	ssyncadd.s32 $0xFFFFC000  }
0x66: {  	_ =	swait.ge [sflag:s2], $0x4000  }
0x67: {  	[sflag:s2] =	ssyncset.done $0x0  }
0x68: {  	[sflag:s2] =	ssyncadd.s32 $0xFFFFC000  }
0x69: {  	[bflag:$0x0] =	sbarrier.arrive $0xFFFF  }
0x6a: {  	s22 =	rddreg [dreg:$0x1c]  }
0x6b: {  	s24 =	rddreg [dreg:$0x6]  }
0x6c: {  	[tilespmem:s5], [sflag:$0x1] =	stream.linear.gather [hbm4b:s22+s4], $0x28, $0x38;
	[tilespmem:$0x1E680] =	vst v63  }
0x6d: {  	s29 =	rddreg [dreg:$0x1d]  }
0x6e: {  	[tilespmem:s6], [sflag:$0x1] =	stream.linear.gather [hbm4b:s24+s4], $0x1400, $0x38;
	[tilespmem:$0x1E680] =	vst v63  }
0x6f: {  	s20 =	rddreg [dreg:$0x7]  }
0x70: {  	[tilespmem:s7], [sflag:$0x2] =	stream.linear.gather [hbm4b:s29+s4], $0x28, $0x38;
	[tilespmem:$0x1E680] =	vst v63  }
0x71: {  	s21 =	rddreg [dreg:$0x1e]  }
0x72: {  	[tilespmem:s8], [sflag:$0x2] =	stream.linear.gather [hbm4b:s20+s4], $0x1400, $0x38;
	[tilespmem:$0x1E680] =	vst v63  }
0x73: {  	s22 =	rddreg [dreg:$0x8]  }
0x74: {  	[tilespmem:s9], [sflag:$0x3] =	stream.linear.gather [hbm4b:s21+s4], $0x28, $0x38;
	[tilespmem:$0x1E680] =	vst v63  }
0x75: {  	s24 =	rddreg [dreg:$0x1f]  }
0x76: {  	[tilespmem:s10], [sflag:$0x3] =	stream.linear.gather [hbm4b:s22+s4], $0x1400, $0x38;
	[tilespmem:$0x1E680] =	vst v63  }
0x77: {  	s29 =	rddreg [dreg:$0x9]  }
0x78: {  	[tilespmem:s11], [sflag:$0x4] =	stream.linear.gather [hbm4b:s24+s4], $0x28, $0x38;
	[tilespmem:$0x1E680] =	vst v63  }
0x79: {  	s20 =	sld [smem:$0x7E4]  }
0x7a: {  	[tilespmem:s12], [sflag:$0x4] =	stream.linear.gather [hbm4b:s29+s4], $0x1400, $0x38;
	[tilespmem:$0x1E680] =	vst v63  }
0x7b: {  	_ = 	snop  }
0x7c: {  	[tilespmem:s13], [sflag:$0x5] =	stream.linear.gather [hbm4b:s20+s4], $0x28, $0x38;
	[tilespmem:$0x1E680] =	vst v63  }
0x7d: {  	s21 =	rddreg [dreg:$0xa]  }
0x7e: {  	[tilespmem:s14], [sflag:$0x5] =	stream.linear.gather [hbm4b:s21+s4], $0x1400, $0x38;
	[tilespmem:$0x1E680] =	vst v63  }
0x7f: {  	_ =	swait.ge [sflag:s15], $0x28  }
0x80: {  	[sflag:s15] =	ssyncset.done $0x0  }
0x81: {  	[sflag:s15] =	ssyncadd.s32 $0xFFFFFFD8  }
0x82: {  	_ =	swait.ge [sflag:s15], $0x1400  }
0x83: {  	[sflag:s15] =	ssyncset.done $0x0  }
0x84: {  	[sflag:s15] =	ssyncadd.s32 $0xFFFFEC00  }
0x85: {  	[spmem:s3] =	stream.indirect.scatter.add.f32 [tilespmem:s6], [sflag:$0xC], $0x80, s5, s16, $0xb8;
	[tilespmem:$0x1E680] =	vst v63  }
0x86: {  	_ =	swait.ge [sflag:s0], $0x1400  }
0x87: {  	s28 =	sld [smem:$0x7F9];
	_ =	sdelay $0x2  }
0x88: {  	[sflag:s0] =	ssyncset.done $0x0;
	s22 =	sshrl.u32 s28, $0x3  }
0x89: {  	s24 =	rddreg [dreg:$0x5];
	[sflag:s0] =	ssyncadd.s32 $0xFFFFEC00;
	s1 =	sadd.s32 s26, s22  }
0x8a: {  	[tilespmem:s5], [sflag:$0x1] =	stream.linear.gather [hbm4b:s1+s4], $0x28, $0x38;
	[tilespmem:$0x1E680] =	vst v63  }
0x8b: {  	s1 =	sadd.s32 $0x0, s24  }
0x8c: {  	s21 =	sadd.s32 $0xC80, s1  }
0x8d: {  	[tilespmem:s6], [sflag:$0x1] =	stream.linear.gather [hbm4b:s21+s4], $0x1400, $0x38;
	[tilespmem:$0x1E680] =	vst v63  }
0x8e: {  	_ =	swait.ge [sflag:s17], $0x28  }
0x8f: {  	[sflag:s17] =	ssyncset.done $0x0  }
0x90: {  	[sflag:s17] =	ssyncadd.s32 $0xFFFFFFD8  }
0x91: {  	_ =	swait.ge [sflag:s17], $0x1400  }
0x92: {  	[sflag:s17] =	ssyncset.done $0x0  }
0x93: {  	[sflag:s17] =	ssyncadd.s32 $0xFFFFEC00  }
0x94: {  	[spmem:s3] =	stream.indirect.scatter.add.f32 [tilespmem:s8], [sflag:$0xC], $0x80, s7, s16, $0xb8;
	[tilespmem:$0x1E680] =	vst v63  }
0x95: {  	_ =	swait.ge [sflag:s0], $0x1400  }
0x96: {  	s22 =	sld [smem:$0x7F8]  }
0x97: {  	[sflag:s0] =	ssyncset.done $0x0  }
0x98: {  	[sflag:s0] =	ssyncadd.s32 $0xFFFFEC00  }
0x99: {  	[tilespmem:s7], [sflag:$0x2] =	stream.linear.gather [hbm4b:s22+s4], $0x28, $0x38;
	[tilespmem:$0x1E680] =	vst v63  }
0x9a: {  	s29 =	sadd.s32 $0xF00, s1  }
0x9b: {  	[tilespmem:s8], [sflag:$0x2] =	stream.linear.gather [hbm4b:s29+s4], $0x1400, $0x38;
	[tilespmem:$0x1E680] =	vst v63  }
0x9c: {  	_ =	swait.ge [sflag:s18], $0x28  }
0x9d: {  	[sflag:s18] =	ssyncset.done $0x0  }
0x9e: {  	[sflag:s18] =	ssyncadd.s32 $0xFFFFFFD8  }
0x9f: {  	_ =	swait.ge [sflag:s18], $0x1400  }
0xa0: {  	[sflag:s18] =	ssyncset.done $0x0  }
0xa1: {  	[sflag:s18] =	ssyncadd.s32 $0xFFFFEC00  }
0xa2: {  	[spmem:s3] =	stream.indirect.scatter.add.f32 [tilespmem:s10], [sflag:$0xC], $0x80, s9, s16, $0xb8;
	[tilespmem:$0x1E680] =	vst v63  }
0xa3: {  	_ =	swait.ge [sflag:s0], $0x1400  }
0xa4: {  	s31 =	sld [smem:$0x7F7]  }
0xa5: {  	[sflag:s0] =	ssyncset.done $0x0  }
0xa6: {  	[sflag:s0] =	ssyncadd.s32 $0xFFFFEC00  }
0xa7: {  	[tilespmem:s9], [sflag:$0x3] =	stream.linear.gather [hbm4b:s31+s4], $0x28, $0x38;
	[tilespmem:$0x1E680] =	vst v63  }
0xa8: {  	s20 =	sadd.s32 $0x1180, s1  }
0xa9: {  	[tilespmem:s10], [sflag:$0x3] =	stream.linear.gather [hbm4b:s20+s4], $0x1400, $0x38;
	[tilespmem:$0x1E680] =	vst v63  }
0xaa: {  	_ =	swait.ge [sflag:s19], $0x28  }
0xab: {  	[sflag:s19] =	ssyncset.done $0x0  }
0xac: {  	[sflag:s19] =	ssyncadd.s32 $0xFFFFFFD8  }
0xad: {  	_ =	swait.ge [sflag:s19], $0x1400  }
0xae: {  	[sflag:s19] =	ssyncset.done $0x0  }
0xaf: {  	[sflag:s19] =	ssyncadd.s32 $0xFFFFEC00  }
0xb0: {  	[spmem:s3] =	stream.indirect.scatter.add.f32 [tilespmem:s12], [sflag:$0xC], $0x80, s11, s16, $0xb8;
	[tilespmem:$0x1E680] =	vst v63  }
0xb1: {  	_ =	swait.ge [sflag:s0], $0x1400  }
0xb2: {  	s30 =	sld [smem:$0x7F6]  }
0xb3: {  	[sflag:s0] =	ssyncset.done $0x0  }
0xb4: {  	[sflag:s0] =	ssyncadd.s32 $0xFFFFEC00  }
0xb5: {  	[tilespmem:s11], [sflag:$0x4] =	stream.linear.gather [hbm4b:s30+s4], $0x28, $0x38;
	[tilespmem:$0x1E680] =	vst v63  }
0xb6: {  	s24 =	sadd.s32 $0x1400, s1  }
0xb7: {  	[tilespmem:s12], [sflag:$0x4] =	stream.linear.gather [hbm4b:s24+s4], $0x1400, $0x38;
	[tilespmem:$0x1E680] =	vst v63  }
0xb8: {  	_ =	swait.ge [sflag:s25], $0x28  }
0xb9: {  	[sflag:s25] =	ssyncset.done $0x0  }
0xba: {  	[sflag:s25] =	ssyncadd.s32 $0xFFFFFFD8  }
0xbb: {  	_ =	swait.ge [sflag:s25], $0x1400  }
0xbc: {  	[sflag:s25] =	ssyncset.done $0x0  }
0xbd: {  	[sflag:s25] =	ssyncadd.s32 $0xFFFFEC00  }
0xbe: {  	[spmem:s3] =	stream.indirect.scatter.add.f32 [tilespmem:s14], [sflag:$0xC], $0x80, s13, s16, $0xb8;
	[tilespmem:$0x1E680] =	vst v63  }
0xbf: {  	_ =	swait.ge [sflag:s0], $0x1400  }
0xc0: {  	s29 =	sld [smem:$0x7F5]  }
0xc1: {  	[sflag:s0] =	ssyncset.done $0x0  }
0xc2: {  	s21 =	sadd.s32 $0xC8, s28;
	s28 =	sadd.s32 $0x1680, s1;
	[sflag:s0] =	ssyncadd.s32 $0xFFFFEC00  }
0xc3: {  	[tilespmem:s13], [sflag:$0x5] =	stream.linear.gather [hbm4b:s29+s4], $0x28, $0x38;
	[tilespmem:$0x1E680] =	vst v63  }
0xc4: {  	s22 =	sadd.s32 $0x19, s22;
	s24 =	simm.s32 $0xC80;
	s1 =	smov.u32 s29  }
.LBB2_2:
0xc5: {  	[tilespmem:s14], [sflag:$0x5] =	stream.linear.gather [hbm4b:s28+s4], $0x1400, $0x38;
	[tilespmem:$0x1E680] =	vst v63  }
0xc6: {  	_ =	swait.ge [sflag:s15], $0x28  }
0xc7: {  	[sflag:s15] =	ssyncset.done $0x0  }
0xc8: {  	[sflag:s15] =	ssyncadd.s32 $0xFFFFFFD8  }
0xc9: {  	_ =	swait.ge [sflag:s15], $0x1400  }
0xca: {  	[sflag:s15] =	ssyncset.done $0x0  }
0xcb: {  	[sflag:s15] =	ssyncadd.s32 $0xFFFFEC00  }
0xcc: {  	[spmem:s3] =	stream.indirect.scatter.add.f32 [tilespmem:s6], [sflag:$0xC], $0x80, s5, s16, $0xb8;
	[tilespmem:$0x1E680] =	vst v63  }
0xcd: {  	s28 =	smov.u32 s24;
	_ =	swait.ge [sflag:s0], $0x1400  }
0xce: {  	s20 =	sshrl.u32 s21, $0x3;
	[sflag:s0] =	ssyncset.done $0x0;
	s29 =	rddreg [dreg:$0x5]  }
0xcf: {  	s20 =	sadd.s32 s26, s20;
	[sflag:s0] =	ssyncadd.s32 $0xFFFFEC00;
	s28 =	sadd.s32 s28, s29  }
0xd0: {  	[tilespmem:s5], [sflag:$0x1] =	stream.linear.gather [hbm4b:s20+s4], $0x28, $0x38;
	[tilespmem:$0x1E680] =	vst v63  }
0xd1: {  	s29 =	sadd.s32 $0xC80, s28  }
0xd2: {  	[tilespmem:s6], [sflag:$0x1] =	stream.linear.gather [hbm4b:s29+s4], $0x1400, $0x38;
	[tilespmem:$0x1E680] =	vst v63  }
0xd3: {  	_ =	swait.ge [sflag:s17], $0x28  }
0xd4: {  	[sflag:s17] =	ssyncset.done $0x0  }
0xd5: {  	[sflag:s17] =	ssyncadd.s32 $0xFFFFFFD8  }
0xd6: {  	_ =	swait.ge [sflag:s17], $0x1400  }
0xd7: {  	[sflag:s17] =	ssyncset.done $0x0  }
0xd8: {  	[sflag:s17] =	ssyncadd.s32 $0xFFFFEC00  }
0xd9: {  	[spmem:s3] =	stream.indirect.scatter.add.f32 [tilespmem:s8], [sflag:$0xC], $0x80, s7, s16, $0xb8;
	[tilespmem:$0x1E680] =	vst v63  }
0xda: {  	_ =	swait.ge [sflag:s0], $0x1400  }
0xdb: {  	[sflag:s0] =	ssyncset.done $0x0  }
0xdc: {  	[sflag:s0] =	ssyncadd.s32 $0xFFFFEC00  }
0xdd: {  	[tilespmem:s7], [sflag:$0x2] =	stream.linear.gather [hbm4b:s22+s4], $0x28, $0x38;
	[tilespmem:$0x1E680] =	vst v63  }
0xde: {  	s29 =	sadd.s32 $0xF00, s28  }
0xdf: {  	[tilespmem:s8], [sflag:$0x2] =	stream.linear.gather [hbm4b:s29+s4], $0x1400, $0x38;
	[tilespmem:$0x1E680] =	vst v63  }
0xe0: {  	_ =	swait.ge [sflag:s18], $0x28  }
0xe1: {  	[sflag:s18] =	ssyncset.done $0x0  }
0xe2: {  	[sflag:s18] =	ssyncadd.s32 $0xFFFFFFD8  }
0xe3: {  	_ =	swait.ge [sflag:s18], $0x1400  }
0xe4: {  	[sflag:s18] =	ssyncset.done $0x0  }
0xe5: {  	[sflag:s18] =	ssyncadd.s32 $0xFFFFEC00  }
0xe6: {  	[spmem:s3] =	stream.indirect.scatter.add.f32 [tilespmem:s10], [sflag:$0xC], $0x80, s9, s16, $0xb8;
	[tilespmem:$0x1E680] =	vst v63  }
0xe7: {  	_ =	swait.ge [sflag:s0], $0x1400  }
0xe8: {  	[sflag:s0] =	ssyncset.done $0x0  }
0xe9: {  	s31 =	sadd.s32 $0x19, s31;
	[sflag:s0] =	ssyncadd.s32 $0xFFFFEC00  }
0xea: {  	[tilespmem:s9], [sflag:$0x3] =	stream.linear.gather [hbm4b:s31+s4], $0x28, $0x38;
	[tilespmem:$0x1E680] =	vst v63  }
0xeb: {  	s29 =	sadd.s32 $0x1180, s28  }
0xec: {  	[tilespmem:s10], [sflag:$0x3] =	stream.linear.gather [hbm4b:s29+s4], $0x1400, $0x38;
	[tilespmem:$0x1E680] =	vst v63  }
0xed: {  	_ =	swait.ge [sflag:s19], $0x28  }
0xee: {  	[sflag:s19] =	ssyncset.done $0x0  }
0xef: {  	[sflag:s19] =	ssyncadd.s32 $0xFFFFFFD8  }
0xf0: {  	_ =	swait.ge [sflag:s19], $0x1400  }
0xf1: {  	[sflag:s19] =	ssyncset.done $0x0  }
0xf2: {  	[sflag:s19] =	ssyncadd.s32 $0xFFFFEC00  }
0xf3: {  	[spmem:s3] =	stream.indirect.scatter.add.f32 [tilespmem:s12], [sflag:$0xC], $0x80, s11, s16, $0xb8;
	[tilespmem:$0x1E680] =	vst v63  }
0xf4: {  	_ =	swait.ge [sflag:s0], $0x1400  }
0xf5: {  	[sflag:s0] =	ssyncset.done $0x0  }
0xf6: {  	s30 =	sadd.s32 $0x19, s30;
	[sflag:s0] =	ssyncadd.s32 $0xFFFFEC00  }
0xf7: {  	[tilespmem:s11], [sflag:$0x4] =	stream.linear.gather [hbm4b:s30+s4], $0x28, $0x38;
	[tilespmem:$0x1E680] =	vst v63  }
0xf8: {  	s29 =	sadd.s32 $0x1400, s28  }
0xf9: {  	[tilespmem:s12], [sflag:$0x4] =	stream.linear.gather [hbm4b:s29+s4], $0x1400, $0x38;
	[tilespmem:$0x1E680] =	vst v63  }
0xfa: {  	_ =	swait.ge [sflag:s25], $0x28  }
0xfb: {  	[sflag:s25] =	ssyncset.done $0x0  }
0xfc: {  	[sflag:s25] =	ssyncadd.s32 $0xFFFFFFD8  }
0xfd: {  	_ =	swait.ge [sflag:s25], $0x1400  }
0xfe: {  	[sflag:s25] =	ssyncset.done $0x0  }
0xff: {  	p0 =	sne.s32 s24, $0x25800;
	[sflag:s25] =	ssyncadd.s32 $0xFFFFEC00  }
0x100: {  	[spmem:s3] =	stream.indirect.scatter.add.f32 [tilespmem:s14], [sflag:$0xC], $0x80, s13, s16, $0xb8;
	[tilespmem:$0x1E680] =	vst v63  }
.Ltmp0:
0x101: {  	_ = 	snop;
	(pc) =	sbr.rel @p0 .LBB2_2-.Ltmp0, $4  }
0x102: {  	s1 =	sadd.s32 $0x19, s1;
	_ =	swait.ge [sflag:s0], $0x1400  }
0x103: {  	s24 =	sadd.s32 $0xC80, s24;
	s21 =	sadd.s32 $0xC8, s21;
	[sflag:s0] =	ssyncset.done $0x0  }
0x104: {  	s22 =	sadd.s32 $0x19, s22;
	s28 =	sadd.s32 $0x1680, s28;
	[sflag:s0] =	ssyncadd.s32 $0xFFFFEC00  }
0x105: {  	[tilespmem:s13], [sflag:$0x5] =	stream.linear.gather [hbm4b:s1+s4], $0x28, $0x38;
	[tilespmem:$0x1E680] =	vst v63  }
0x106: {  	[tilespmem:s14], [sflag:$0x5] =	stream.linear.gather [hbm4b:s28+s4], $0x1400, $0x38;
	[tilespmem:$0x1E680] =	vst v63  }
0x107: {  	_ =	swait.ge [sflag:s15], $0x28  }
0x108: {  	[sflag:s15] =	ssyncset.done $0x0  }
0x109: {  	[sflag:s15] =	ssyncadd.s32 $0xFFFFFFD8  }
0x10a: {  	_ =	swait.ge [sflag:s15], $0x1400  }
0x10b: {  	[sflag:s15] =	ssyncset.done $0x0  }
0x10c: {  	[sflag:s15] =	ssyncadd.s32 $0xFFFFEC00  }
0x10d: {  	[spmem:s3] =	stream.indirect.scatter.add.f32 [tilespmem:s6], [sflag:$0xC], $0x80, s5, s16, $0xb8;
	[tilespmem:$0x1E680] =	vst v63  }
0x10e: {  	_ =	swait.ge [sflag:s0], $0x1400  }
0x10f: {  	[sflag:s0] =	ssyncset.done $0x0  }
0x110: {  	[sflag:s0] =	ssyncadd.s32 $0xFFFFEC00  }
0x111: {  	_ =	swait.ge [sflag:s17], $0x28  }
0x112: {  	[sflag:s17] =	ssyncset.done $0x0  }
0x113: {  	[sflag:s17] =	ssyncadd.s32 $0xFFFFFFD8  }
0x114: {  	_ =	swait.ge [sflag:s17], $0x1400  }
0x115: {  	[sflag:s17] =	ssyncset.done $0x0  }
0x116: {  	[sflag:s17] =	ssyncadd.s32 $0xFFFFEC00  }
0x117: {  	[spmem:s3] =	stream.indirect.scatter.add.f32 [tilespmem:s8], [sflag:$0xC], $0x80, s7, s16, $0xb8;
	[tilespmem:$0x1E680] =	vst v63  }
0x118: {  	_ =	swait.ge [sflag:s0], $0x1400  }
0x119: {  	[sflag:s0] =	ssyncset.done $0x0  }
0x11a: {  	[sflag:s0] =	ssyncadd.s32 $0xFFFFEC00  }
0x11b: {  	_ =	swait.ge [sflag:s18], $0x28  }
0x11c: {  	[sflag:s18] =	ssyncset.done $0x0  }
0x11d: {  	[sflag:s18] =	ssyncadd.s32 $0xFFFFFFD8  }
0x11e: {  	_ =	swait.ge [sflag:s18], $0x1400  }
0x11f: {  	[sflag:s18] =	ssyncset.done $0x0  }
0x120: {  	[sflag:s18] =	ssyncadd.s32 $0xFFFFEC00  }
0x121: {  	[spmem:s3] =	stream.indirect.scatter.add.f32 [tilespmem:s10], [sflag:$0xC], $0x80, s9, s16, $0xb8;
	[tilespmem:$0x1E680] =	vst v63  }
0x122: {  	_ =	swait.ge [sflag:s0], $0x1400  }
0x123: {  	[sflag:s0] =	ssyncset.done $0x0  }
0x124: {  	[sflag:s0] =	ssyncadd.s32 $0xFFFFEC00  }
0x125: {  	_ =	swait.ge [sflag:s19], $0x28  }
0x126: {  	[sflag:s19] =	ssyncset.done $0x0  }
0x127: {  	[sflag:s19] =	ssyncadd.s32 $0xFFFFFFD8  }
0x128: {  	_ =	swait.ge [sflag:s19], $0x1400  }
0x129: {  	[sflag:s19] =	ssyncset.done $0x0  }
0x12a: {  	[sflag:s19] =	ssyncadd.s32 $0xFFFFEC00  }
0x12b: {  	[spmem:s3] =	stream.indirect.scatter.add.f32 [tilespmem:s12], [sflag:$0xC], $0x80, s11, s16, $0xb8;
	[tilespmem:$0x1E680] =	vst v63  }
0x12c: {  	_ =	swait.ge [sflag:s0], $0x1400  }
0x12d: {  	[sflag:s0] =	ssyncset.done $0x0  }
0x12e: {  	[sflag:s0] =	ssyncadd.s32 $0xFFFFEC00  }
0x12f: {  	_ =	swait.ge [sflag:s25], $0x28  }
0x130: {  	[sflag:s25] =	ssyncset.done $0x0  }
0x131: {  	[sflag:s25] =	ssyncadd.s32 $0xFFFFFFD8  }
0x132: {  	_ =	swait.ge [sflag:s25], $0x1400  }
0x133: {  	[sflag:s25] =	ssyncset.done $0x0  }
0x134: {  	[sflag:s25] =	ssyncadd.s32 $0xFFFFEC00  }
0x135: {  	[spmem:s3] =	stream.indirect.scatter.add.f32 [tilespmem:s14], [sflag:$0xC], $0x80, s13, s16, $0xb8;
	[tilespmem:$0x1E680] =	vst v63  }
0x136: {  	_ =	swait.ge [sflag:s0], $0x1400  }
0x137: {  	[sflag:s0] =	ssyncset.done $0x0  }
0x138: {  	[sflag:s0] =	ssyncadd.s32 $0xFFFFEC00  }
0x139: {  	[bflag:$0x0] =	sbarrier.arrive $0xFFFF  }
0x13a: {  	s20 =	rddreg [dreg:$0x1b]  }
0x13b: {  	[tilespmem:s6], [sflag:$0xC] =	stream.linear.gather [spmem:s20], $0x1400, $0x38;
	[tilespmem:$0x1E680] =	vst v63  }
0x13c: {  	_ =	swait.ge [sflag:s0], $0x1400  }
0x13d: {  	[sflag:s0] =	ssyncset.done $0x0;
	s1 =	rddreg [dreg:$0xb]  }
0x13e: {  	s22 =	sld [smem:$0x7E5];
	[sflag:s0] =	ssyncadd.s32 $0xFFFFEC00  }
0x13f: {  	[hbm4b:s1+s4] =	stream.linear.scatter [tilespmem:s6], [sflag:$0x6], $0x1400, $0x38;
	[tilespmem:$0x1E680] =	vst v63  }
0x140: {  	_ = 	snop  }
0x141: {  	[tilespmem:s8], [sflag:$0xC] =	stream.linear.gather [spmem:s22], $0x1400, $0x38;
	[tilespmem:$0x1E680] =	vst v63  }
0x142: {  	_ =	swait.ge [sflag:s0], $0x1400  }
0x143: {  	[sflag:s0] =	ssyncset.done $0x0;
	s24 =	rddreg [dreg:$0xc]  }
0x144: {  	s28 =	sld [smem:$0x7E6];
	[sflag:s0] =	ssyncadd.s32 $0xFFFFEC00  }
0x145: {  	[hbm4b:s24+s4] =	stream.linear.scatter [tilespmem:s8], [sflag:$0x7], $0x1400, $0x38;
	[tilespmem:$0x1E680] =	vst v63  }
0x146: {  	_ = 	snop  }
0x147: {  	[tilespmem:s10], [sflag:$0xC] =	stream.linear.gather [spmem:s28], $0x1400, $0x38;
	[tilespmem:$0x1E680] =	vst v63  }
0x148: {  	_ =	swait.ge [sflag:s0], $0x1400  }
0x149: {  	[sflag:s0] =	ssyncset.done $0x0;
	s29 =	rddreg [dreg:$0xd]  }
0x14a: {  	s30 =	sld [smem:$0x7E7];
	[sflag:s0] =	ssyncadd.s32 $0xFFFFEC00  }
0x14b: {  	[hbm4b:s29+s4] =	stream.linear.scatter [tilespmem:s10], [sflag:$0x8], $0x1400, $0x38;
	[tilespmem:$0x1E680] =	vst v63  }
0x14c: {  	_ = 	snop  }
0x14d: {  	[tilespmem:s12], [sflag:$0xC] =	stream.linear.gather [spmem:s30], $0x1400, $0x38;
	[tilespmem:$0x1E680] =	vst v63  }
0x14e: {  	_ =	swait.ge [sflag:s0], $0x1400  }
0x14f: {  	[sflag:s0] =	ssyncset.done $0x0;
	s31 =	rddreg [dreg:$0xe]  }
0x150: {  	s21 =	sld [smem:$0x7E8];
	[sflag:s0] =	ssyncadd.s32 $0xFFFFEC00  }
0x151: {  	[hbm4b:s31+s4] =	stream.linear.scatter [tilespmem:s12], [sflag:$0x9], $0x1400, $0x38;
	[tilespmem:$0x1E680] =	vst v63  }
0x152: {  	_ = 	snop  }
0x153: {  	[tilespmem:s14], [sflag:$0xC] =	stream.linear.gather [spmem:s21], $0x1400, $0x38;
	[tilespmem:$0x1E680] =	vst v63  }
0x154: {  	_ =	swait.ge [sflag:s0], $0x1400  }
0x155: {  	[sflag:s0] =	ssyncset.done $0x0  }
0x156: {  	s21 =	simm.s32 $0x6;
	s22 =	rddreg [dreg:$0xf];
	[sflag:s0] =	ssyncadd.s32 $0xFFFFEC00  }
0x157: {  	[hbm4b:s22+s4] =	stream.linear.scatter [tilespmem:s14], [sflag:$0xA], $0x1400, $0x38;
	[tilespmem:$0x1E680] =	vst v63  }
0x158: {  	_ =	swait.ge [sflag:s21], $0x1400  }
0x159: {  	s24 =	sld [smem:$0x7E9]  }
0x15a: {  	[sflag:s21] =	ssyncset.done $0x0  }
0x15b: {  	[sflag:s21] =	ssyncadd.s32 $0xFFFFEC00  }
0x15c: {  	[tilespmem:s6], [sflag:$0xC] =	stream.linear.gather [spmem:s24], $0x1400, $0x38;
	[tilespmem:$0x1E680] =	vst v63  }
0x15d: {  	_ =	swait.ge [sflag:s0], $0x1400  }
0x15e: {  	[sflag:s0] =	ssyncset.done $0x0  }
0x15f: {  	s22 =	simm.s32 $0x7;
	s28 =	rddreg [dreg:$0x10];
	[sflag:s0] =	ssyncadd.s32 $0xFFFFEC00  }
0x160: {  	[hbm4b:s28+s4] =	stream.linear.scatter [tilespmem:s6], [sflag:$0x6], $0x1400, $0x38;
	[tilespmem:$0x1E680] =	vst v63  }
0x161: {  	_ =	swait.ge [sflag:s22], $0x1400  }
0x162: {  	s29 =	sld [smem:$0x7EA]  }
0x163: {  	[sflag:s22] =	ssyncset.done $0x0  }
0x164: {  	[sflag:s22] =	ssyncadd.s32 $0xFFFFEC00  }
0x165: {  	[tilespmem:s8], [sflag:$0xC] =	stream.linear.gather [spmem:s29], $0x1400, $0x38;
	[tilespmem:$0x1E680] =	vst v63  }
0x166: {  	_ =	swait.ge [sflag:s0], $0x1400  }
0x167: {  	[sflag:s0] =	ssyncset.done $0x0  }
0x168: {  	s24 =	simm.s32 $0x8;
	s30 =	rddreg [dreg:$0x11];
	[sflag:s0] =	ssyncadd.s32 $0xFFFFEC00  }
0x169: {  	[hbm4b:s30+s4] =	stream.linear.scatter [tilespmem:s8], [sflag:$0x7], $0x1400, $0x38;
	[tilespmem:$0x1E680] =	vst v63  }
0x16a: {  	_ =	swait.ge [sflag:s24], $0x1400  }
0x16b: {  	s31 =	sld [smem:$0x7EB]  }
0x16c: {  	[sflag:s24] =	ssyncset.done $0x0  }
0x16d: {  	[sflag:s24] =	ssyncadd.s32 $0xFFFFEC00  }
0x16e: {  	[tilespmem:s10], [sflag:$0xC] =	stream.linear.gather [spmem:s31], $0x1400, $0x38;
	[tilespmem:$0x1E680] =	vst v63  }
0x16f: {  	_ =	swait.ge [sflag:s0], $0x1400  }
0x170: {  	[sflag:s0] =	ssyncset.done $0x0  }
0x171: {  	s28 =	rddreg [dreg:$0x12];
	[sflag:s0] =	ssyncadd.s32 $0xFFFFEC00  }
0x172: {  	[hbm4b:s28+s4] =	stream.linear.scatter [tilespmem:s10], [sflag:$0x8], $0x1400, $0x38;
	[tilespmem:$0x1E680] =	vst v63  }
0x173: {  	s28 =	simm.s32 $0x9  }
0x174: {  	_ =	swait.ge [sflag:s28], $0x1400  }
0x175: {  	s29 =	sld [smem:$0x7EC]  }
0x176: {  	[sflag:s28] =	ssyncset.done $0x0  }
0x177: {  	[sflag:s28] =	ssyncadd.s32 $0xFFFFEC00  }
0x178: {  	[tilespmem:s12], [sflag:$0xC] =	stream.linear.gather [spmem:s29], $0x1400, $0x38;
	[tilespmem:$0x1E680] =	vst v63  }
0x179: {  	_ =	swait.ge [sflag:s0], $0x1400  }
0x17a: {  	[sflag:s0] =	ssyncset.done $0x0  }
0x17b: {  	s29 =	simm.s32 $0xA;
	s30 =	rddreg [dreg:$0x13];
	[sflag:s0] =	ssyncadd.s32 $0xFFFFEC00  }
0x17c: {  	[hbm4b:s30+s4] =	stream.linear.scatter [tilespmem:s12], [sflag:$0x9], $0x1400, $0x38;
	[tilespmem:$0x1E680] =	vst v63  }
0x17d: {  	_ =	swait.ge [sflag:s29], $0x1400  }
0x17e: {  	s31 =	sld [smem:$0x7ED]  }
0x17f: {  	[sflag:s29] =	ssyncset.done $0x0  }
0x180: {  	[sflag:s29] =	ssyncadd.s32 $0xFFFFEC00  }
0x181: {  	[tilespmem:s14], [sflag:$0xC] =	stream.linear.gather [spmem:s31], $0x1400, $0x38;
	[tilespmem:$0x1E680] =	vst v63  }
0x182: {  	_ =	swait.ge [sflag:s0], $0x1400  }
0x183: {  	[sflag:s0] =	ssyncset.done $0x0  }
0x184: {  	s30 =	rddreg [dreg:$0x14];
	[sflag:s0] =	ssyncadd.s32 $0xFFFFEC00  }
0x185: {  	[hbm4b:s30+s4] =	stream.linear.scatter [tilespmem:s14], [sflag:$0xA], $0x1400, $0x38;
	[tilespmem:$0x1E680] =	vst v63  }
0x186: {  	_ =	swait.ge [sflag:s21], $0x1400  }
0x187: {  	s31 =	sld [smem:$0x7EE]  }
0x188: {  	[sflag:s21] =	ssyncset.done $0x0  }
0x189: {  	[sflag:s21] =	ssyncadd.s32 $0xFFFFEC00  }
0x18a: {  	[tilespmem:s6], [sflag:$0xC] =	stream.linear.gather [spmem:s31], $0x1400, $0x38;
	[tilespmem:$0x1E680] =	vst v63  }
0x18b: {  	_ =	swait.ge [sflag:s0], $0x1400  }
0x18c: {  	[sflag:s0] =	ssyncset.done $0x0  }
0x18d: {  	s30 =	rddreg [dreg:$0x15];
	[sflag:s0] =	ssyncadd.s32 $0xFFFFEC00  }
0x18e: {  	[hbm4b:s30+s4] =	stream.linear.scatter [tilespmem:s6], [sflag:$0x6], $0x1400, $0x38;
	[tilespmem:$0x1E680] =	vst v63  }
0x18f: {  	_ =	swait.ge [sflag:s22], $0x1400  }
0x190: {  	s31 =	sld [smem:$0x7EF]  }
0x191: {  	[sflag:s22] =	ssyncset.done $0x0  }
0x192: {  	[sflag:s22] =	ssyncadd.s32 $0xFFFFEC00  }
0x193: {  	[tilespmem:s8], [sflag:$0xC] =	stream.linear.gather [spmem:s31], $0x1400, $0x38;
	[tilespmem:$0x1E680] =	vst v63  }
0x194: {  	_ =	swait.ge [sflag:s0], $0x1400  }
0x195: {  	[sflag:s0] =	ssyncset.done $0x0  }
0x196: {  	s30 =	rddreg [dreg:$0x16];
	[sflag:s0] =	ssyncadd.s32 $0xFFFFEC00  }
0x197: {  	[hbm4b:s30+s4] =	stream.linear.scatter [tilespmem:s8], [sflag:$0x7], $0x1400, $0x38;
	[tilespmem:$0x1E680] =	vst v63  }
0x198: {  	_ =	swait.ge [sflag:s24], $0x1400  }
0x199: {  	s31 =	sld [smem:$0x7F0]  }
0x19a: {  	[sflag:s24] =	ssyncset.done $0x0  }
0x19b: {  	[sflag:s24] =	ssyncadd.s32 $0xFFFFEC00  }
0x19c: {  	[tilespmem:s10], [sflag:$0xC] =	stream.linear.gather [spmem:s31], $0x1400, $0x38;
	[tilespmem:$0x1E680] =	vst v63  }
0x19d: {  	_ =	swait.ge [sflag:s0], $0x1400  }
0x19e: {  	[sflag:s0] =	ssyncset.done $0x0  }
0x19f: {  	s30 =	rddreg [dreg:$0x17];
	[sflag:s0] =	ssyncadd.s32 $0xFFFFEC00  }
0x1a0: {  	[hbm4b:s30+s4] =	stream.linear.scatter [tilespmem:s10], [sflag:$0x8], $0x1400, $0x38;
	[tilespmem:$0x1E680] =	vst v63  }
0x1a1: {  	_ =	swait.ge [sflag:s28], $0x1400  }
0x1a2: {  	s31 =	sld [smem:$0x7F1]  }
0x1a3: {  	[sflag:s28] =	ssyncset.done $0x0  }
0x1a4: {  	[sflag:s28] =	ssyncadd.s32 $0xFFFFEC00  }
0x1a5: {  	[tilespmem:s12], [sflag:$0xC] =	stream.linear.gather [spmem:s31], $0x1400, $0x38;
	[tilespmem:$0x1E680] =	vst v63  }
0x1a6: {  	_ =	swait.ge [sflag:s0], $0x1400  }
0x1a7: {  	[sflag:s0] =	ssyncset.done $0x0  }
0x1a8: {  	s30 =	rddreg [dreg:$0x18];
	[sflag:s0] =	ssyncadd.s32 $0xFFFFEC00  }
0x1a9: {  	[hbm4b:s30+s4] =	stream.linear.scatter [tilespmem:s12], [sflag:$0x9], $0x1400, $0x38;
	[tilespmem:$0x1E680] =	vst v63  }
0x1aa: {  	_ =	swait.ge [sflag:s29], $0x1400  }
0x1ab: {  	s31 =	sld [smem:$0x7F2]  }
0x1ac: {  	[sflag:s29] =	ssyncset.done $0x0  }
0x1ad: {  	[sflag:s29] =	ssyncadd.s32 $0xFFFFEC00  }
0x1ae: {  	[tilespmem:s14], [sflag:$0xC] =	stream.linear.gather [spmem:s31], $0x1400, $0x38;
	[tilespmem:$0x1E680] =	vst v63  }
0x1af: {  	_ =	swait.ge [sflag:s0], $0x1400  }
0x1b0: {  	[sflag:s0] =	ssyncset.done $0x0  }
0x1b1: {  	s30 =	rddreg [dreg:$0x19];
	[sflag:s0] =	ssyncadd.s32 $0xFFFFEC00  }
0x1b2: {  	[hbm4b:s30+s4] =	stream.linear.scatter [tilespmem:s14], [sflag:$0xA], $0x1400, $0x38;
	[tilespmem:$0x1E680] =	vst v63  }
0x1b3: {  	_ =	swait.ge [sflag:s21], $0x1400  }
0x1b4: {  	s31 =	sld [smem:$0x7F3]  }
0x1b5: {  	[sflag:s21] =	ssyncset.done $0x0  }
0x1b6: {  	[sflag:s21] =	ssyncadd.s32 $0xFFFFEC00  }
0x1b7: {  	[tilespmem:s6], [sflag:$0xC] =	stream.linear.gather [spmem:s31], $0x1400, $0x38;
	[tilespmem:$0x1E680] =	vst v63  }
0x1b8: {  	_ =	swait.ge [sflag:s0], $0x1400  }
0x1b9: {  	[sflag:s0] =	ssyncset.done $0x0  }
0x1ba: {  	s30 =	rddreg [dreg:$0x1a];
	[sflag:s0] =	ssyncadd.s32 $0xFFFFEC00  }
0x1bb: {  	[hbm4b:s30+s4] =	stream.linear.scatter [tilespmem:s6], [sflag:$0x6], $0x1400, $0x38;
	[tilespmem:$0x1E680] =	vst v63  }
0x1bc: {  	_ =	swait.ge [sflag:s22], $0x1400  }
0x1bd: {  	[sflag:s22] =	ssyncset.done $0x0  }
0x1be: {  	[sflag:s22] =	ssyncadd.s32 $0xFFFFEC00  }
0x1bf: {  	_ =	swait.ge [sflag:s24], $0x1400  }
0x1c0: {  	[sflag:s24] =	ssyncset.done $0x0  }
0x1c1: {  	[sflag:s24] =	ssyncadd.s32 $0xFFFFEC00  }
0x1c2: {  	_ =	swait.ge [sflag:s28], $0x1400  }
0x1c3: {  	[sflag:s28] =	ssyncset.done $0x0  }
0x1c4: {  	[sflag:s28] =	ssyncadd.s32 $0xFFFFEC00  }
0x1c5: {  	_ =	swait.ge [sflag:s29], $0x1400  }
0x1c6: {  	[sflag:s29] =	ssyncset.done $0x0  }
0x1c7: {  	[sflag:s29] =	ssyncadd.s32 $0xFFFFEC00  }
0x1c8: {  	_ =	swait.ge [sflag:s21], $0x1400  }
0x1c9: {  	s31 =	sld [smem:$0x7F4];
	_ =	sdelay $0x1  }
0x1ca: {  	s23 =	sadd.s32 $0x1, s23  }
0x1cb: {  	p0 =	sne.s32 s23, s31  }
.Ltmp1:
0x1cc: {  	_ = 	snop;
	(pc) =	sbr.rel @p0 .LBB2_1-.Ltmp1, $3  }
0x1cd: {  	_ =	sdelay $0x1  }
0x1ce: {  	[sflag:s21] =	ssyncset.done $0x0  }
0x1cf: {  	[sflag:s21] =	ssyncadd.s32 $0xFFFFEC00  }
0x1d0: {  	_ =	sfence.sel $0x180000  }
0x1d1: {  	[bflag:$0x0] =	sbarrier.arrive $0xFFFF  }
0x1d2: {  	_ =	strace $0x9000004A  }
0x1d3: {  	s0 =	stileid.u32;
	[bflag:$0x2] =	sbarrier.arrive $0xFFFF  }
0x1d4: {  	p0 =	sne.s32 s0, $0x0;
	s0 =	rddreg [dreg:$0x4]  }
0x1d5: {  	s0 =	sadd.s32 @!p0 $0x100000, s0  }
0x1d6: {  	[sflag:s0] =	ssyncadd.tile.s32 @!p0 $0x1;
	_ =	shalt  }
.Lfunc_end2:
_tile_overlayer_lowered:
.L_overlay_start_2:
0x1d7: {  	(tag) =	ssettag $0x2  }
0x1d8: {  	s0 =	rddreg [dreg:$0x0];
	s2 =	stileid.u32  }
0x1d9: {  	s1 =	rddreg [dreg:$0x1];
	p0 =	sne.s32 s2, $0x0  }
0x1da: {  	s3 =	rddreg [dreg:$0x2];
	[bflag:$0x3] =	sbarrier.arrive $0xFFFF;
	s2 =	simm.s32 @!p0 $0x1C0C  }
0x1db: {  	[timem:s3], [sflag:s2] =	dma.local @!p0 [hbm:s0], s1  }
0x1dc: {  	s0 =	simm.s32 @!p0 $0xC  }
0x1dd: {  	_ =	swait.ge @!p0 [sflag:s0], s1  }
0x1de: {  	s1 =	ssub.s32 @!p0 $0x0, s1;
	[sflag:s0] =	ssyncset.done @!p0 $0x0  }
0x1df: {  	[sflag:s0] =	ssyncadd.s32 @!p0 s1  }
0x1e0: {  	[bflag:$0x3] =	sbarrier.arrive $0xFFFF  }
0x1e1: {  	_ =	shalt  }

// kernel: kernel.7.cloned.1.call-start
scs
__scs_entry_jumppad:
0x0: {  	(pc) =	sbr.rel $0x88, $3  }
0x1: {  	(tag) =	ssettag $0x0;
	lr =	simm.s32 $0x1  }
0x2: {  	[smem:$0x3F95] =	sst lr;
	_ =	strace $0xD0000000  }
0x3: {  	_ = 	snop  }
0x4: {  	_ = 	snop  }
0x5: {  	_ = 	snop  }
0x6: {  	_ = 	snop  }
0x7: {  	_ = 	snop  }
__scs_overlays_trampoline_lowered:
0x8: {  	[smem:$0x3FA4] =	sst s0  }
0x9: {  	[smem:$0x3FA5] =	sst s1  }
0xa: {  	[smem:$0x3FA6] =	sst s2  }
0xb: {  	[smem:$0x3FA7] =	sst s3  }
0xc: {  	[smem:$0x3FA8] =	sst s4  }
0xd: {  	[smem:$0x3FA9] =	sst s5  }
0xe: {  	[smem:$0x3FAA] =	sst s6  }
0xf: {  	[smem:$0x3FAB] =	sst s7  }
0x10: {  	[smem:$0x3FAC] =	sst s8  }
0x11: {  	[smem:$0x3FAD] =	sst s9;
	s0 =	simm.s32 @!p0 $0x0  }
0x12: {  	s1 =	sld [smem:$0x3F93];
	s0 =	simm.s32 @p0 $0x1  }
0x13: {  	[smem:$0x3FAE] =	sst s0;
	s0 =	simm.s32 @!p1 $0x0  }
0x14: {  	s2 =	sld [smem:$0x3F92];
	s0 =	simm.s32 @p1 $0x1  }
0x15: {  	[smem:$0x3FAF] =	sst s0;
	s0 =	simm.s32 @!p2 $0x0  }
0x16: {  	s3 =	sld [smem:$0x3FDB];
	s0 =	simm.s32 @p2 $0x1  }
0x17: {  	s4 =	simm.s32 $0x1BF5;
	[smem:$0x3FB1] =	sst s0  }
0x18: {  	s0 =	sld [smem:$0x3F94];
	_ =	swait.ge [sflag:s4], $0x0  }
0x19: {  	s7 =	sld [smem:$0x3F95]  }
0x1a: {  	s8 =	sadd.s32 $0xFFFFE003, lr  }
0x1b: {  	s9 =	sadd.s32 $0xFFFFFEF7, lr;
	s5 =	simm.s32 $0xFFFFFFFF;
	p2 =	slt.u32 s8, $0xFFFFF086  }
0x1c: {  	p1 =	slt.u32 s9, $0xF7A;
	s5 =	simm.s32 @!p2 $0x0  }
0x1d: {  	s5 =	simm.s32 @p1 $0x1;
	p0 =	seq.s32 s7, s2  }
0x1e: {  	s7 =	smul.u32 @!p0 $0xF7A, s2;
	p2 =	seq.s32 @!p0 s5, $0x0  }
0x1f: {  	s9 =	smul.u32 $0xF7A, s1;
	s8 =	simm.s32 @!p0 $0x1BF5;
	p2 =	por !p2, p0  }
0x20: {  	[sflag:s8] =	ssyncset.s32 @!p0 $0xFFFFF086;
	s6 =	sadd.s32 @!p0 s3, s7;
	s7 =	simm.s32 @!p0 $0x108  }
0x21: {  	s3 =	sadd.s32 s3, s9;
	s6 =	sadd.s32 @!p0 $0x88, s6;
	s7 =	simm.s32 @p2 $0x1082  }
0x22: {  	[simem:s7], [sflag:s8] =	dma.local @!p0 [hbm:s6], $0xF7A  }
0x23: {  	s9 =	sor.u32 $0xD0000000, s2;
	s6 =	simm.s32 $0x108;
	_ =	swait.ge @!p0 [sflag:s8], $0x0  }
0x24: {  	s3 =	sadd.s32 $0x88, s3;
	s6 =	simm.s32 @!p1 $0x1082;
	[sflag:s4] =	ssyncset.s32 $0xFFFFF086  }
0x25: {  	[simem:s6], [sflag:s4] =	dma.local [hbm:s3], $0xF7A  }
0x26: {  	[smem:$0x3F95] =	sst s1;
	(tag) =	ssettag s2;
	_ =	strace s9  }
0x27: {  	s1 =	sld [smem:$0x3FA5]  }
0x28: {  	s2 =	sld [smem:$0x3FA6]  }
0x29: {  	s4 =	sld [smem:$0x3FA8]  }
0x2a: {  	p0 =	seq.s32 s5, $0x0;
	s5 =	sld [smem:$0x3FA9]  }
0x2b: {  	s6 =	sld [smem:$0x3FAA]  }
0x2c: {  	s7 =	sld [smem:$0x3FAB]  }
0x2d: {  	s3 =	simm.s32 $0x108;
	s8 =	sld [smem:$0x3FAC]  }
0x2e: {  	s3 =	simm.s32 @!p0 $0x1082;
	s9 =	sld [smem:$0x3FAD]  }
0x2f: {  	lr =	sadd.s32 s0, s3;
	s0 =	sld [smem:$0x3FA4]  }
0x30: {  	s3 =	sld [smem:$0x3FA7]  }
0x31: {  	[smem:$0x3FB0] =	sst s10  }
0x32: {  	s10 =	sld [smem:$0x3FAE];
	_ =	sdelay $0x3  }
0x33: {  	p0 =	seq.s32 s10, $0x1;
	s10 =	sld [smem:$0x3FB0];
	_ =	sdelay $0x3  }
0x34: {  	[smem:$0x3FB0] =	sst s10  }
0x35: {  	s10 =	sld [smem:$0x3FAF];
	_ =	sdelay $0x3  }
0x36: {  	p1 =	seq.s32 s10, $0x1;
	s10 =	sld [smem:$0x3FB0];
	_ =	sdelay $0x3  }
0x37: {  	[smem:$0x3FB0] =	sst s10  }
0x38: {  	s10 =	sld [smem:$0x3FB1]  }
0x39: {  	_ = 	snop;
	(pc) =	sbr.ind lr, $3  }
0x3a: {  	_ = 	snop  }
0x3b: {  	_ = 	snop  }
0x3c: {  	p2 =	seq.s32 s10, $0x1;
	s10 =	sld [smem:$0x3FB0]  }
0x3d: {  	_ =	shalt  }
0x3e: {  	_ =	shalt  }
0x3f: {  	_ =	shalt  }
0x40: {  	_ =	shalt  }
0x41: {  	_ =	shalt  }
0x42: {  	_ =	shalt  }
0x43: {  	_ =	shalt  }
0x44: {  	_ =	shalt  }
0x45: {  	_ =	shalt  }
0x46: {  	_ =	shalt  }
0x47: {  	_ =	shalt  }
0x48: {  	_ =	shalt  }
0x49: {  	_ =	shalt  }
0x4a: {  	_ =	shalt  }
0x4b: {  	_ =	shalt  }
0x4c: {  	_ =	shalt  }
0x4d: {  	_ =	shalt  }
0x4e: {  	_ =	shalt  }
0x4f: {  	_ =	shalt  }
0x50: {  	_ =	shalt  }
0x51: {  	_ =	shalt  }
0x52: {  	_ =	shalt  }
0x53: {  	_ =	shalt  }
0x54: {  	_ =	shalt  }
0x55: {  	_ =	shalt  }
0x56: {  	_ =	shalt  }
0x57: {  	_ =	shalt  }
0x58: {  	_ =	shalt  }
0x59: {  	_ =	shalt  }
0x5a: {  	_ =	shalt  }
0x5b: {  	_ =	shalt  }
0x5c: {  	_ =	shalt  }
0x5d: {  	_ =	shalt  }
0x5e: {  	_ =	shalt  }
0x5f: {  	_ =	shalt  }
0x60: {  	_ =	shalt  }
0x61: {  	_ =	shalt  }
0x62: {  	_ =	shalt  }
0x63: {  	_ =	shalt  }
0x64: {  	_ =	shalt  }
0x65: {  	_ =	shalt  }
0x66: {  	_ =	shalt  }
0x67: {  	_ =	shalt  }
0x68: {  	_ =	shalt  }
0x69: {  	_ =	shalt  }
0x6a: {  	_ =	shalt  }
0x6b: {  	_ =	shalt  }
0x6c: {  	_ =	shalt  }
0x6d: {  	_ =	shalt  }
0x6e: {  	_ =	shalt  }
0x6f: {  	_ =	shalt  }
0x70: {  	_ =	shalt  }
0x71: {  	_ =	shalt  }
0x72: {  	_ =	shalt  }
0x73: {  	_ =	shalt  }
0x74: {  	_ =	shalt  }
0x75: {  	_ =	shalt  }
0x76: {  	_ =	shalt  }
0x77: {  	_ =	shalt  }
0x78: {  	_ =	shalt  }
0x79: {  	_ =	shalt  }
0x7a: {  	_ =	shalt  }
0x7b: {  	_ =	shalt  }
0x7c: {  	_ =	shalt  }
0x7d: {  	_ =	shalt  }
0x7e: {  	_ =	shalt  }
0x7f: {  	_ =	shalt  }
0x80: {  	_ =	shalt  }
0x81: {  	_ =	shalt  }
0x82: {  	_ =	shalt  }
0x83: {  	_ =	shalt  }
0x84: {  	_ =	shalt  }
0x85: {  	_ =	shalt  }
0x86: {  	_ =	shalt  }
0x87: {  	_ =	shalt  }
.Lfunc_end0:
.L_simem_size_0:
called_computation_lowered:
.L_overlay_start_0:
0x88: {  	s2 =	sld [smem:$0x3FD9]  }
0x89: {  	s3 =	sld [smem:$0x3FFE];
	_ =	sdelay $0x1  }
0x8a: {  	s1 =	srdreg.scid  }
0x8b: {  	s0 =	sand.u32 $0x1, s1  }
0x8c: {  	s14 =	sshll.u32 s0, $0xA;
	s2 =	sadd.s32 s3, s2  }
0x8d: {  	s2 =	sadd.s32 s2, s14  }
0x8e: {  	[smem:$0x3FBC] =	sst s2  }
0x8f: {  	_ = 	snop  }
0x90: {  	s2 =	sld [smem:$0x3FD0];
	_ =	sdelay $0x2  }
0x91: {  	s15 =	simm.s32 $0xA;
	s4 =	simm.s32 $0x10  }
0x92: {  	[smem:s4], [sflag:s15] =	dma.local [hbm:s2], $0x1  }
0x93: {  	_ =	swait.eq [sflag:s15], $0x1  }
0x94: {  	[sflag:s15] =	ssyncset.done $0x0  }
0x95: {  	s16 =	sld [smem:$0x10];
	[sflag:s15] =	ssyncadd.s32 $0xFFFFFFFF  }
0x96: {  	s17 =	sld [smem:$0x11];
	(tm) =	ssettm $0x1  }
0x97: {  	s18 =	sld [smem:$0x3FFB];
	_ =	sdelay $0x3  }
0x98: {  	_ =	strace s18  }
0x99: {  	s4 =	sld [smem:$0x3FFC];
	_ =	sdelay $0x3  }
0x9a: {  	_ =	strace s4  }
0x9b: {  	s4 =	sld [smem:$0x3FFD];
	_ =	sdelay $0x3  }
0x9c: {  	_ =	strace s4  }
0x9d: {  	_ =	strace $0x8FFFFFFF  }
0x9e: {  	s19 =	sld [smem:$0x3FDB];
	_ =	sdelay $0x1  }
0x9f: {  	s5 =	simm.s32 $_scs_section_size  }
0xa0: {  	s6 =	simm.s32 $_size__tile_overlayer_lowered;
	s7 =	simm.s32 $_tile_overlayer_lowered  }
0xa1: {  	s22 =	simm.s32 $0x1BFF;
	s21 =	sshll.u32 s7, $0x1;
	s4 =	sadd.s32 s5, s19  }
0xa2: {  	s8 =	simm.s32 $0x0;
	s20 =	sshll.u32 s6, $0x1;
	s6 =	sadd.s32 s21, s4  }
0xa3: {  	[timem:s8], [sflag:s22] =	dma.local [hbm:s6], s20  }
0xa4: {  	_ =	swait.ge [sflag:s22], s20  }
0xa5: {  	s5 =	ssub.s32 $0x0, s20;
	[sflag:s22] =	ssyncset.done $0x0  }
0xa6: {  	[sflag:s22] =	ssyncadd.s32 s5;
	_ =	sdelay $0x1  }
0xa7: {  	s23 =	simm.s32 $0x1B8B  }
0xa8: {  	_ =	swait.ge [sflag:s23], $0x1  }
0xa9: {  	[sflag:s23] =	ssyncset.done $0x0  }
0xaa: {  	s25 =	simm.s32 $0x1B8E;
	s24 =	sld [smem:$0x3FFE];
	[sflag:s23] =	ssyncadd.s32 $0xFFFFFFFF  }
0xab: {  	s26 =	simm.s32 $execute0_lowered;
	[smem:$0x3FD2] =	sst s25  }
0xac: {  	s6 =	sshll.u32 s26, $0x1;
	_ =	strace $0x80000046;
	[dreg:$0x1] =	wrdreg $0xFFFFFFFF  }
0xad: {  	s28 =	simm.s32 $_size_execute0_lowered;
	s4 =	sadd.s32 s4, s6;
	[dreg:$0x0] =	wrdreg $0x0  }
0xae: {  	s6 =	sshll.u32 s28, $0x1;
	[dreg:$0x2] =	wrdreg s4  }
0xaf: {  	[dreg:$0x3] =	wrdreg s6  }
0xb0: {  	[dreg:$0x4] =	wrdreg $0xC0  }
0xb1: {  	_ =	task [dreg:s8], $0x5FFFF  }
0xb2: {  	[dreg:$0x1] =	wrdreg $0xFFFFFFFF  }
0xb3: {  	[dreg:$0x0] =	wrdreg $0x60  }
0xb4: {  	[dreg:$0x2] =	wrdreg s16  }
0xb5: {  	[dreg:$0x3] =	wrdreg s17  }
0xb6: {  	[dreg:$0x4] =	wrdreg s24  }
0xb7: {  	[dreg:$0x5] =	wrdreg $0x9  }
0xb8: {  	_ =	task.clear_ibuf [dreg:s8], $0x6FFFF;
	_ =	strace $0x90000046  }
0xb9: {  	s29 =	simm.s32 $0x9;
	_ =	strace $0x80000048  }
0xba: {  	_ =	swait.ge [sflag:s29], $0x1  }
0xbb: {  	[sflag:s29] =	ssyncadd.s32 $0xFFFFFFFF  }
0xbc: {  	_ =	strace $0x90000048  }
0xbd: {  	_ =	sfence  }
0xbe: {  	s30 =	sld [smem:$0x0];
	_ =	sdelay $0x2  }
0xbf: {  	s31 =	sshll.u32 s1, $0xD;
	s1 =	sshrl.u32 s1, $0x2  }
0xc0: {  	s3 =	sand.u32 $0x4000, s31;
	s1 =	sadd.s32 s1, s30  }
0xc1: {  	s0 =	sor.u32 s3, s0;
	s1 =	sshll.u32 s1, $0x11  }
0xc2: {  	s0 =	sor.u32 s1, s0  }
0xc3: {  	s0 =	sadd.s32 $0x8F2B, s0  }
0xc4: {  	[sflag:s0] =	ssyncadd.remote.s32 $0x1  }
0xc5: {  	_ =	sfence.sel $0xFFFF  }
0xc6: {  	[dreg:$0x0] =	wrdreg $0xFFFFFFFF;
	(pc) =	sbr.abs _section_cstart, $3  }
0xc7: {  	[dreg:$0x1] =	wrdreg $0xFFFFFFFF  }
0xc8: {  	_ =	task.clear_ibuf [dreg:s8], $0x2FFFF;
	_ =	strace $0x9FFFFFFF  }
0xc9: {  	(tm) =	ssettm $0x7FFFFFFF  }
tec
execute0_lowered:
.L_overlay_start_1:
0x0: {  	(tag) =	ssettag $0x1  }
0x1: {  	s1 =	rddreg [dreg:$0x0]  }
0x2: {  	s3 =	rddreg [dreg:$0x1];
	s0 =	srdreg.scid  }
0x3: {  	s4 =	stileid.u32;
	s2 =	rddreg [dreg:$0x2]  }
0x4: {  	s21 =	simm.s32 $0x50;
	s29 =	simm.s32 $0x9F00;
	s30 =	simm.s32 $0x1B700  }
0x5: {  	s20 =	simm.s32 $0x6;
	s13 =	simm.s32 $0x3;
	s14 =	simm.s32 $0x8  }
0x6: {  	s15 =	simm.s32 $0x4;
	s16 =	simm.s32 $0x9;
	s17 =	simm.s32 $0x5  }
0x7: {  	s0 =	sand.u32 $0x1, s0;
	s5 =	sshll.u32 s4, $0x1;
	s4 =	simm.s32 $0x0  }
0x8: {  	s18 =	simm.s32 $0xA;
	s6 =	sor.u32 s0, s5;
	[smem:$0x7FF] =	sst s4  }
0x9: {  	s0 =	ssub.s32 $0x2, s0;
	s5 =	smul.u32 $0x2710, s6;
	_ =	strace $0x80000047  }
0xa: {  	s8 =	sshrl.u32 s0, $0x1;
	s9 =	smul.u32 $0x138800, s6;
	s6 =	sadd.s32 $0x16200, s2  }
0xb: {  	s0 =	ssub.s32 s0, s8;
	s8 =	simm.s32 $0x7;
	s7 =	sshrl.u32 s5, $0x3  }
0xc: {  	s24 =	sshrl.u32 s9, $0x3;
	s0 =	smax.u32 s0, $0x1;
	s7 =	sadd.s32 s7, s2  }
0xd: {  	s9 =	sadd.s32 $0x50, s5;
	[dreg:$0xb] =	wrdreg s0;
	s22 =	sadd.s32 $0xC400, s7  }
0xe: {  	s2 =	sadd.s32 s6, s24;
	s23 =	sadd.s32 $0x2600, s7;
	[dreg:$0x4] =	wrdreg s22  }
0xf: {  	s10 =	sadd.s32 $0xA0, s5;
	s25 =	sadd.s32 $0x25800, s2;
	[dreg:$0x5] =	wrdreg s23  }
0x10: {  	s11 =	sadd.s32 $0xF0, s5;
	s26 =	sadd.s32 $0x25D00, s2;
	[dreg:$0x6] =	wrdreg s25  }
0x11: {  	s12 =	sadd.s32 $0x140, s5;
	s28 =	sadd.s32 $0x26200, s2;
	[dreg:$0x7] =	wrdreg s26  }
0x12: {  	s24 =	simm.s32 $0x7700;
	s31 =	sadd.s32 $0x26700, s2;
	[dreg:$0x8] =	wrdreg s28  }
0x13: {  	s0 =	simm.s32 $0xC700;
	s2 =	sadd.s32 $0x26C00, s2;
	[dreg:$0x9] =	wrdreg s31  }
0x14: {  	s7 =	simm.s32 $0x2;
	[dreg:$0xa] =	wrdreg s2;
	s22 =	simm.s32 $0x4F00  }
0x15: {  	s2 =	simm.s32 $0xEF00;
	s25 =	simm.s32 $0x1;
	s23 =	simm.s32 $0x0  }
.LBB2_1:
0x16: {  	[dreg:$0xc] =	wrdreg s23  }
0x17: {  	s19 =	rddreg [dreg:$0x4];
	s28 =	simm.s32 $0xB  }
0x18: {  	[tilespmem:s4], [sflag:$0xB] =	stream.linear.gather [hbm4b:s19+s4], $0x2710, $0x38;
	[tilespmem:$0x1DF00] =	vst v63  }
0x19: {  	_ =	swait.ge [sflag:s28], $0x2710  }
0x1a: {  	[sflag:s28] =	ssyncset.done $0x0  }
0x1b: {  	s26 =	simm.s32 $0x2780;
	s31 =	rddreg [dreg:$0x5];
	[sflag:s28] =	ssyncadd.s32 $0xFFFFD8F0  }
0x1c: {  	[tilespmem:s26], [sflag:$0xB] =	stream.linear.gather [hbm4b:s31+s4], $0x2710, $0x38;
	[tilespmem:$0x1DF00] =	vst v63  }
0x1d: {  	_ =	swait.ge [sflag:s28], $0x2710  }
0x1e: {  	[sflag:s28] =	ssyncset.done $0x0  }
0x1f: {  	[sflag:s28] =	ssyncadd.s32 $0xFFFFD8F0  }
0x20: {  	[tilespmem:s22], [sflag:$0x1] =	stream.indirect.gather [hbm4b:s1+s21], $0x80, s4, s21, $0xb8;
	[tilespmem:$0x1DF00] =	vst v63  }
0x21: {  	s23 =	simm.s32 $0x11700  }
0x22: {  	[tilespmem:s23], [sflag:$0x1] =	stream.indirect.gather [hbm4b:s3+s21], $0x80, s26, s21, $0xb8;
	[tilespmem:$0x1DF00] =	vst v63  }
0x23: {  	_ = 	snop  }
0x24: {  	[tilespmem:s24], [sflag:$0x2] =	stream.indirect.gather [hbm4b:s1+s21], $0x80, s21, s21, $0xb8;
	[tilespmem:$0x1DF00] =	vst v63  }
0x25: {  	s31 =	simm.s32 $0x13F00;
	s28 =	simm.s32 $0x27D0  }
0x26: {  	[tilespmem:s31], [sflag:$0x2] =	stream.indirect.gather [hbm4b:s3+s21], $0x80, s28, s21, $0xb8;
	[tilespmem:$0x1DF00] =	vst v63  }
0x27: {  	s23 =	simm.s32 $0xA0  }
0x28: {  	[tilespmem:s29], [sflag:$0x3] =	stream.indirect.gather [hbm4b:s1+s21], $0x80, s23, s21, $0xb8;
	[tilespmem:$0x1DF00] =	vst v63  }
0x29: {  	s26 =	simm.s32 $0x2820;
	s28 =	simm.s32 $0x16700  }
0x2a: {  	[tilespmem:s28], [sflag:$0x3] =	stream.indirect.gather [hbm4b:s3+s21], $0x80, s26, s21, $0xb8;
	[tilespmem:$0x1DF00] =	vst v63  }
0x2b: {  	s31 =	simm.s32 $0xF0  }
0x2c: {  	[tilespmem:s0], [sflag:$0x4] =	stream.indirect.gather [hbm4b:s1+s21], $0x80, s31, s21, $0xb8;
	[tilespmem:$0x1DF00] =	vst v63  }
0x2d: {  	s23 =	simm.s32 $0x2870;
	s26 =	simm.s32 $0x18F00  }
0x2e: {  	[tilespmem:s26], [sflag:$0x4] =	stream.indirect.gather [hbm4b:s3+s21], $0x80, s23, s21, $0xb8;
	[tilespmem:$0x1DF00] =	vst v63  }
0x2f: {  	s28 =	simm.s32 $0x140  }
0x30: {  	[tilespmem:s2], [sflag:$0x5] =	stream.indirect.gather [hbm4b:s1+s21], $0x80, s28, s21, $0xb8;
	[tilespmem:$0x1DF00] =	vst v63  }
0x31: {  	s19 =	simm.s32 $0x0;
	s31 =	simm.s32 $0x28C0  }
0x32: {  	[tilespmem:s30], [sflag:$0x5] =	stream.indirect.gather [hbm4b:s3+s21], $0x80, s31, s21, $0xb8;
	[tilespmem:$0x1DF00] =	vst v63  }
.LBB2_2:
0x33: {  	_ =	swait.ge [sflag:s25], $0x2800  }
0x34: {  	[sflag:s25] =	ssyncset.done $0x0  }
0x35: {  	[sflag:s25] =	ssyncadd.s32 $0xFFFFD800  }
0x36: {  	_ =	swait.ge [sflag:s25], $0x2800  }
0x37: {  	[sflag:s25] =	ssyncset.done $0x0  }
0x38: {  	s26 =	simm.s32 $0x0;
	[sflag:s25] =	ssyncadd.s32 $0xFFFFD800  }
0x39: {  	v6 =	vld [tilespmem:s26+$0x11700]  }
0x3a: {  	v11 =	vld [tilespmem:s26+$0x11710]  }
0x3b: {  	v5 =	vld [tilespmem:s26+$0x11720]  }
0x3c: {  	v4 =	vld [tilespmem:s26+$0x11730]  }
0x3d: {  	v3 =	vld [tilespmem:s26+$0x11740]  }
0x3e: {  	v2 =	vld [tilespmem:s26+$0x11750]  }
0x3f: {  	v1 =	vld [tilespmem:s26+$0x11760]  }
0x40: {  	v0 =	vld [tilespmem:s26+$0x11770]  }
0x41: {  	v12 =	vld [tilespmem:s26+$0x4F00]  }
0x42: {  	v13 =	vld [tilespmem:s26+$0x4F10]  }
0x43: {  	v10 =	vld [tilespmem:s26+$0x4F20]  }
0x44: {  	v9 =	vld [tilespmem:s26+$0x4F30]  }
0x45: {  	v8 =	vld [tilespmem:s26+$0x4F40]  }
0x46: {  	v7 =	vld [tilespmem:s26+$0x4F50];
	v12 =	vadd.f32 v6, v12  }
0x47: {  	s23 =	simm.s32 $0x200;
	v11 =	vadd.f32 v11, v13;
	v6 =	vld [tilespmem:s26+$0x4F60]  }
.LBB2_3:
0x48: {  	s31 =	sshra.s32 s23, $0x2;
	p0 =	sne.s32 s23, $0x9E00;
	[tilespmem:s26+$0x4F00] =	vst v12;
	v5 =	vadd.f32 v5, v10;
	v10 =	vld [tilespmem:s26+$0x4F70]  }
0x49: {  	v12 =	vld [tilespmem:s31+$0x11700];
	[tilespmem:s26+$0x4F10] =	vst v11;
	v4 =	vadd.f32 v4, v9  }
0x4a: {  	v11 =	vld [tilespmem:s31+$0x11710];
	[tilespmem:s26+$0x4F20] =	vst v5;
	v3 =	vadd.f32 v3, v8  }
0x4b: {  	v5 =	vld [tilespmem:s31+$0x11720];
	[tilespmem:s26+$0x4F30] =	vst v4;
	v2 =	vadd.f32 v2, v7  }
0x4c: {  	v4 =	vld [tilespmem:s31+$0x11730];
	[tilespmem:s26+$0x4F40] =	vst v3;
	v1 =	vadd.f32 v1, v6  }
0x4d: {  	v3 =	vld [tilespmem:s31+$0x11740];
	[tilespmem:s26+$0x4F50] =	vst v2;
	v0 =	vadd.f32 v0, v10  }
0x4e: {  	v2 =	vld [tilespmem:s31+$0x11750];
	[tilespmem:s26+$0x4F60] =	vst v1  }
0x4f: {  	v1 =	vld [tilespmem:s31+$0x11760];
	[tilespmem:s26+$0x4F70] =	vst v0;
	s26 =	smov.u32 s31  }
0x50: {  	v0 =	vld [tilespmem:s26+$0x11770]  }
0x51: {  	v6 =	vld [tilespmem:s26+$0x4F00]  }
0x52: {  	v13 =	vld [tilespmem:s26+$0x4F10]  }
.Ltmp0:
0x53: {  	v10 =	vld [tilespmem:s26+$0x4F20];
	(pc) =	sbr.rel @p0 .LBB2_3-.Ltmp0, $4  }
0x54: {  	v9 =	vld [tilespmem:s26+$0x4F30]  }
0x55: {  	v8 =	vld [tilespmem:s26+$0x4F40]  }
0x56: {  	v12 =	vadd.f32 v12, v6;
	v7 =	vld [tilespmem:s26+$0x4F50]  }
0x57: {  	s23 =	sadd.s32 $0x200, s23;
	v11 =	vadd.f32 v11, v13;
	v6 =	vld [tilespmem:s26+$0x4F60]  }
0x58: {  	[tilespmem:s26+$0x4F00] =	vst v12;
	v5 =	vadd.f32 v5, v10;
	v10 =	vld [tilespmem:s26+$0x4F70]  }
0x59: {  	[tilespmem:s26+$0x4F10] =	vst v11;
	v4 =	vadd.f32 v4, v9  }
0x5a: {  	[tilespmem:s26+$0x4F20] =	vst v5;
	v3 =	vadd.f32 v3, v8  }
0x5b: {  	s23 =	smul.u32 $0x190, s19;
	[tilespmem:s26+$0x4F30] =	vst v4;
	v2 =	vadd.f32 v2, v7  }
0x5c: {  	[tilespmem:s26+$0x4F40] =	vst v3;
	v1 =	vadd.f32 v1, v6  }
0x5d: {  	s31 =	sadd.s32 s5, s23;
	[tilespmem:s26+$0x4F50] =	vst v2;
	v0 =	vadd.f32 v0, v10  }
0x5e: {  	s31 =	sshll.u32 s31, $0x4;
	[tilespmem:s26+$0x4F60] =	vst v1  }
0x5f: {  	s28 =	sadd.s32 s6, s31;
	s31 =	simm.s32 $0x0;
	[tilespmem:s26+$0x4F70] =	vst v0  }
0x60: {  	[hbm4b:s28+s31] =	stream.linear.scatter [tilespmem:s22], [sflag:$0x6], $0x2800, $0x38;
	[tilespmem:$0x1DF00] =	vst v63  }
0x61: {  	_ =	swait.ge [sflag:s20], $0x2800  }
0x62: {  	[sflag:s20] =	ssyncset.done $0x0  }
0x63: {  	s28 =	sadd.s32 $0x190, s23;
	[sflag:s20] =	ssyncadd.s32 $0xFFFFD800  }
0x64: {  	[tilespmem:s22], [sflag:$0x1] =	stream.indirect.gather [hbm4b:s1+s21], $0x80, s28, s21, $0xb8;
	[tilespmem:$0x1DF00] =	vst v63  }
0x65: {  	s26 =	sadd.s32 $0x2910, s23;
	s28 =	simm.s32 $0x11700  }
0x66: {  	[tilespmem:s28], [sflag:$0x1] =	stream.indirect.gather [hbm4b:s3+s21], $0x80, s26, s21, $0xb8;
	[tilespmem:$0x1DF00] =	vst v63  }
0x67: {  	_ =	swait.ge [sflag:s7], $0x2800  }
0x68: {  	[sflag:s7] =	ssyncset.done $0x0  }
0x69: {  	[sflag:s7] =	ssyncadd.s32 $0xFFFFD800  }
0x6a: {  	_ =	swait.ge [sflag:s7], $0x2800  }
0x6b: {  	[sflag:s7] =	ssyncset.done $0x0  }
0x6c: {  	s26 =	simm.s32 $0x0;
	[sflag:s7] =	ssyncadd.s32 $0xFFFFD800  }
0x6d: {  	v7 =	vld [tilespmem:s26+$0x13F00]  }
0x6e: {  	v11 =	vld [tilespmem:s26+$0x13F10]  }
0x6f: {  	v5 =	vld [tilespmem:s26+$0x13F20]  }
0x70: {  	v4 =	vld [tilespmem:s26+$0x13F30]  }
0x71: {  	v3 =	vld [tilespmem:s26+$0x13F40]  }
0x72: {  	v2 =	vld [tilespmem:s26+$0x13F50]  }
0x73: {  	v1 =	vld [tilespmem:s26+$0x13F60]  }
0x74: {  	v0 =	vld [tilespmem:s26+$0x13F70]  }
0x75: {  	v12 =	vld [tilespmem:s26+$0x7700]  }
0x76: {  	v13 =	vld [tilespmem:s26+$0x7710]  }
0x77: {  	v10 =	vld [tilespmem:s26+$0x7720]  }
0x78: {  	v9 =	vld [tilespmem:s26+$0x7730]  }
0x79: {  	v8 =	vld [tilespmem:s26+$0x7740]  }
0x7a: {  	v6 =	vld [tilespmem:s26+$0x7750];
	v12 =	vadd.f32 v7, v12  }
0x7b: {  	s31 =	simm.s32 $0x200;
	v11 =	vadd.f32 v11, v13;
	v7 =	vld [tilespmem:s26+$0x7760]  }
.LBB2_5:
0x7c: {  	s28 =	sshra.s32 s31, $0x2;
	p0 =	sne.s32 s31, $0x9E00;
	[tilespmem:s26+$0x7700] =	vst v12;
	v5 =	vadd.f32 v5, v10;
	v10 =	vld [tilespmem:s26+$0x7770]  }
0x7d: {  	v12 =	vld [tilespmem:s28+$0x13F00];
	[tilespmem:s26+$0x7710] =	vst v11;
	v4 =	vadd.f32 v4, v9  }
0x7e: {  	v11 =	vld [tilespmem:s28+$0x13F10];
	[tilespmem:s26+$0x7720] =	vst v5;
	v3 =	vadd.f32 v3, v8  }
0x7f: {  	v5 =	vld [tilespmem:s28+$0x13F20];
	[tilespmem:s26+$0x7730] =	vst v4;
	v2 =	vadd.f32 v2, v6  }
0x80: {  	v4 =	vld [tilespmem:s28+$0x13F30];
	[tilespmem:s26+$0x7740] =	vst v3;
	v1 =	vadd.f32 v1, v7  }
0x81: {  	v3 =	vld [tilespmem:s28+$0x13F40];
	[tilespmem:s26+$0x7750] =	vst v2;
	v0 =	vadd.f32 v0, v10  }
0x82: {  	v2 =	vld [tilespmem:s28+$0x13F50];
	[tilespmem:s26+$0x7760] =	vst v1  }
0x83: {  	v1 =	vld [tilespmem:s28+$0x13F60];
	[tilespmem:s26+$0x7770] =	vst v0;
	s26 =	smov.u32 s28  }
0x84: {  	v0 =	vld [tilespmem:s26+$0x13F70]  }
0x85: {  	v6 =	vld [tilespmem:s26+$0x7700]  }
0x86: {  	v7 =	vld [tilespmem:s26+$0x7710]  }
.Ltmp1:
0x87: {  	v10 =	vld [tilespmem:s26+$0x7720];
	(pc) =	sbr.rel @p0 .LBB2_5-.Ltmp1, $4  }
0x88: {  	v9 =	vld [tilespmem:s26+$0x7730]  }
0x89: {  	v8 =	vld [tilespmem:s26+$0x7740]  }
0x8a: {  	v12 =	vadd.f32 v12, v6;
	v6 =	vld [tilespmem:s26+$0x7750]  }
0x8b: {  	s31 =	sadd.s32 $0x200, s31;
	v11 =	vadd.f32 v11, v7;
	v7 =	vld [tilespmem:s26+$0x7760]  }
0x8c: {  	[tilespmem:s26+$0x7700] =	vst v12;
	v5 =	vadd.f32 v5, v10;
	v10 =	vld [tilespmem:s26+$0x7770]  }
0x8d: {  	[tilespmem:s26+$0x7710] =	vst v11;
	v4 =	vadd.f32 v4, v9  }
0x8e: {  	[tilespmem:s26+$0x7720] =	vst v5;
	v3 =	vadd.f32 v3, v8  }
0x8f: {  	[tilespmem:s26+$0x7730] =	vst v4;
	v2 =	vadd.f32 v2, v6  }
0x90: {  	[tilespmem:s26+$0x7740] =	vst v3;
	v1 =	vadd.f32 v1, v7  }
0x91: {  	s28 =	sadd.s32 s23, s9;
	[tilespmem:s26+$0x7750] =	vst v2;
	v0 =	vadd.f32 v0, v10  }
0x92: {  	s28 =	sshll.u32 s28, $0x4;
	[tilespmem:s26+$0x7760] =	vst v1  }
0x93: {  	[tilespmem:s26+$0x7770] =	vst v0;
	s26 =	sadd.s32 s6, s28;
	s28 =	simm.s32 $0x0  }
0x94: {  	[hbm4b:s26+s28] =	stream.linear.scatter [tilespmem:s24], [sflag:$0x7], $0x2800, $0x38;
	[tilespmem:$0x1DF00] =	vst v63  }
0x95: {  	_ =	swait.ge [sflag:s8], $0x2800  }
0x96: {  	[sflag:s8] =	ssyncset.done $0x0  }
0x97: {  	s28 =	sadd.s32 $0x1E0, s23;
	[sflag:s8] =	ssyncadd.s32 $0xFFFFD800  }
0x98: {  	[tilespmem:s24], [sflag:$0x2] =	stream.indirect.gather [hbm4b:s1+s21], $0x80, s28, s21, $0xb8;
	[tilespmem:$0x1DF00] =	vst v63  }
0x99: {  	s26 =	sadd.s32 $0x2960, s23;
	s28 =	simm.s32 $0x13F00  }
0x9a: {  	[tilespmem:s28], [sflag:$0x2] =	stream.indirect.gather [hbm4b:s3+s21], $0x80, s26, s21, $0xb8;
	[tilespmem:$0x1DF00] =	vst v63  }
0x9b: {  	_ =	swait.ge [sflag:s13], $0x2800  }
0x9c: {  	[sflag:s13] =	ssyncset.done $0x0  }
0x9d: {  	[sflag:s13] =	ssyncadd.s32 $0xFFFFD800  }
0x9e: {  	_ =	swait.ge [sflag:s13], $0x2800  }
0x9f: {  	[sflag:s13] =	ssyncset.done $0x0  }
0xa0: {  	s26 =	simm.s32 $0x0;
	[sflag:s13] =	ssyncadd.s32 $0xFFFFD800  }
0xa1: {  	v7 =	vld [tilespmem:s26+$0x16700]  }
0xa2: {  	v11 =	vld [tilespmem:s26+$0x16710]  }
0xa3: {  	v5 =	vld [tilespmem:s26+$0x16720]  }
0xa4: {  	v4 =	vld [tilespmem:s26+$0x16730]  }
0xa5: {  	v3 =	vld [tilespmem:s26+$0x16740]  }
0xa6: {  	v2 =	vld [tilespmem:s26+$0x16750]  }
0xa7: {  	v1 =	vld [tilespmem:s26+$0x16760]  }
0xa8: {  	v0 =	vld [tilespmem:s26+$0x16770]  }
0xa9: {  	v12 =	vld [tilespmem:s26+$0x9F00]  }
0xaa: {  	v13 =	vld [tilespmem:s26+$0x9F10]  }
0xab: {  	v10 =	vld [tilespmem:s26+$0x9F20]  }
0xac: {  	v9 =	vld [tilespmem:s26+$0x9F30]  }
0xad: {  	v8 =	vld [tilespmem:s26+$0x9F40]  }
0xae: {  	v6 =	vld [tilespmem:s26+$0x9F50];
	v12 =	vadd.f32 v7, v12  }
0xaf: {  	s31 =	simm.s32 $0x200;
	v11 =	vadd.f32 v11, v13;
	v7 =	vld [tilespmem:s26+$0x9F60]  }
.LBB2_7:
0xb0: {  	s28 =	sshra.s32 s31, $0x2;
	p0 =	sne.s32 s31, $0x9E00;
	[tilespmem:s26+$0x9F00] =	vst v12;
	v5 =	vadd.f32 v5, v10;
	v10 =	vld [tilespmem:s26+$0x9F70]  }
0xb1: {  	v12 =	vld [tilespmem:s28+$0x16700];
	[tilespmem:s26+$0x9F10] =	vst v11;
	v4 =	vadd.f32 v4, v9  }
0xb2: {  	v11 =	vld [tilespmem:s28+$0x16710];
	[tilespmem:s26+$0x9F20] =	vst v5;
	v3 =	vadd.f32 v3, v8  }
0xb3: {  	v5 =	vld [tilespmem:s28+$0x16720];
	[tilespmem:s26+$0x9F30] =	vst v4;
	v2 =	vadd.f32 v2, v6  }
0xb4: {  	v4 =	vld [tilespmem:s28+$0x16730];
	[tilespmem:s26+$0x9F40] =	vst v3;
	v1 =	vadd.f32 v1, v7  }
0xb5: {  	v3 =	vld [tilespmem:s28+$0x16740];
	[tilespmem:s26+$0x9F50] =	vst v2;
	v0 =	vadd.f32 v0, v10  }
0xb6: {  	v2 =	vld [tilespmem:s28+$0x16750];
	[tilespmem:s26+$0x9F60] =	vst v1  }
0xb7: {  	v1 =	vld [tilespmem:s28+$0x16760];
	[tilespmem:s26+$0x9F70] =	vst v0;
	s26 =	smov.u32 s28  }
0xb8: {  	v0 =	vld [tilespmem:s26+$0x16770]  }
0xb9: {  	v6 =	vld [tilespmem:s26+$0x9F00]  }
0xba: {  	v7 =	vld [tilespmem:s26+$0x9F10]  }
.Ltmp2:
0xbb: {  	v10 =	vld [tilespmem:s26+$0x9F20];
	(pc) =	sbr.rel @p0 .LBB2_7-.Ltmp2, $4  }
0xbc: {  	v9 =	vld [tilespmem:s26+$0x9F30]  }
0xbd: {  	v8 =	vld [tilespmem:s26+$0x9F40]  }
0xbe: {  	v12 =	vadd.f32 v12, v6;
	v6 =	vld [tilespmem:s26+$0x9F50]  }
0xbf: {  	s31 =	sadd.s32 $0x200, s31;
	v11 =	vadd.f32 v11, v7;
	v7 =	vld [tilespmem:s26+$0x9F60]  }
0xc0: {  	[tilespmem:s26+$0x9F00] =	vst v12;
	v5 =	vadd.f32 v5, v10;
	v10 =	vld [tilespmem:s26+$0x9F70]  }
0xc1: {  	[tilespmem:s26+$0x9F10] =	vst v11;
	v4 =	vadd.f32 v4, v9  }
0xc2: {  	[tilespmem:s26+$0x9F20] =	vst v5;
	v3 =	vadd.f32 v3, v8  }
0xc3: {  	[tilespmem:s26+$0x9F30] =	vst v4;
	v2 =	vadd.f32 v2, v6  }
0xc4: {  	[tilespmem:s26+$0x9F40] =	vst v3;
	v1 =	vadd.f32 v1, v7  }
0xc5: {  	s28 =	sadd.s32 s23, s10;
	[tilespmem:s26+$0x9F50] =	vst v2;
	v0 =	vadd.f32 v0, v10  }
0xc6: {  	s28 =	sshll.u32 s28, $0x4;
	[tilespmem:s26+$0x9F60] =	vst v1  }
0xc7: {  	[tilespmem:s26+$0x9F70] =	vst v0;
	s26 =	sadd.s32 s6, s28;
	s28 =	simm.s32 $0x0  }
0xc8: {  	[hbm4b:s26+s28] =	stream.linear.scatter [tilespmem:s29], [sflag:$0x8], $0x2800, $0x38;
	[tilespmem:$0x1DF00] =	vst v63  }
0xc9: {  	_ =	swait.ge [sflag:s14], $0x2800  }
0xca: {  	[sflag:s14] =	ssyncset.done $0x0  }
0xcb: {  	s28 =	sadd.s32 $0x230, s23;
	[sflag:s14] =	ssyncadd.s32 $0xFFFFD800  }
0xcc: {  	[tilespmem:s29], [sflag:$0x3] =	stream.indirect.gather [hbm4b:s1+s21], $0x80, s28, s21, $0xb8;
	[tilespmem:$0x1DF00] =	vst v63  }
0xcd: {  	s26 =	sadd.s32 $0x29B0, s23;
	s28 =	simm.s32 $0x16700  }
0xce: {  	[tilespmem:s28], [sflag:$0x3] =	stream.indirect.gather [hbm4b:s3+s21], $0x80, s26, s21, $0xb8;
	[tilespmem:$0x1DF00] =	vst v63  }
0xcf: {  	_ =	swait.ge [sflag:s15], $0x2800  }
0xd0: {  	[sflag:s15] =	ssyncset.done $0x0  }
0xd1: {  	[sflag:s15] =	ssyncadd.s32 $0xFFFFD800  }
0xd2: {  	_ =	swait.ge [sflag:s15], $0x2800  }
0xd3: {  	[sflag:s15] =	ssyncset.done $0x0  }
0xd4: {  	s26 =	simm.s32 $0x0;
	[sflag:s15] =	ssyncadd.s32 $0xFFFFD800  }
0xd5: {  	v7 =	vld [tilespmem:s26+$0x18F00]  }
0xd6: {  	v11 =	vld [tilespmem:s26+$0x18F10]  }
0xd7: {  	v5 =	vld [tilespmem:s26+$0x18F20]  }
0xd8: {  	v4 =	vld [tilespmem:s26+$0x18F30]  }
0xd9: {  	v3 =	vld [tilespmem:s26+$0x18F40]  }
0xda: {  	v2 =	vld [tilespmem:s26+$0x18F50]  }
0xdb: {  	v1 =	vld [tilespmem:s26+$0x18F60]  }
0xdc: {  	v0 =	vld [tilespmem:s26+$0x18F70]  }
0xdd: {  	v12 =	vld [tilespmem:s26+$0xC700]  }
0xde: {  	v13 =	vld [tilespmem:s26+$0xC710]  }
0xdf: {  	v10 =	vld [tilespmem:s26+$0xC720]  }
0xe0: {  	v9 =	vld [tilespmem:s26+$0xC730]  }
0xe1: {  	v8 =	vld [tilespmem:s26+$0xC740]  }
0xe2: {  	v6 =	vld [tilespmem:s26+$0xC750];
	v12 =	vadd.f32 v7, v12  }
0xe3: {  	s31 =	simm.s32 $0x200;
	v11 =	vadd.f32 v11, v13;
	v7 =	vld [tilespmem:s26+$0xC760]  }
.LBB2_9:
0xe4: {  	s28 =	sshra.s32 s31, $0x2;
	p0 =	sne.s32 s31, $0x9E00;
	[tilespmem:s26+$0xC700] =	vst v12;
	v5 =	vadd.f32 v5, v10;
	v10 =	vld [tilespmem:s26+$0xC770]  }
0xe5: {  	v12 =	vld [tilespmem:s28+$0x18F00];
	[tilespmem:s26+$0xC710] =	vst v11;
	v4 =	vadd.f32 v4, v9  }
0xe6: {  	v11 =	vld [tilespmem:s28+$0x18F10];
	[tilespmem:s26+$0xC720] =	vst v5;
	v3 =	vadd.f32 v3, v8  }
0xe7: {  	v5 =	vld [tilespmem:s28+$0x18F20];
	[tilespmem:s26+$0xC730] =	vst v4;
	v2 =	vadd.f32 v2, v6  }
0xe8: {  	v4 =	vld [tilespmem:s28+$0x18F30];
	[tilespmem:s26+$0xC740] =	vst v3;
	v1 =	vadd.f32 v1, v7  }
0xe9: {  	v3 =	vld [tilespmem:s28+$0x18F40];
	[tilespmem:s26+$0xC750] =	vst v2;
	v0 =	vadd.f32 v0, v10  }
0xea: {  	v2 =	vld [tilespmem:s28+$0x18F50];
	[tilespmem:s26+$0xC760] =	vst v1  }
0xeb: {  	v1 =	vld [tilespmem:s28+$0x18F60];
	[tilespmem:s26+$0xC770] =	vst v0;
	s26 =	smov.u32 s28  }
0xec: {  	v0 =	vld [tilespmem:s26+$0x18F70]  }
0xed: {  	v6 =	vld [tilespmem:s26+$0xC700]  }
0xee: {  	v7 =	vld [tilespmem:s26+$0xC710]  }
.Ltmp3:
0xef: {  	v10 =	vld [tilespmem:s26+$0xC720];
	(pc) =	sbr.rel @p0 .LBB2_9-.Ltmp3, $4  }
0xf0: {  	v9 =	vld [tilespmem:s26+$0xC730]  }
0xf1: {  	v8 =	vld [tilespmem:s26+$0xC740]  }
0xf2: {  	v12 =	vadd.f32 v12, v6;
	v6 =	vld [tilespmem:s26+$0xC750]  }
0xf3: {  	s31 =	sadd.s32 $0x200, s31;
	v11 =	vadd.f32 v11, v7;
	v7 =	vld [tilespmem:s26+$0xC760]  }
0xf4: {  	[tilespmem:s26+$0xC700] =	vst v12;
	v5 =	vadd.f32 v5, v10;
	v10 =	vld [tilespmem:s26+$0xC770]  }
0xf5: {  	[tilespmem:s26+$0xC710] =	vst v11;
	v4 =	vadd.f32 v4, v9  }
0xf6: {  	[tilespmem:s26+$0xC720] =	vst v5;
	v3 =	vadd.f32 v3, v8  }
0xf7: {  	[tilespmem:s26+$0xC730] =	vst v4;
	v2 =	vadd.f32 v2, v6  }
0xf8: {  	[tilespmem:s26+$0xC740] =	vst v3;
	v1 =	vadd.f32 v1, v7  }
0xf9: {  	s28 =	sadd.s32 s23, s11;
	[tilespmem:s26+$0xC750] =	vst v2;
	v0 =	vadd.f32 v0, v10  }
0xfa: {  	s28 =	sshll.u32 s28, $0x4;
	[tilespmem:s26+$0xC760] =	vst v1  }
0xfb: {  	[tilespmem:s26+$0xC770] =	vst v0;
	s26 =	sadd.s32 s6, s28;
	s28 =	simm.s32 $0x0  }
0xfc: {  	[hbm4b:s26+s28] =	stream.linear.scatter [tilespmem:s0], [sflag:$0x9], $0x2800, $0x38;
	[tilespmem:$0x1DF00] =	vst v63  }
0xfd: {  	_ =	swait.ge [sflag:s16], $0x2800  }
0xfe: {  	[sflag:s16] =	ssyncset.done $0x0  }
0xff: {  	s28 =	sadd.s32 $0x280, s23;
	[sflag:s16] =	ssyncadd.s32 $0xFFFFD800  }
0x100: {  	[tilespmem:s0], [sflag:$0x4] =	stream.indirect.gather [hbm4b:s1+s21], $0x80, s28, s21, $0xb8;
	[tilespmem:$0x1DF00] =	vst v63  }
0x101: {  	s26 =	sadd.s32 $0x2A00, s23;
	s28 =	simm.s32 $0x18F00  }
0x102: {  	[tilespmem:s28], [sflag:$0x4] =	stream.indirect.gather [hbm4b:s3+s21], $0x80, s26, s21, $0xb8;
	[tilespmem:$0x1DF00] =	vst v63  }
0x103: {  	_ =	swait.ge [sflag:s17], $0x2800  }
0x104: {  	[sflag:s17] =	ssyncset.done $0x0  }
0x105: {  	[sflag:s17] =	ssyncadd.s32 $0xFFFFD800  }
0x106: {  	_ =	swait.ge [sflag:s17], $0x2800  }
0x107: {  	[sflag:s17] =	ssyncset.done $0x0  }
0x108: {  	s26 =	simm.s32 $0x0;
	[sflag:s17] =	ssyncadd.s32 $0xFFFFD800  }
0x109: {  	v7 =	vld [tilespmem:s26+$0x1B700]  }
0x10a: {  	v11 =	vld [tilespmem:s26+$0x1B710]  }
0x10b: {  	v5 =	vld [tilespmem:s26+$0x1B720]  }
0x10c: {  	v4 =	vld [tilespmem:s26+$0x1B730]  }
0x10d: {  	v3 =	vld [tilespmem:s26+$0x1B740]  }
0x10e: {  	v2 =	vld [tilespmem:s26+$0x1B750]  }
0x10f: {  	v1 =	vld [tilespmem:s26+$0x1B760]  }
0x110: {  	v0 =	vld [tilespmem:s26+$0x1B770]  }
0x111: {  	v12 =	vld [tilespmem:s26+$0xEF00]  }
0x112: {  	v13 =	vld [tilespmem:s26+$0xEF10]  }
0x113: {  	v10 =	vld [tilespmem:s26+$0xEF20]  }
0x114: {  	v9 =	vld [tilespmem:s26+$0xEF30]  }
0x115: {  	v8 =	vld [tilespmem:s26+$0xEF40]  }
0x116: {  	v6 =	vld [tilespmem:s26+$0xEF50];
	v12 =	vadd.f32 v7, v12  }
0x117: {  	s31 =	simm.s32 $0x200;
	v11 =	vadd.f32 v11, v13;
	v7 =	vld [tilespmem:s26+$0xEF60]  }
.LBB2_11:
0x118: {  	s28 =	sshra.s32 s31, $0x2;
	p0 =	sne.s32 s31, $0x9E00;
	[tilespmem:s26+$0xEF00] =	vst v12;
	v5 =	vadd.f32 v5, v10;
	v10 =	vld [tilespmem:s26+$0xEF70]  }
0x119: {  	v12 =	vld [tilespmem:s28+$0x1B700];
	[tilespmem:s26+$0xEF10] =	vst v11;
	v4 =	vadd.f32 v4, v9  }
0x11a: {  	v11 =	vld [tilespmem:s28+$0x1B710];
	[tilespmem:s26+$0xEF20] =	vst v5;
	v3 =	vadd.f32 v3, v8  }
0x11b: {  	v5 =	vld [tilespmem:s28+$0x1B720];
	[tilespmem:s26+$0xEF30] =	vst v4;
	v2 =	vadd.f32 v2, v6  }
0x11c: {  	v4 =	vld [tilespmem:s28+$0x1B730];
	[tilespmem:s26+$0xEF40] =	vst v3;
	v1 =	vadd.f32 v1, v7  }
0x11d: {  	v3 =	vld [tilespmem:s28+$0x1B740];
	[tilespmem:s26+$0xEF50] =	vst v2;
	v0 =	vadd.f32 v0, v10  }
0x11e: {  	v2 =	vld [tilespmem:s28+$0x1B750];
	[tilespmem:s26+$0xEF60] =	vst v1  }
0x11f: {  	v1 =	vld [tilespmem:s28+$0x1B760];
	[tilespmem:s26+$0xEF70] =	vst v0;
	s26 =	smov.u32 s28  }
0x120: {  	v0 =	vld [tilespmem:s26+$0x1B770]  }
0x121: {  	v6 =	vld [tilespmem:s26+$0xEF00]  }
0x122: {  	v7 =	vld [tilespmem:s26+$0xEF10]  }
.Ltmp4:
0x123: {  	v10 =	vld [tilespmem:s26+$0xEF20];
	(pc) =	sbr.rel @p0 .LBB2_11-.Ltmp4, $4  }
0x124: {  	v9 =	vld [tilespmem:s26+$0xEF30]  }
0x125: {  	v8 =	vld [tilespmem:s26+$0xEF40]  }
0x126: {  	v12 =	vadd.f32 v12, v6;
	v6 =	vld [tilespmem:s26+$0xEF50]  }
0x127: {  	s31 =	sadd.s32 $0x200, s31;
	v11 =	vadd.f32 v11, v7;
	v7 =	vld [tilespmem:s26+$0xEF60]  }
0x128: {  	[tilespmem:s26+$0xEF00] =	vst v12;
	v5 =	vadd.f32 v5, v10;
	v63 =	vld [tilespmem:s26+$0xEF70]  }
0x129: {  	[tilespmem:s26+$0xEF10] =	vst v11;
	v4 =	vadd.f32 v4, v9  }
0x12a: {  	[tilespmem:s26+$0xEF20] =	vst v5;
	v3 =	vadd.f32 v3, v8  }
0x12b: {  	[tilespmem:s26+$0xEF30] =	vst v4;
	v2 =	vadd.f32 v2, v6  }
0x12c: {  	[tilespmem:s26+$0xEF40] =	vst v3;
	v1 =	vadd.f32 v1, v7  }
0x12d: {  	s28 =	sadd.s32 s23, s12;
	[tilespmem:s26+$0xEF50] =	vst v2;
	v0 =	vadd.f32 v0, v63  }
0x12e: {  	s28 =	sshll.u32 s28, $0x4;
	[tilespmem:s26+$0xEF60] =	vst v1  }
0x12f: {  	s19 =	sadd.s32 $0x1, s19;
	s31 =	sadd.s32 s6, s28;
	[tilespmem:s26+$0xEF70] =	vst v0  }
0x130: {  	[hbm4b:s31+s4] =	stream.linear.scatter [tilespmem:s2], [sflag:$0xA], $0x2800, $0x38;
	[tilespmem:$0x1DF00] =	vst v63  }
0x131: {  	p0 =	sne.s32 s19, $0x18;
	_ =	swait.ge [sflag:s18], $0x2800  }
.Ltmp5:
0x132: {  	[sflag:s18] =	ssyncset.done $0x0;
	(pc) =	sbr.rel @p0 .LBB2_2-.Ltmp5, $4  }
0x133: {  	s28 =	sadd.s32 $0x2D0, s23;
	[sflag:s18] =	ssyncadd.s32 $0xFFFFD800  }
0x134: {  	[tilespmem:s2], [sflag:$0x5] =	stream.indirect.gather [hbm4b:s1+s21], $0x80, s28, s21, $0xb8;
	[tilespmem:$0x1DF00] =	vst v63  }
0x135: {  	s31 =	sadd.s32 $0x2A50, s23  }
0x136: {  	[tilespmem:s30], [sflag:$0x5] =	stream.indirect.gather [hbm4b:s3+s21], $0x80, s31, s21, $0xb8;
	[tilespmem:$0x1DF00] =	vst v63  }
0x137: {  	_ =	swait.ge [sflag:s25], $0x2800  }
0x138: {  	[sflag:s25] =	ssyncset.done $0x0  }
0x139: {  	[sflag:s25] =	ssyncadd.s32 $0xFFFFD800  }
0x13a: {  	_ =	swait.ge [sflag:s25], $0x2800  }
0x13b: {  	[sflag:s25] =	ssyncset.done $0x0  }
0x13c: {  	s19 =	simm.s32 $0x0;
	[sflag:s25] =	ssyncadd.s32 $0xFFFFD800  }
0x13d: {  	v7 =	vld [tilespmem:s19+$0x11700]  }
0x13e: {  	v11 =	vld [tilespmem:s19+$0x11710]  }
0x13f: {  	v5 =	vld [tilespmem:s19+$0x11720]  }
0x140: {  	v4 =	vld [tilespmem:s19+$0x11730]  }
0x141: {  	v3 =	vld [tilespmem:s19+$0x11740]  }
0x142: {  	v2 =	vld [tilespmem:s19+$0x11750]  }
0x143: {  	v1 =	vld [tilespmem:s19+$0x11760]  }
0x144: {  	v0 =	vld [tilespmem:s19+$0x11770]  }
0x145: {  	v12 =	vld [tilespmem:s19+$0x4F00]  }
0x146: {  	v13 =	vld [tilespmem:s19+$0x4F10]  }
0x147: {  	v10 =	vld [tilespmem:s19+$0x4F20]  }
0x148: {  	v9 =	vld [tilespmem:s19+$0x4F30]  }
0x149: {  	v8 =	vld [tilespmem:s19+$0x4F40]  }
0x14a: {  	v6 =	vld [tilespmem:s19+$0x4F50];
	v12 =	vadd.f32 v7, v12  }
0x14b: {  	s23 =	simm.s32 $0x200;
	v11 =	vadd.f32 v11, v13;
	v7 =	vld [tilespmem:s19+$0x4F60]  }
.LBB2_14:
0x14c: {  	s26 =	sshra.s32 s23, $0x2;
	p0 =	sne.s32 s23, $0x9E00;
	[tilespmem:s19+$0x4F00] =	vst v12;
	v5 =	vadd.f32 v5, v10;
	v10 =	vld [tilespmem:s19+$0x4F70]  }
0x14d: {  	v12 =	vld [tilespmem:s26+$0x11700];
	[tilespmem:s19+$0x4F10] =	vst v11;
	v4 =	vadd.f32 v4, v9  }
0x14e: {  	v11 =	vld [tilespmem:s26+$0x11710];
	[tilespmem:s19+$0x4F20] =	vst v5;
	v3 =	vadd.f32 v3, v8  }
0x14f: {  	v5 =	vld [tilespmem:s26+$0x11720];
	[tilespmem:s19+$0x4F30] =	vst v4;
	v2 =	vadd.f32 v2, v6  }
0x150: {  	v4 =	vld [tilespmem:s26+$0x11730];
	[tilespmem:s19+$0x4F40] =	vst v3;
	v1 =	vadd.f32 v1, v7  }
0x151: {  	v3 =	vld [tilespmem:s26+$0x11740];
	[tilespmem:s19+$0x4F50] =	vst v2;
	v0 =	vadd.f32 v0, v10  }
0x152: {  	v2 =	vld [tilespmem:s26+$0x11750];
	[tilespmem:s19+$0x4F60] =	vst v1  }
0x153: {  	v1 =	vld [tilespmem:s26+$0x11760];
	[tilespmem:s19+$0x4F70] =	vst v0;
	s19 =	smov.u32 s26  }
0x154: {  	v0 =	vld [tilespmem:s19+$0x11770]  }
0x155: {  	v6 =	vld [tilespmem:s19+$0x4F00]  }
0x156: {  	v7 =	vld [tilespmem:s19+$0x4F10]  }
.Ltmp6:
0x157: {  	v10 =	vld [tilespmem:s19+$0x4F20];
	(pc) =	sbr.rel @p0 .LBB2_14-.Ltmp6, $4  }
0x158: {  	v9 =	vld [tilespmem:s19+$0x4F30]  }
0x159: {  	v8 =	vld [tilespmem:s19+$0x4F40]  }
0x15a: {  	v12 =	vadd.f32 v12, v6;
	v6 =	vld [tilespmem:s19+$0x4F50]  }
0x15b: {  	s23 =	sadd.s32 $0x200, s23;
	v11 =	vadd.f32 v11, v7;
	v7 =	vld [tilespmem:s19+$0x4F60]  }
0x15c: {  	[tilespmem:s19+$0x4F00] =	vst v12;
	v5 =	vadd.f32 v5, v10;
	v10 =	vld [tilespmem:s19+$0x4F70]  }
0x15d: {  	[tilespmem:s19+$0x4F10] =	vst v11;
	v4 =	vadd.f32 v4, v9  }
0x15e: {  	[tilespmem:s19+$0x4F20] =	vst v5;
	v3 =	vadd.f32 v3, v8  }
0x15f: {  	[tilespmem:s19+$0x4F30] =	vst v4;
	v2 =	vadd.f32 v2, v6  }
0x160: {  	[tilespmem:s19+$0x4F40] =	vst v3;
	v1 =	vadd.f32 v1, v7  }
0x161: {  	[tilespmem:s19+$0x4F50] =	vst v2;
	v0 =	vadd.f32 v0, v10  }
0x162: {  	[tilespmem:s19+$0x4F60] =	vst v1  }
0x163: {  	s31 =	simm.s32 $0x0;
	s23 =	rddreg [dreg:$0x6];
	[tilespmem:s19+$0x4F70] =	vst v0  }
0x164: {  	[hbm4b:s23+s31] =	stream.linear.scatter [tilespmem:s22], [sflag:$0x6], $0x2800, $0x38;
	[tilespmem:$0x1DF00] =	vst v63  }
0x165: {  	_ =	swait.ge [sflag:s20], $0x2800  }
0x166: {  	[sflag:s20] =	ssyncset.done $0x0  }
0x167: {  	[sflag:s20] =	ssyncadd.s32 $0xFFFFD800  }
0x168: {  	_ =	swait.ge [sflag:s7], $0x2800  }
0x169: {  	[sflag:s7] =	ssyncset.done $0x0  }
0x16a: {  	[sflag:s7] =	ssyncadd.s32 $0xFFFFD800  }
0x16b: {  	_ =	swait.ge [sflag:s7], $0x2800  }
0x16c: {  	[sflag:s7] =	ssyncset.done $0x0  }
0x16d: {  	s19 =	simm.s32 $0x0;
	[sflag:s7] =	ssyncadd.s32 $0xFFFFD800  }
0x16e: {  	v7 =	vld [tilespmem:s19+$0x13F00]  }
0x16f: {  	v11 =	vld [tilespmem:s19+$0x13F10]  }
0x170: {  	v5 =	vld [tilespmem:s19+$0x13F20]  }
0x171: {  	v4 =	vld [tilespmem:s19+$0x13F30]  }
0x172: {  	v3 =	vld [tilespmem:s19+$0x13F40]  }
0x173: {  	v2 =	vld [tilespmem:s19+$0x13F50]  }
0x174: {  	v1 =	vld [tilespmem:s19+$0x13F60]  }
0x175: {  	v0 =	vld [tilespmem:s19+$0x13F70]  }
0x176: {  	v12 =	vld [tilespmem:s19+$0x7700]  }
0x177: {  	v13 =	vld [tilespmem:s19+$0x7710]  }
0x178: {  	v10 =	vld [tilespmem:s19+$0x7720]  }
0x179: {  	v9 =	vld [tilespmem:s19+$0x7730]  }
0x17a: {  	v8 =	vld [tilespmem:s19+$0x7740]  }
0x17b: {  	v6 =	vld [tilespmem:s19+$0x7750];
	v12 =	vadd.f32 v7, v12  }
0x17c: {  	s23 =	simm.s32 $0x200;
	v11 =	vadd.f32 v11, v13;
	v7 =	vld [tilespmem:s19+$0x7760]  }
.LBB2_16:
0x17d: {  	s26 =	sshra.s32 s23, $0x2;
	p0 =	sne.s32 s23, $0x9E00;
	[tilespmem:s19+$0x7700] =	vst v12;
	v5 =	vadd.f32 v5, v10;
	v10 =	vld [tilespmem:s19+$0x7770]  }
0x17e: {  	v12 =	vld [tilespmem:s26+$0x13F00];
	[tilespmem:s19+$0x7710] =	vst v11;
	v4 =	vadd.f32 v4, v9  }
0x17f: {  	v11 =	vld [tilespmem:s26+$0x13F10];
	[tilespmem:s19+$0x7720] =	vst v5;
	v3 =	vadd.f32 v3, v8  }
0x180: {  	v5 =	vld [tilespmem:s26+$0x13F20];
	[tilespmem:s19+$0x7730] =	vst v4;
	v2 =	vadd.f32 v2, v6  }
0x181: {  	v4 =	vld [tilespmem:s26+$0x13F30];
	[tilespmem:s19+$0x7740] =	vst v3;
	v1 =	vadd.f32 v1, v7  }
0x182: {  	v3 =	vld [tilespmem:s26+$0x13F40];
	[tilespmem:s19+$0x7750] =	vst v2;
	v0 =	vadd.f32 v0, v10  }
0x183: {  	v2 =	vld [tilespmem:s26+$0x13F50];
	[tilespmem:s19+$0x7760] =	vst v1  }
0x184: {  	v1 =	vld [tilespmem:s26+$0x13F60];
	[tilespmem:s19+$0x7770] =	vst v0;
	s19 =	smov.u32 s26  }
0x185: {  	v0 =	vld [tilespmem:s19+$0x13F70]  }
0x186: {  	v6 =	vld [tilespmem:s19+$0x7700]  }
0x187: {  	v7 =	vld [tilespmem:s19+$0x7710]  }
.Ltmp7:
0x188: {  	v10 =	vld [tilespmem:s19+$0x7720];
	(pc) =	sbr.rel @p0 .LBB2_16-.Ltmp7, $4  }
0x189: {  	v9 =	vld [tilespmem:s19+$0x7730]  }
0x18a: {  	v8 =	vld [tilespmem:s19+$0x7740]  }
0x18b: {  	v12 =	vadd.f32 v12, v6;
	v6 =	vld [tilespmem:s19+$0x7750]  }
0x18c: {  	s23 =	sadd.s32 $0x200, s23;
	v11 =	vadd.f32 v11, v7;
	v7 =	vld [tilespmem:s19+$0x7760]  }
0x18d: {  	[tilespmem:s19+$0x7700] =	vst v12;
	v5 =	vadd.f32 v5, v10;
	v10 =	vld [tilespmem:s19+$0x7770]  }
0x18e: {  	[tilespmem:s19+$0x7710] =	vst v11;
	v4 =	vadd.f32 v4, v9  }
0x18f: {  	[tilespmem:s19+$0x7720] =	vst v5;
	v3 =	vadd.f32 v3, v8  }
0x190: {  	[tilespmem:s19+$0x7730] =	vst v4;
	v2 =	vadd.f32 v2, v6  }
0x191: {  	[tilespmem:s19+$0x7740] =	vst v3;
	v1 =	vadd.f32 v1, v7  }
0x192: {  	[tilespmem:s19+$0x7750] =	vst v2;
	v0 =	vadd.f32 v0, v10  }
0x193: {  	[tilespmem:s19+$0x7760] =	vst v1  }
0x194: {  	s31 =	simm.s32 $0x0;
	s23 =	rddreg [dreg:$0x7];
	[tilespmem:s19+$0x7770] =	vst v0  }
0x195: {  	[hbm4b:s23+s31] =	stream.linear.scatter [tilespmem:s24], [sflag:$0x7], $0x2800, $0x38;
	[tilespmem:$0x1DF00] =	vst v63  }
0x196: {  	_ =	swait.ge [sflag:s8], $0x2800  }
0x197: {  	[sflag:s8] =	ssyncset.done $0x0  }
0x198: {  	[sflag:s8] =	ssyncadd.s32 $0xFFFFD800  }
0x199: {  	_ =	swait.ge [sflag:s13], $0x2800  }
0x19a: {  	[sflag:s13] =	ssyncset.done $0x0  }
0x19b: {  	[sflag:s13] =	ssyncadd.s32 $0xFFFFD800  }
0x19c: {  	_ =	swait.ge [sflag:s13], $0x2800  }
0x19d: {  	[sflag:s13] =	ssyncset.done $0x0  }
0x19e: {  	s19 =	simm.s32 $0x0;
	[sflag:s13] =	ssyncadd.s32 $0xFFFFD800  }
0x19f: {  	v7 =	vld [tilespmem:s19+$0x16700]  }
0x1a0: {  	v11 =	vld [tilespmem:s19+$0x16710]  }
0x1a1: {  	v5 =	vld [tilespmem:s19+$0x16720]  }
0x1a2: {  	v4 =	vld [tilespmem:s19+$0x16730]  }
0x1a3: {  	v3 =	vld [tilespmem:s19+$0x16740]  }
0x1a4: {  	v2 =	vld [tilespmem:s19+$0x16750]  }
0x1a5: {  	v1 =	vld [tilespmem:s19+$0x16760]  }
0x1a6: {  	v0 =	vld [tilespmem:s19+$0x16770]  }
0x1a7: {  	v12 =	vld [tilespmem:s19+$0x9F00]  }
0x1a8: {  	v13 =	vld [tilespmem:s19+$0x9F10]  }
0x1a9: {  	v10 =	vld [tilespmem:s19+$0x9F20]  }
0x1aa: {  	v9 =	vld [tilespmem:s19+$0x9F30]  }
0x1ab: {  	v8 =	vld [tilespmem:s19+$0x9F40]  }
0x1ac: {  	v6 =	vld [tilespmem:s19+$0x9F50];
	v12 =	vadd.f32 v7, v12  }
0x1ad: {  	s23 =	simm.s32 $0x200;
	v11 =	vadd.f32 v11, v13;
	v7 =	vld [tilespmem:s19+$0x9F60]  }
.LBB2_18:
0x1ae: {  	s26 =	sshra.s32 s23, $0x2;
	p0 =	sne.s32 s23, $0x9E00;
	[tilespmem:s19+$0x9F00] =	vst v12;
	v5 =	vadd.f32 v5, v10;
	v10 =	vld [tilespmem:s19+$0x9F70]  }
0x1af: {  	v12 =	vld [tilespmem:s26+$0x16700];
	[tilespmem:s19+$0x9F10] =	vst v11;
	v4 =	vadd.f32 v4, v9  }
0x1b0: {  	v11 =	vld [tilespmem:s26+$0x16710];
	[tilespmem:s19+$0x9F20] =	vst v5;
	v3 =	vadd.f32 v3, v8  }
0x1b1: {  	v5 =	vld [tilespmem:s26+$0x16720];
	[tilespmem:s19+$0x9F30] =	vst v4;
	v2 =	vadd.f32 v2, v6  }
0x1b2: {  	v4 =	vld [tilespmem:s26+$0x16730];
	[tilespmem:s19+$0x9F40] =	vst v3;
	v1 =	vadd.f32 v1, v7  }
0x1b3: {  	v3 =	vld [tilespmem:s26+$0x16740];
	[tilespmem:s19+$0x9F50] =	vst v2;
	v0 =	vadd.f32 v0, v10  }
0x1b4: {  	v2 =	vld [tilespmem:s26+$0x16750];
	[tilespmem:s19+$0x9F60] =	vst v1  }
0x1b5: {  	v1 =	vld [tilespmem:s26+$0x16760];
	[tilespmem:s19+$0x9F70] =	vst v0;
	s19 =	smov.u32 s26  }
0x1b6: {  	v0 =	vld [tilespmem:s19+$0x16770]  }
0x1b7: {  	v6 =	vld [tilespmem:s19+$0x9F00]  }
0x1b8: {  	v7 =	vld [tilespmem:s19+$0x9F10]  }
.Ltmp8:
0x1b9: {  	v10 =	vld [tilespmem:s19+$0x9F20];
	(pc) =	sbr.rel @p0 .LBB2_18-.Ltmp8, $4  }
0x1ba: {  	v9 =	vld [tilespmem:s19+$0x9F30]  }
0x1bb: {  	v8 =	vld [tilespmem:s19+$0x9F40]  }
0x1bc: {  	v12 =	vadd.f32 v12, v6;
	v6 =	vld [tilespmem:s19+$0x9F50]  }
0x1bd: {  	s23 =	sadd.s32 $0x200, s23;
	v11 =	vadd.f32 v11, v7;
	v7 =	vld [tilespmem:s19+$0x9F60]  }
0x1be: {  	[tilespmem:s19+$0x9F00] =	vst v12;
	v5 =	vadd.f32 v5, v10;
	v10 =	vld [tilespmem:s19+$0x9F70]  }
0x1bf: {  	[tilespmem:s19+$0x9F10] =	vst v11;
	v4 =	vadd.f32 v4, v9  }
0x1c0: {  	[tilespmem:s19+$0x9F20] =	vst v5;
	v3 =	vadd.f32 v3, v8  }
0x1c1: {  	[tilespmem:s19+$0x9F30] =	vst v4;
	v2 =	vadd.f32 v2, v6  }
0x1c2: {  	[tilespmem:s19+$0x9F40] =	vst v3;
	v1 =	vadd.f32 v1, v7  }
0x1c3: {  	[tilespmem:s19+$0x9F50] =	vst v2;
	v0 =	vadd.f32 v0, v10  }
0x1c4: {  	[tilespmem:s19+$0x9F60] =	vst v1  }
0x1c5: {  	s31 =	simm.s32 $0x0;
	s23 =	rddreg [dreg:$0x8];
	[tilespmem:s19+$0x9F70] =	vst v0  }
0x1c6: {  	[hbm4b:s23+s31] =	stream.linear.scatter [tilespmem:s29], [sflag:$0x8], $0x2800, $0x38;
	[tilespmem:$0x1DF00] =	vst v63  }
0x1c7: {  	_ =	swait.ge [sflag:s14], $0x2800  }
0x1c8: {  	[sflag:s14] =	ssyncset.done $0x0  }
0x1c9: {  	[sflag:s14] =	ssyncadd.s32 $0xFFFFD800  }
0x1ca: {  	_ =	swait.ge [sflag:s15], $0x2800  }
0x1cb: {  	[sflag:s15] =	ssyncset.done $0x0  }
0x1cc: {  	[sflag:s15] =	ssyncadd.s32 $0xFFFFD800  }
0x1cd: {  	_ =	swait.ge [sflag:s15], $0x2800  }
0x1ce: {  	[sflag:s15] =	ssyncset.done $0x0  }
0x1cf: {  	s19 =	simm.s32 $0x0;
	[sflag:s15] =	ssyncadd.s32 $0xFFFFD800  }
0x1d0: {  	v7 =	vld [tilespmem:s19+$0x18F00]  }
0x1d1: {  	v11 =	vld [tilespmem:s19+$0x18F10]  }
0x1d2: {  	v5 =	vld [tilespmem:s19+$0x18F20]  }
0x1d3: {  	v4 =	vld [tilespmem:s19+$0x18F30]  }
0x1d4: {  	v3 =	vld [tilespmem:s19+$0x18F40]  }
0x1d5: {  	v2 =	vld [tilespmem:s19+$0x18F50]  }
0x1d6: {  	v1 =	vld [tilespmem:s19+$0x18F60]  }
0x1d7: {  	v0 =	vld [tilespmem:s19+$0x18F70]  }
0x1d8: {  	v12 =	vld [tilespmem:s19+$0xC700]  }
0x1d9: {  	v13 =	vld [tilespmem:s19+$0xC710]  }
0x1da: {  	v10 =	vld [tilespmem:s19+$0xC720]  }
0x1db: {  	v9 =	vld [tilespmem:s19+$0xC730]  }
0x1dc: {  	v8 =	vld [tilespmem:s19+$0xC740]  }
0x1dd: {  	v6 =	vld [tilespmem:s19+$0xC750];
	v12 =	vadd.f32 v7, v12  }
0x1de: {  	s23 =	simm.s32 $0x200;
	v11 =	vadd.f32 v11, v13;
	v7 =	vld [tilespmem:s19+$0xC760]  }
.LBB2_20:
0x1df: {  	s26 =	sshra.s32 s23, $0x2;
	p0 =	sne.s32 s23, $0x9E00;
	[tilespmem:s19+$0xC700] =	vst v12;
	v5 =	vadd.f32 v5, v10;
	v10 =	vld [tilespmem:s19+$0xC770]  }
0x1e0: {  	v12 =	vld [tilespmem:s26+$0x18F00];
	[tilespmem:s19+$0xC710] =	vst v11;
	v4 =	vadd.f32 v4, v9  }
0x1e1: {  	v11 =	vld [tilespmem:s26+$0x18F10];
	[tilespmem:s19+$0xC720] =	vst v5;
	v3 =	vadd.f32 v3, v8  }
0x1e2: {  	v5 =	vld [tilespmem:s26+$0x18F20];
	[tilespmem:s19+$0xC730] =	vst v4;
	v2 =	vadd.f32 v2, v6  }
0x1e3: {  	v4 =	vld [tilespmem:s26+$0x18F30];
	[tilespmem:s19+$0xC740] =	vst v3;
	v1 =	vadd.f32 v1, v7  }
0x1e4: {  	v3 =	vld [tilespmem:s26+$0x18F40];
	[tilespmem:s19+$0xC750] =	vst v2;
	v0 =	vadd.f32 v0, v10  }
0x1e5: {  	v2 =	vld [tilespmem:s26+$0x18F50];
	[tilespmem:s19+$0xC760] =	vst v1  }
0x1e6: {  	v1 =	vld [tilespmem:s26+$0x18F60];
	[tilespmem:s19+$0xC770] =	vst v0;
	s19 =	smov.u32 s26  }
0x1e7: {  	v0 =	vld [tilespmem:s19+$0x18F70]  }
0x1e8: {  	v6 =	vld [tilespmem:s19+$0xC700]  }
0x1e9: {  	v7 =	vld [tilespmem:s19+$0xC710]  }
.Ltmp9:
0x1ea: {  	v10 =	vld [tilespmem:s19+$0xC720];
	(pc) =	sbr.rel @p0 .LBB2_20-.Ltmp9, $4  }
0x1eb: {  	v9 =	vld [tilespmem:s19+$0xC730]  }
0x1ec: {  	v8 =	vld [tilespmem:s19+$0xC740]  }
0x1ed: {  	v12 =	vadd.f32 v12, v6;
	v6 =	vld [tilespmem:s19+$0xC750]  }
0x1ee: {  	s23 =	sadd.s32 $0x200, s23;
	v11 =	vadd.f32 v11, v7;
	v7 =	vld [tilespmem:s19+$0xC760]  }
0x1ef: {  	[tilespmem:s19+$0xC700] =	vst v12;
	v5 =	vadd.f32 v5, v10;
	v10 =	vld [tilespmem:s19+$0xC770]  }
0x1f0: {  	[tilespmem:s19+$0xC710] =	vst v11;
	v4 =	vadd.f32 v4, v9  }
0x1f1: {  	[tilespmem:s19+$0xC720] =	vst v5;
	v3 =	vadd.f32 v3, v8  }
0x1f2: {  	[tilespmem:s19+$0xC730] =	vst v4;
	v2 =	vadd.f32 v2, v6  }
0x1f3: {  	[tilespmem:s19+$0xC740] =	vst v3;
	v1 =	vadd.f32 v1, v7  }
0x1f4: {  	[tilespmem:s19+$0xC750] =	vst v2;
	v0 =	vadd.f32 v0, v10  }
0x1f5: {  	[tilespmem:s19+$0xC760] =	vst v1  }
0x1f6: {  	s31 =	simm.s32 $0x0;
	s23 =	rddreg [dreg:$0x9];
	[tilespmem:s19+$0xC770] =	vst v0  }
0x1f7: {  	[hbm4b:s23+s31] =	stream.linear.scatter [tilespmem:s0], [sflag:$0x9], $0x2800, $0x38;
	[tilespmem:$0x1DF00] =	vst v63  }
0x1f8: {  	_ =	swait.ge [sflag:s16], $0x2800  }
0x1f9: {  	[sflag:s16] =	ssyncset.done $0x0  }
0x1fa: {  	[sflag:s16] =	ssyncadd.s32 $0xFFFFD800  }
0x1fb: {  	_ =	swait.ge [sflag:s17], $0x2800  }
0x1fc: {  	[sflag:s17] =	ssyncset.done $0x0  }
0x1fd: {  	[sflag:s17] =	ssyncadd.s32 $0xFFFFD800  }
0x1fe: {  	_ =	swait.ge [sflag:s17], $0x2800  }
0x1ff: {  	[sflag:s17] =	ssyncset.done $0x0  }
0x200: {  	s19 =	simm.s32 $0x0;
	[sflag:s17] =	ssyncadd.s32 $0xFFFFD800  }
0x201: {  	v7 =	vld [tilespmem:s19+$0x1B700]  }
0x202: {  	v11 =	vld [tilespmem:s19+$0x1B710]  }
0x203: {  	v5 =	vld [tilespmem:s19+$0x1B720]  }
0x204: {  	v4 =	vld [tilespmem:s19+$0x1B730]  }
0x205: {  	v3 =	vld [tilespmem:s19+$0x1B740]  }
0x206: {  	v2 =	vld [tilespmem:s19+$0x1B750]  }
0x207: {  	v1 =	vld [tilespmem:s19+$0x1B760]  }
0x208: {  	v0 =	vld [tilespmem:s19+$0x1B770]  }
0x209: {  	v12 =	vld [tilespmem:s19+$0xEF00]  }
0x20a: {  	v13 =	vld [tilespmem:s19+$0xEF10]  }
0x20b: {  	v10 =	vld [tilespmem:s19+$0xEF20]  }
0x20c: {  	v9 =	vld [tilespmem:s19+$0xEF30]  }
0x20d: {  	v8 =	vld [tilespmem:s19+$0xEF40]  }
0x20e: {  	v6 =	vld [tilespmem:s19+$0xEF50];
	v12 =	vadd.f32 v7, v12  }
0x20f: {  	s23 =	simm.s32 $0x200;
	v11 =	vadd.f32 v11, v13;
	v7 =	vld [tilespmem:s19+$0xEF60]  }
.LBB2_22:
0x210: {  	s26 =	sshra.s32 s23, $0x2;
	p0 =	sne.s32 s23, $0x9E00;
	[tilespmem:s19+$0xEF00] =	vst v12;
	v5 =	vadd.f32 v5, v10;
	v10 =	vld [tilespmem:s19+$0xEF70]  }
0x211: {  	v12 =	vld [tilespmem:s26+$0x1B700];
	[tilespmem:s19+$0xEF10] =	vst v11;
	v4 =	vadd.f32 v4, v9  }
0x212: {  	v11 =	vld [tilespmem:s26+$0x1B710];
	[tilespmem:s19+$0xEF20] =	vst v5;
	v3 =	vadd.f32 v3, v8  }
0x213: {  	v5 =	vld [tilespmem:s26+$0x1B720];
	[tilespmem:s19+$0xEF30] =	vst v4;
	v2 =	vadd.f32 v2, v6  }
0x214: {  	v4 =	vld [tilespmem:s26+$0x1B730];
	[tilespmem:s19+$0xEF40] =	vst v3;
	v1 =	vadd.f32 v1, v7  }
0x215: {  	v3 =	vld [tilespmem:s26+$0x1B740];
	[tilespmem:s19+$0xEF50] =	vst v2;
	v0 =	vadd.f32 v0, v10  }
0x216: {  	v2 =	vld [tilespmem:s26+$0x1B750];
	[tilespmem:s19+$0xEF60] =	vst v1  }
0x217: {  	v1 =	vld [tilespmem:s26+$0x1B760];
	[tilespmem:s19+$0xEF70] =	vst v0;
	s19 =	smov.u32 s26  }
0x218: {  	v0 =	vld [tilespmem:s19+$0x1B770]  }
0x219: {  	v6 =	vld [tilespmem:s19+$0xEF00]  }
0x21a: {  	v7 =	vld [tilespmem:s19+$0xEF10]  }
.Ltmp10:
0x21b: {  	v10 =	vld [tilespmem:s19+$0xEF20];
	(pc) =	sbr.rel @p0 .LBB2_22-.Ltmp10, $4  }
0x21c: {  	v9 =	vld [tilespmem:s19+$0xEF30]  }
0x21d: {  	v8 =	vld [tilespmem:s19+$0xEF40]  }
0x21e: {  	v12 =	vadd.f32 v12, v6;
	v6 =	vld [tilespmem:s19+$0xEF50]  }
0x21f: {  	s23 =	sadd.s32 $0x200, s23;
	v11 =	vadd.f32 v11, v7;
	v7 =	vld [tilespmem:s19+$0xEF60]  }
0x220: {  	[tilespmem:s19+$0xEF00] =	vst v12;
	v5 =	vadd.f32 v5, v10;
	v63 =	vld [tilespmem:s19+$0xEF70]  }
0x221: {  	[tilespmem:s19+$0xEF10] =	vst v11;
	v4 =	vadd.f32 v4, v9  }
0x222: {  	[tilespmem:s19+$0xEF20] =	vst v5;
	v3 =	vadd.f32 v3, v8  }
0x223: {  	[tilespmem:s19+$0xEF30] =	vst v4;
	v2 =	vadd.f32 v2, v6  }
0x224: {  	[tilespmem:s19+$0xEF40] =	vst v3;
	v1 =	vadd.f32 v1, v7  }
0x225: {  	[tilespmem:s19+$0xEF50] =	vst v2;
	v0 =	vadd.f32 v0, v63  }
0x226: {  	[tilespmem:s19+$0xEF60] =	vst v1  }
0x227: {  	s28 =	rddreg [dreg:$0xa];
	[tilespmem:s19+$0xEF70] =	vst v0  }
0x228: {  	[hbm4b:s28+s4] =	stream.linear.scatter [tilespmem:s2], [sflag:$0xA], $0x2800, $0x38;
	[tilespmem:$0x1DF00] =	vst v63  }
0x229: {  	_ =	swait.ge [sflag:s18], $0x2800  }
0x22a: {  	s23 =	rddreg [dreg:$0xc]  }
0x22b: {  	s31 =	rddreg [dreg:$0xb];
	s23 =	sadd.s32 $0x1, s23  }
0x22c: {  	p0 =	sne.s32 s23, s31  }
.Ltmp11:
0x22d: {  	_ = 	snop;
	(pc) =	sbr.rel @p0 .LBB2_1-.Ltmp11, $3  }
0x22e: {  	_ =	sdelay $0x1  }
0x22f: {  	[sflag:s18] =	ssyncset.done $0x0  }
0x230: {  	[sflag:s18] =	ssyncadd.s32 $0xFFFFD800  }
0x231: {  	_ =	sfence.sel $0x180000  }
0x232: {  	[bflag:$0x0] =	sbarrier.arrive $0xFFFF  }
0x233: {  	_ =	strace $0x90000047  }
0x234: {  	s0 =	stileid.u32;
	[bflag:$0x2] =	sbarrier.arrive $0xFFFF  }
0x235: {  	p0 =	sne.s32 s0, $0x0;
	s0 =	rddreg [dreg:$0x3]  }
0x236: {  	s0 =	sadd.s32 @!p0 $0x100000, s0  }
0x237: {  	[sflag:s0] =	ssyncadd.tile.s32 @!p0 $0x1;
	_ =	shalt  }
.Lfunc_end2:
_tile_overlayer_lowered:
.L_overlay_start_2:
0x238: {  	(tag) =	ssettag $0x2  }
0x239: {  	s0 =	rddreg [dreg:$0x0];
	s2 =	stileid.u32  }
0x23a: {  	s1 =	rddreg [dreg:$0x1];
	p0 =	sne.s32 s2, $0x0  }
0x23b: {  	s3 =	rddreg [dreg:$0x2];
	[bflag:$0x3] =	sbarrier.arrive $0xFFFF;
	s2 =	simm.s32 @!p0 $0x1C0B  }
0x23c: {  	[timem:s3], [sflag:s2] =	dma.local @!p0 [hbm:s0], s1  }
0x23d: {  	s0 =	simm.s32 @!p0 $0xB  }
0x23e: {  	_ =	swait.ge @!p0 [sflag:s0], s1  }
0x23f: {  	s1 =	ssub.s32 @!p0 $0x0, s1;
	[sflag:s0] =	ssyncset.done @!p0 $0x0  }
0x240: {  	[sflag:s0] =	ssyncadd.s32 @!p0 s1  }
0x241: {  	[bflag:$0x3] =	sbarrier.arrive $0xFFFF  }
0x242: {  	_ =	shalt  }

</sc_bundles>
